<compile_context>
chip_gen: v7x
topology: tpu7x:2x2x1
jax: 0.10.2.dev20260603
libtpu: 0.0.44.dev20260713+nightly
codegen_flags: <defaults>
</compile_context>

<pallas_src>
import functools

import jax
import jax.numpy as jnp
from jax import lax
from jax.experimental import pallas as pl
from jax.experimental.pallas import tpu as pltpu
from jax.experimental.pallas import tpu_sc as plsc

N = 10000
E = 320000
G = 256
DIN = 128
H = 64
D3 = 3 * H
STEPS = 3

NC, NS = 2, 16
NW = NC * NS
EPT = E // NW
CSZ = 80
NCH = EPT // CSZ
NP = 10240
RPT = NP // NS
NBUF = 6
AHEAD = 2

F32 = jnp.float32


def _sc_aggr_build(with_deg):
    outs = [jax.ShapeDtypeStruct((NC, NP, H), F32)]
    scratch = [
        pltpu.VMEM((NCH, CSZ), jnp.int32),
        pltpu.VMEM((NCH, CSZ), jnp.int32),
    ]
    scratch += [pltpu.VMEM((CSZ, H), F32)] * NBUF
    scratch += [pltpu.VMEM((CSZ, H), F32)]
    scratch += [pltpu.VMEM_SHARED((NP, H), F32)]
    scratch += [pltpu.SemaphoreType.DMA] * NBUF
    scratch += [pltpu.SemaphoreType.DMA] * NBUF
    if with_deg:
        outs.append(jax.ShapeDtypeStruct((NC, NP, 16), F32))
        scratch += [
            pltpu.VMEM((CSZ, 16), F32),
            pltpu.VMEM((CSZ, 16), F32),
            pltpu.VMEM_SHARED((NP, 16), F32),
            pltpu.SemaphoreType.DMA,
        ]

    def body(hs_hbm, src_hbm, dst_hbm, *rest):
        if with_deg:
            (out_hbm, deg_hbm, src_v, dst_v, *ring) = rest[:4 + 3 * NBUF + 2]
            zero16_v, ones_v, dacc, dsem = rest[4 + 3 * NBUF + 2:]
        else:
            (out_hbm, src_v, dst_v, *ring) = rest
        rows = tuple(ring[0:NBUF])
        zero_v = ring[NBUF]
        acc = ring[NBUF + 1]
        gsem = tuple(ring[NBUF + 2:2 * NBUF + 2])
        ssem = tuple(ring[2 * NBUF + 2:3 * NBUF + 2])
        cid = lax.axis_index("c")
        sid = lax.axis_index("s")
        wid = sid * NC + cid
        z16 = jnp.zeros((16,), F32)

        def zrow(i, carry):
            for k in range(H // 16):
                zero_v[i, pl.ds(k * 16, 16)] = z16
            if with_deg:
                zero16_v[i, :] = z16
            return carry
        lax.fori_loop(0, CSZ, zrow, 0)
        if with_deg:
            o16 = jnp.ones((16,), F32)

            def orow(i, carry):
                ones_v[i, :] = o16
                return carry
            lax.fori_loop(0, CSZ, orow, 0)
        row0 = sid * RPT
        for mblk in range(RPT // CSZ):
            pltpu.sync_copy(zero_v, acc.at[pl.ds(row0 + mblk * CSZ, CSZ)])
            if with_deg:
                pltpu.sync_copy(zero16_v,
                                dacc.at[pl.ds(row0 + mblk * CSZ, CSZ)])
        pltpu.sync_copy(src_hbm.at[wid], src_v)
        pltpu.sync_copy(dst_hbm.at[wid], dst_v)
        plsc.subcore_barrier()

        LAG = NBUF - AHEAD
        for j0 in range(AHEAD):
            pltpu.async_copy(hs_hbm.at[src_v.at[j0]], rows[j0], gsem[j0])

        def slot(j, i):
            b = (i + AHEAD) % NBUF
            pltpu.make_async_copy(hs_hbm.at[src_v.at[j]], rows[i],
                                  gsem[i]).wait()
            pltpu.async_copy(rows[i], acc.at[dst_v.at[j]], ssem[i], add=True)
            if with_deg:
                @pl.when(j >= 1)
                def _():
                    pltpu.make_async_copy(ones_v, dacc.at[dst_v.at[j - 1]],
                                          dsem).wait()
                pltpu.async_copy(ones_v, dacc.at[dst_v.at[j]], dsem, add=True)

            @pl.when(jnp.logical_and(j >= LAG, j + AHEAD < NCH))
            def _():
                pltpu.make_async_copy(rows[b], acc.at[dst_v.at[j - LAG]],
                                      ssem[b]).wait()

            @pl.when(j + AHEAD < NCH)
            def _():
                pltpu.async_copy(hs_hbm.at[src_v.at[j + AHEAD]], rows[b],
                                 gsem[b])

        def group(k, carry):
            for i in range(NBUF):
                slot(NBUF * k + i, i)
            return carry
        lax.fori_loop(0, NCH // NBUF, group, 0)
        for j in range(NBUF * (NCH // NBUF), NCH):
            slot(j, j % NBUF)
        for j in range(NCH - NBUF, NCH):
            pltpu.make_async_copy(rows[j % NBUF], acc.at[dst_v.at[j]],
                                  ssem[j % NBUF]).wait()
        if with_deg:
            pltpu.make_async_copy(ones_v, dacc.at[dst_v.at[NCH - 1]],
                                  dsem).wait()

        plsc.subcore_barrier()
        pltpu.sync_copy(acc.at[pl.ds(row0, RPT)],
                        out_hbm.at[cid, pl.ds(row0, RPT)])
        if with_deg:
            pltpu.sync_copy(dacc.at[pl.ds(row0, RPT)],
                            deg_hbm.at[cid, pl.ds(row0, RPT)])

    mesh = plsc.VectorSubcoreMesh(core_axis_name="c", subcore_axis_name="s",
                                  num_cores=NC, num_subcores=NS)
    return pl.kernel(body, out_type=tuple(outs) if with_deg else outs[0],
                     mesh=mesh, scratch_types=scratch,
                     compiler_params=pltpu.CompilerParams(
                         use_tc_tiling_on_sc=False))


@functools.lru_cache(maxsize=None)
def _sc_aggr_get(with_deg):
    return _sc_aggr_build(with_deg)


def _mmT(a, b):
    return lax.dot_general(a, b, (((1,), (1,)), ((), ())),
                           preferred_element_type=F32)


BN = 2000
NB = N // BN


def _proj_body(x_ref, w_ref, b_ref, o_ref):
    o_ref[...] = jnp.maximum(_mmT(x_ref[...], w_ref[...]) + b_ref[...], 0.0)


_proj = pl.pallas_call(
    _proj_body,
    grid=(NB,),
    in_specs=[
        pl.BlockSpec((BN, DIN), lambda i: (i, 0)),
        pl.BlockSpec((H, DIN), lambda i: (0, 0)),
        pl.BlockSpec((1, H), lambda i: (0, 0)),
    ],
    out_specs=pl.BlockSpec((BN, H), lambda i: (i, 0)),
    out_shape=jax.ShapeDtypeStruct((N, H), F32),
)


def _gru_combine(gi, gh, h):
    r = jax.nn.sigmoid(gi[:, 0:H] + gh[:, 0:H])
    z = jax.nn.sigmoid(gi[:, H:2 * H] + gh[:, H:2 * H])
    n = jnp.tanh(gi[:, 2 * H:3 * H] + r * gh[:, 2 * H:3 * H])
    return (1.0 - z) * n + z * h


def _step_body(p_ref, d_ref, hs_ref, hr_ref, wl_ref, bl_ref, wr_ref,
               wgs_ref, bgs_ref, wgr_ref, bgr_ref,
               wihs_ref, whhs_ref, bihs_ref, bhhs_ref,
               wihr_ref, whhr_ref, bihr_ref, bhhr_ref,
               hs_out, hr_out, gate_out):
    p = p_ref[...]
    d = d_ref[...]
    deg = jnp.maximum(d[0, :, 0:1] + d[1, :, 0:1], 1.0)
    aggr = (p[0] + p[1]) / deg
    hs = hs_ref[...]
    hr = hr_ref[...]
    am = jnp.maximum(
        _mmT(aggr, wl_ref[...]) + bl_ref[...] + _mmT(hs, wr_ref[...]), 0.0)
    gate_s = jax.nn.sigmoid(
        jnp.sum(hs * wgs_ref[...], axis=1, keepdims=True) + bgs_ref[0, 0])
    gi_s = _mmT(gate_s * am, wihs_ref[...]) + bihs_ref[...]
    gh_s = _mmT(hs, whhs_ref[...]) + bhhs_ref[...]
    hs_out[...] = _gru_combine(gi_s, gh_s, hs)
    gate_r = jax.nn.sigmoid(
        jnp.sum(hr * wgr_ref[...], axis=1, keepdims=True) + bgr_ref[0, 0])
    gi_r = _mmT(gate_r * am, wihr_ref[...]) + bihr_ref[...]
    gh_r = _mmT(hr, whhr_ref[...]) + bhhr_ref[...]
    hr_out[...] = _gru_combine(gi_r, gh_r, hr)
    gate_out[...] = gate_r


def _full(shape):
    return pl.BlockSpec(shape, lambda i: tuple(0 for _ in shape))


def _rows(w):
    return pl.BlockSpec((BN, w), lambda i: (i, 0))


_step = pl.pallas_call(
    _step_body,
    grid=(NB,),
    in_specs=[
        pl.BlockSpec((NC, BN, H), lambda i: (0, i, 0)),
        pl.BlockSpec((NC, BN, 16), lambda i: (0, i, 0)),
        _rows(H), _rows(H),
        _full((H, H)), _full((1, H)), _full((H, H)),
        _full((1, H)), _full((1, 1)), _full((1, H)), _full((1, 1)),
        _full((3 * H, H)), _full((3 * H, H)), _full((1, 3 * H)),
        _full((1, 3 * H)),
        _full((3 * H, H)), _full((3 * H, H)), _full((1, 3 * H)),
        _full((1, 3 * H)),
    ],
    out_specs=[_rows(H), _rows(H), _rows(1)],
    out_shape=[
        jax.ShapeDtypeStruct((N, H), F32),
        jax.ShapeDtypeStruct((N, H), F32),
        jax.ShapeDtypeStruct((N, 1), F32),
    ],
)

CB = 2000
NCK = N // CB
NEG = -1e30


def _s2s_body(h0_ref, hs_ref, hr_ref, b_ref, wih_ref, whh_ref, bih_ref,
              bhh_ref, wsp_ref, bsp_ref, ap_ref, out_ref, na_ref, ea_ref):
    na_ref[:, 0:H] = h0_ref[...]
    na_ref[:, H:2 * H] = hs_ref[...]
    na_ref[:, 2 * H:3 * H] = hr_ref[...]
    wih = wih_ref[...]
    whh = whh_ref[...]
    bih = bih_ref[...]
    bhh = bhh_ref[...]
    h = jnp.zeros((G, D3), F32)
    c = jnp.zeros((G, D3), F32)
    q_star = jnp.zeros((G, 2 * D3), F32)
    for _ in range(STEPS):
        g = _mmT(q_star, wih) + bih + _mmT(h, whh) + bhh
        i_ = jax.nn.sigmoid(g[:, 0:D3])
        f_ = jax.nn.sigmoid(g[:, D3:2 * D3])
        gg = jnp.tanh(g[:, 2 * D3:3 * D3])
        o_ = jax.nn.sigmoid(g[:, 3 * D3:4 * D3])
        c = f_ * c + i_ * gg
        h = o_ * jnp.tanh(c)
        q = h

        def ph1(ib, mcar):
            sl = pl.ds(ib * CB, CB)
            bc = b_ref[sl, :]
            oh = (bc == lax.broadcasted_iota(jnp.int32, (CB, G), 1)).astype(F32)
            qn = lax.dot_general(oh, q, (((1,), (0,)), ((), ())),
                                 preferred_element_type=F32)
            e = jnp.sum(na_ref[sl, :] * qn, axis=1, keepdims=True)
            ea_ref[sl, :] = e
            masked = jnp.where(oh > 0.5, e, NEG)
            return jnp.maximum(mcar, jnp.max(masked, axis=0, keepdims=True))
        m = lax.fori_loop(0, NCK, ph1, jnp.full((1, G), NEG, F32))

        def ph2(ib, scar):
            sl = pl.ds(ib * CB, CB)
            bc = b_ref[sl, :]
            oh = (bc == lax.broadcasted_iota(jnp.int32, (CB, G), 1)).astype(F32)
            mn = jnp.sum(oh * m, axis=1, keepdims=True)
            ex = jnp.exp(ea_ref[sl, :] - mn)
            ea_ref[sl, :] = ex
            return scar + lax.dot_general(ex, oh, (((0,), (0,)), ((), ())),
                                          preferred_element_type=F32)
        s = lax.fori_loop(0, NCK, ph2, jnp.zeros((1, G), F32))

        def ph3(ib, rcar):
            sl = pl.ds(ib * CB, CB)
            bc = b_ref[sl, :]
            oh = (bc == lax.broadcasted_iota(jnp.int32, (CB, G), 1)).astype(F32)
            sn = jnp.sum(oh * s, axis=1, keepdims=True)
            a = ea_ref[sl, :] / (sn + 1e-16)
            wna = a * na_ref[sl, :]
            return rcar + lax.dot_general(oh, wna, (((0,), (0,)), ((), ())),
                                          preferred_element_type=F32)
        r = lax.fori_loop(0, NCK, ph3, jnp.zeros((G, D3), F32))
        q_star = jnp.concatenate([q, r], axis=1)
    out = _mmT(q_star, wsp_ref[...]) + bsp_ref[...]
    ap = ap_ref[0, 0]
    out_ref[...] = jnp.maximum(out, 0.0) + ap * jnp.minimum(out, 0.0)


_s2s = pl.pallas_call(
    _s2s_body,
    out_shape=jax.ShapeDtypeStruct((G, 1024), F32),
    scratch_shapes=[
        pltpu.VMEM((N, D3), F32),
        pltpu.VMEM((N, 1), F32),
    ],
)


def kernel(x, edge_index, batch, W_proj, b_proj, W_l, b_l, W_r, W_gs, b_gs,
           W_gr, b_gr, Wih_s, Whh_s, bih_s, bhh_s, Wih_r, Whh_r, bih_r, bhh_r,
           Wih_l, Whh_l, bih_l, bhh_l, W_sp, b_sp, a_prelu):
    src = edge_index[0].astype(jnp.int32).reshape(NW, NCH, CSZ)
    dst = edge_index[1].astype(jnp.int32).reshape(NW, NCH, CSZ)
    b2 = batch.astype(jnp.int32).reshape(N, 1)
    h0 = _proj(x, W_proj, b_proj.reshape(1, H))
    parts0, degp = _sc_aggr_get(True)(h0, src, dst)
    hs, hr = h0, h0
    gates = []
    step_w = (W_l, b_l.reshape(1, H), W_r, W_gs, b_gs.reshape(1, 1),
              W_gr, b_gr.reshape(1, 1),
              Wih_s, Whh_s, bih_s.reshape(1, 3 * H), bhh_s.reshape(1, 3 * H),
              Wih_r, Whh_r, bih_r.reshape(1, 3 * H), bhh_r.reshape(1, 3 * H))
    for s in range(STEPS):
        parts = parts0 if s == 0 else _sc_aggr_get(False)(hs, src, dst)
        hs, hr, gr = _step(parts, degp, hs, hr, *step_w)
        gates.append(gr)
    out = _s2s(h0, hs, hr, b2, Wih_l, Whh_l, bih_l.reshape(1, 4 * D3),
               bhh_l.reshape(1, 4 * D3), W_sp, b_sp.reshape(1, 1024),
               a_prelu.reshape(1, 1))
    return out, jnp.stack(gates, axis=0)

# --- scband reference (transcript-rebuilt; emitter-appended) ---
"""Pipeline reference for scband-chem-sreact-mpnn-22694607192499 (READ-ONLY COPY).

The authoritative reference and input builder live on the scoring server;
editing this copy changes nothing except your own understanding.
"""

import jax, jax.numpy as jnp
import numpy as np

N_NODES = 10000
N_EDGES = 320000
N_GRAPHS = 256
D_IN = 128
HID = 64
STEPS_MP = 3
STEPS_S2S = 3


def _gru_cell(x, h, Wih, Whh, bih, bhh):
    gi = x @ Wih.T + bih
    gh = h @ Whh.T + bhh
    ir, iz, inn = jnp.split(gi, 3, axis=-1)
    hr, hz, hn = jnp.split(gh, 3, axis=-1)
    r = jax.nn.sigmoid(ir + hr)
    z = jax.nn.sigmoid(iz + hz)
    n = jnp.tanh(inn + r * hn)
    return (1.0 - z) * n + z * h


def _lstm_cell(x, h, c, Wih, Whh, bih, bhh):
    g = x @ Wih.T + bih + h @ Whh.T + bhh
    i, f, gg, o = jnp.split(g, 4, axis=-1)
    i = jax.nn.sigmoid(i)
    f = jax.nn.sigmoid(f)
    gg = jnp.tanh(gg)
    o = jax.nn.sigmoid(o)
    c2 = f * c + i * gg
    return o * jnp.tanh(c2), c2


def _segment_softmax(e, seg, num_segments):
    m = jax.ops.segment_max(e, seg, num_segments=num_segments)
    m = jnp.where(jnp.isfinite(m), m, 0.0)
    ex = jnp.exp(e - m[seg])
    s = jax.ops.segment_sum(ex, seg, num_segments=num_segments)
    return ex / (s[seg] + 1e-16)


def _mpnn_forward(x, params, edge_index, batch):
    (W_proj, b_proj, W_l, b_l, W_r, W_gs, b_gs, W_gr, b_gr,
     Wih_s, Whh_s, bih_s, bhh_s, Wih_r, Whh_r, bih_r, bhh_r,
     Wih_l, Whh_l, bih_l, bhh_l, W_sp, b_sp, a_prelu) = params
    h0 = jax.nn.relu(x @ W_proj.T + b_proj)
    src = edge_index[0]
    dst = edge_index[1]
    deg = jax.ops.segment_sum(jnp.ones((src.shape[0],), x.dtype), dst, num_segments=N_NODES)
    deg = jnp.maximum(deg, 1.0)
    hs = h0
    hr_ = h0
    gates = []
    for _ in range(STEPS_MP):
        aggr = jax.ops.segment_sum(hs[src], dst, num_segments=N_NODES) / deg[:, None]
        m = aggr @ W_l.T + b_l + hs @ W_r.T
        am = jax.nn.relu(m)
        gate_s = jax.nn.sigmoid(hs @ W_gs.T + b_gs)
        hs = _gru_cell(gate_s * am, hs, Wih_s, Whh_s, bih_s, bhh_s)
        gate_r = jax.nn.sigmoid(hr_ @ W_gr.T + b_gr)
        gates.append(gate_r)
        hr_ = _gru_cell(gate_r * am, hr_, Wih_r, Whh_r, bih_r, bhh_r)
    node_aggr = jnp.concatenate([h0, hs, hr_], axis=1)
    d = node_aggr.shape[1]
    h = jnp.zeros((N_GRAPHS, d), x.dtype)
    c = jnp.zeros((N_GRAPHS, d), x.dtype)
    q_star = jnp.zeros((N_GRAPHS, 2 * d), x.dtype)
    for _ in range(STEPS_S2S):
        h, c = _lstm_cell(q_star, h, c, Wih_l, Whh_l, bih_l, bhh_l)
        q = h
        e = jnp.sum(node_aggr * q[batch], axis=-1)
        a = _segment_softmax(e, batch, N_GRAPHS)
        r = jax.ops.segment_sum(a[:, None] * node_aggr, batch, num_segments=N_GRAPHS)
        q_star = jnp.concatenate([q, r], axis=-1)
    out = q_star @ W_sp.T + b_sp
    out = jnp.maximum(out, 0.0) + a_prelu * jnp.minimum(out, 0.0)
    return out, jnp.stack(gates, axis=0)


def setup_inputs(seed: int = 0) -> dict:
    key = jax.random.key(seed)
    ks = jax.random.split(key, 30)

    def rn(i, shape, scale):
        return jax.random.normal(ks[i], shape, dtype=jnp.float32) * scale

    d3 = 3 * HID
    inp = {}
    inp['x'] = jax.random.normal(ks[0], (N_NODES, D_IN), dtype=jnp.float32)
    inp['edge_index'] = jax.random.randint(ks[1], (2, N_EDGES), 0, N_NODES)
    inp['batch'] = jnp.sort(jax.random.randint(ks[2], (N_NODES,), 0, N_GRAPHS))
    inp['W_proj'] = rn(3, (HID, D_IN), 0.09)
    inp['b_proj'] = rn(4, (HID,), 0.09)
    inp['W_l'] = rn(5, (HID, HID), 0.125)
    inp['b_l'] = rn(6, (HID,), 0.125)
    inp['W_r'] = rn(7, (HID, HID), 0.125)
    inp['W_gs'] = rn(8, (1, HID), 0.125)
    inp['b_gs'] = rn(9, (1,), 0.125)
    inp['W_gr'] = rn(10, (1, HID), 0.125)
    inp['b_gr'] = rn(11, (1,), 0.125)
    inp['Wih_s'] = rn(12, (3 * HID, HID), 0.125)
    inp['Whh_s'] = rn(13, (3 * HID, HID), 0.125)
    inp['bih_s'] = rn(14, (3 * HID,), 0.125)
    inp['bhh_s'] = rn(15, (3 * HID,), 0.125)
    inp['Wih_r'] = rn(16, (3 * HID, HID), 0.125)
    inp['Whh_r'] = rn(17, (3 * HID, HID), 0.125)
    inp['bih_r'] = rn(18, (3 * HID,), 0.125)
    inp['bhh_r'] = rn(19, (3 * HID,), 0.125)
    inp['Wih_l'] = rn(20, (4 * d3, 2 * d3), 0.05)
    inp['Whh_l'] = rn(21, (4 * d3, d3), 0.07)
    inp['bih_l'] = rn(22, (4 * d3,), 0.07)
    inp['bhh_l'] = rn(23, (4 * d3,), 0.07)
    inp['W_sp'] = rn(24, (1024, 2 * d3), 0.05)
    inp['b_sp'] = rn(25, (1024,), 0.05)
    inp['a_prelu'] = jnp.full((1,), 0.25, dtype=jnp.float32)
    return inp


def reference(x, edge_index, batch, W_proj, b_proj, W_l, b_l, W_r, W_gs, b_gs, W_gr, b_gr, Wih_s, Whh_s, bih_s, bhh_s, Wih_r, Whh_r, bih_r, bhh_r, Wih_l, Whh_l, bih_l, bhh_l, W_sp, b_sp, a_prelu):
    params = (W_proj, b_proj, W_l, b_l, W_r, W_gs, b_gs, W_gr, b_gr,
              Wih_s, Whh_s, bih_s, bhh_s, Wih_r, Whh_r, bih_r, bhh_r,
              Wih_l, Whh_l, bih_l, bhh_l, W_sp, b_sp, a_prelu)
    return _mpnn_forward(x, params, edge_index, batch)

if __name__ == "__main__":
    import jax
    _d = setup_inputs()
    print(jax.jit(kernel)(*tuple(_d.values())))

</pallas_src>

<mosaic_0001>
#map = affine_map<(d0, d1) -> (0, 0)>
#map1 = affine_map<(d0, d1) -> (0, 0, 0)>
module attributes {stable_mosaic.version = 14 : i64} {
  func.func @body(%arg0: i32, %arg1: i32, %arg2: memref<10000x64xf32, #tpu.memory_space<hbm>>, %arg3: memref<32x125x80xi32, #tpu.memory_space<hbm>>, %arg4: memref<32x125x80xi32, #tpu.memory_space<hbm>>, %arg5: memref<2x10240x64xf32, #tpu.memory_space<hbm>>, %arg6: memref<2x10240x16xf32, #tpu.memory_space<hbm>>, %arg7: memref<125x80xi32, #tpu.memory_space<vmem>>, %arg8: memref<125x80xi32, #tpu.memory_space<vmem>>, %arg9: memref<80x64xf32, #tpu.memory_space<vmem>>, %arg10: memref<80x64xf32, #tpu.memory_space<vmem>>, %arg11: memref<80x64xf32, #tpu.memory_space<vmem>>, %arg12: memref<80x64xf32, #tpu.memory_space<vmem>>, %arg13: memref<80x64xf32, #tpu.memory_space<vmem>>, %arg14: memref<80x64xf32, #tpu.memory_space<vmem>>, %arg15: memref<80x64xf32, #tpu.memory_space<vmem>>, %arg16: memref<10240x64xf32, #tpu.memory_space<vmem_shared>>, %arg17: memref<!tpu.dma_semaphore, #tpu.memory_space<semaphore_mem>>, %arg18: memref<!tpu.dma_semaphore, #tpu.memory_space<semaphore_mem>>, %arg19: memref<!tpu.dma_semaphore, #tpu.memory_space<semaphore_mem>>, %arg20: memref<!tpu.dma_semaphore, #tpu.memory_space<semaphore_mem>>, %arg21: memref<!tpu.dma_semaphore, #tpu.memory_space<semaphore_mem>>, %arg22: memref<!tpu.dma_semaphore, #tpu.memory_space<semaphore_mem>>, %arg23: memref<!tpu.dma_semaphore, #tpu.memory_space<semaphore_mem>>, %arg24: memref<!tpu.dma_semaphore, #tpu.memory_space<semaphore_mem>>, %arg25: memref<!tpu.dma_semaphore, #tpu.memory_space<semaphore_mem>>, %arg26: memref<!tpu.dma_semaphore, #tpu.memory_space<semaphore_mem>>, %arg27: memref<!tpu.dma_semaphore, #tpu.memory_space<semaphore_mem>>, %arg28: memref<!tpu.dma_semaphore, #tpu.memory_space<semaphore_mem>>, %arg29: memref<80x16xf32, #tpu.memory_space<vmem>>, %arg30: memref<80x16xf32, #tpu.memory_space<vmem>>, %arg31: memref<10240x16xf32, #tpu.memory_space<vmem_shared>>, %arg32: memref<!tpu.dma_semaphore, #tpu.memory_space<semaphore_mem>>) attributes {dimension_semantics = [#tpu.dimension_semantics<core_parallel>, #tpu.dimension_semantics<subcore_parallel>], iteration_bounds = array<i64: 2, 16>, scalar_prefetch = 0 : i64, scratch_operands = 26 : i64, tpu.core_type = #tpu.core_type<sc_vector_subcore>, window_params = [{transform_indices = #map}, {transform_indices = #map1}, {transform_indices = #map1}, {transform_indices = #map1}, {transform_indices = #map1}]} {
    %mul3A = arith.constant 2 : i32
    %mul3A_0 = arith.muli %arg1, %mul3A : i32
    %add3A = arith.addi %mul3A_0, %arg0 : i32
    %broadcast_in_dim3A = arith.constant 0.000000e+00 : f32
    %broadcast_in_dim3A_1 = vector.broadcast %broadcast_in_dim3A : f32 to vector<16xf32>
    %scan3A = arith.constant 0 : i32
    %scan3A_2 = arith.constant 0 : i32
    %scan3A_3 = arith.constant 80 : i32
    %scan3A_4 = arith.addi %scan3A_2, %scan3A_3 : i32
    %scan3A_5 = arith.constant 1 : i32
    scf.for %scan3A_305 = %scan3A_2 to %scan3A_4 step %scan3A_5  : i32 {
      %swap3A = arith.index_cast %scan3A_305 : i32 to index
      %swap3A_306 = arith.constant 0 : index
      %swap3A_307 = tpu.vector_load %arg15[%swap3A, %swap3A_306] {strides = array<i32>} : memref<80x64xf32, #tpu.memory_space<vmem>>, vector<1x16xf32>,
      %swap3A_308 = vector.shape_cast %swap3A_307 : vector<1x16xf32> to vector<16xf32>
      %swap3A_309 = vector.shape_cast %broadcast_in_dim3A_1 : vector<16xf32> to vector<1x16xf32>
      tpu.vector_store %arg15[%swap3A, %swap3A_306], %swap3A_309 {strides = array<i32>} : memref<80x64xf32, #tpu.memory_space<vmem>>, vector<1x16xf32>,
      %swap3A_310 = arith.index_cast %scan3A_305 : i32 to index
      %swap3A_311 = arith.constant 16 : index
      %swap3A_312 = tpu.vector_load %arg15[%swap3A_310, %swap3A_311] {strides = array<i32>} : memref<80x64xf32, #tpu.memory_space<vmem>>, vector<1x16xf32>,
      %swap3A_313 = vector.shape_cast %swap3A_312 : vector<1x16xf32> to vector<16xf32>
      %swap3A_314 = vector.shape_cast %broadcast_in_dim3A_1 : vector<16xf32> to vector<1x16xf32>
      tpu.vector_store %arg15[%swap3A_310, %swap3A_311], %swap3A_314 {strides = array<i32>} : memref<80x64xf32, #tpu.memory_space<vmem>>, vector<1x16xf32>,
      %swap3A_315 = arith.index_cast %scan3A_305 : i32 to index
      %swap3A_316 = arith.constant 32 : index
      %swap3A_317 = tpu.vector_load %arg15[%swap3A_315, %swap3A_316] {strides = array<i32>} : memref<80x64xf32, #tpu.memory_space<vmem>>, vector<1x16xf32>,
      %swap3A_318 = vector.shape_cast %swap3A_317 : vector<1x16xf32> to vector<16xf32>
      %swap3A_319 = vector.shape_cast %broadcast_in_dim3A_1 : vector<16xf32> to vector<1x16xf32>
      tpu.vector_store %arg15[%swap3A_315, %swap3A_316], %swap3A_319 {strides = array<i32>} : memref<80x64xf32, #tpu.memory_space<vmem>>, vector<1x16xf32>,
      %swap3A_320 = arith.index_cast %scan3A_305 : i32 to index
      %swap3A_321 = arith.constant 48 : index
      %swap3A_322 = tpu.vector_load %arg15[%swap3A_320, %swap3A_321] {strides = array<i32>} : memref<80x64xf32, #tpu.memory_space<vmem>>, vector<1x16xf32>,
      %swap3A_323 = vector.shape_cast %swap3A_322 : vector<1x16xf32> to vector<16xf32>
      %swap3A_324 = vector.shape_cast %broadcast_in_dim3A_1 : vector<16xf32> to vector<1x16xf32>
      tpu.vector_store %arg15[%swap3A_320, %swap3A_321], %swap3A_324 {strides = array<i32>} : memref<80x64xf32, #tpu.memory_space<vmem>>, vector<1x16xf32>,
      %swap3A_325 = arith.index_cast %scan3A_305 : i32 to index
      %swap3A_326 = arith.constant 0 : index
      %swap3A_327 = tpu.vector_load %arg29[%swap3A_325, %swap3A_326] {strides = array<i32>} : memref<80x16xf32, #tpu.memory_space<vmem>>, vector<1x16xf32>,
      %swap3A_328 = vector.shape_cast %swap3A_327 : vector<1x16xf32> to vector<16xf32>
      %swap3A_329 = vector.shape_cast %broadcast_in_dim3A_1 : vector<16xf32> to vector<1x16xf32>
      tpu.vector_store %arg29[%swap3A_325, %swap3A_326], %swap3A_329 {strides = array<i32>} : memref<80x16xf32, #tpu.memory_space<vmem>>, vector<1x16xf32>,
    }
    %scan3A_6 = arith.constant 80 : i32
    %broadcast_in_dim3A_7 = arith.constant 1.000000e+00 : f32
    %broadcast_in_dim3A_8 = vector.broadcast %broadcast_in_dim3A_7 : f32 to vector<16xf32>
    %scan3A_9 = arith.constant 0 : i32
    %scan3A_10 = arith.constant 0 : i32
    %scan3A_11 = arith.constant 80 : i32
    %scan3A_12 = arith.addi %scan3A_10, %scan3A_11 : i32
    %scan3A_13 = arith.constant 1 : i32
    scf.for %scan3A_305 = %scan3A_10 to %scan3A_12 step %scan3A_13  : i32 {
      %swap3A = arith.index_cast %scan3A_305 : i32 to index
      %swap3A_306 = arith.constant 0 : index
      %swap3A_307 = tpu.vector_load %arg30[%swap3A, %swap3A_306] {strides = array<i32>} : memref<80x16xf32, #tpu.memory_space<vmem>>, vector<1x16xf32>,
      %swap3A_308 = vector.shape_cast %swap3A_307 : vector<1x16xf32> to vector<16xf32>
      %swap3A_309 = vector.shape_cast %broadcast_in_dim3A_8 : vector<16xf32> to vector<1x16xf32>
      tpu.vector_store %arg30[%swap3A, %swap3A_306], %swap3A_309 {strides = array<i32>} : memref<80x16xf32, #tpu.memory_space<vmem>>, vector<1x16xf32>,
    }
    %scan3A_14 = arith.constant 80 : i32
    %mul3A_15 = arith.constant 640 : i32
    %mul3A_16 = arith.muli %arg1, %mul3A_15 : i32
    %add3A_17 = arith.constant 0 : i32
    %add3A_18 = arith.addi %mul3A_16, %add3A_17 : i32
    "tpu.region"() ({
      %run_scoped3A = tpu.sem_alloc : memref<!tpu.dma_semaphore, #tpu.memory_space<semaphore_mem>>
      %dma_start3A_305 = arith.constant 0 : i32
      %dma_start3A_306 = tpu.memref_slice %arg16[%add3A_18, %dma_start3A_305] : memref<10240x64xf32, #tpu.memory_space<vmem_shared>> -> memref<80x64xf32, #tpu.memory_space<vmem_shared>>
      %dma_start3A_307 = arith.constant 0 : i32
      %dma_start3A_308 = tpu.memref_slice %arg16[%add3A_18, %dma_start3A_307] : memref<10240x64xf32, #tpu.memory_space<vmem_shared>> -> memref<80x64xf32, #tpu.memory_space<vmem_shared>>
      tpu.enqueue_dma source(%arg15 : memref<80x64xf32, #tpu.memory_space<vmem>>) target(%dma_start3A_308 : memref<80x64xf32, #tpu.memory_space<vmem_shared>>) target_semaphore(%run_scoped3A : memref<!tpu.dma_semaphore, #tpu.memory_space<semaphore_mem>>)
      %dma_wait3A_309 = arith.constant 0 : i32
      %dma_wait3A_310 = tpu.memref_slice %arg16[%add3A_18, %dma_wait3A_309] : memref<10240x64xf32, #tpu.memory_space<vmem_shared>> -> memref<80x64xf32, #tpu.memory_space<vmem_shared>>
      %dma_wait3A_311 = arith.constant 0 : i32
      %dma_wait3A_312 = tpu.memref_slice %arg16[%add3A_18, %dma_wait3A_311] : memref<10240x64xf32, #tpu.memory_space<vmem_shared>> -> memref<80x64xf32, #tpu.memory_space<vmem_shared>>
      tpu.wait_dma2 semaphore(%run_scoped3A : memref<!tpu.dma_semaphore, #tpu.memory_space<semaphore_mem>>) src(%arg15 : memref<80x64xf32, #tpu.memory_space<vmem>>) dst(%dma_wait3A_312 : memref<80x64xf32, #tpu.memory_space<vmem_shared>>)
      tpu.yield
    }) : () -> ()
    %add3A_19 = arith.constant 0 : i32
    %add3A_20 = arith.addi %mul3A_16, %add3A_19 : i32
    "tpu.region"() ({
      %run_scoped3A = tpu.sem_alloc : memref<!tpu.dma_semaphore, #tpu.memory_space<semaphore_mem>>
      %dma_start3A_305 = arith.constant 0 : i32
      %dma_start3A_306 = tpu.memref_slice %arg31[%add3A_20, %dma_start3A_305] : memref<10240x16xf32, #tpu.memory_space<vmem_shared>> -> memref<80x16xf32, #tpu.memory_space<vmem_shared>>
      %dma_start3A_307 = arith.constant 0 : i32
      %dma_start3A_308 = tpu.memref_slice %arg31[%add3A_20, %dma_start3A_307] : memref<10240x16xf32, #tpu.memory_space<vmem_shared>> -> memref<80x16xf32, #tpu.memory_space<vmem_shared>>
      tpu.enqueue_dma source(%arg29 : memref<80x16xf32, #tpu.memory_space<vmem>>) target(%dma_start3A_308 : memref<80x16xf32, #tpu.memory_space<vmem_shared>>) target_semaphore(%run_scoped3A : memref<!tpu.dma_semaphore, #tpu.memory_space<semaphore_mem>>)
      %dma_wait3A_309 = arith.constant 0 : i32
      %dma_wait3A_310 = tpu.memref_slice %arg31[%add3A_20, %dma_wait3A_309] : memref<10240x16xf32, #tpu.memory_space<vmem_shared>> -> memref<80x16xf32, #tpu.memory_space<vmem_shared>>
      %dma_wait3A_311 = arith.constant 0 : i32
      %dma_wait3A_312 = tpu.memref_slice %arg31[%add3A_20, %dma_wait3A_311] : memref<10240x16xf32, #tpu.memory_space<vmem_shared>> -> memref<80x16xf32, #tpu.memory_space<vmem_shared>>
      tpu.wait_dma2 semaphore(%run_scoped3A : memref<!tpu.dma_semaphore, #tpu.memory_space<semaphore_mem>>) src(%arg29 : memref<80x16xf32, #tpu.memory_space<vmem>>) dst(%dma_wait3A_312 : memref<80x16xf32, #tpu.memory_space<vmem_shared>>)
      tpu.yield
    }) : () -> ()
    %add3A_21 = arith.constant 80 : i32
    %add3A_22 = arith.addi %mul3A_16, %add3A_21 : i32
    "tpu.region"() ({
      %run_scoped3A = tpu.sem_alloc : memref<!tpu.dma_semaphore, #tpu.memory_space<semaphore_mem>>
      %dma_start3A_305 = arith.constant 0 : i32
      %dma_start3A_306 = tpu.memref_slice %arg16[%add3A_22, %dma_start3A_305] : memref<10240x64xf32, #tpu.memory_space<vmem_shared>> -> memref<80x64xf32, #tpu.memory_space<vmem_shared>>
      %dma_start3A_307 = arith.constant 0 : i32
      %dma_start3A_308 = tpu.memref_slice %arg16[%add3A_22, %dma_start3A_307] : memref<10240x64xf32, #tpu.memory_space<vmem_shared>> -> memref<80x64xf32, #tpu.memory_space<vmem_shared>>
      tpu.enqueue_dma source(%arg15 : memref<80x64xf32, #tpu.memory_space<vmem>>) target(%dma_start3A_308 : memref<80x64xf32, #tpu.memory_space<vmem_shared>>) target_semaphore(%run_scoped3A : memref<!tpu.dma_semaphore, #tpu.memory_space<semaphore_mem>>)
      %dma_wait3A_309 = arith.constant 0 : i32
      %dma_wait3A_310 = tpu.memref_slice %arg16[%add3A_22, %dma_wait3A_309] : memref<10240x64xf32, #tpu.memory_space<vmem_shared>> -> memref<80x64xf32, #tpu.memory_space<vmem_shared>>
      %dma_wait3A_311 = arith.constant 0 : i32
      %dma_wait3A_312 = tpu.memref_slice %arg16[%add3A_22, %dma_wait3A_311] : memref<10240x64xf32, #tpu.memory_space<vmem_shared>> -> memref<80x64xf32, #tpu.memory_space<vmem_shared>>
      tpu.wait_dma2 semaphore(%run_scoped3A : memref<!tpu.dma_semaphore, #tpu.memory_space<semaphore_mem>>) src(%arg15 : memref<80x64xf32, #tpu.memory_space<vmem>>) dst(%dma_wait3A_312 : memref<80x64xf32, #tpu.memory_space<vmem_shared>>)
      tpu.yield
    }) : () -> ()
    %add3A_23 = arith.constant 80 : i32
    %add3A_24 = arith.addi %mul3A_16, %add3A_23 : i32
    "tpu.region"() ({
      %run_scoped3A = tpu.sem_alloc : memref<!tpu.dma_semaphore, #tpu.memory_space<semaphore_mem>>
      %dma_start3A_305 = arith.constant 0 : i32
      %dma_start3A_306 = tpu.memref_slice %arg31[%add3A_24, %dma_start3A_305] : memref<10240x16xf32, #tpu.memory_space<vmem_shared>> -> memref<80x16xf32, #tpu.memory_space<vmem_shared>>
      %dma_start3A_307 = arith.constant 0 : i32
      %dma_start3A_308 = tpu.memref_slice %arg31[%add3A_24, %dma_start3A_307] : memref<10240x16xf32, #tpu.memory_space<vmem_shared>> -> memref<80x16xf32, #tpu.memory_space<vmem_shared>>
      tpu.enqueue_dma source(%arg29 : memref<80x16xf32, #tpu.memory_space<vmem>>) target(%dma_start3A_308 : memref<80x16xf32, #tpu.memory_space<vmem_shared>>) target_semaphore(%run_scoped3A : memref<!tpu.dma_semaphore, #tpu.memory_space<semaphore_mem>>)
      %dma_wait3A_309 = arith.constant 0 : i32
      %dma_wait3A_310 = tpu.memref_slice %arg31[%add3A_24, %dma_wait3A_309] : memref<10240x16xf32, #tpu.memory_space<vmem_shared>> -> memref<80x16xf32, #tpu.memory_space<vmem_shared>>
      %dma_wait3A_311 = arith.constant 0 : i32
      %dma_wait3A_312 = tpu.memref_slice %arg31[%add3A_24, %dma_wait3A_311] : memref<10240x16xf32, #tpu.memory_space<vmem_shared>> -> memref<80x16xf32, #tpu.memory_space<vmem_shared>>
      tpu.wait_dma2 semaphore(%run_scoped3A : memref<!tpu.dma_semaphore, #tpu.memory_space<semaphore_mem>>) src(%arg29 : memref<80x16xf32, #tpu.memory_space<vmem>>) dst(%dma_wait3A_312 : memref<80x16xf32, #tpu.memory_space<vmem_shared>>)
      tpu.yield
    }) : () -> ()
    %add3A_25 = arith.constant 160 : i32
    %add3A_26 = arith.addi %mul3A_16, %add3A_25 : i32
    "tpu.region"() ({
      %run_scoped3A = tpu.sem_alloc : memref<!tpu.dma_semaphore, #tpu.memory_space<semaphore_mem>>
      %dma_start3A_305 = arith.constant 0 : i32
      %dma_start3A_306 = tpu.memref_slice %arg16[%add3A_26, %dma_start3A_305] : memref<10240x64xf32, #tpu.memory_space<vmem_shared>> -> memref<80x64xf32, #tpu.memory_space<vmem_shared>>
      %dma_start3A_307 = arith.constant 0 : i32
      %dma_start3A_308 = tpu.memref_slice %arg16[%add3A_26, %dma_start3A_307] : memref<10240x64xf32, #tpu.memory_space<vmem_shared>> -> memref<80x64xf32, #tpu.memory_space<vmem_shared>>
      tpu.enqueue_dma source(%arg15 : memref<80x64xf32, #tpu.memory_space<vmem>>) target(%dma_start3A_308 : memref<80x64xf32, #tpu.memory_space<vmem_shared>>) target_semaphore(%run_scoped3A : memref<!tpu.dma_semaphore, #tpu.memory_space<semaphore_mem>>)
      %dma_wait3A_309 = arith.constant 0 : i32
      %dma_wait3A_310 = tpu.memref_slice %arg16[%add3A_26, %dma_wait3A_309] : memref<10240x64xf32, #tpu.memory_space<vmem_shared>> -> memref<80x64xf32, #tpu.memory_space<vmem_shared>>
      %dma_wait3A_311 = arith.constant 0 : i32
      %dma_wait3A_312 = tpu.memref_slice %arg16[%add3A_26, %dma_wait3A_311] : memref<10240x64xf32, #tpu.memory_space<vmem_shared>> -> memref<80x64xf32, #tpu.memory_space<vmem_shared>>
      tpu.wait_dma2 semaphore(%run_scoped3A : memref<!tpu.dma_semaphore, #tpu.memory_space<semaphore_mem>>) src(%arg15 : memref<80x64xf32, #tpu.memory_space<vmem>>) dst(%dma_wait3A_312 : memref<80x64xf32, #tpu.memory_space<vmem_shared>>)
      tpu.yield
    }) : () -> ()
    %add3A_27 = arith.constant 160 : i32
    %add3A_28 = arith.addi %mul3A_16, %add3A_27 : i32
    "tpu.region"() ({
      %run_scoped3A = tpu.sem_alloc : memref<!tpu.dma_semaphore, #tpu.memory_space<semaphore_mem>>
      %dma_start3A_305 = arith.constant 0 : i32
      %dma_start3A_306 = tpu.memref_slice %arg31[%add3A_28, %dma_start3A_305] : memref<10240x16xf32, #tpu.memory_space<vmem_shared>> -> memref<80x16xf32, #tpu.memory_space<vmem_shared>>
      %dma_start3A_307 = arith.constant 0 : i32
      %dma_start3A_308 = tpu.memref_slice %arg31[%add3A_28, %dma_start3A_307] : memref<10240x16xf32, #tpu.memory_space<vmem_shared>> -> memref<80x16xf32, #tpu.memory_space<vmem_shared>>
      tpu.enqueue_dma source(%arg29 : memref<80x16xf32, #tpu.memory_space<vmem>>) target(%dma_start3A_308 : memref<80x16xf32, #tpu.memory_space<vmem_shared>>) target_semaphore(%run_scoped3A : memref<!tpu.dma_semaphore, #tpu.memory_space<semaphore_mem>>)
      %dma_wait3A_309 = arith.constant 0 : i32
      %dma_wait3A_310 = tpu.memref_slice %arg31[%add3A_28, %dma_wait3A_309] : memref<10240x16xf32, #tpu.memory_space<vmem_shared>> -> memref<80x16xf32, #tpu.memory_space<vmem_shared>>
      %dma_wait3A_311 = arith.constant 0 : i32
      %dma_wait3A_312 = tpu.memref_slice %arg31[%add3A_28, %dma_wait3A_311] : memref<10240x16xf32, #tpu.memory_space<vmem_shared>> -> memref<80x16xf32, #tpu.memory_space<vmem_shared>>
      tpu.wait_dma2 semaphore(%run_scoped3A : memref<!tpu.dma_semaphore, #tpu.memory_space<semaphore_mem>>) src(%arg29 : memref<80x16xf32, #tpu.memory_space<vmem>>) dst(%dma_wait3A_312 : memref<80x16xf32, #tpu.memory_space<vmem_shared>>)
      tpu.yield
    }) : () -> ()
    %add3A_29 = arith.constant 240 : i32
    %add3A_30 = arith.addi %mul3A_16, %add3A_29 : i32
    "tpu.region"() ({
      %run_scoped3A = tpu.sem_alloc : memref<!tpu.dma_semaphore, #tpu.memory_space<semaphore_mem>>
      %dma_start3A_305 = arith.constant 0 : i32
      %dma_start3A_306 = tpu.memref_slice %arg16[%add3A_30, %dma_start3A_305] : memref<10240x64xf32, #tpu.memory_space<vmem_shared>> -> memref<80x64xf32, #tpu.memory_space<vmem_shared>>
      %dma_start3A_307 = arith.constant 0 : i32
      %dma_start3A_308 = tpu.memref_slice %arg16[%add3A_30, %dma_start3A_307] : memref<10240x64xf32, #tpu.memory_space<vmem_shared>> -> memref<80x64xf32, #tpu.memory_space<vmem_shared>>
      tpu.enqueue_dma source(%arg15 : memref<80x64xf32, #tpu.memory_space<vmem>>) target(%dma_start3A_308 : memref<80x64xf32, #tpu.memory_space<vmem_shared>>) target_semaphore(%run_scoped3A : memref<!tpu.dma_semaphore, #tpu.memory_space<semaphore_mem>>)
      %dma_wait3A_309 = arith.constant 0 : i32
      %dma_wait3A_310 = tpu.memref_slice %arg16[%add3A_30, %dma_wait3A_309] : memref<10240x64xf32, #tpu.memory_space<vmem_shared>> -> memref<80x64xf32, #tpu.memory_space<vmem_shared>>
      %dma_wait3A_311 = arith.constant 0 : i32
      %dma_wait3A_312 = tpu.memref_slice %arg16[%add3A_30, %dma_wait3A_311] : memref<10240x64xf32, #tpu.memory_space<vmem_shared>> -> memref<80x64xf32, #tpu.memory_space<vmem_shared>>
      tpu.wait_dma2 semaphore(%run_scoped3A : memref<!tpu.dma_semaphore, #tpu.memory_space<semaphore_mem>>) src(%arg15 : memref<80x64xf32, #tpu.memory_space<vmem>>) dst(%dma_wait3A_312 : memref<80x64xf32, #tpu.memory_space<vmem_shared>>)
      tpu.yield
    }) : () -> ()
    %add3A_31 = arith.constant 240 : i32
    %add3A_32 = arith.addi %mul3A_16, %add3A_31 : i32
    "tpu.region"() ({
      %run_scoped3A = tpu.sem_alloc : memref<!tpu.dma_semaphore, #tpu.memory_space<semaphore_mem>>
      %dma_start3A_305 = arith.constant 0 : i32
      %dma_start3A_306 = tpu.memref_slice %arg31[%add3A_32, %dma_start3A_305] : memref<10240x16xf32, #tpu.memory_space<vmem_shared>> -> memref<80x16xf32, #tpu.memory_space<vmem_shared>>
      %dma_start3A_307 = arith.constant 0 : i32
      %dma_start3A_308 = tpu.memref_slice %arg31[%add3A_32, %dma_start3A_307] : memref<10240x16xf32, #tpu.memory_space<vmem_shared>> -> memref<80x16xf32, #tpu.memory_space<vmem_shared>>
      tpu.enqueue_dma source(%arg29 : memref<80x16xf32, #tpu.memory_space<vmem>>) target(%dma_start3A_308 : memref<80x16xf32, #tpu.memory_space<vmem_shared>>) target_semaphore(%run_scoped3A : memref<!tpu.dma_semaphore, #tpu.memory_space<semaphore_mem>>)
      %dma_wait3A_309 = arith.constant 0 : i32
      %dma_wait3A_310 = tpu.memref_slice %arg31[%add3A_32, %dma_wait3A_309] : memref<10240x16xf32, #tpu.memory_space<vmem_shared>> -> memref<80x16xf32, #tpu.memory_space<vmem_shared>>
      %dma_wait3A_311 = arith.constant 0 : i32
      %dma_wait3A_312 = tpu.memref_slice %arg31[%add3A_32, %dma_wait3A_311] : memref<10240x16xf32, #tpu.memory_space<vmem_shared>> -> memref<80x16xf32, #tpu.memory_space<vmem_shared>>
      tpu.wait_dma2 semaphore(%run_scoped3A : memref<!tpu.dma_semaphore, #tpu.memory_space<semaphore_mem>>) src(%arg29 : memref<80x16xf32, #tpu.memory_space<vmem>>) dst(%dma_wait3A_312 : memref<80x16xf32, #tpu.memory_space<vmem_shared>>)
      tpu.yield
    }) : () -> ()
    %add3A_33 = arith.constant 320 : i32
    %add3A_34 = arith.addi %mul3A_16, %add3A_33 : i32
    "tpu.region"() ({
      %run_scoped3A = tpu.sem_alloc : memref<!tpu.dma_semaphore, #tpu.memory_space<semaphore_mem>>
      %dma_start3A_305 = arith.constant 0 : i32
      %dma_start3A_306 = tpu.memref_slice %arg16[%add3A_34, %dma_start3A_305] : memref<10240x64xf32, #tpu.memory_space<vmem_shared>> -> memref<80x64xf32, #tpu.memory_space<vmem_shared>>
      %dma_start3A_307 = arith.constant 0 : i32
      %dma_start3A_308 = tpu.memref_slice %arg16[%add3A_34, %dma_start3A_307] : memref<10240x64xf32, #tpu.memory_space<vmem_shared>> -> memref<80x64xf32, #tpu.memory_space<vmem_shared>>
      tpu.enqueue_dma source(%arg15 : memref<80x64xf32, #tpu.memory_space<vmem>>) target(%dma_start3A_308 : memref<80x64xf32, #tpu.memory_space<vmem_shared>>) target_semaphore(%run_scoped3A : memref<!tpu.dma_semaphore, #tpu.memory_space<semaphore_mem>>)
      %dma_wait3A_309 = arith.constant 0 : i32
      %dma_wait3A_310 = tpu.memref_slice %arg16[%add3A_34, %dma_wait3A_309] : memref<10240x64xf32, #tpu.memory_space<vmem_shared>> -> memref<80x64xf32, #tpu.memory_space<vmem_shared>>
      %dma_wait3A_311 = arith.constant 0 : i32
      %dma_wait3A_312 = tpu.memref_slice %arg16[%add3A_34, %dma_wait3A_311] : memref<10240x64xf32, #tpu.memory_space<vmem_shared>> -> memref<80x64xf32, #tpu.memory_space<vmem_shared>>
      tpu.wait_dma2 semaphore(%run_scoped3A : memref<!tpu.dma_semaphore, #tpu.memory_space<semaphore_mem>>) src(%arg15 : memref<80x64xf32, #tpu.memory_space<vmem>>) dst(%dma_wait3A_312 : memref<80x64xf32, #tpu.memory_space<vmem_shared>>)
      tpu.yield
    }) : () -> ()
    %add3A_35 = arith.constant 320 : i32
    %add3A_36 = arith.addi %mul3A_16, %add3A_35 : i32
    "tpu.region"() ({
      %run_scoped3A = tpu.sem_alloc : memref<!tpu.dma_semaphore, #tpu.memory_space<semaphore_mem>>
      %dma_start3A_305 = arith.constant 0 : i32
      %dma_start3A_306 = tpu.memref_slice %arg31[%add3A_36, %dma_start3A_305] : memref<10240x16xf32, #tpu.memory_space<vmem_shared>> -> memref<80x16xf32, #tpu.memory_space<vmem_shared>>
      %dma_start3A_307 = arith.constant 0 : i32
      %dma_start3A_308 = tpu.memref_slice %arg31[%add3A_36, %dma_start3A_307] : memref<10240x16xf32, #tpu.memory_space<vmem_shared>> -> memref<80x16xf32, #tpu.memory_space<vmem_shared>>
      tpu.enqueue_dma source(%arg29 : memref<80x16xf32, #tpu.memory_space<vmem>>) target(%dma_start3A_308 : memref<80x16xf32, #tpu.memory_space<vmem_shared>>) target_semaphore(%run_scoped3A : memref<!tpu.dma_semaphore, #tpu.memory_space<semaphore_mem>>)
      %dma_wait3A_309 = arith.constant 0 : i32
      %dma_wait3A_310 = tpu.memref_slice %arg31[%add3A_36, %dma_wait3A_309] : memref<10240x16xf32, #tpu.memory_space<vmem_shared>> -> memref<80x16xf32, #tpu.memory_space<vmem_shared>>
      %dma_wait3A_311 = arith.constant 0 : i32
      %dma_wait3A_312 = tpu.memref_slice %arg31[%add3A_36, %dma_wait3A_311] : memref<10240x16xf32, #tpu.memory_space<vmem_shared>> -> memref<80x16xf32, #tpu.memory_space<vmem_shared>>
      tpu.wait_dma2 semaphore(%run_scoped3A : memref<!tpu.dma_semaphore, #tpu.memory_space<semaphore_mem>>) src(%arg29 : memref<80x16xf32, #tpu.memory_space<vmem>>) dst(%dma_wait3A_312 : memref<80x16xf32, #tpu.memory_space<vmem_shared>>)
      tpu.yield
    }) : () -> ()
    %add3A_37 = arith.constant 400 : i32
    %add3A_38 = arith.addi %mul3A_16, %add3A_37 : i32
    "tpu.region"() ({
      %run_scoped3A = tpu.sem_alloc : memref<!tpu.dma_semaphore, #tpu.memory_space<semaphore_mem>>
      %dma_start3A_305 = arith.constant 0 : i32
      %dma_start3A_306 = tpu.memref_slice %arg16[%add3A_38, %dma_start3A_305] : memref<10240x64xf32, #tpu.memory_space<vmem_shared>> -> memref<80x64xf32, #tpu.memory_space<vmem_shared>>
      %dma_start3A_307 = arith.constant 0 : i32
      %dma_start3A_308 = tpu.memref_slice %arg16[%add3A_38, %dma_start3A_307] : memref<10240x64xf32, #tpu.memory_space<vmem_shared>> -> memref<80x64xf32, #tpu.memory_space<vmem_shared>>
      tpu.enqueue_dma source(%arg15 : memref<80x64xf32, #tpu.memory_space<vmem>>) target(%dma_start3A_308 : memref<80x64xf32, #tpu.memory_space<vmem_shared>>) target_semaphore(%run_scoped3A : memref<!tpu.dma_semaphore, #tpu.memory_space<semaphore_mem>>)
      %dma_wait3A_309 = arith.constant 0 : i32
      %dma_wait3A_310 = tpu.memref_slice %arg16[%add3A_38, %dma_wait3A_309] : memref<10240x64xf32, #tpu.memory_space<vmem_shared>> -> memref<80x64xf32, #tpu.memory_space<vmem_shared>>
      %dma_wait3A_311 = arith.constant 0 : i32
      %dma_wait3A_312 = tpu.memref_slice %arg16[%add3A_38, %dma_wait3A_311] : memref<10240x64xf32, #tpu.memory_space<vmem_shared>> -> memref<80x64xf32, #tpu.memory_space<vmem_shared>>
      tpu.wait_dma2 semaphore(%run_scoped3A : memref<!tpu.dma_semaphore, #tpu.memory_space<semaphore_mem>>) src(%arg15 : memref<80x64xf32, #tpu.memory_space<vmem>>) dst(%dma_wait3A_312 : memref<80x64xf32, #tpu.memory_space<vmem_shared>>)
      tpu.yield
    }) : () -> ()
    %add3A_39 = arith.constant 400 : i32
    %add3A_40 = arith.addi %mul3A_16, %add3A_39 : i32
    "tpu.region"() ({
      %run_scoped3A = tpu.sem_alloc : memref<!tpu.dma_semaphore, #tpu.memory_space<semaphore_mem>>
      %dma_start3A_305 = arith.constant 0 : i32
      %dma_start3A_306 = tpu.memref_slice %arg31[%add3A_40, %dma_start3A_305] : memref<10240x16xf32, #tpu.memory_space<vmem_shared>> -> memref<80x16xf32, #tpu.memory_space<vmem_shared>>
      %dma_start3A_307 = arith.constant 0 : i32
      %dma_start3A_308 = tpu.memref_slice %arg31[%add3A_40, %dma_start3A_307] : memref<10240x16xf32, #tpu.memory_space<vmem_shared>> -> memref<80x16xf32, #tpu.memory_space<vmem_shared>>
      tpu.enqueue_dma source(%arg29 : memref<80x16xf32, #tpu.memory_space<vmem>>) target(%dma_start3A_308 : memref<80x16xf32, #tpu.memory_space<vmem_shared>>) target_semaphore(%run_scoped3A : memref<!tpu.dma_semaphore, #tpu.memory_space<semaphore_mem>>)
      %dma_wait3A_309 = arith.constant 0 : i32
      %dma_wait3A_310 = tpu.memref_slice %arg31[%add3A_40, %dma_wait3A_309] : memref<10240x16xf32, #tpu.memory_space<vmem_shared>> -> memref<80x16xf32, #tpu.memory_space<vmem_shared>>
      %dma_wait3A_311 = arith.constant 0 : i32
      %dma_wait3A_312 = tpu.memref_slice %arg31[%add3A_40, %dma_wait3A_311] : memref<10240x16xf32, #tpu.memory_space<vmem_shared>> -> memref<80x16xf32, #tpu.memory_space<vmem_shared>>
      tpu.wait_dma2 semaphore(%run_scoped3A : memref<!tpu.dma_semaphore, #tpu.memory_space<semaphore_mem>>) src(%arg29 : memref<80x16xf32, #tpu.memory_space<vmem>>) dst(%dma_wait3A_312 : memref<80x16xf32, #tpu.memory_space<vmem_shared>>)
      tpu.yield
    }) : () -> ()
    %add3A_41 = arith.constant 480 : i32
    %add3A_42 = arith.addi %mul3A_16, %add3A_41 : i32
    "tpu.region"() ({
      %run_scoped3A = tpu.sem_alloc : memref<!tpu.dma_semaphore, #tpu.memory_space<semaphore_mem>>
      %dma_start3A_305 = arith.constant 0 : i32
      %dma_start3A_306 = tpu.memref_slice %arg16[%add3A_42, %dma_start3A_305] : memref<10240x64xf32, #tpu.memory_space<vmem_shared>> -> memref<80x64xf32, #tpu.memory_space<vmem_shared>>
      %dma_start3A_307 = arith.constant 0 : i32
      %dma_start3A_308 = tpu.memref_slice %arg16[%add3A_42, %dma_start3A_307] : memref<10240x64xf32, #tpu.memory_space<vmem_shared>> -> memref<80x64xf32, #tpu.memory_space<vmem_shared>>
      tpu.enqueue_dma source(%arg15 : memref<80x64xf32, #tpu.memory_space<vmem>>) target(%dma_start3A_308 : memref<80x64xf32, #tpu.memory_space<vmem_shared>>) target_semaphore(%run_scoped3A : memref<!tpu.dma_semaphore, #tpu.memory_space<semaphore_mem>>)
      %dma_wait3A_309 = arith.constant 0 : i32
      %dma_wait3A_310 = tpu.memref_slice %arg16[%add3A_42, %dma_wait3A_309] : memref<10240x64xf32, #tpu.memory_space<vmem_shared>> -> memref<80x64xf32, #tpu.memory_space<vmem_shared>>
      %dma_wait3A_311 = arith.constant 0 : i32
      %dma_wait3A_312 = tpu.memref_slice %arg16[%add3A_42, %dma_wait3A_311] : memref<10240x64xf32, #tpu.memory_space<vmem_shared>> -> memref<80x64xf32, #tpu.memory_space<vmem_shared>>
      tpu.wait_dma2 semaphore(%run_scoped3A : memref<!tpu.dma_semaphore, #tpu.memory_space<semaphore_mem>>) src(%arg15 : memref<80x64xf32, #tpu.memory_space<vmem>>) dst(%dma_wait3A_312 : memref<80x64xf32, #tpu.memory_space<vmem_shared>>)
      tpu.yield
    }) : () -> ()
    %add3A_43 = arith.constant 480 : i32
    %add3A_44 = arith.addi %mul3A_16, %add3A_43 : i32
    "tpu.region"() ({
      %run_scoped3A = tpu.sem_alloc : memref<!tpu.dma_semaphore, #tpu.memory_space<semaphore_mem>>
      %dma_start3A_305 = arith.constant 0 : i32
      %dma_start3A_306 = tpu.memref_slice %arg31[%add3A_44, %dma_start3A_305] : memref<10240x16xf32, #tpu.memory_space<vmem_shared>> -> memref<80x16xf32, #tpu.memory_space<vmem_shared>>
      %dma_start3A_307 = arith.constant 0 : i32
      %dma_start3A_308 = tpu.memref_slice %arg31[%add3A_44, %dma_start3A_307] : memref<10240x16xf32, #tpu.memory_space<vmem_shared>> -> memref<80x16xf32, #tpu.memory_space<vmem_shared>>
      tpu.enqueue_dma source(%arg29 : memref<80x16xf32, #tpu.memory_space<vmem>>) target(%dma_start3A_308 : memref<80x16xf32, #tpu.memory_space<vmem_shared>>) target_semaphore(%run_scoped3A : memref<!tpu.dma_semaphore, #tpu.memory_space<semaphore_mem>>)
      %dma_wait3A_309 = arith.constant 0 : i32
      %dma_wait3A_310 = tpu.memref_slice %arg31[%add3A_44, %dma_wait3A_309] : memref<10240x16xf32, #tpu.memory_space<vmem_shared>> -> memref<80x16xf32, #tpu.memory_space<vmem_shared>>
      %dma_wait3A_311 = arith.constant 0 : i32
      %dma_wait3A_312 = tpu.memref_slice %arg31[%add3A_44, %dma_wait3A_311] : memref<10240x16xf32, #tpu.memory_space<vmem_shared>> -> memref<80x16xf32, #tpu.memory_space<vmem_shared>>
      tpu.wait_dma2 semaphore(%run_scoped3A : memref<!tpu.dma_semaphore, #tpu.memory_space<semaphore_mem>>) src(%arg29 : memref<80x16xf32, #tpu.memory_space<vmem>>) dst(%dma_wait3A_312 : memref<80x16xf32, #tpu.memory_space<vmem_shared>>)
      tpu.yield
    }) : () -> ()
    %add3A_45 = arith.constant 560 : i32
    %add3A_46 = arith.addi %mul3A_16, %add3A_45 : i32
    "tpu.region"() ({
      %run_scoped3A = tpu.sem_alloc : memref<!tpu.dma_semaphore, #tpu.memory_space<semaphore_mem>>
      %dma_start3A_305 = arith.constant 0 : i32
      %dma_start3A_306 = tpu.memref_slice %arg16[%add3A_46, %dma_start3A_305] : memref<10240x64xf32, #tpu.memory_space<vmem_shared>> -> memref<80x64xf32, #tpu.memory_space<vmem_shared>>
      %dma_start3A_307 = arith.constant 0 : i32
      %dma_start3A_308 = tpu.memref_slice %arg16[%add3A_46, %dma_start3A_307] : memref<10240x64xf32, #tpu.memory_space<vmem_shared>> -> memref<80x64xf32, #tpu.memory_space<vmem_shared>>
      tpu.enqueue_dma source(%arg15 : memref<80x64xf32, #tpu.memory_space<vmem>>) target(%dma_start3A_308 : memref<80x64xf32, #tpu.memory_space<vmem_shared>>) target_semaphore(%run_scoped3A : memref<!tpu.dma_semaphore, #tpu.memory_space<semaphore_mem>>)
      %dma_wait3A_309 = arith.constant 0 : i32
      %dma_wait3A_310 = tpu.memref_slice %arg16[%add3A_46, %dma_wait3A_309] : memref<10240x64xf32, #tpu.memory_space<vmem_shared>> -> memref<80x64xf32, #tpu.memory_space<vmem_shared>>
      %dma_wait3A_311 = arith.constant 0 : i32
      %dma_wait3A_312 = tpu.memref_slice %arg16[%add3A_46, %dma_wait3A_311] : memref<10240x64xf32, #tpu.memory_space<vmem_shared>> -> memref<80x64xf32, #tpu.memory_space<vmem_shared>>
      tpu.wait_dma2 semaphore(%run_scoped3A : memref<!tpu.dma_semaphore, #tpu.memory_space<semaphore_mem>>) src(%arg15 : memref<80x64xf32, #tpu.memory_space<vmem>>) dst(%dma_wait3A_312 : memref<80x64xf32, #tpu.memory_space<vmem_shared>>)
      tpu.yield
    }) : () -> ()
    %add3A_47 = arith.constant 560 : i32
    %add3A_48 = arith.addi %mul3A_16, %add3A_47 : i32
    "tpu.region"() ({
      %run_scoped3A = tpu.sem_alloc : memref<!tpu.dma_semaphore, #tpu.memory_space<semaphore_mem>>
      %dma_start3A_305 = arith.constant 0 : i32
      %dma_start3A_306 = tpu.memref_slice %arg31[%add3A_48, %dma_start3A_305] : memref<10240x16xf32, #tpu.memory_space<vmem_shared>> -> memref<80x16xf32, #tpu.memory_space<vmem_shared>>
      %dma_start3A_307 = arith.constant 0 : i32
      %dma_start3A_308 = tpu.memref_slice %arg31[%add3A_48, %dma_start3A_307] : memref<10240x16xf32, #tpu.memory_space<vmem_shared>> -> memref<80x16xf32, #tpu.memory_space<vmem_shared>>
      tpu.enqueue_dma source(%arg29 : memref<80x16xf32, #tpu.memory_space<vmem>>) target(%dma_start3A_308 : memref<80x16xf32, #tpu.memory_space<vmem_shared>>) target_semaphore(%run_scoped3A : memref<!tpu.dma_semaphore, #tpu.memory_space<semaphore_mem>>)
      %dma_wait3A_309 = arith.constant 0 : i32
      %dma_wait3A_310 = tpu.memref_slice %arg31[%add3A_48, %dma_wait3A_309] : memref<10240x16xf32, #tpu.memory_space<vmem_shared>> -> memref<80x16xf32, #tpu.memory_space<vmem_shared>>
      %dma_wait3A_311 = arith.constant 0 : i32
      %dma_wait3A_312 = tpu.memref_slice %arg31[%add3A_48, %dma_wait3A_311] : memref<10240x16xf32, #tpu.memory_space<vmem_shared>> -> memref<80x16xf32, #tpu.memory_space<vmem_shared>>
      tpu.wait_dma2 semaphore(%run_scoped3A : memref<!tpu.dma_semaphore, #tpu.memory_space<semaphore_mem>>) src(%arg29 : memref<80x16xf32, #tpu.memory_space<vmem>>) dst(%dma_wait3A_312 : memref<80x16xf32, #tpu.memory_space<vmem_shared>>)
      tpu.yield
    }) : () -> ()
    "tpu.region"() ({
      %run_scoped3A = tpu.sem_alloc : memref<!tpu.dma_semaphore, #tpu.memory_space<semaphore_mem>>
      %dma_start3A_305 = arith.constant 0 : i32
      %dma_start3A_306 = arith.constant 0 : i32
      %dma_start3A_307 = tpu.memref_slice %arg3[%add3A, %dma_start3A_305, %dma_start3A_306] : memref<32x125x80xi32, #tpu.memory_space<hbm>> -> memref<1x125x80xi32, #tpu.memory_space<hbm>>
      %dma_start3A_308 = tpu.memref_squeeze %dma_start3A_307 : memref<1x125x80xi32, #tpu.memory_space<hbm>> -> memref<125x80xi32, #tpu.memory_space<hbm>>
      %dma_start3A_309 = arith.constant 0 : i32
      %dma_start3A_310 = arith.constant 0 : i32
      %dma_start3A_311 = tpu.memref_slice %arg3[%add3A, %dma_start3A_309, %dma_start3A_310] : memref<32x125x80xi32, #tpu.memory_space<hbm>> -> memref<1x125x80xi32, #tpu.memory_space<hbm>>
      %dma_start3A_312 = tpu.memref_squeeze %dma_start3A_311 : memref<1x125x80xi32, #tpu.memory_space<hbm>> -> memref<125x80xi32, #tpu.memory_space<hbm>>
      tpu.enqueue_dma source(%dma_start3A_312 : memref<125x80xi32, #tpu.memory_space<hbm>>) target(%arg7 : memref<125x80xi32, #tpu.memory_space<vmem>>) target_semaphore(%run_scoped3A : memref<!tpu.dma_semaphore, #tpu.memory_space<semaphore_mem>>)
      %dma_wait3A_313 = arith.constant 0 : i32
      %dma_wait3A_314 = arith.constant 0 : i32
      %dma_wait3A_315 = tpu.memref_slice %arg3[%add3A, %dma_wait3A_313, %dma_wait3A_314] : memref<32x125x80xi32, #tpu.memory_space<hbm>> -> memref<1x125x80xi32, #tpu.memory_space<hbm>>
      %dma_wait3A_316 = tpu.memref_squeeze %dma_wait3A_315 : memref<1x125x80xi32, #tpu.memory_space<hbm>> -> memref<125x80xi32, #tpu.memory_space<hbm>>
      %dma_wait3A_317 = arith.constant 0 : i32
      %dma_wait3A_318 = arith.constant 0 : i32
      %dma_wait3A_319 = tpu.memref_slice %arg3[%add3A, %dma_wait3A_317, %dma_wait3A_318] : memref<32x125x80xi32, #tpu.memory_space<hbm>> -> memref<1x125x80xi32, #tpu.memory_space<hbm>>
      %dma_wait3A_320 = tpu.memref_squeeze %dma_wait3A_319 : memref<1x125x80xi32, #tpu.memory_space<hbm>> -> memref<125x80xi32, #tpu.memory_space<hbm>>
      tpu.wait_dma2 semaphore(%run_scoped3A : memref<!tpu.dma_semaphore, #tpu.memory_space<semaphore_mem>>) src(%dma_wait3A_320 : memref<125x80xi32, #tpu.memory_space<hbm>>) dst(%arg7 : memref<125x80xi32, #tpu.memory_space<vmem>>)
      tpu.yield
    }) : () -> ()
    "tpu.region"() ({
      %run_scoped3A = tpu.sem_alloc : memref<!tpu.dma_semaphore, #tpu.memory_space<semaphore_mem>>
      %dma_start3A_305 = arith.constant 0 : i32
      %dma_start3A_306 = arith.constant 0 : i32
      %dma_start3A_307 = tpu.memref_slice %arg4[%add3A, %dma_start3A_305, %dma_start3A_306] : memref<32x125x80xi32, #tpu.memory_space<hbm>> -> memref<1x125x80xi32, #tpu.memory_space<hbm>>
      %dma_start3A_308 = tpu.memref_squeeze %dma_start3A_307 : memref<1x125x80xi32, #tpu.memory_space<hbm>> -> memref<125x80xi32, #tpu.memory_space<hbm>>
      %dma_start3A_309 = arith.constant 0 : i32
      %dma_start3A_310 = arith.constant 0 : i32
      %dma_start3A_311 = tpu.memref_slice %arg4[%add3A, %dma_start3A_309, %dma_start3A_310] : memref<32x125x80xi32, #tpu.memory_space<hbm>> -> memref<1x125x80xi32, #tpu.memory_space<hbm>>
      %dma_start3A_312 = tpu.memref_squeeze %dma_start3A_311 : memref<1x125x80xi32, #tpu.memory_space<hbm>> -> memref<125x80xi32, #tpu.memory_space<hbm>>
      tpu.enqueue_dma source(%dma_start3A_312 : memref<125x80xi32, #tpu.memory_space<hbm>>) target(%arg8 : memref<125x80xi32, #tpu.memory_space<vmem>>) target_semaphore(%run_scoped3A : memref<!tpu.dma_semaphore, #tpu.memory_space<semaphore_mem>>)
      %dma_wait3A_313 = arith.constant 0 : i32
      %dma_wait3A_314 = arith.constant 0 : i32
      %dma_wait3A_315 = tpu.memref_slice %arg4[%add3A, %dma_wait3A_313, %dma_wait3A_314] : memref<32x125x80xi32, #tpu.memory_space<hbm>> -> memref<1x125x80xi32, #tpu.memory_space<hbm>>
      %dma_wait3A_316 = tpu.memref_squeeze %dma_wait3A_315 : memref<1x125x80xi32, #tpu.memory_space<hbm>> -> memref<125x80xi32, #tpu.memory_space<hbm>>
      %dma_wait3A_317 = arith.constant 0 : i32
      %dma_wait3A_318 = arith.constant 0 : i32
      %dma_wait3A_319 = tpu.memref_slice %arg4[%add3A, %dma_wait3A_317, %dma_wait3A_318] : memref<32x125x80xi32, #tpu.memory_space<hbm>> -> memref<1x125x80xi32, #tpu.memory_space<hbm>>
      %dma_wait3A_320 = tpu.memref_squeeze %dma_wait3A_319 : memref<1x125x80xi32, #tpu.memory_space<hbm>> -> memref<125x80xi32, #tpu.memory_space<hbm>>
      tpu.wait_dma2 semaphore(%run_scoped3A : memref<!tpu.dma_semaphore, #tpu.memory_space<semaphore_mem>>) src(%dma_wait3A_320 : memref<125x80xi32, #tpu.memory_space<hbm>>) dst(%arg8 : memref<125x80xi32, #tpu.memory_space<vmem>>)
      tpu.yield
    }) : () -> ()
    %barrier3A = arith.constant 0 : index
    tpu.barrier barrier_id(%barrier3A)
    %dma_start3A = arith.constant 0 : i32
    %dma_start3A_49 = arith.constant 0 : i32
    %dma_start3A_50 = tpu.memref_slice %arg7[%dma_start3A, %dma_start3A_49] : memref<125x80xi32, #tpu.memory_space<vmem>> -> memref<1x80xi32, #tpu.memory_space<vmem>>
    %dma_start3A_51 = tpu.memref_squeeze %dma_start3A_50 : memref<1x80xi32, #tpu.memory_space<vmem>> -> memref<80xi32, #tpu.memory_space<vmem>>
    %dma_start3A_52 = arith.constant 0 : i32
    %dma_start3A_53 = arith.constant 0 : i32
    %dma_start3A_54 = tpu.memref_slice %arg2[%dma_start3A_52, %dma_start3A_53] : memref<10000x64xf32, #tpu.memory_space<hbm>> -> memref<10000x64xf32, #tpu.memory_space<hbm>>
    tpu.enqueue_indirect_dma source(%dma_start3A_54 : memref<10000x64xf32, #tpu.memory_space<hbm>>) target(%arg9 : memref<80x64xf32, #tpu.memory_space<vmem>>) offsets(%dma_start3A_51 : memref<80xi32, #tpu.memory_space<vmem>>) semaphore(%arg17 : memref<!tpu.dma_semaphore, #tpu.memory_space<semaphore_mem>>)
    %dma_start3A_55 = arith.constant 1 : i32
    %dma_start3A_56 = arith.constant 0 : i32
    %dma_start3A_57 = tpu.memref_slice %arg7[%dma_start3A_55, %dma_start3A_56] : memref<125x80xi32, #tpu.memory_space<vmem>> -> memref<1x80xi32, #tpu.memory_space<vmem>>
    %dma_start3A_58 = tpu.memref_squeeze %dma_start3A_57 : memref<1x80xi32, #tpu.memory_space<vmem>> -> memref<80xi32, #tpu.memory_space<vmem>>
    %dma_start3A_59 = arith.constant 0 : i32
    %dma_start3A_60 = arith.constant 0 : i32
    %dma_start3A_61 = tpu.memref_slice %arg2[%dma_start3A_59, %dma_start3A_60] : memref<10000x64xf32, #tpu.memory_space<hbm>> -> memref<10000x64xf32, #tpu.memory_space<hbm>>
    tpu.enqueue_indirect_dma source(%dma_start3A_61 : memref<10000x64xf32, #tpu.memory_space<hbm>>) target(%arg10 : memref<80x64xf32, #tpu.memory_space<vmem>>) offsets(%dma_start3A_58 : memref<80xi32, #tpu.memory_space<vmem>>) semaphore(%arg18 : memref<!tpu.dma_semaphore, #tpu.memory_space<semaphore_mem>>)
    %scan3A_62 = arith.constant 0 : i32
    %scan3A_63 = arith.constant 0 : i32
    %scan3A_64 = arith.constant 20 : i32
    %scan3A_65 = arith.addi %scan3A_63, %scan3A_64 : i32
    %scan3A_66 = arith.constant 1 : i32
    scf.for %scan3A_305 = %scan3A_63 to %scan3A_65 step %scan3A_66  : i32 {
      %mul3A_306 = arith.constant 6 : i32
      %mul3A_307 = arith.muli %mul3A_306, %scan3A_305 : i32
      %add3A_308 = arith.constant 0 : i32
      %add3A_309 = arith.addi %mul3A_307, %add3A_308 : i32
      %dma_wait3A_310 = arith.constant 0 : i32
      %dma_wait3A_311 = tpu.memref_slice %arg7[%add3A_309, %dma_wait3A_310] : memref<125x80xi32, #tpu.memory_space<vmem>> -> memref<1x80xi32, #tpu.memory_space<vmem>>
      %dma_wait3A_312 = tpu.memref_squeeze %dma_wait3A_311 : memref<1x80xi32, #tpu.memory_space<vmem>> -> memref<80xi32, #tpu.memory_space<vmem>>
      %dma_wait3A_313 = arith.constant 0 : i32
      %dma_wait3A_314 = arith.constant 0 : i32
      %dma_wait3A_315 = tpu.memref_slice %arg2[%dma_wait3A_313, %dma_wait3A_314] : memref<10000x64xf32, #tpu.memory_space<hbm>> -> memref<10000x64xf32, #tpu.memory_space<hbm>>
      tpu.wait_indirect_dma semaphore(%arg17 : memref<!tpu.dma_semaphore, #tpu.memory_space<semaphore_mem>>) src(%dma_wait3A_315 : memref<10000x64xf32, #tpu.memory_space<hbm>>) dst(%arg9 : memref<80x64xf32, #tpu.memory_space<vmem>>)
      %dma_start3A_316 = arith.constant 0 : i32
      %dma_start3A_317 = tpu.memref_slice %arg8[%add3A_309, %dma_start3A_316] : memref<125x80xi32, #tpu.memory_space<vmem>> -> memref<1x80xi32, #tpu.memory_space<vmem>>
      %dma_start3A_318 = tpu.memref_squeeze %dma_start3A_317 : memref<1x80xi32, #tpu.memory_space<vmem>> -> memref<80xi32, #tpu.memory_space<vmem>>
      %dma_start3A_319 = arith.constant 0 : i32
      %dma_start3A_320 = arith.constant 0 : i32
      %dma_start3A_321 = tpu.memref_slice %arg16[%dma_start3A_319, %dma_start3A_320] : memref<10240x64xf32, #tpu.memory_space<vmem_shared>> -> memref<10240x64xf32, #tpu.memory_space<vmem_shared>>
      tpu.enqueue_indirect_dma source(%arg9 : memref<80x64xf32, #tpu.memory_space<vmem>>) target(%dma_start3A_321 : memref<10240x64xf32, #tpu.memory_space<vmem_shared>>) offsets(%dma_start3A_318 : memref<80xi32, #tpu.memory_space<vmem>>) semaphore(%arg23 : memref<!tpu.dma_semaphore, #tpu.memory_space<semaphore_mem>>) {add = true}
      %ge3A = arith.constant 1 : i32
      %ge3A_322 = arith.cmpi sge, %add3A_309, %ge3A : i32
      %convert_element_type3A_323 = arith.extui %ge3A_322 : i1 to i32
      %cond3A_324 = arith.constant 0 : i32
      %cond3A_325 = arith.cmpi ne, %convert_element_type3A_323, %cond3A_324 : i32
      scf.if %cond3A_325 {
        %sub3A = arith.constant 1 : i32
        %sub3A_568 = arith.subi %add3A_309, %sub3A : i32
        %dma_wait3A_569 = arith.constant 0 : i32
        %dma_wait3A_570 = tpu.memref_slice %arg8[%sub3A_568, %dma_wait3A_569] : memref<125x80xi32, #tpu.memory_space<vmem>> -> memref<1x80xi32, #tpu.memory_space<vmem>>
        %dma_wait3A_571 = tpu.memref_squeeze %dma_wait3A_570 : memref<1x80xi32, #tpu.memory_space<vmem>> -> memref<80xi32, #tpu.memory_space<vmem>>
        %dma_wait3A_572 = arith.constant 0 : i32
        %dma_wait3A_573 = arith.constant 0 : i32
        %dma_wait3A_574 = tpu.memref_slice %arg31[%dma_wait3A_572, %dma_wait3A_573] : memref<10240x16xf32, #tpu.memory_space<vmem_shared>> -> memref<10240x16xf32, #tpu.memory_space<vmem_shared>>
        tpu.wait_indirect_dma semaphore(%arg32 : memref<!tpu.dma_semaphore, #tpu.memory_space<semaphore_mem>>) src(%arg30 : memref<80x16xf32, #tpu.memory_space<vmem>>) dst(%dma_wait3A_574 : memref<10240x16xf32, #tpu.memory_space<vmem_shared>>)
      } else {
      }
      %dma_start3A_326 = arith.constant 0 : i32
      %dma_start3A_327 = tpu.memref_slice %arg8[%add3A_309, %dma_start3A_326] : memref<125x80xi32, #tpu.memory_space<vmem>> -> memref<1x80xi32, #tpu.memory_space<vmem>>
      %dma_start3A_328 = tpu.memref_squeeze %dma_start3A_327 : memref<1x80xi32, #tpu.memory_space<vmem>> -> memref<80xi32, #tpu.memory_space<vmem>>
      %dma_start3A_329 = arith.constant 0 : i32
      %dma_start3A_330 = arith.constant 0 : i32
      %dma_start3A_331 = tpu.memref_slice %arg31[%dma_start3A_329, %dma_start3A_330] : memref<10240x16xf32, #tpu.memory_space<vmem_shared>> -> memref<10240x16xf32, #tpu.memory_space<vmem_shared>>
      tpu.enqueue_indirect_dma source(%arg30 : memref<80x16xf32, #tpu.memory_space<vmem>>) target(%dma_start3A_331 : memref<10240x16xf32, #tpu.memory_space<vmem_shared>>) offsets(%dma_start3A_328 : memref<80xi32, #tpu.memory_space<vmem>>) semaphore(%arg32 : memref<!tpu.dma_semaphore, #tpu.memory_space<semaphore_mem>>) {add = true}
      %ge3A_332 = arith.constant 4 : i32
      %ge3A_333 = arith.cmpi sge, %add3A_309, %ge3A_332 : i32
      %add3A_334 = arith.constant 2 : i32
      %add3A_335 = arith.addi %add3A_309, %add3A_334 : i32
      %lt3A = arith.constant 125 : i32
      %lt3A_336 = arith.cmpi slt, %add3A_335, %lt3A : i32
      %and3A_337 = arith.andi %ge3A_333, %lt3A_336 : i1
      %convert_element_type3A_338 = arith.extui %and3A_337 : i1 to i32
      %cond3A_339 = arith.constant 0 : i32
      %cond3A_340 = arith.cmpi ne, %convert_element_type3A_338, %cond3A_339 : i32
      scf.if %cond3A_340 {
        %sub3A = arith.constant 4 : i32
        %sub3A_568 = arith.subi %add3A_309, %sub3A : i32
        %dma_wait3A_569 = arith.constant 0 : i32
        %dma_wait3A_570 = tpu.memref_slice %arg8[%sub3A_568, %dma_wait3A_569] : memref<125x80xi32, #tpu.memory_space<vmem>> -> memref<1x80xi32, #tpu.memory_space<vmem>>
        %dma_wait3A_571 = tpu.memref_squeeze %dma_wait3A_570 : memref<1x80xi32, #tpu.memory_space<vmem>> -> memref<80xi32, #tpu.memory_space<vmem>>
        %dma_wait3A_572 = arith.constant 0 : i32
        %dma_wait3A_573 = arith.constant 0 : i32
        %dma_wait3A_574 = tpu.memref_slice %arg16[%dma_wait3A_572, %dma_wait3A_573] : memref<10240x64xf32, #tpu.memory_space<vmem_shared>> -> memref<10240x64xf32, #tpu.memory_space<vmem_shared>>
        tpu.wait_indirect_dma semaphore(%arg25 : memref<!tpu.dma_semaphore, #tpu.memory_space<semaphore_mem>>) src(%arg11 : memref<80x64xf32, #tpu.memory_space<vmem>>) dst(%dma_wait3A_574 : memref<10240x64xf32, #tpu.memory_space<vmem_shared>>)
      } else {
      }
      %add3A_341 = arith.constant 2 : i32
      %add3A_342 = arith.addi %add3A_309, %add3A_341 : i32
      %lt3A_343 = arith.constant 125 : i32
      %lt3A_344 = arith.cmpi slt, %add3A_342, %lt3A_343 : i32
      %convert_element_type3A_345 = arith.extui %lt3A_344 : i1 to i32
      %cond3A_346 = arith.constant 0 : i32
      %cond3A_347 = arith.cmpi ne, %convert_element_type3A_345, %cond3A_346 : i32
      scf.if %cond3A_347 {
        %add3A_568 = arith.constant 2 : i32
        %add3A_569 = arith.addi %add3A_309, %add3A_568 : i32
        %dma_start3A_570 = arith.constant 0 : i32
        %dma_start3A_571 = tpu.memref_slice %arg7[%add3A_569, %dma_start3A_570] : memref<125x80xi32, #tpu.memory_space<vmem>> -> memref<1x80xi32, #tpu.memory_space<vmem>>
        %dma_start3A_572 = tpu.memref_squeeze %dma_start3A_571 : memref<1x80xi32, #tpu.memory_space<vmem>> -> memref<80xi32, #tpu.memory_space<vmem>>
        %dma_start3A_573 = arith.constant 0 : i32
        %dma_start3A_574 = arith.constant 0 : i32
        %dma_start3A_575 = tpu.memref_slice %arg2[%dma_start3A_573, %dma_start3A_574] : memref<10000x64xf32, #tpu.memory_space<hbm>> -> memref<10000x64xf32, #tpu.memory_space<hbm>>
        tpu.enqueue_indirect_dma source(%dma_start3A_575 : memref<10000x64xf32, #tpu.memory_space<hbm>>) target(%arg11 : memref<80x64xf32, #tpu.memory_space<vmem>>) offsets(%dma_start3A_572 : memref<80xi32, #tpu.memory_space<vmem>>) semaphore(%arg19 : memref<!tpu.dma_semaphore, #tpu.memory_space<semaphore_mem>>)
      } else {
      }
      %mul3A_348 = arith.constant 6 : i32
      %mul3A_349 = arith.muli %mul3A_348, %scan3A_305 : i32
      %add3A_350 = arith.constant 1 : i32
      %add3A_351 = arith.addi %mul3A_349, %add3A_350 : i32
      %dma_wait3A_352 = arith.constant 0 : i32
      %dma_wait3A_353 = tpu.memref_slice %arg7[%add3A_351, %dma_wait3A_352] : memref<125x80xi32, #tpu.memory_space<vmem>> -> memref<1x80xi32, #tpu.memory_space<vmem>>
      %dma_wait3A_354 = tpu.memref_squeeze %dma_wait3A_353 : memref<1x80xi32, #tpu.memory_space<vmem>> -> memref<80xi32, #tpu.memory_space<vmem>>
      %dma_wait3A_355 = arith.constant 0 : i32
      %dma_wait3A_356 = arith.constant 0 : i32
      %dma_wait3A_357 = tpu.memref_slice %arg2[%dma_wait3A_355, %dma_wait3A_356] : memref<10000x64xf32, #tpu.memory_space<hbm>> -> memref<10000x64xf32, #tpu.memory_space<hbm>>
      tpu.wait_indirect_dma semaphore(%arg18 : memref<!tpu.dma_semaphore, #tpu.memory_space<semaphore_mem>>) src(%dma_wait3A_357 : memref<10000x64xf32, #tpu.memory_space<hbm>>) dst(%arg10 : memref<80x64xf32, #tpu.memory_space<vmem>>)
      %dma_start3A_358 = arith.constant 0 : i32
      %dma_start3A_359 = tpu.memref_slice %arg8[%add3A_351, %dma_start3A_358] : memref<125x80xi32, #tpu.memory_space<vmem>> -> memref<1x80xi32, #tpu.memory_space<vmem>>
      %dma_start3A_360 = tpu.memref_squeeze %dma_start3A_359 : memref<1x80xi32, #tpu.memory_space<vmem>> -> memref<80xi32, #tpu.memory_space<vmem>>
      %dma_start3A_361 = arith.constant 0 : i32
      %dma_start3A_362 = arith.constant 0 : i32
      %dma_start3A_363 = tpu.memref_slice %arg16[%dma_start3A_361, %dma_start3A_362] : memref<10240x64xf32, #tpu.memory_space<vmem_shared>> -> memref<10240x64xf32, #tpu.memory_space<vmem_shared>>
      tpu.enqueue_indirect_dma source(%arg10 : memref<80x64xf32, #tpu.memory_space<vmem>>) target(%dma_start3A_363 : memref<10240x64xf32, #tpu.memory_space<vmem_shared>>) offsets(%dma_start3A_360 : memref<80xi32, #tpu.memory_space<vmem>>) semaphore(%arg24 : memref<!tpu.dma_semaphore, #tpu.memory_space<semaphore_mem>>) {add = true}
      %ge3A_364 = arith.constant 1 : i32
      %ge3A_365 = arith.cmpi sge, %add3A_351, %ge3A_364 : i32
      %convert_element_type3A_366 = arith.extui %ge3A_365 : i1 to i32
      %cond3A_367 = arith.constant 0 : i32
      %cond3A_368 = arith.cmpi ne, %convert_element_type3A_366, %cond3A_367 : i32
      scf.if %cond3A_368 {
        %sub3A = arith.constant 1 : i32
        %sub3A_568 = arith.subi %add3A_351, %sub3A : i32
        %dma_wait3A_569 = arith.constant 0 : i32
        %dma_wait3A_570 = tpu.memref_slice %arg8[%sub3A_568, %dma_wait3A_569] : memref<125x80xi32, #tpu.memory_space<vmem>> -> memref<1x80xi32, #tpu.memory_space<vmem>>
        %dma_wait3A_571 = tpu.memref_squeeze %dma_wait3A_570 : memref<1x80xi32, #tpu.memory_space<vmem>> -> memref<80xi32, #tpu.memory_space<vmem>>
        %dma_wait3A_572 = arith.constant 0 : i32
        %dma_wait3A_573 = arith.constant 0 : i32
        %dma_wait3A_574 = tpu.memref_slice %arg31[%dma_wait3A_572, %dma_wait3A_573] : memref<10240x16xf32, #tpu.memory_space<vmem_shared>> -> memref<10240x16xf32, #tpu.memory_space<vmem_shared>>
        tpu.wait_indirect_dma semaphore(%arg32 : memref<!tpu.dma_semaphore, #tpu.memory_space<semaphore_mem>>) src(%arg30 : memref<80x16xf32, #tpu.memory_space<vmem>>) dst(%dma_wait3A_574 : memref<10240x16xf32, #tpu.memory_space<vmem_shared>>)
      } else {
      }
      %dma_start3A_369 = arith.constant 0 : i32
      %dma_start3A_370 = tpu.memref_slice %arg8[%add3A_351, %dma_start3A_369] : memref<125x80xi32, #tpu.memory_space<vmem>> -> memref<1x80xi32, #tpu.memory_space<vmem>>
      %dma_start3A_371 = tpu.memref_squeeze %dma_start3A_370 : memref<1x80xi32, #tpu.memory_space<vmem>> -> memref<80xi32, #tpu.memory_space<vmem>>
      %dma_start3A_372 = arith.constant 0 : i32
      %dma_start3A_373 = arith.constant 0 : i32
      %dma_start3A_374 = tpu.memref_slice %arg31[%dma_start3A_372, %dma_start3A_373] : memref<10240x16xf32, #tpu.memory_space<vmem_shared>> -> memref<10240x16xf32, #tpu.memory_space<vmem_shared>>
      tpu.enqueue_indirect_dma source(%arg30 : memref<80x16xf32, #tpu.memory_space<vmem>>) target(%dma_start3A_374 : memref<10240x16xf32, #tpu.memory_space<vmem_shared>>) offsets(%dma_start3A_371 : memref<80xi32, #tpu.memory_space<vmem>>) semaphore(%arg32 : memref<!tpu.dma_semaphore, #tpu.memory_space<semaphore_mem>>) {add = true}
      %ge3A_375 = arith.constant 4 : i32
      %ge3A_376 = arith.cmpi sge, %add3A_351, %ge3A_375 : i32
      %add3A_377 = arith.constant 2 : i32
      %add3A_378 = arith.addi %add3A_351, %add3A_377 : i32
      %lt3A_379 = arith.constant 125 : i32
      %lt3A_380 = arith.cmpi slt, %add3A_378, %lt3A_379 : i32
      %and3A_381 = arith.andi %ge3A_376, %lt3A_380 : i1
      %convert_element_type3A_382 = arith.extui %and3A_381 : i1 to i32
      %cond3A_383 = arith.constant 0 : i32
      %cond3A_384 = arith.cmpi ne, %convert_element_type3A_382, %cond3A_383 : i32
      scf.if %cond3A_384 {
        %sub3A = arith.constant 4 : i32
        %sub3A_568 = arith.subi %add3A_351, %sub3A : i32
        %dma_wait3A_569 = arith.constant 0 : i32
        %dma_wait3A_570 = tpu.memref_slice %arg8[%sub3A_568, %dma_wait3A_569] : memref<125x80xi32, #tpu.memory_space<vmem>> -> memref<1x80xi32, #tpu.memory_space<vmem>>
        %dma_wait3A_571 = tpu.memref_squeeze %dma_wait3A_570 : memref<1x80xi32, #tpu.memory_space<vmem>> -> memref<80xi32, #tpu.memory_space<vmem>>
        %dma_wait3A_572 = arith.constant 0 : i32
        %dma_wait3A_573 = arith.constant 0 : i32
        %dma_wait3A_574 = tpu.memref_slice %arg16[%dma_wait3A_572, %dma_wait3A_573] : memref<10240x64xf32, #tpu.memory_space<vmem_shared>> -> memref<10240x64xf32, #tpu.memory_space<vmem_shared>>
        tpu.wait_indirect_dma semaphore(%arg26 : memref<!tpu.dma_semaphore, #tpu.memory_space<semaphore_mem>>) src(%arg12 : memref<80x64xf32, #tpu.memory_space<vmem>>) dst(%dma_wait3A_574 : memref<10240x64xf32, #tpu.memory_space<vmem_shared>>)
      } else {
      }
      %add3A_385 = arith.constant 2 : i32
      %add3A_386 = arith.addi %add3A_351, %add3A_385 : i32
      %lt3A_387 = arith.constant 125 : i32
      %lt3A_388 = arith.cmpi slt, %add3A_386, %lt3A_387 : i32
      %convert_element_type3A_389 = arith.extui %lt3A_388 : i1 to i32
      %cond3A_390 = arith.constant 0 : i32
      %cond3A_391 = arith.cmpi ne, %convert_element_type3A_389, %cond3A_390 : i32
      scf.if %cond3A_391 {
        %add3A_568 = arith.constant 2 : i32
        %add3A_569 = arith.addi %add3A_351, %add3A_568 : i32
        %dma_start3A_570 = arith.constant 0 : i32
        %dma_start3A_571 = tpu.memref_slice %arg7[%add3A_569, %dma_start3A_570] : memref<125x80xi32, #tpu.memory_space<vmem>> -> memref<1x80xi32, #tpu.memory_space<vmem>>
        %dma_start3A_572 = tpu.memref_squeeze %dma_start3A_571 : memref<1x80xi32, #tpu.memory_space<vmem>> -> memref<80xi32, #tpu.memory_space<vmem>>
        %dma_start3A_573 = arith.constant 0 : i32
        %dma_start3A_574 = arith.constant 0 : i32
        %dma_start3A_575 = tpu.memref_slice %arg2[%dma_start3A_573, %dma_start3A_574] : memref<10000x64xf32, #tpu.memory_space<hbm>> -> memref<10000x64xf32, #tpu.memory_space<hbm>>
        tpu.enqueue_indirect_dma source(%dma_start3A_575 : memref<10000x64xf32, #tpu.memory_space<hbm>>) target(%arg12 : memref<80x64xf32, #tpu.memory_space<vmem>>) offsets(%dma_start3A_572 : memref<80xi32, #tpu.memory_space<vmem>>) semaphore(%arg20 : memref<!tpu.dma_semaphore, #tpu.memory_space<semaphore_mem>>)
      } else {
      }
      %mul3A_392 = arith.constant 6 : i32
      %mul3A_393 = arith.muli %mul3A_392, %scan3A_305 : i32
      %add3A_394 = arith.constant 2 : i32
      %add3A_395 = arith.addi %mul3A_393, %add3A_394 : i32
      %dma_wait3A_396 = arith.constant 0 : i32
      %dma_wait3A_397 = tpu.memref_slice %arg7[%add3A_395, %dma_wait3A_396] : memref<125x80xi32, #tpu.memory_space<vmem>> -> memref<1x80xi32, #tpu.memory_space<vmem>>
      %dma_wait3A_398 = tpu.memref_squeeze %dma_wait3A_397 : memref<1x80xi32, #tpu.memory_space<vmem>> -> memref<80xi32, #tpu.memory_space<vmem>>
      %dma_wait3A_399 = arith.constant 0 : i32
      %dma_wait3A_400 = arith.constant 0 : i32
      %dma_wait3A_401 = tpu.memref_slice %arg2[%dma_wait3A_399, %dma_wait3A_400] : memref<10000x64xf32, #tpu.memory_space<hbm>> -> memref<10000x64xf32, #tpu.memory_space<hbm>>
      tpu.wait_indirect_dma semaphore(%arg19 : memref<!tpu.dma_semaphore, #tpu.memory_space<semaphore_mem>>) src(%dma_wait3A_401 : memref<10000x64xf32, #tpu.memory_space<hbm>>) dst(%arg11 : memref<80x64xf32, #tpu.memory_space<vmem>>)
      %dma_start3A_402 = arith.constant 0 : i32
      %dma_start3A_403 = tpu.memref_slice %arg8[%add3A_395, %dma_start3A_402] : memref<125x80xi32, #tpu.memory_space<vmem>> -> memref<1x80xi32, #tpu.memory_space<vmem>>
      %dma_start3A_404 = tpu.memref_squeeze %dma_start3A_403 : memref<1x80xi32, #tpu.memory_space<vmem>> -> memref<80xi32, #tpu.memory_space<vmem>>
      %dma_start3A_405 = arith.constant 0 : i32
      %dma_start3A_406 = arith.constant 0 : i32
      %dma_start3A_407 = tpu.memref_slice %arg16[%dma_start3A_405, %dma_start3A_406] : memref<10240x64xf32, #tpu.memory_space<vmem_shared>> -> memref<10240x64xf32, #tpu.memory_space<vmem_shared>>
      tpu.enqueue_indirect_dma source(%arg11 : memref<80x64xf32, #tpu.memory_space<vmem>>) target(%dma_start3A_407 : memref<10240x64xf32, #tpu.memory_space<vmem_shared>>) offsets(%dma_start3A_404 : memref<80xi32, #tpu.memory_space<vmem>>) semaphore(%arg25 : memref<!tpu.dma_semaphore, #tpu.memory_space<semaphore_mem>>) {add = true}
      %ge3A_408 = arith.constant 1 : i32
      %ge3A_409 = arith.cmpi sge, %add3A_395, %ge3A_408 : i32
      %convert_element_type3A_410 = arith.extui %ge3A_409 : i1 to i32
      %cond3A_411 = arith.constant 0 : i32
      %cond3A_412 = arith.cmpi ne, %convert_element_type3A_410, %cond3A_411 : i32
      scf.if %cond3A_412 {
        %sub3A = arith.constant 1 : i32
        %sub3A_568 = arith.subi %add3A_395, %sub3A : i32
        %dma_wait3A_569 = arith.constant 0 : i32
        %dma_wait3A_570 = tpu.memref_slice %arg8[%sub3A_568, %dma_wait3A_569] : memref<125x80xi32, #tpu.memory_space<vmem>> -> memref<1x80xi32, #tpu.memory_space<vmem>>
        %dma_wait3A_571 = tpu.memref_squeeze %dma_wait3A_570 : memref<1x80xi32, #tpu.memory_space<vmem>> -> memref<80xi32, #tpu.memory_space<vmem>>
        %dma_wait3A_572 = arith.constant 0 : i32
        %dma_wait3A_573 = arith.constant 0 : i32
        %dma_wait3A_574 = tpu.memref_slice %arg31[%dma_wait3A_572, %dma_wait3A_573] : memref<10240x16xf32, #tpu.memory_space<vmem_shared>> -> memref<10240x16xf32, #tpu.memory_space<vmem_shared>>
        tpu.wait_indirect_dma semaphore(%arg32 : memref<!tpu.dma_semaphore, #tpu.memory_space<semaphore_mem>>) src(%arg30 : memref<80x16xf32, #tpu.memory_space<vmem>>) dst(%dma_wait3A_574 : memref<10240x16xf32, #tpu.memory_space<vmem_shared>>)
      } else {
      }
      %dma_start3A_413 = arith.constant 0 : i32
      %dma_start3A_414 = tpu.memref_slice %arg8[%add3A_395, %dma_start3A_413] : memref<125x80xi32, #tpu.memory_space<vmem>> -> memref<1x80xi32, #tpu.memory_space<vmem>>
      %dma_start3A_415 = tpu.memref_squeeze %dma_start3A_414 : memref<1x80xi32, #tpu.memory_space<vmem>> -> memref<80xi32, #tpu.memory_space<vmem>>
      %dma_start3A_416 = arith.constant 0 : i32
      %dma_start3A_417 = arith.constant 0 : i32
      %dma_start3A_418 = tpu.memref_slice %arg31[%dma_start3A_416, %dma_start3A_417] : memref<10240x16xf32, #tpu.memory_space<vmem_shared>> -> memref<10240x16xf32, #tpu.memory_space<vmem_shared>>
      tpu.enqueue_indirect_dma source(%arg30 : memref<80x16xf32, #tpu.memory_space<vmem>>) target(%dma_start3A_418 : memref<10240x16xf32, #tpu.memory_space<vmem_shared>>) offsets(%dma_start3A_415 : memref<80xi32, #tpu.memory_space<vmem>>) semaphore(%arg32 : memref<!tpu.dma_semaphore, #tpu.memory_space<semaphore_mem>>) {add = true}
      %ge3A_419 = arith.constant 4 : i32
      %ge3A_420 = arith.cmpi sge, %add3A_395, %ge3A_419 : i32
      %add3A_421 = arith.constant 2 : i32
      %add3A_422 = arith.addi %add3A_395, %add3A_421 : i32
      %lt3A_423 = arith.constant 125 : i32
      %lt3A_424 = arith.cmpi slt, %add3A_422, %lt3A_423 : i32
      %and3A_425 = arith.andi %ge3A_420, %lt3A_424 : i1
      %convert_element_type3A_426 = arith.extui %and3A_425 : i1 to i32
      %cond3A_427 = arith.constant 0 : i32
      %cond3A_428 = arith.cmpi ne, %convert_element_type3A_426, %cond3A_427 : i32
      scf.if %cond3A_428 {
        %sub3A = arith.constant 4 : i32
        %sub3A_568 = arith.subi %add3A_395, %sub3A : i32
        %dma_wait3A_569 = arith.constant 0 : i32
        %dma_wait3A_570 = tpu.memref_slice %arg8[%sub3A_568, %dma_wait3A_569] : memref<125x80xi32, #tpu.memory_space<vmem>> -> memref<1x80xi32, #tpu.memory_space<vmem>>
        %dma_wait3A_571 = tpu.memref_squeeze %dma_wait3A_570 : memref<1x80xi32, #tpu.memory_space<vmem>> -> memref<80xi32, #tpu.memory_space<vmem>>
        %dma_wait3A_572 = arith.constant 0 : i32
        %dma_wait3A_573 = arith.constant 0 : i32
        %dma_wait3A_574 = tpu.memref_slice %arg16[%dma_wait3A_572, %dma_wait3A_573] : memref<10240x64xf32, #tpu.memory_space<vmem_shared>> -> memref<10240x64xf32, #tpu.memory_space<vmem_shared>>
        tpu.wait_indirect_dma semaphore(%arg27 : memref<!tpu.dma_semaphore, #tpu.memory_space<semaphore_mem>>) src(%arg13 : memref<80x64xf32, #tpu.memory_space<vmem>>) dst(%dma_wait3A_574 : memref<10240x64xf32, #tpu.memory_space<vmem_shared>>)
      } else {
      }
      %add3A_429 = arith.constant 2 : i32
      %add3A_430 = arith.addi %add3A_395, %add3A_429 : i32
      %lt3A_431 = arith.constant 125 : i32
      %lt3A_432 = arith.cmpi slt, %add3A_430, %lt3A_431 : i32
      %convert_element_type3A_433 = arith.extui %lt3A_432 : i1 to i32
      %cond3A_434 = arith.constant 0 : i32
      %cond3A_435 = arith.cmpi ne, %convert_element_type3A_433, %cond3A_434 : i32
      scf.if %cond3A_435 {
        %add3A_568 = arith.constant 2 : i32
        %add3A_569 = arith.addi %add3A_395, %add3A_568 : i32
        %dma_start3A_570 = arith.constant 0 : i32
        %dma_start3A_571 = tpu.memref_slice %arg7[%add3A_569, %dma_start3A_570] : memref<125x80xi32, #tpu.memory_space<vmem>> -> memref<1x80xi32, #tpu.memory_space<vmem>>
        %dma_start3A_572 = tpu.memref_squeeze %dma_start3A_571 : memref<1x80xi32, #tpu.memory_space<vmem>> -> memref<80xi32, #tpu.memory_space<vmem>>
        %dma_start3A_573 = arith.constant 0 : i32
        %dma_start3A_574 = arith.constant 0 : i32
        %dma_start3A_575 = tpu.memref_slice %arg2[%dma_start3A_573, %dma_start3A_574] : memref<10000x64xf32, #tpu.memory_space<hbm>> -> memref<10000x64xf32, #tpu.memory_space<hbm>>
        tpu.enqueue_indirect_dma source(%dma_start3A_575 : memref<10000x64xf32, #tpu.memory_space<hbm>>) target(%arg13 : memref<80x64xf32, #tpu.memory_space<vmem>>) offsets(%dma_start3A_572 : memref<80xi32, #tpu.memory_space<vmem>>) semaphore(%arg21 : memref<!tpu.dma_semaphore, #tpu.memory_space<semaphore_mem>>)
      } else {
      }
      %mul3A_436 = arith.constant 6 : i32
      %mul3A_437 = arith.muli %mul3A_436, %scan3A_305 : i32
      %add3A_438 = arith.constant 3 : i32
      %add3A_439 = arith.addi %mul3A_437, %add3A_438 : i32
      %dma_wait3A_440 = arith.constant 0 : i32
      %dma_wait3A_441 = tpu.memref_slice %arg7[%add3A_439, %dma_wait3A_440] : memref<125x80xi32, #tpu.memory_space<vmem>> -> memref<1x80xi32, #tpu.memory_space<vmem>>
      %dma_wait3A_442 = tpu.memref_squeeze %dma_wait3A_441 : memref<1x80xi32, #tpu.memory_space<vmem>> -> memref<80xi32, #tpu.memory_space<vmem>>
      %dma_wait3A_443 = arith.constant 0 : i32
      %dma_wait3A_444 = arith.constant 0 : i32
      %dma_wait3A_445 = tpu.memref_slice %arg2[%dma_wait3A_443, %dma_wait3A_444] : memref<10000x64xf32, #tpu.memory_space<hbm>> -> memref<10000x64xf32, #tpu.memory_space<hbm>>
      tpu.wait_indirect_dma semaphore(%arg20 : memref<!tpu.dma_semaphore, #tpu.memory_space<semaphore_mem>>) src(%dma_wait3A_445 : memref<10000x64xf32, #tpu.memory_space<hbm>>) dst(%arg12 : memref<80x64xf32, #tpu.memory_space<vmem>>)
      %dma_start3A_446 = arith.constant 0 : i32
      %dma_start3A_447 = tpu.memref_slice %arg8[%add3A_439, %dma_start3A_446] : memref<125x80xi32, #tpu.memory_space<vmem>> -> memref<1x80xi32, #tpu.memory_space<vmem>>
      %dma_start3A_448 = tpu.memref_squeeze %dma_start3A_447 : memref<1x80xi32, #tpu.memory_space<vmem>> -> memref<80xi32, #tpu.memory_space<vmem>>
      %dma_start3A_449 = arith.constant 0 : i32
      %dma_start3A_450 = arith.constant 0 : i32
      %dma_start3A_451 = tpu.memref_slice %arg16[%dma_start3A_449, %dma_start3A_450] : memref<10240x64xf32, #tpu.memory_space<vmem_shared>> -> memref<10240x64xf32, #tpu.memory_space<vmem_shared>>
      tpu.enqueue_indirect_dma source(%arg12 : memref<80x64xf32, #tpu.memory_space<vmem>>) target(%dma_start3A_451 : memref<10240x64xf32, #tpu.memory_space<vmem_shared>>) offsets(%dma_start3A_448 : memref<80xi32, #tpu.memory_space<vmem>>) semaphore(%arg26 : memref<!tpu.dma_semaphore, #tpu.memory_space<semaphore_mem>>) {add = true}
      %ge3A_452 = arith.constant 1 : i32
      %ge3A_453 = arith.cmpi sge, %add3A_439, %ge3A_452 : i32
      %convert_element_type3A_454 = arith.extui %ge3A_453 : i1 to i32
      %cond3A_455 = arith.constant 0 : i32
      %cond3A_456 = arith.cmpi ne, %convert_element_type3A_454, %cond3A_455 : i32
      scf.if %cond3A_456 {
        %sub3A = arith.constant 1 : i32
        %sub3A_568 = arith.subi %add3A_439, %sub3A : i32
        %dma_wait3A_569 = arith.constant 0 : i32
        %dma_wait3A_570 = tpu.memref_slice %arg8[%sub3A_568, %dma_wait3A_569] : memref<125x80xi32, #tpu.memory_space<vmem>> -> memref<1x80xi32, #tpu.memory_space<vmem>>
        %dma_wait3A_571 = tpu.memref_squeeze %dma_wait3A_570 : memref<1x80xi32, #tpu.memory_space<vmem>> -> memref<80xi32, #tpu.memory_space<vmem>>
        %dma_wait3A_572 = arith.constant 0 : i32
        %dma_wait3A_573 = arith.constant 0 : i32
        %dma_wait3A_574 = tpu.memref_slice %arg31[%dma_wait3A_572, %dma_wait3A_573] : memref<10240x16xf32, #tpu.memory_space<vmem_shared>> -> memref<10240x16xf32, #tpu.memory_space<vmem_shared>>
        tpu.wait_indirect_dma semaphore(%arg32 : memref<!tpu.dma_semaphore, #tpu.memory_space<semaphore_mem>>) src(%arg30 : memref<80x16xf32, #tpu.memory_space<vmem>>) dst(%dma_wait3A_574 : memref<10240x16xf32, #tpu.memory_space<vmem_shared>>)
      } else {
      }
      %dma_start3A_457 = arith.constant 0 : i32
      %dma_start3A_458 = tpu.memref_slice %arg8[%add3A_439, %dma_start3A_457] : memref<125x80xi32, #tpu.memory_space<vmem>> -> memref<1x80xi32, #tpu.memory_space<vmem>>
      %dma_start3A_459 = tpu.memref_squeeze %dma_start3A_458 : memref<1x80xi32, #tpu.memory_space<vmem>> -> memref<80xi32, #tpu.memory_space<vmem>>
      %dma_start3A_460 = arith.constant 0 : i32
      %dma_start3A_461 = arith.constant 0 : i32
      %dma_start3A_462 = tpu.memref_slice %arg31[%dma_start3A_460, %dma_start3A_461] : memref<10240x16xf32, #tpu.memory_space<vmem_shared>> -> memref<10240x16xf32, #tpu.memory_space<vmem_shared>>
      tpu.enqueue_indirect_dma source(%arg30 : memref<80x16xf32, #tpu.memory_space<vmem>>) target(%dma_start3A_462 : memref<10240x16xf32, #tpu.memory_space<vmem_shared>>) offsets(%dma_start3A_459 : memref<80xi32, #tpu.memory_space<vmem>>) semaphore(%arg32 : memref<!tpu.dma_semaphore, #tpu.memory_space<semaphore_mem>>) {add = true}
      %ge3A_463 = arith.constant 4 : i32
      %ge3A_464 = arith.cmpi sge, %add3A_439, %ge3A_463 : i32
      %add3A_465 = arith.constant 2 : i32
      %add3A_466 = arith.addi %add3A_439, %add3A_465 : i32
      %lt3A_467 = arith.constant 125 : i32
      %lt3A_468 = arith.cmpi slt, %add3A_466, %lt3A_467 : i32
      %and3A_469 = arith.andi %ge3A_464, %lt3A_468 : i1
      %convert_element_type3A_470 = arith.extui %and3A_469 : i1 to i32
      %cond3A_471 = arith.constant 0 : i32
      %cond3A_472 = arith.cmpi ne, %convert_element_type3A_470, %cond3A_471 : i32
      scf.if %cond3A_472 {
        %sub3A = arith.constant 4 : i32
        %sub3A_568 = arith.subi %add3A_439, %sub3A : i32
        %dma_wait3A_569 = arith.constant 0 : i32
        %dma_wait3A_570 = tpu.memref_slice %arg8[%sub3A_568, %dma_wait3A_569] : memref<125x80xi32, #tpu.memory_space<vmem>> -> memref<1x80xi32, #tpu.memory_space<vmem>>
        %dma_wait3A_571 = tpu.memref_squeeze %dma_wait3A_570 : memref<1x80xi32, #tpu.memory_space<vmem>> -> memref<80xi32, #tpu.memory_space<vmem>>
        %dma_wait3A_572 = arith.constant 0 : i32
        %dma_wait3A_573 = arith.constant 0 : i32
        %dma_wait3A_574 = tpu.memref_slice %arg16[%dma_wait3A_572, %dma_wait3A_573] : memref<10240x64xf32, #tpu.memory_space<vmem_shared>> -> memref<10240x64xf32, #tpu.memory_space<vmem_shared>>
        tpu.wait_indirect_dma semaphore(%arg28 : memref<!tpu.dma_semaphore, #tpu.memory_space<semaphore_mem>>) src(%arg14 : memref<80x64xf32, #tpu.memory_space<vmem>>) dst(%dma_wait3A_574 : memref<10240x64xf32, #tpu.memory_space<vmem_shared>>)
      } else {
      }
      %add3A_473 = arith.constant 2 : i32
      %add3A_474 = arith.addi %add3A_439, %add3A_473 : i32
      %lt3A_475 = arith.constant 125 : i32
      %lt3A_476 = arith.cmpi slt, %add3A_474, %lt3A_475 : i32
      %convert_element_type3A_477 = arith.extui %lt3A_476 : i1 to i32
      %cond3A_478 = arith.constant 0 : i32
      %cond3A_479 = arith.cmpi ne, %convert_element_type3A_477, %cond3A_478 : i32
      scf.if %cond3A_479 {
        %add3A_568 = arith.constant 2 : i32
        %add3A_569 = arith.addi %add3A_439, %add3A_568 : i32
        %dma_start3A_570 = arith.constant 0 : i32
        %dma_start3A_571 = tpu.memref_slice %arg7[%add3A_569, %dma_start3A_570] : memref<125x80xi32, #tpu.memory_space<vmem>> -> memref<1x80xi32, #tpu.memory_space<vmem>>
        %dma_start3A_572 = tpu.memref_squeeze %dma_start3A_571 : memref<1x80xi32, #tpu.memory_space<vmem>> -> memref<80xi32, #tpu.memory_space<vmem>>
        %dma_start3A_573 = arith.constant 0 : i32
        %dma_start3A_574 = arith.constant 0 : i32
        %dma_start3A_575 = tpu.memref_slice %arg2[%dma_start3A_573, %dma_start3A_574] : memref<10000x64xf32, #tpu.memory_space<hbm>> -> memref<10000x64xf32, #tpu.memory_space<hbm>>
        tpu.enqueue_indirect_dma source(%dma_start3A_575 : memref<10000x64xf32, #tpu.memory_space<hbm>>) target(%arg14 : memref<80x64xf32, #tpu.memory_space<vmem>>) offsets(%dma_start3A_572 : memref<80xi32, #tpu.memory_space<vmem>>) semaphore(%arg22 : memref<!tpu.dma_semaphore, #tpu.memory_space<semaphore_mem>>)
      } else {
      }
      %mul3A_480 = arith.constant 6 : i32
      %mul3A_481 = arith.muli %mul3A_480, %scan3A_305 : i32
      %add3A_482 = arith.constant 4 : i32
      %add3A_483 = arith.addi %mul3A_481, %add3A_482 : i32
      %dma_wait3A_484 = arith.constant 0 : i32
      %dma_wait3A_485 = tpu.memref_slice %arg7[%add3A_483, %dma_wait3A_484] : memref<125x80xi32, #tpu.memory_space<vmem>> -> memref<1x80xi32, #tpu.memory_space<vmem>>
      %dma_wait3A_486 = tpu.memref_squeeze %dma_wait3A_485 : memref<1x80xi32, #tpu.memory_space<vmem>> -> memref<80xi32, #tpu.memory_space<vmem>>
      %dma_wait3A_487 = arith.constant 0 : i32
      %dma_wait3A_488 = arith.constant 0 : i32
      %dma_wait3A_489 = tpu.memref_slice %arg2[%dma_wait3A_487, %dma_wait3A_488] : memref<10000x64xf32, #tpu.memory_space<hbm>> -> memref<10000x64xf32, #tpu.memory_space<hbm>>
      tpu.wait_indirect_dma semaphore(%arg21 : memref<!tpu.dma_semaphore, #tpu.memory_space<semaphore_mem>>) src(%dma_wait3A_489 : memref<10000x64xf32, #tpu.memory_space<hbm>>) dst(%arg13 : memref<80x64xf32, #tpu.memory_space<vmem>>)
      %dma_start3A_490 = arith.constant 0 : i32
      %dma_start3A_491 = tpu.memref_slice %arg8[%add3A_483, %dma_start3A_490] : memref<125x80xi32, #tpu.memory_space<vmem>> -> memref<1x80xi32, #tpu.memory_space<vmem>>
      %dma_start3A_492 = tpu.memref_squeeze %dma_start3A_491 : memref<1x80xi32, #tpu.memory_space<vmem>> -> memref<80xi32, #tpu.memory_space<vmem>>
      %dma_start3A_493 = arith.constant 0 : i32
      %dma_start3A_494 = arith.constant 0 : i32
      %dma_start3A_495 = tpu.memref_slice %arg16[%dma_start3A_493, %dma_start3A_494] : memref<10240x64xf32, #tpu.memory_space<vmem_shared>> -> memref<10240x64xf32, #tpu.memory_space<vmem_shared>>
      tpu.enqueue_indirect_dma source(%arg13 : memref<80x64xf32, #tpu.memory_space<vmem>>) target(%dma_start3A_495 : memref<10240x64xf32, #tpu.memory_space<vmem_shared>>) offsets(%dma_start3A_492 : memref<80xi32, #tpu.memory_space<vmem>>) semaphore(%arg27 : memref<!tpu.dma_semaphore, #tpu.memory_space<semaphore_mem>>) {add = true}
      %ge3A_496 = arith.constant 1 : i32
      %ge3A_497 = arith.cmpi sge, %add3A_483, %ge3A_496 : i32
      %convert_element_type3A_498 = arith.extui %ge3A_497 : i1 to i32
      %cond3A_499 = arith.constant 0 : i32
      %cond3A_500 = arith.cmpi ne, %convert_element_type3A_498, %cond3A_499 : i32
      scf.if %cond3A_500 {
        %sub3A = arith.constant 1 : i32
        %sub3A_568 = arith.subi %add3A_483, %sub3A : i32
        %dma_wait3A_569 = arith.constant 0 : i32
        %dma_wait3A_570 = tpu.memref_slice %arg8[%sub3A_568, %dma_wait3A_569] : memref<125x80xi32, #tpu.memory_space<vmem>> -> memref<1x80xi32, #tpu.memory_space<vmem>>
        %dma_wait3A_571 = tpu.memref_squeeze %dma_wait3A_570 : memref<1x80xi32, #tpu.memory_space<vmem>> -> memref<80xi32, #tpu.memory_space<vmem>>
        %dma_wait3A_572 = arith.constant 0 : i32
        %dma_wait3A_573 = arith.constant 0 : i32
        %dma_wait3A_574 = tpu.memref_slice %arg31[%dma_wait3A_572, %dma_wait3A_573] : memref<10240x16xf32, #tpu.memory_space<vmem_shared>> -> memref<10240x16xf32, #tpu.memory_space<vmem_shared>>
        tpu.wait_indirect_dma semaphore(%arg32 : memref<!tpu.dma_semaphore, #tpu.memory_space<semaphore_mem>>) src(%arg30 : memref<80x16xf32, #tpu.memory_space<vmem>>) dst(%dma_wait3A_574 : memref<10240x16xf32, #tpu.memory_space<vmem_shared>>)
      } else {
      }
      %dma_start3A_501 = arith.constant 0 : i32
      %dma_start3A_502 = tpu.memref_slice %arg8[%add3A_483, %dma_start3A_501] : memref<125x80xi32, #tpu.memory_space<vmem>> -> memref<1x80xi32, #tpu.memory_space<vmem>>
      %dma_start3A_503 = tpu.memref_squeeze %dma_start3A_502 : memref<1x80xi32, #tpu.memory_space<vmem>> -> memref<80xi32, #tpu.memory_space<vmem>>
      %dma_start3A_504 = arith.constant 0 : i32
      %dma_start3A_505 = arith.constant 0 : i32
      %dma_start3A_506 = tpu.memref_slice %arg31[%dma_start3A_504, %dma_start3A_505] : memref<10240x16xf32, #tpu.memory_space<vmem_shared>> -> memref<10240x16xf32, #tpu.memory_space<vmem_shared>>
      tpu.enqueue_indirect_dma source(%arg30 : memref<80x16xf32, #tpu.memory_space<vmem>>) target(%dma_start3A_506 : memref<10240x16xf32, #tpu.memory_space<vmem_shared>>) offsets(%dma_start3A_503 : memref<80xi32, #tpu.memory_space<vmem>>) semaphore(%arg32 : memref<!tpu.dma_semaphore, #tpu.memory_space<semaphore_mem>>) {add = true}
      %ge3A_507 = arith.constant 4 : i32
      %ge3A_508 = arith.cmpi sge, %add3A_483, %ge3A_507 : i32
      %add3A_509 = arith.constant 2 : i32
      %add3A_510 = arith.addi %add3A_483, %add3A_509 : i32
      %lt3A_511 = arith.constant 125 : i32
      %lt3A_512 = arith.cmpi slt, %add3A_510, %lt3A_511 : i32
      %and3A_513 = arith.andi %ge3A_508, %lt3A_512 : i1
      %convert_element_type3A_514 = arith.extui %and3A_513 : i1 to i32
      %cond3A_515 = arith.constant 0 : i32
      %cond3A_516 = arith.cmpi ne, %convert_element_type3A_514, %cond3A_515 : i32
      scf.if %cond3A_516 {
        %sub3A = arith.constant 4 : i32
        %sub3A_568 = arith.subi %add3A_483, %sub3A : i32
        %dma_wait3A_569 = arith.constant 0 : i32
        %dma_wait3A_570 = tpu.memref_slice %arg8[%sub3A_568, %dma_wait3A_569] : memref<125x80xi32, #tpu.memory_space<vmem>> -> memref<1x80xi32, #tpu.memory_space<vmem>>
        %dma_wait3A_571 = tpu.memref_squeeze %dma_wait3A_570 : memref<1x80xi32, #tpu.memory_space<vmem>> -> memref<80xi32, #tpu.memory_space<vmem>>
        %dma_wait3A_572 = arith.constant 0 : i32
        %dma_wait3A_573 = arith.constant 0 : i32
        %dma_wait3A_574 = tpu.memref_slice %arg16[%dma_wait3A_572, %dma_wait3A_573] : memref<10240x64xf32, #tpu.memory_space<vmem_shared>> -> memref<10240x64xf32, #tpu.memory_space<vmem_shared>>
        tpu.wait_indirect_dma semaphore(%arg23 : memref<!tpu.dma_semaphore, #tpu.memory_space<semaphore_mem>>) src(%arg9 : memref<80x64xf32, #tpu.memory_space<vmem>>) dst(%dma_wait3A_574 : memref<10240x64xf32, #tpu.memory_space<vmem_shared>>)
      } else {
      }
      %add3A_517 = arith.constant 2 : i32
      %add3A_518 = arith.addi %add3A_483, %add3A_517 : i32
      %lt3A_519 = arith.constant 125 : i32
      %lt3A_520 = arith.cmpi slt, %add3A_518, %lt3A_519 : i32
      %convert_element_type3A_521 = arith.extui %lt3A_520 : i1 to i32
      %cond3A_522 = arith.constant 0 : i32
      %cond3A_523 = arith.cmpi ne, %convert_element_type3A_521, %cond3A_522 : i32
      scf.if %cond3A_523 {
        %add3A_568 = arith.constant 2 : i32
        %add3A_569 = arith.addi %add3A_483, %add3A_568 : i32
        %dma_start3A_570 = arith.constant 0 : i32
        %dma_start3A_571 = tpu.memref_slice %arg7[%add3A_569, %dma_start3A_570] : memref<125x80xi32, #tpu.memory_space<vmem>> -> memref<1x80xi32, #tpu.memory_space<vmem>>
        %dma_start3A_572 = tpu.memref_squeeze %dma_start3A_571 : memref<1x80xi32, #tpu.memory_space<vmem>> -> memref<80xi32, #tpu.memory_space<vmem>>
        %dma_start3A_573 = arith.constant 0 : i32
        %dma_start3A_574 = arith.constant 0 : i32
        %dma_start3A_575 = tpu.memref_slice %arg2[%dma_start3A_573, %dma_start3A_574] : memref<10000x64xf32, #tpu.memory_space<hbm>> -> memref<10000x64xf32, #tpu.memory_space<hbm>>
        tpu.enqueue_indirect_dma source(%dma_start3A_575 : memref<10000x64xf32, #tpu.memory_space<hbm>>) target(%arg9 : memref<80x64xf32, #tpu.memory_space<vmem>>) offsets(%dma_start3A_572 : memref<80xi32, #tpu.memory_space<vmem>>) semaphore(%arg17 : memref<!tpu.dma_semaphore, #tpu.memory_space<semaphore_mem>>)
      } else {
      }
      %mul3A_524 = arith.constant 6 : i32
      %mul3A_525 = arith.muli %mul3A_524, %scan3A_305 : i32
      %add3A_526 = arith.constant 5 : i32
      %add3A_527 = arith.addi %mul3A_525, %add3A_526 : i32
      %dma_wait3A_528 = arith.constant 0 : i32
      %dma_wait3A_529 = tpu.memref_slice %arg7[%add3A_527, %dma_wait3A_528] : memref<125x80xi32, #tpu.memory_space<vmem>> -> memref<1x80xi32, #tpu.memory_space<vmem>>
      %dma_wait3A_530 = tpu.memref_squeeze %dma_wait3A_529 : memref<1x80xi32, #tpu.memory_space<vmem>> -> memref<80xi32, #tpu.memory_space<vmem>>
      %dma_wait3A_531 = arith.constant 0 : i32
      %dma_wait3A_532 = arith.constant 0 : i32
      %dma_wait3A_533 = tpu.memref_slice %arg2[%dma_wait3A_531, %dma_wait3A_532] : memref<10000x64xf32, #tpu.memory_space<hbm>> -> memref<10000x64xf32, #tpu.memory_space<hbm>>
      tpu.wait_indirect_dma semaphore(%arg22 : memref<!tpu.dma_semaphore, #tpu.memory_space<semaphore_mem>>) src(%dma_wait3A_533 : memref<10000x64xf32, #tpu.memory_space<hbm>>) dst(%arg14 : memref<80x64xf32, #tpu.memory_space<vmem>>)
      %dma_start3A_534 = arith.constant 0 : i32
      %dma_start3A_535 = tpu.memref_slice %arg8[%add3A_527, %dma_start3A_534] : memref<125x80xi32, #tpu.memory_space<vmem>> -> memref<1x80xi32, #tpu.memory_space<vmem>>
      %dma_start3A_536 = tpu.memref_squeeze %dma_start3A_535 : memref<1x80xi32, #tpu.memory_space<vmem>> -> memref<80xi32, #tpu.memory_space<vmem>>
      %dma_start3A_537 = arith.constant 0 : i32
      %dma_start3A_538 = arith.constant 0 : i32
      %dma_start3A_539 = tpu.memref_slice %arg16[%dma_start3A_537, %dma_start3A_538] : memref<10240x64xf32, #tpu.memory_space<vmem_shared>> -> memref<10240x64xf32, #tpu.memory_space<vmem_shared>>
      tpu.enqueue_indirect_dma source(%arg14 : memref<80x64xf32, #tpu.memory_space<vmem>>) target(%dma_start3A_539 : memref<10240x64xf32, #tpu.memory_space<vmem_shared>>) offsets(%dma_start3A_536 : memref<80xi32, #tpu.memory_space<vmem>>) semaphore(%arg28 : memref<!tpu.dma_semaphore, #tpu.memory_space<semaphore_mem>>) {add = true}
      %ge3A_540 = arith.constant 1 : i32
      %ge3A_541 = arith.cmpi sge, %add3A_527, %ge3A_540 : i32
      %convert_element_type3A_542 = arith.extui %ge3A_541 : i1 to i32
      %cond3A_543 = arith.constant 0 : i32
      %cond3A_544 = arith.cmpi ne, %convert_element_type3A_542, %cond3A_543 : i32
      scf.if %cond3A_544 {
        %sub3A = arith.constant 1 : i32
        %sub3A_568 = arith.subi %add3A_527, %sub3A : i32
        %dma_wait3A_569 = arith.constant 0 : i32
        %dma_wait3A_570 = tpu.memref_slice %arg8[%sub3A_568, %dma_wait3A_569] : memref<125x80xi32, #tpu.memory_space<vmem>> -> memref<1x80xi32, #tpu.memory_space<vmem>>
        %dma_wait3A_571 = tpu.memref_squeeze %dma_wait3A_570 : memref<1x80xi32, #tpu.memory_space<vmem>> -> memref<80xi32, #tpu.memory_space<vmem>>
        %dma_wait3A_572 = arith.constant 0 : i32
        %dma_wait3A_573 = arith.constant 0 : i32
        %dma_wait3A_574 = tpu.memref_slice %arg31[%dma_wait3A_572, %dma_wait3A_573] : memref<10240x16xf32, #tpu.memory_space<vmem_shared>> -> memref<10240x16xf32, #tpu.memory_space<vmem_shared>>
        tpu.wait_indirect_dma semaphore(%arg32 : memref<!tpu.dma_semaphore, #tpu.memory_space<semaphore_mem>>) src(%arg30 : memref<80x16xf32, #tpu.memory_space<vmem>>) dst(%dma_wait3A_574 : memref<10240x16xf32, #tpu.memory_space<vmem_shared>>)
      } else {
      }
      %dma_start3A_545 = arith.constant 0 : i32
      %dma_start3A_546 = tpu.memref_slice %arg8[%add3A_527, %dma_start3A_545] : memref<125x80xi32, #tpu.memory_space<vmem>> -> memref<1x80xi32, #tpu.memory_space<vmem>>
      %dma_start3A_547 = tpu.memref_squeeze %dma_start3A_546 : memref<1x80xi32, #tpu.memory_space<vmem>> -> memref<80xi32, #tpu.memory_space<vmem>>
      %dma_start3A_548 = arith.constant 0 : i32
      %dma_start3A_549 = arith.constant 0 : i32
      %dma_start3A_550 = tpu.memref_slice %arg31[%dma_start3A_548, %dma_start3A_549] : memref<10240x16xf32, #tpu.memory_space<vmem_shared>> -> memref<10240x16xf32, #tpu.memory_space<vmem_shared>>
      tpu.enqueue_indirect_dma source(%arg30 : memref<80x16xf32, #tpu.memory_space<vmem>>) target(%dma_start3A_550 : memref<10240x16xf32, #tpu.memory_space<vmem_shared>>) offsets(%dma_start3A_547 : memref<80xi32, #tpu.memory_space<vmem>>) semaphore(%arg32 : memref<!tpu.dma_semaphore, #tpu.memory_space<semaphore_mem>>) {add = true}
      %ge3A_551 = arith.constant 4 : i32
      %ge3A_552 = arith.cmpi sge, %add3A_527, %ge3A_551 : i32
      %add3A_553 = arith.constant 2 : i32
      %add3A_554 = arith.addi %add3A_527, %add3A_553 : i32
      %lt3A_555 = arith.constant 125 : i32
      %lt3A_556 = arith.cmpi slt, %add3A_554, %lt3A_555 : i32
      %and3A_557 = arith.andi %ge3A_552, %lt3A_556 : i1
      %convert_element_type3A_558 = arith.extui %and3A_557 : i1 to i32
      %cond3A_559 = arith.constant 0 : i32
      %cond3A_560 = arith.cmpi ne, %convert_element_type3A_558, %cond3A_559 : i32
      scf.if %cond3A_560 {
        %sub3A = arith.constant 4 : i32
        %sub3A_568 = arith.subi %add3A_527, %sub3A : i32
        %dma_wait3A_569 = arith.constant 0 : i32
        %dma_wait3A_570 = tpu.memref_slice %arg8[%sub3A_568, %dma_wait3A_569] : memref<125x80xi32, #tpu.memory_space<vmem>> -> memref<1x80xi32, #tpu.memory_space<vmem>>
        %dma_wait3A_571 = tpu.memref_squeeze %dma_wait3A_570 : memref<1x80xi32, #tpu.memory_space<vmem>> -> memref<80xi32, #tpu.memory_space<vmem>>
        %dma_wait3A_572 = arith.constant 0 : i32
        %dma_wait3A_573 = arith.constant 0 : i32
        %dma_wait3A_574 = tpu.memref_slice %arg16[%dma_wait3A_572, %dma_wait3A_573] : memref<10240x64xf32, #tpu.memory_space<vmem_shared>> -> memref<10240x64xf32, #tpu.memory_space<vmem_shared>>
        tpu.wait_indirect_dma semaphore(%arg24 : memref<!tpu.dma_semaphore, #tpu.memory_space<semaphore_mem>>) src(%arg10 : memref<80x64xf32, #tpu.memory_space<vmem>>) dst(%dma_wait3A_574 : memref<10240x64xf32, #tpu.memory_space<vmem_shared>>)
      } else {
      }
      %add3A_561 = arith.constant 2 : i32
      %add3A_562 = arith.addi %add3A_527, %add3A_561 : i32
      %lt3A_563 = arith.constant 125 : i32
      %lt3A_564 = arith.cmpi slt, %add3A_562, %lt3A_563 : i32
      %convert_element_type3A_565 = arith.extui %lt3A_564 : i1 to i32
      %cond3A_566 = arith.constant 0 : i32
      %cond3A_567 = arith.cmpi ne, %convert_element_type3A_565, %cond3A_566 : i32
      scf.if %cond3A_567 {
        %add3A_568 = arith.constant 2 : i32
        %add3A_569 = arith.addi %add3A_527, %add3A_568 : i32
        %dma_start3A_570 = arith.constant 0 : i32
        %dma_start3A_571 = tpu.memref_slice %arg7[%add3A_569, %dma_start3A_570] : memref<125x80xi32, #tpu.memory_space<vmem>> -> memref<1x80xi32, #tpu.memory_space<vmem>>
        %dma_start3A_572 = tpu.memref_squeeze %dma_start3A_571 : memref<1x80xi32, #tpu.memory_space<vmem>> -> memref<80xi32, #tpu.memory_space<vmem>>
        %dma_start3A_573 = arith.constant 0 : i32
        %dma_start3A_574 = arith.constant 0 : i32
        %dma_start3A_575 = tpu.memref_slice %arg2[%dma_start3A_573, %dma_start3A_574] : memref<10000x64xf32, #tpu.memory_space<hbm>> -> memref<10000x64xf32, #tpu.memory_space<hbm>>
        tpu.enqueue_indirect_dma source(%dma_start3A_575 : memref<10000x64xf32, #tpu.memory_space<hbm>>) target(%arg10 : memref<80x64xf32, #tpu.memory_space<vmem>>) offsets(%dma_start3A_572 : memref<80xi32, #tpu.memory_space<vmem>>) semaphore(%arg18 : memref<!tpu.dma_semaphore, #tpu.memory_space<semaphore_mem>>)
      } else {
      }
    }
    %scan3A_67 = arith.constant 20 : i32
    %dma_wait3A = arith.constant 120 : i32
    %dma_wait3A_68 = arith.constant 0 : i32
    %dma_wait3A_69 = tpu.memref_slice %arg7[%dma_wait3A, %dma_wait3A_68] : memref<125x80xi32, #tpu.memory_space<vmem>> -> memref<1x80xi32, #tpu.memory_space<vmem>>
    %dma_wait3A_70 = tpu.memref_squeeze %dma_wait3A_69 : memref<1x80xi32, #tpu.memory_space<vmem>> -> memref<80xi32, #tpu.memory_space<vmem>>
    %dma_wait3A_71 = arith.constant 0 : i32
    %dma_wait3A_72 = arith.constant 0 : i32
    %dma_wait3A_73 = tpu.memref_slice %arg2[%dma_wait3A_71, %dma_wait3A_72] : memref<10000x64xf32, #tpu.memory_space<hbm>> -> memref<10000x64xf32, #tpu.memory_space<hbm>>
    tpu.wait_indirect_dma semaphore(%arg17 : memref<!tpu.dma_semaphore, #tpu.memory_space<semaphore_mem>>) src(%dma_wait3A_73 : memref<10000x64xf32, #tpu.memory_space<hbm>>) dst(%arg9 : memref<80x64xf32, #tpu.memory_space<vmem>>)
    %dma_start3A_74 = arith.constant 120 : i32
    %dma_start3A_75 = arith.constant 0 : i32
    %dma_start3A_76 = tpu.memref_slice %arg8[%dma_start3A_74, %dma_start3A_75] : memref<125x80xi32, #tpu.memory_space<vmem>> -> memref<1x80xi32, #tpu.memory_space<vmem>>
    %dma_start3A_77 = tpu.memref_squeeze %dma_start3A_76 : memref<1x80xi32, #tpu.memory_space<vmem>> -> memref<80xi32, #tpu.memory_space<vmem>>
    %dma_start3A_78 = arith.constant 0 : i32
    %dma_start3A_79 = arith.constant 0 : i32
    %dma_start3A_80 = tpu.memref_slice %arg16[%dma_start3A_78, %dma_start3A_79] : memref<10240x64xf32, #tpu.memory_space<vmem_shared>> -> memref<10240x64xf32, #tpu.memory_space<vmem_shared>>
    tpu.enqueue_indirect_dma source(%arg9 : memref<80x64xf32, #tpu.memory_space<vmem>>) target(%dma_start3A_80 : memref<10240x64xf32, #tpu.memory_space<vmem_shared>>) offsets(%dma_start3A_77 : memref<80xi32, #tpu.memory_space<vmem>>) semaphore(%arg23 : memref<!tpu.dma_semaphore, #tpu.memory_space<semaphore_mem>>) {add = true}
    %dma_wait3A_81 = arith.constant 119 : i32
    %dma_wait3A_82 = arith.constant 0 : i32
    %dma_wait3A_83 = tpu.memref_slice %arg8[%dma_wait3A_81, %dma_wait3A_82] : memref<125x80xi32, #tpu.memory_space<vmem>> -> memref<1x80xi32, #tpu.memory_space<vmem>>
    %dma_wait3A_84 = tpu.memref_squeeze %dma_wait3A_83 : memref<1x80xi32, #tpu.memory_space<vmem>> -> memref<80xi32, #tpu.memory_space<vmem>>
    %dma_wait3A_85 = arith.constant 0 : i32
    %dma_wait3A_86 = arith.constant 0 : i32
    %dma_wait3A_87 = tpu.memref_slice %arg31[%dma_wait3A_85, %dma_wait3A_86] : memref<10240x16xf32, #tpu.memory_space<vmem_shared>> -> memref<10240x16xf32, #tpu.memory_space<vmem_shared>>
    tpu.wait_indirect_dma semaphore(%arg32 : memref<!tpu.dma_semaphore, #tpu.memory_space<semaphore_mem>>) src(%arg30 : memref<80x16xf32, #tpu.memory_space<vmem>>) dst(%dma_wait3A_87 : memref<10240x16xf32, #tpu.memory_space<vmem_shared>>)
    %dma_start3A_88 = arith.constant 120 : i32
    %dma_start3A_89 = arith.constant 0 : i32
    %dma_start3A_90 = tpu.memref_slice %arg8[%dma_start3A_88, %dma_start3A_89] : memref<125x80xi32, #tpu.memory_space<vmem>> -> memref<1x80xi32, #tpu.memory_space<vmem>>
    %dma_start3A_91 = tpu.memref_squeeze %dma_start3A_90 : memref<1x80xi32, #tpu.memory_space<vmem>> -> memref<80xi32, #tpu.memory_space<vmem>>
    %dma_start3A_92 = arith.constant 0 : i32
    %dma_start3A_93 = arith.constant 0 : i32
    %dma_start3A_94 = tpu.memref_slice %arg31[%dma_start3A_92, %dma_start3A_93] : memref<10240x16xf32, #tpu.memory_space<vmem_shared>> -> memref<10240x16xf32, #tpu.memory_space<vmem_shared>>
    tpu.enqueue_indirect_dma source(%arg30 : memref<80x16xf32, #tpu.memory_space<vmem>>) target(%dma_start3A_94 : memref<10240x16xf32, #tpu.memory_space<vmem_shared>>) offsets(%dma_start3A_91 : memref<80xi32, #tpu.memory_space<vmem>>) semaphore(%arg32 : memref<!tpu.dma_semaphore, #tpu.memory_space<semaphore_mem>>) {add = true}
    %and3A = arith.constant true
    %and3A_95 = arith.constant true
    %and3A_96 = arith.andi %and3A, %and3A_95 : i1
    %convert_element_type3A = arith.extui %and3A_96 : i1 to i32
    %cond3A = arith.constant 0 : i32
    %cond3A_97 = arith.cmpi ne, %convert_element_type3A, %cond3A : i32
    scf.if %cond3A_97 {
      %dma_wait3A_305 = arith.constant 116 : i32
      %dma_wait3A_306 = arith.constant 0 : i32
      %dma_wait3A_307 = tpu.memref_slice %arg8[%dma_wait3A_305, %dma_wait3A_306] : memref<125x80xi32, #tpu.memory_space<vmem>> -> memref<1x80xi32, #tpu.memory_space<vmem>>
      %dma_wait3A_308 = tpu.memref_squeeze %dma_wait3A_307 : memref<1x80xi32, #tpu.memory_space<vmem>> -> memref<80xi32, #tpu.memory_space<vmem>>
      %dma_wait3A_309 = arith.constant 0 : i32
      %dma_wait3A_310 = arith.constant 0 : i32
      %dma_wait3A_311 = tpu.memref_slice %arg16[%dma_wait3A_309, %dma_wait3A_310] : memref<10240x64xf32, #tpu.memory_space<vmem_shared>> -> memref<10240x64xf32, #tpu.memory_space<vmem_shared>>
      tpu.wait_indirect_dma semaphore(%arg25 : memref<!tpu.dma_semaphore, #tpu.memory_space<semaphore_mem>>) src(%arg11 : memref<80x64xf32, #tpu.memory_space<vmem>>) dst(%dma_wait3A_311 : memref<10240x64xf32, #tpu.memory_space<vmem_shared>>)
    } else {
    }
    %dma_start3A_98 = arith.constant 122 : i32
    %dma_start3A_99 = arith.constant 0 : i32
    %dma_start3A_100 = tpu.memref_slice %arg7[%dma_start3A_98, %dma_start3A_99] : memref<125x80xi32, #tpu.memory_space<vmem>> -> memref<1x80xi32, #tpu.memory_space<vmem>>
    %dma_start3A_101 = tpu.memref_squeeze %dma_start3A_100 : memref<1x80xi32, #tpu.memory_space<vmem>> -> memref<80xi32, #tpu.memory_space<vmem>>
    %dma_start3A_102 = arith.constant 0 : i32
    %dma_start3A_103 = arith.constant 0 : i32
    %dma_start3A_104 = tpu.memref_slice %arg2[%dma_start3A_102, %dma_start3A_103] : memref<10000x64xf32, #tpu.memory_space<hbm>> -> memref<10000x64xf32, #tpu.memory_space<hbm>>
    tpu.enqueue_indirect_dma source(%dma_start3A_104 : memref<10000x64xf32, #tpu.memory_space<hbm>>) target(%arg11 : memref<80x64xf32, #tpu.memory_space<vmem>>) offsets(%dma_start3A_101 : memref<80xi32, #tpu.memory_space<vmem>>) semaphore(%arg19 : memref<!tpu.dma_semaphore, #tpu.memory_space<semaphore_mem>>)
    %dma_wait3A_105 = arith.constant 121 : i32
    %dma_wait3A_106 = arith.constant 0 : i32
    %dma_wait3A_107 = tpu.memref_slice %arg7[%dma_wait3A_105, %dma_wait3A_106] : memref<125x80xi32, #tpu.memory_space<vmem>> -> memref<1x80xi32, #tpu.memory_space<vmem>>
    %dma_wait3A_108 = tpu.memref_squeeze %dma_wait3A_107 : memref<1x80xi32, #tpu.memory_space<vmem>> -> memref<80xi32, #tpu.memory_space<vmem>>
    %dma_wait3A_109 = arith.constant 0 : i32
    %dma_wait3A_110 = arith.constant 0 : i32
    %dma_wait3A_111 = tpu.memref_slice %arg2[%dma_wait3A_109, %dma_wait3A_110] : memref<10000x64xf32, #tpu.memory_space<hbm>> -> memref<10000x64xf32, #tpu.memory_space<hbm>>
    tpu.wait_indirect_dma semaphore(%arg18 : memref<!tpu.dma_semaphore, #tpu.memory_space<semaphore_mem>>) src(%dma_wait3A_111 : memref<10000x64xf32, #tpu.memory_space<hbm>>) dst(%arg10 : memref<80x64xf32, #tpu.memory_space<vmem>>)
    %dma_start3A_112 = arith.constant 121 : i32
    %dma_start3A_113 = arith.constant 0 : i32
    %dma_start3A_114 = tpu.memref_slice %arg8[%dma_start3A_112, %dma_start3A_113] : memref<125x80xi32, #tpu.memory_space<vmem>> -> memref<1x80xi32, #tpu.memory_space<vmem>>
    %dma_start3A_115 = tpu.memref_squeeze %dma_start3A_114 : memref<1x80xi32, #tpu.memory_space<vmem>> -> memref<80xi32, #tpu.memory_space<vmem>>
    %dma_start3A_116 = arith.constant 0 : i32
    %dma_start3A_117 = arith.constant 0 : i32
    %dma_start3A_118 = tpu.memref_slice %arg16[%dma_start3A_116, %dma_start3A_117] : memref<10240x64xf32, #tpu.memory_space<vmem_shared>> -> memref<10240x64xf32, #tpu.memory_space<vmem_shared>>
    tpu.enqueue_indirect_dma source(%arg10 : memref<80x64xf32, #tpu.memory_space<vmem>>) target(%dma_start3A_118 : memref<10240x64xf32, #tpu.memory_space<vmem_shared>>) offsets(%dma_start3A_115 : memref<80xi32, #tpu.memory_space<vmem>>) semaphore(%arg24 : memref<!tpu.dma_semaphore, #tpu.memory_space<semaphore_mem>>) {add = true}
    %dma_wait3A_119 = arith.constant 120 : i32
    %dma_wait3A_120 = arith.constant 0 : i32
    %dma_wait3A_121 = tpu.memref_slice %arg8[%dma_wait3A_119, %dma_wait3A_120] : memref<125x80xi32, #tpu.memory_space<vmem>> -> memref<1x80xi32, #tpu.memory_space<vmem>>
    %dma_wait3A_122 = tpu.memref_squeeze %dma_wait3A_121 : memref<1x80xi32, #tpu.memory_space<vmem>> -> memref<80xi32, #tpu.memory_space<vmem>>
    %dma_wait3A_123 = arith.constant 0 : i32
    %dma_wait3A_124 = arith.constant 0 : i32
    %dma_wait3A_125 = tpu.memref_slice %arg31[%dma_wait3A_123, %dma_wait3A_124] : memref<10240x16xf32, #tpu.memory_space<vmem_shared>> -> memref<10240x16xf32, #tpu.memory_space<vmem_shared>>
    tpu.wait_indirect_dma semaphore(%arg32 : memref<!tpu.dma_semaphore, #tpu.memory_space<semaphore_mem>>) src(%arg30 : memref<80x16xf32, #tpu.memory_space<vmem>>) dst(%dma_wait3A_125 : memref<10240x16xf32, #tpu.memory_space<vmem_shared>>)
    %dma_start3A_126 = arith.constant 121 : i32
    %dma_start3A_127 = arith.constant 0 : i32
    %dma_start3A_128 = tpu.memref_slice %arg8[%dma_start3A_126, %dma_start3A_127] : memref<125x80xi32, #tpu.memory_space<vmem>> -> memref<1x80xi32, #tpu.memory_space<vmem>>
    %dma_start3A_129 = tpu.memref_squeeze %dma_start3A_128 : memref<1x80xi32, #tpu.memory_space<vmem>> -> memref<80xi32, #tpu.memory_space<vmem>>
    %dma_start3A_130 = arith.constant 0 : i32
    %dma_start3A_131 = arith.constant 0 : i32
    %dma_start3A_132 = tpu.memref_slice %arg31[%dma_start3A_130, %dma_start3A_131] : memref<10240x16xf32, #tpu.memory_space<vmem_shared>> -> memref<10240x16xf32, #tpu.memory_space<vmem_shared>>
    tpu.enqueue_indirect_dma source(%arg30 : memref<80x16xf32, #tpu.memory_space<vmem>>) target(%dma_start3A_132 : memref<10240x16xf32, #tpu.memory_space<vmem_shared>>) offsets(%dma_start3A_129 : memref<80xi32, #tpu.memory_space<vmem>>) semaphore(%arg32 : memref<!tpu.dma_semaphore, #tpu.memory_space<semaphore_mem>>) {add = true}
    %and3A_133 = arith.constant true
    %and3A_134 = arith.constant true
    %and3A_135 = arith.andi %and3A_133, %and3A_134 : i1
    %convert_element_type3A_136 = arith.extui %and3A_135 : i1 to i32
    %cond3A_137 = arith.constant 0 : i32
    %cond3A_138 = arith.cmpi ne, %convert_element_type3A_136, %cond3A_137 : i32
    scf.if %cond3A_138 {
      %dma_wait3A_305 = arith.constant 117 : i32
      %dma_wait3A_306 = arith.constant 0 : i32
      %dma_wait3A_307 = tpu.memref_slice %arg8[%dma_wait3A_305, %dma_wait3A_306] : memref<125x80xi32, #tpu.memory_space<vmem>> -> memref<1x80xi32, #tpu.memory_space<vmem>>
      %dma_wait3A_308 = tpu.memref_squeeze %dma_wait3A_307 : memref<1x80xi32, #tpu.memory_space<vmem>> -> memref<80xi32, #tpu.memory_space<vmem>>
      %dma_wait3A_309 = arith.constant 0 : i32
      %dma_wait3A_310 = arith.constant 0 : i32
      %dma_wait3A_311 = tpu.memref_slice %arg16[%dma_wait3A_309, %dma_wait3A_310] : memref<10240x64xf32, #tpu.memory_space<vmem_shared>> -> memref<10240x64xf32, #tpu.memory_space<vmem_shared>>
      tpu.wait_indirect_dma semaphore(%arg26 : memref<!tpu.dma_semaphore, #tpu.memory_space<semaphore_mem>>) src(%arg12 : memref<80x64xf32, #tpu.memory_space<vmem>>) dst(%dma_wait3A_311 : memref<10240x64xf32, #tpu.memory_space<vmem_shared>>)
    } else {
    }
    %dma_start3A_139 = arith.constant 123 : i32
    %dma_start3A_140 = arith.constant 0 : i32
    %dma_start3A_141 = tpu.memref_slice %arg7[%dma_start3A_139, %dma_start3A_140] : memref<125x80xi32, #tpu.memory_space<vmem>> -> memref<1x80xi32, #tpu.memory_space<vmem>>
    %dma_start3A_142 = tpu.memref_squeeze %dma_start3A_141 : memref<1x80xi32, #tpu.memory_space<vmem>> -> memref<80xi32, #tpu.memory_space<vmem>>
    %dma_start3A_143 = arith.constant 0 : i32
    %dma_start3A_144 = arith.constant 0 : i32
    %dma_start3A_145 = tpu.memref_slice %arg2[%dma_start3A_143, %dma_start3A_144] : memref<10000x64xf32, #tpu.memory_space<hbm>> -> memref<10000x64xf32, #tpu.memory_space<hbm>>
    tpu.enqueue_indirect_dma source(%dma_start3A_145 : memref<10000x64xf32, #tpu.memory_space<hbm>>) target(%arg12 : memref<80x64xf32, #tpu.memory_space<vmem>>) offsets(%dma_start3A_142 : memref<80xi32, #tpu.memory_space<vmem>>) semaphore(%arg20 : memref<!tpu.dma_semaphore, #tpu.memory_space<semaphore_mem>>)
    %dma_wait3A_146 = arith.constant 122 : i32
    %dma_wait3A_147 = arith.constant 0 : i32
    %dma_wait3A_148 = tpu.memref_slice %arg7[%dma_wait3A_146, %dma_wait3A_147] : memref<125x80xi32, #tpu.memory_space<vmem>> -> memref<1x80xi32, #tpu.memory_space<vmem>>
    %dma_wait3A_149 = tpu.memref_squeeze %dma_wait3A_148 : memref<1x80xi32, #tpu.memory_space<vmem>> -> memref<80xi32, #tpu.memory_space<vmem>>
    %dma_wait3A_150 = arith.constant 0 : i32
    %dma_wait3A_151 = arith.constant 0 : i32
    %dma_wait3A_152 = tpu.memref_slice %arg2[%dma_wait3A_150, %dma_wait3A_151] : memref<10000x64xf32, #tpu.memory_space<hbm>> -> memref<10000x64xf32, #tpu.memory_space<hbm>>
    tpu.wait_indirect_dma semaphore(%arg19 : memref<!tpu.dma_semaphore, #tpu.memory_space<semaphore_mem>>) src(%dma_wait3A_152 : memref<10000x64xf32, #tpu.memory_space<hbm>>) dst(%arg11 : memref<80x64xf32, #tpu.memory_space<vmem>>)
    %dma_start3A_153 = arith.constant 122 : i32
    %dma_start3A_154 = arith.constant 0 : i32
    %dma_start3A_155 = tpu.memref_slice %arg8[%dma_start3A_153, %dma_start3A_154] : memref<125x80xi32, #tpu.memory_space<vmem>> -> memref<1x80xi32, #tpu.memory_space<vmem>>
    %dma_start3A_156 = tpu.memref_squeeze %dma_start3A_155 : memref<1x80xi32, #tpu.memory_space<vmem>> -> memref<80xi32, #tpu.memory_space<vmem>>
    %dma_start3A_157 = arith.constant 0 : i32
    %dma_start3A_158 = arith.constant 0 : i32
    %dma_start3A_159 = tpu.memref_slice %arg16[%dma_start3A_157, %dma_start3A_158] : memref<10240x64xf32, #tpu.memory_space<vmem_shared>> -> memref<10240x64xf32, #tpu.memory_space<vmem_shared>>
    tpu.enqueue_indirect_dma source(%arg11 : memref<80x64xf32, #tpu.memory_space<vmem>>) target(%dma_start3A_159 : memref<10240x64xf32, #tpu.memory_space<vmem_shared>>) offsets(%dma_start3A_156 : memref<80xi32, #tpu.memory_space<vmem>>) semaphore(%arg25 : memref<!tpu.dma_semaphore, #tpu.memory_space<semaphore_mem>>) {add = true}
    %dma_wait3A_160 = arith.constant 121 : i32
    %dma_wait3A_161 = arith.constant 0 : i32
    %dma_wait3A_162 = tpu.memref_slice %arg8[%dma_wait3A_160, %dma_wait3A_161] : memref<125x80xi32, #tpu.memory_space<vmem>> -> memref<1x80xi32, #tpu.memory_space<vmem>>
    %dma_wait3A_163 = tpu.memref_squeeze %dma_wait3A_162 : memref<1x80xi32, #tpu.memory_space<vmem>> -> memref<80xi32, #tpu.memory_space<vmem>>
    %dma_wait3A_164 = arith.constant 0 : i32
    %dma_wait3A_165 = arith.constant 0 : i32
    %dma_wait3A_166 = tpu.memref_slice %arg31[%dma_wait3A_164, %dma_wait3A_165] : memref<10240x16xf32, #tpu.memory_space<vmem_shared>> -> memref<10240x16xf32, #tpu.memory_space<vmem_shared>>
    tpu.wait_indirect_dma semaphore(%arg32 : memref<!tpu.dma_semaphore, #tpu.memory_space<semaphore_mem>>) src(%arg30 : memref<80x16xf32, #tpu.memory_space<vmem>>) dst(%dma_wait3A_166 : memref<10240x16xf32, #tpu.memory_space<vmem_shared>>)
    %dma_start3A_167 = arith.constant 122 : i32
    %dma_start3A_168 = arith.constant 0 : i32
    %dma_start3A_169 = tpu.memref_slice %arg8[%dma_start3A_167, %dma_start3A_168] : memref<125x80xi32, #tpu.memory_space<vmem>> -> memref<1x80xi32, #tpu.memory_space<vmem>>
    %dma_start3A_170 = tpu.memref_squeeze %dma_start3A_169 : memref<1x80xi32, #tpu.memory_space<vmem>> -> memref<80xi32, #tpu.memory_space<vmem>>
    %dma_start3A_171 = arith.constant 0 : i32
    %dma_start3A_172 = arith.constant 0 : i32
    %dma_start3A_173 = tpu.memref_slice %arg31[%dma_start3A_171, %dma_start3A_172] : memref<10240x16xf32, #tpu.memory_space<vmem_shared>> -> memref<10240x16xf32, #tpu.memory_space<vmem_shared>>
    tpu.enqueue_indirect_dma source(%arg30 : memref<80x16xf32, #tpu.memory_space<vmem>>) target(%dma_start3A_173 : memref<10240x16xf32, #tpu.memory_space<vmem_shared>>) offsets(%dma_start3A_170 : memref<80xi32, #tpu.memory_space<vmem>>) semaphore(%arg32 : memref<!tpu.dma_semaphore, #tpu.memory_space<semaphore_mem>>) {add = true}
    %and3A_174 = arith.constant true
    %and3A_175 = arith.constant true
    %and3A_176 = arith.andi %and3A_174, %and3A_175 : i1
    %convert_element_type3A_177 = arith.extui %and3A_176 : i1 to i32
    %cond3A_178 = arith.constant 0 : i32
    %cond3A_179 = arith.cmpi ne, %convert_element_type3A_177, %cond3A_178 : i32
    scf.if %cond3A_179 {
      %dma_wait3A_305 = arith.constant 118 : i32
      %dma_wait3A_306 = arith.constant 0 : i32
      %dma_wait3A_307 = tpu.memref_slice %arg8[%dma_wait3A_305, %dma_wait3A_306] : memref<125x80xi32, #tpu.memory_space<vmem>> -> memref<1x80xi32, #tpu.memory_space<vmem>>
      %dma_wait3A_308 = tpu.memref_squeeze %dma_wait3A_307 : memref<1x80xi32, #tpu.memory_space<vmem>> -> memref<80xi32, #tpu.memory_space<vmem>>
      %dma_wait3A_309 = arith.constant 0 : i32
      %dma_wait3A_310 = arith.constant 0 : i32
      %dma_wait3A_311 = tpu.memref_slice %arg16[%dma_wait3A_309, %dma_wait3A_310] : memref<10240x64xf32, #tpu.memory_space<vmem_shared>> -> memref<10240x64xf32, #tpu.memory_space<vmem_shared>>
      tpu.wait_indirect_dma semaphore(%arg27 : memref<!tpu.dma_semaphore, #tpu.memory_space<semaphore_mem>>) src(%arg13 : memref<80x64xf32, #tpu.memory_space<vmem>>) dst(%dma_wait3A_311 : memref<10240x64xf32, #tpu.memory_space<vmem_shared>>)
    } else {
    }
    %dma_start3A_180 = arith.constant 124 : i32
    %dma_start3A_181 = arith.constant 0 : i32
    %dma_start3A_182 = tpu.memref_slice %arg7[%dma_start3A_180, %dma_start3A_181] : memref<125x80xi32, #tpu.memory_space<vmem>> -> memref<1x80xi32, #tpu.memory_space<vmem>>
    %dma_start3A_183 = tpu.memref_squeeze %dma_start3A_182 : memref<1x80xi32, #tpu.memory_space<vmem>> -> memref<80xi32, #tpu.memory_space<vmem>>
    %dma_start3A_184 = arith.constant 0 : i32
    %dma_start3A_185 = arith.constant 0 : i32
    %dma_start3A_186 = tpu.memref_slice %arg2[%dma_start3A_184, %dma_start3A_185] : memref<10000x64xf32, #tpu.memory_space<hbm>> -> memref<10000x64xf32, #tpu.memory_space<hbm>>
    tpu.enqueue_indirect_dma source(%dma_start3A_186 : memref<10000x64xf32, #tpu.memory_space<hbm>>) target(%arg13 : memref<80x64xf32, #tpu.memory_space<vmem>>) offsets(%dma_start3A_183 : memref<80xi32, #tpu.memory_space<vmem>>) semaphore(%arg21 : memref<!tpu.dma_semaphore, #tpu.memory_space<semaphore_mem>>)
    %dma_wait3A_187 = arith.constant 123 : i32
    %dma_wait3A_188 = arith.constant 0 : i32
    %dma_wait3A_189 = tpu.memref_slice %arg7[%dma_wait3A_187, %dma_wait3A_188] : memref<125x80xi32, #tpu.memory_space<vmem>> -> memref<1x80xi32, #tpu.memory_space<vmem>>
    %dma_wait3A_190 = tpu.memref_squeeze %dma_wait3A_189 : memref<1x80xi32, #tpu.memory_space<vmem>> -> memref<80xi32, #tpu.memory_space<vmem>>
    %dma_wait3A_191 = arith.constant 0 : i32
    %dma_wait3A_192 = arith.constant 0 : i32
    %dma_wait3A_193 = tpu.memref_slice %arg2[%dma_wait3A_191, %dma_wait3A_192] : memref<10000x64xf32, #tpu.memory_space<hbm>> -> memref<10000x64xf32, #tpu.memory_space<hbm>>
    tpu.wait_indirect_dma semaphore(%arg20 : memref<!tpu.dma_semaphore, #tpu.memory_space<semaphore_mem>>) src(%dma_wait3A_193 : memref<10000x64xf32, #tpu.memory_space<hbm>>) dst(%arg12 : memref<80x64xf32, #tpu.memory_space<vmem>>)
    %dma_start3A_194 = arith.constant 123 : i32
    %dma_start3A_195 = arith.constant 0 : i32
    %dma_start3A_196 = tpu.memref_slice %arg8[%dma_start3A_194, %dma_start3A_195] : memref<125x80xi32, #tpu.memory_space<vmem>> -> memref<1x80xi32, #tpu.memory_space<vmem>>
    %dma_start3A_197 = tpu.memref_squeeze %dma_start3A_196 : memref<1x80xi32, #tpu.memory_space<vmem>> -> memref<80xi32, #tpu.memory_space<vmem>>
    %dma_start3A_198 = arith.constant 0 : i32
    %dma_start3A_199 = arith.constant 0 : i32
    %dma_start3A_200 = tpu.memref_slice %arg16[%dma_start3A_198, %dma_start3A_199] : memref<10240x64xf32, #tpu.memory_space<vmem_shared>> -> memref<10240x64xf32, #tpu.memory_space<vmem_shared>>
    tpu.enqueue_indirect_dma source(%arg12 : memref<80x64xf32, #tpu.memory_space<vmem>>) target(%dma_start3A_200 : memref<10240x64xf32, #tpu.memory_space<vmem_shared>>) offsets(%dma_start3A_197 : memref<80xi32, #tpu.memory_space<vmem>>) semaphore(%arg26 : memref<!tpu.dma_semaphore, #tpu.memory_space<semaphore_mem>>) {add = true}
    %dma_wait3A_201 = arith.constant 122 : i32
    %dma_wait3A_202 = arith.constant 0 : i32
    %dma_wait3A_203 = tpu.memref_slice %arg8[%dma_wait3A_201, %dma_wait3A_202] : memref<125x80xi32, #tpu.memory_space<vmem>> -> memref<1x80xi32, #tpu.memory_space<vmem>>
    %dma_wait3A_204 = tpu.memref_squeeze %dma_wait3A_203 : memref<1x80xi32, #tpu.memory_space<vmem>> -> memref<80xi32, #tpu.memory_space<vmem>>
    %dma_wait3A_205 = arith.constant 0 : i32
    %dma_wait3A_206 = arith.constant 0 : i32
    %dma_wait3A_207 = tpu.memref_slice %arg31[%dma_wait3A_205, %dma_wait3A_206] : memref<10240x16xf32, #tpu.memory_space<vmem_shared>> -> memref<10240x16xf32, #tpu.memory_space<vmem_shared>>
    tpu.wait_indirect_dma semaphore(%arg32 : memref<!tpu.dma_semaphore, #tpu.memory_space<semaphore_mem>>) src(%arg30 : memref<80x16xf32, #tpu.memory_space<vmem>>) dst(%dma_wait3A_207 : memref<10240x16xf32, #tpu.memory_space<vmem_shared>>)
    %dma_start3A_208 = arith.constant 123 : i32
    %dma_start3A_209 = arith.constant 0 : i32
    %dma_start3A_210 = tpu.memref_slice %arg8[%dma_start3A_208, %dma_start3A_209] : memref<125x80xi32, #tpu.memory_space<vmem>> -> memref<1x80xi32, #tpu.memory_space<vmem>>
    %dma_start3A_211 = tpu.memref_squeeze %dma_start3A_210 : memref<1x80xi32, #tpu.memory_space<vmem>> -> memref<80xi32, #tpu.memory_space<vmem>>
    %dma_start3A_212 = arith.constant 0 : i32
    %dma_start3A_213 = arith.constant 0 : i32
    %dma_start3A_214 = tpu.memref_slice %arg31[%dma_start3A_212, %dma_start3A_213] : memref<10240x16xf32, #tpu.memory_space<vmem_shared>> -> memref<10240x16xf32, #tpu.memory_space<vmem_shared>>
    tpu.enqueue_indirect_dma source(%arg30 : memref<80x16xf32, #tpu.memory_space<vmem>>) target(%dma_start3A_214 : memref<10240x16xf32, #tpu.memory_space<vmem_shared>>) offsets(%dma_start3A_211 : memref<80xi32, #tpu.memory_space<vmem>>) semaphore(%arg32 : memref<!tpu.dma_semaphore, #tpu.memory_space<semaphore_mem>>) {add = true}
    %and3A_215 = arith.constant true
    %and3A_216 = arith.constant false
    %and3A_217 = arith.andi %and3A_215, %and3A_216 : i1
    %convert_element_type3A_218 = arith.extui %and3A_217 : i1 to i32
    %cond3A_219 = arith.constant 0 : i32
    %cond3A_220 = arith.cmpi ne, %convert_element_type3A_218, %cond3A_219 : i32
    scf.if %cond3A_220 {
      %dma_wait3A_305 = arith.constant 119 : i32
      %dma_wait3A_306 = arith.constant 0 : i32
      %dma_wait3A_307 = tpu.memref_slice %arg8[%dma_wait3A_305, %dma_wait3A_306] : memref<125x80xi32, #tpu.memory_space<vmem>> -> memref<1x80xi32, #tpu.memory_space<vmem>>
      %dma_wait3A_308 = tpu.memref_squeeze %dma_wait3A_307 : memref<1x80xi32, #tpu.memory_space<vmem>> -> memref<80xi32, #tpu.memory_space<vmem>>
      %dma_wait3A_309 = arith.constant 0 : i32
      %dma_wait3A_310 = arith.constant 0 : i32
      %dma_wait3A_311 = tpu.memref_slice %arg16[%dma_wait3A_309, %dma_wait3A_310] : memref<10240x64xf32, #tpu.memory_space<vmem_shared>> -> memref<10240x64xf32, #tpu.memory_space<vmem_shared>>
      tpu.wait_indirect_dma semaphore(%arg28 : memref<!tpu.dma_semaphore, #tpu.memory_space<semaphore_mem>>) src(%arg14 : memref<80x64xf32, #tpu.memory_space<vmem>>) dst(%dma_wait3A_311 : memref<10240x64xf32, #tpu.memory_space<vmem_shared>>)
    } else {
    }
    %dma_wait3A_221 = arith.constant 124 : i32
    %dma_wait3A_222 = arith.constant 0 : i32
    %dma_wait3A_223 = tpu.memref_slice %arg7[%dma_wait3A_221, %dma_wait3A_222] : memref<125x80xi32, #tpu.memory_space<vmem>> -> memref<1x80xi32, #tpu.memory_space<vmem>>
    %dma_wait3A_224 = tpu.memref_squeeze %dma_wait3A_223 : memref<1x80xi32, #tpu.memory_space<vmem>> -> memref<80xi32, #tpu.memory_space<vmem>>
    %dma_wait3A_225 = arith.constant 0 : i32
    %dma_wait3A_226 = arith.constant 0 : i32
    %dma_wait3A_227 = tpu.memref_slice %arg2[%dma_wait3A_225, %dma_wait3A_226] : memref<10000x64xf32, #tpu.memory_space<hbm>> -> memref<10000x64xf32, #tpu.memory_space<hbm>>
    tpu.wait_indirect_dma semaphore(%arg21 : memref<!tpu.dma_semaphore, #tpu.memory_space<semaphore_mem>>) src(%dma_wait3A_227 : memref<10000x64xf32, #tpu.memory_space<hbm>>) dst(%arg13 : memref<80x64xf32, #tpu.memory_space<vmem>>)
    %dma_start3A_228 = arith.constant 124 : i32
    %dma_start3A_229 = arith.constant 0 : i32
    %dma_start3A_230 = tpu.memref_slice %arg8[%dma_start3A_228, %dma_start3A_229] : memref<125x80xi32, #tpu.memory_space<vmem>> -> memref<1x80xi32, #tpu.memory_space<vmem>>
    %dma_start3A_231 = tpu.memref_squeeze %dma_start3A_230 : memref<1x80xi32, #tpu.memory_space<vmem>> -> memref<80xi32, #tpu.memory_space<vmem>>
    %dma_start3A_232 = arith.constant 0 : i32
    %dma_start3A_233 = arith.constant 0 : i32
    %dma_start3A_234 = tpu.memref_slice %arg16[%dma_start3A_232, %dma_start3A_233] : memref<10240x64xf32, #tpu.memory_space<vmem_shared>> -> memref<10240x64xf32, #tpu.memory_space<vmem_shared>>
    tpu.enqueue_indirect_dma source(%arg13 : memref<80x64xf32, #tpu.memory_space<vmem>>) target(%dma_start3A_234 : memref<10240x64xf32, #tpu.memory_space<vmem_shared>>) offsets(%dma_start3A_231 : memref<80xi32, #tpu.memory_space<vmem>>) semaphore(%arg27 : memref<!tpu.dma_semaphore, #tpu.memory_space<semaphore_mem>>) {add = true}
    %dma_wait3A_235 = arith.constant 123 : i32
    %dma_wait3A_236 = arith.constant 0 : i32
    %dma_wait3A_237 = tpu.memref_slice %arg8[%dma_wait3A_235, %dma_wait3A_236] : memref<125x80xi32, #tpu.memory_space<vmem>> -> memref<1x80xi32, #tpu.memory_space<vmem>>
    %dma_wait3A_238 = tpu.memref_squeeze %dma_wait3A_237 : memref<1x80xi32, #tpu.memory_space<vmem>> -> memref<80xi32, #tpu.memory_space<vmem>>
    %dma_wait3A_239 = arith.constant 0 : i32
    %dma_wait3A_240 = arith.constant 0 : i32
    %dma_wait3A_241 = tpu.memref_slice %arg31[%dma_wait3A_239, %dma_wait3A_240] : memref<10240x16xf32, #tpu.memory_space<vmem_shared>> -> memref<10240x16xf32, #tpu.memory_space<vmem_shared>>
    tpu.wait_indirect_dma semaphore(%arg32 : memref<!tpu.dma_semaphore, #tpu.memory_space<semaphore_mem>>) src(%arg30 : memref<80x16xf32, #tpu.memory_space<vmem>>) dst(%dma_wait3A_241 : memref<10240x16xf32, #tpu.memory_space<vmem_shared>>)
    %dma_start3A_242 = arith.constant 124 : i32
    %dma_start3A_243 = arith.constant 0 : i32
    %dma_start3A_244 = tpu.memref_slice %arg8[%dma_start3A_242, %dma_start3A_243] : memref<125x80xi32, #tpu.memory_space<vmem>> -> memref<1x80xi32, #tpu.memory_space<vmem>>
    %dma_start3A_245 = tpu.memref_squeeze %dma_start3A_244 : memref<1x80xi32, #tpu.memory_space<vmem>> -> memref<80xi32, #tpu.memory_space<vmem>>
    %dma_start3A_246 = arith.constant 0 : i32
    %dma_start3A_247 = arith.constant 0 : i32
    %dma_start3A_248 = tpu.memref_slice %arg31[%dma_start3A_246, %dma_start3A_247] : memref<10240x16xf32, #tpu.memory_space<vmem_shared>> -> memref<10240x16xf32, #tpu.memory_space<vmem_shared>>
    tpu.enqueue_indirect_dma source(%arg30 : memref<80x16xf32, #tpu.memory_space<vmem>>) target(%dma_start3A_248 : memref<10240x16xf32, #tpu.memory_space<vmem_shared>>) offsets(%dma_start3A_245 : memref<80xi32, #tpu.memory_space<vmem>>) semaphore(%arg32 : memref<!tpu.dma_semaphore, #tpu.memory_space<semaphore_mem>>) {add = true}
    %and3A_249 = arith.constant true
    %and3A_250 = arith.constant false
    %and3A_251 = arith.andi %and3A_249, %and3A_250 : i1
    %convert_element_type3A_252 = arith.extui %and3A_251 : i1 to i32
    %cond3A_253 = arith.constant 0 : i32
    %cond3A_254 = arith.cmpi ne, %convert_element_type3A_252, %cond3A_253 : i32
    scf.if %cond3A_254 {
      %dma_wait3A_305 = arith.constant 120 : i32
      %dma_wait3A_306 = arith.constant 0 : i32
      %dma_wait3A_307 = tpu.memref_slice %arg8[%dma_wait3A_305, %dma_wait3A_306] : memref<125x80xi32, #tpu.memory_space<vmem>> -> memref<1x80xi32, #tpu.memory_space<vmem>>
      %dma_wait3A_308 = tpu.memref_squeeze %dma_wait3A_307 : memref<1x80xi32, #tpu.memory_space<vmem>> -> memref<80xi32, #tpu.memory_space<vmem>>
      %dma_wait3A_309 = arith.constant 0 : i32
      %dma_wait3A_310 = arith.constant 0 : i32
      %dma_wait3A_311 = tpu.memref_slice %arg16[%dma_wait3A_309, %dma_wait3A_310] : memref<10240x64xf32, #tpu.memory_space<vmem_shared>> -> memref<10240x64xf32, #tpu.memory_space<vmem_shared>>
      tpu.wait_indirect_dma semaphore(%arg23 : memref<!tpu.dma_semaphore, #tpu.memory_space<semaphore_mem>>) src(%arg9 : memref<80x64xf32, #tpu.memory_space<vmem>>) dst(%dma_wait3A_311 : memref<10240x64xf32, #tpu.memory_space<vmem_shared>>)
    } else {
    }
    %dma_wait3A_255 = arith.constant 119 : i32
    %dma_wait3A_256 = arith.constant 0 : i32
    %dma_wait3A_257 = tpu.memref_slice %arg8[%dma_wait3A_255, %dma_wait3A_256] : memref<125x80xi32, #tpu.memory_space<vmem>> -> memref<1x80xi32, #tpu.memory_space<vmem>>
    %dma_wait3A_258 = tpu.memref_squeeze %dma_wait3A_257 : memref<1x80xi32, #tpu.memory_space<vmem>> -> memref<80xi32, #tpu.memory_space<vmem>>
    %dma_wait3A_259 = arith.constant 0 : i32
    %dma_wait3A_260 = arith.constant 0 : i32
    %dma_wait3A_261 = tpu.memref_slice %arg16[%dma_wait3A_259, %dma_wait3A_260] : memref<10240x64xf32, #tpu.memory_space<vmem_shared>> -> memref<10240x64xf32, #tpu.memory_space<vmem_shared>>
    tpu.wait_indirect_dma semaphore(%arg28 : memref<!tpu.dma_semaphore, #tpu.memory_space<semaphore_mem>>) src(%arg14 : memref<80x64xf32, #tpu.memory_space<vmem>>) dst(%dma_wait3A_261 : memref<10240x64xf32, #tpu.memory_space<vmem_shared>>)
    %dma_wait3A_262 = arith.constant 120 : i32
    %dma_wait3A_263 = arith.constant 0 : i32
    %dma_wait3A_264 = tpu.memref_slice %arg8[%dma_wait3A_262, %dma_wait3A_263] : memref<125x80xi32, #tpu.memory_space<vmem>> -> memref<1x80xi32, #tpu.memory_space<vmem>>
    %dma_wait3A_265 = tpu.memref_squeeze %dma_wait3A_264 : memref<1x80xi32, #tpu.memory_space<vmem>> -> memref<80xi32, #tpu.memory_space<vmem>>
    %dma_wait3A_266 = arith.constant 0 : i32
    %dma_wait3A_267 = arith.constant 0 : i32
    %dma_wait3A_268 = tpu.memref_slice %arg16[%dma_wait3A_266, %dma_wait3A_267] : memref<10240x64xf32, #tpu.memory_space<vmem_shared>> -> memref<10240x64xf32, #tpu.memory_space<vmem_shared>>
    tpu.wait_indirect_dma semaphore(%arg23 : memref<!tpu.dma_semaphore, #tpu.memory_space<semaphore_mem>>) src(%arg9 : memref<80x64xf32, #tpu.memory_space<vmem>>) dst(%dma_wait3A_268 : memref<10240x64xf32, #tpu.memory_space<vmem_shared>>)
    %dma_wait3A_269 = arith.constant 121 : i32
    %dma_wait3A_270 = arith.constant 0 : i32
    %dma_wait3A_271 = tpu.memref_slice %arg8[%dma_wait3A_269, %dma_wait3A_270] : memref<125x80xi32, #tpu.memory_space<vmem>> -> memref<1x80xi32, #tpu.memory_space<vmem>>
    %dma_wait3A_272 = tpu.memref_squeeze %dma_wait3A_271 : memref<1x80xi32, #tpu.memory_space<vmem>> -> memref<80xi32, #tpu.memory_space<vmem>>
    %dma_wait3A_273 = arith.constant 0 : i32
    %dma_wait3A_274 = arith.constant 0 : i32
    %dma_wait3A_275 = tpu.memref_slice %arg16[%dma_wait3A_273, %dma_wait3A_274] : memref<10240x64xf32, #tpu.memory_space<vmem_shared>> -> memref<10240x64xf32, #tpu.memory_space<vmem_shared>>
    tpu.wait_indirect_dma semaphore(%arg24 : memref<!tpu.dma_semaphore, #tpu.memory_space<semaphore_mem>>) src(%arg10 : memref<80x64xf32, #tpu.memory_space<vmem>>) dst(%dma_wait3A_275 : memref<10240x64xf32, #tpu.memory_space<vmem_shared>>)
    %dma_wait3A_276 = arith.constant 122 : i32
    %dma_wait3A_277 = arith.constant 0 : i32
    %dma_wait3A_278 = tpu.memref_slice %arg8[%dma_wait3A_276, %dma_wait3A_277] : memref<125x80xi32, #tpu.memory_space<vmem>> -> memref<1x80xi32, #tpu.memory_space<vmem>>
    %dma_wait3A_279 = tpu.memref_squeeze %dma_wait3A_278 : memref<1x80xi32, #tpu.memory_space<vmem>> -> memref<80xi32, #tpu.memory_space<vmem>>
    %dma_wait3A_280 = arith.constant 0 : i32
    %dma_wait3A_281 = arith.constant 0 : i32
    %dma_wait3A_282 = tpu.memref_slice %arg16[%dma_wait3A_280, %dma_wait3A_281] : memref<10240x64xf32, #tpu.memory_space<vmem_shared>> -> memref<10240x64xf32, #tpu.memory_space<vmem_shared>>
    tpu.wait_indirect_dma semaphore(%arg25 : memref<!tpu.dma_semaphore, #tpu.memory_space<semaphore_mem>>) src(%arg11 : memref<80x64xf32, #tpu.memory_space<vmem>>) dst(%dma_wait3A_282 : memref<10240x64xf32, #tpu.memory_space<vmem_shared>>)
    %dma_wait3A_283 = arith.constant 123 : i32
    %dma_wait3A_284 = arith.constant 0 : i32
    %dma_wait3A_285 = tpu.memref_slice %arg8[%dma_wait3A_283, %dma_wait3A_284] : memref<125x80xi32, #tpu.memory_space<vmem>> -> memref<1x80xi32, #tpu.memory_space<vmem>>
    %dma_wait3A_286 = tpu.memref_squeeze %dma_wait3A_285 : memref<1x80xi32, #tpu.memory_space<vmem>> -> memref<80xi32, #tpu.memory_space<vmem>>
    %dma_wait3A_287 = arith.constant 0 : i32
    %dma_wait3A_288 = arith.constant 0 : i32
    %dma_wait3A_289 = tpu.memref_slice %arg16[%dma_wait3A_287, %dma_wait3A_288] : memref<10240x64xf32, #tpu.memory_space<vmem_shared>> -> memref<10240x64xf32, #tpu.memory_space<vmem_shared>>
    tpu.wait_indirect_dma semaphore(%arg26 : memref<!tpu.dma_semaphore, #tpu.memory_space<semaphore_mem>>) src(%arg12 : memref<80x64xf32, #tpu.memory_space<vmem>>) dst(%dma_wait3A_289 : memref<10240x64xf32, #tpu.memory_space<vmem_shared>>)
    %dma_wait3A_290 = arith.constant 124 : i32
    %dma_wait3A_291 = arith.constant 0 : i32
    %dma_wait3A_292 = tpu.memref_slice %arg8[%dma_wait3A_290, %dma_wait3A_291] : memref<125x80xi32, #tpu.memory_space<vmem>> -> memref<1x80xi32, #tpu.memory_space<vmem>>
    %dma_wait3A_293 = tpu.memref_squeeze %dma_wait3A_292 : memref<1x80xi32, #tpu.memory_space<vmem>> -> memref<80xi32, #tpu.memory_space<vmem>>
    %dma_wait3A_294 = arith.constant 0 : i32
    %dma_wait3A_295 = arith.constant 0 : i32
    %dma_wait3A_296 = tpu.memref_slice %arg16[%dma_wait3A_294, %dma_wait3A_295] : memref<10240x64xf32, #tpu.memory_space<vmem_shared>> -> memref<10240x64xf32, #tpu.memory_space<vmem_shared>>
    tpu.wait_indirect_dma semaphore(%arg27 : memref<!tpu.dma_semaphore, #tpu.memory_space<semaphore_mem>>) src(%arg13 : memref<80x64xf32, #tpu.memory_space<vmem>>) dst(%dma_wait3A_296 : memref<10240x64xf32, #tpu.memory_space<vmem_shared>>)
    %dma_wait3A_297 = arith.constant 124 : i32
    %dma_wait3A_298 = arith.constant 0 : i32
    %dma_wait3A_299 = tpu.memref_slice %arg8[%dma_wait3A_297, %dma_wait3A_298] : memref<125x80xi32, #tpu.memory_space<vmem>> -> memref<1x80xi32, #tpu.memory_space<vmem>>
    %dma_wait3A_300 = tpu.memref_squeeze %dma_wait3A_299 : memref<1x80xi32, #tpu.memory_space<vmem>> -> memref<80xi32, #tpu.memory_space<vmem>>
    %dma_wait3A_301 = arith.constant 0 : i32
    %dma_wait3A_302 = arith.constant 0 : i32
    %dma_wait3A_303 = tpu.memref_slice %arg31[%dma_wait3A_301, %dma_wait3A_302] : memref<10240x16xf32, #tpu.memory_space<vmem_shared>> -> memref<10240x16xf32, #tpu.memory_space<vmem_shared>>
    tpu.wait_indirect_dma semaphore(%arg32 : memref<!tpu.dma_semaphore, #tpu.memory_space<semaphore_mem>>) src(%arg30 : memref<80x16xf32, #tpu.memory_space<vmem>>) dst(%dma_wait3A_303 : memref<10240x16xf32, #tpu.memory_space<vmem_shared>>)
    %barrier3A_304 = arith.constant 0 : index
    tpu.barrier barrier_id(%barrier3A_304)
    "tpu.region"() ({
      %run_scoped3A = tpu.sem_alloc : memref<!tpu.dma_semaphore, #tpu.memory_space<semaphore_mem>>
      %dma_start3A_305 = arith.constant 0 : i32
      %dma_start3A_306 = tpu.memref_slice %arg5[%arg0, %mul3A_16, %dma_start3A_305] : memref<2x10240x64xf32, #tpu.memory_space<hbm>> -> memref<1x640x64xf32, #tpu.memory_space<hbm>>
      %dma_start3A_307 = tpu.memref_squeeze %dma_start3A_306 : memref<1x640x64xf32, #tpu.memory_space<hbm>> -> memref<640x64xf32, #tpu.memory_space<hbm>>
      %dma_start3A_308 = arith.constant 0 : i32
      %dma_start3A_309 = tpu.memref_slice %arg16[%mul3A_16, %dma_start3A_308] : memref<10240x64xf32, #tpu.memory_space<vmem_shared>> -> memref<640x64xf32, #tpu.memory_space<vmem_shared>>
      tpu.enqueue_dma source(%dma_start3A_309 : memref<640x64xf32, #tpu.memory_space<vmem_shared>>) target(%dma_start3A_307 : memref<640x64xf32, #tpu.memory_space<hbm>>) target_semaphore(%run_scoped3A : memref<!tpu.dma_semaphore, #tpu.memory_space<semaphore_mem>>)
      %dma_wait3A_310 = arith.constant 0 : i32
      %dma_wait3A_311 = tpu.memref_slice %arg5[%arg0, %mul3A_16, %dma_wait3A_310] : memref<2x10240x64xf32, #tpu.memory_space<hbm>> -> memref<1x640x64xf32, #tpu.memory_space<hbm>>
      %dma_wait3A_312 = tpu.memref_squeeze %dma_wait3A_311 : memref<1x640x64xf32, #tpu.memory_space<hbm>> -> memref<640x64xf32, #tpu.memory_space<hbm>>
      %dma_wait3A_313 = arith.constant 0 : i32
      %dma_wait3A_314 = tpu.memref_slice %arg16[%mul3A_16, %dma_wait3A_313] : memref<10240x64xf32, #tpu.memory_space<vmem_shared>> -> memref<640x64xf32, #tpu.memory_space<vmem_shared>>
      tpu.wait_dma2 semaphore(%run_scoped3A : memref<!tpu.dma_semaphore, #tpu.memory_space<semaphore_mem>>) src(%dma_wait3A_314 : memref<640x64xf32, #tpu.memory_space<vmem_shared>>) dst(%dma_wait3A_312 : memref<640x64xf32, #tpu.memory_space<hbm>>)
      tpu.yield
    }) : () -> ()
    "tpu.region"() ({
      %run_scoped3A = tpu.sem_alloc : memref<!tpu.dma_semaphore, #tpu.memory_space<semaphore_mem>>
      %dma_start3A_305 = arith.constant 0 : i32
      %dma_start3A_306 = tpu.memref_slice %arg6[%arg0, %mul3A_16, %dma_start3A_305] : memref<2x10240x16xf32, #tpu.memory_space<hbm>> -> memref<1x640x16xf32, #tpu.memory_space<hbm>>
      %dma_start3A_307 = tpu.memref_squeeze %dma_start3A_306 : memref<1x640x16xf32, #tpu.memory_space<hbm>> -> memref<640x16xf32, #tpu.memory_space<hbm>>
      %dma_start3A_308 = arith.constant 0 : i32
      %dma_start3A_309 = tpu.memref_slice %arg31[%mul3A_16, %dma_start3A_308] : memref<10240x16xf32, #tpu.memory_space<vmem_shared>> -> memref<640x16xf32, #tpu.memory_space<vmem_shared>>
      tpu.enqueue_dma source(%dma_start3A_309 : memref<640x16xf32, #tpu.memory_space<vmem_shared>>) target(%dma_start3A_307 : memref<640x16xf32, #tpu.memory_space<hbm>>) target_semaphore(%run_scoped3A : memref<!tpu.dma_semaphore, #tpu.memory_space<semaphore_mem>>)
      %dma_wait3A_310 = arith.constant 0 : i32
      %dma_wait3A_311 = tpu.memref_slice %arg6[%arg0, %mul3A_16, %dma_wait3A_310] : memref<2x10240x16xf32, #tpu.memory_space<hbm>> -> memref<1x640x16xf32, #tpu.memory_space<hbm>>
      %dma_wait3A_312 = tpu.memref_squeeze %dma_wait3A_311 : memref<1x640x16xf32, #tpu.memory_space<hbm>> -> memref<640x16xf32, #tpu.memory_space<hbm>>
      %dma_wait3A_313 = arith.constant 0 : i32
      %dma_wait3A_314 = tpu.memref_slice %arg31[%mul3A_16, %dma_wait3A_313] : memref<10240x16xf32, #tpu.memory_space<vmem_shared>> -> memref<640x16xf32, #tpu.memory_space<vmem_shared>>
      tpu.wait_dma2 semaphore(%run_scoped3A : memref<!tpu.dma_semaphore, #tpu.memory_space<semaphore_mem>>) src(%dma_wait3A_314 : memref<640x16xf32, #tpu.memory_space<vmem_shared>>) dst(%dma_wait3A_312 : memref<640x16xf32, #tpu.memory_space<hbm>>)
      tpu.yield
    }) : () -> ()
    return
  }
}

#map = affine_map<(d0, d1) -> (0, 0)>
#map1 = affine_map<(d0, d1) -> (0, 0, 0)>
module attributes {stable_mosaic.version = 14 : i64} {
  func.func @body(%arg0: i32, %arg1: i32, %arg2: memref<10000x64xf32, #tpu.memory_space<hbm>>, %arg3: memref<32x125x80xi32, #tpu.memory_space<hbm>>, %arg4: memref<32x125x80xi32, #tpu.memory_space<hbm>>, %arg5: memref<2x10240x64xf32, #tpu.memory_space<hbm>>, %arg6: memref<125x80xi32, #tpu.memory_space<vmem>>, %arg7: memref<125x80xi32, #tpu.memory_space<vmem>>, %arg8: memref<80x64xf32, #tpu.memory_space<vmem>>, %arg9: memref<80x64xf32, #tpu.memory_space<vmem>>, %arg10: memref<80x64xf32, #tpu.memory_space<vmem>>, %arg11: memref<80x64xf32, #tpu.memory_space<vmem>>, %arg12: memref<80x64xf32, #tpu.memory_space<vmem>>, %arg13: memref<80x64xf32, #tpu.memory_space<vmem>>, %arg14: memref<80x64xf32, #tpu.memory_space<vmem>>, %arg15: memref<10240x64xf32, #tpu.memory_space<vmem_shared>>, %arg16: memref<!tpu.dma_semaphore, #tpu.memory_space<semaphore_mem>>, %arg17: memref<!tpu.dma_semaphore, #tpu.memory_space<semaphore_mem>>, %arg18: memref<!tpu.dma_semaphore, #tpu.memory_space<semaphore_mem>>, %arg19: memref<!tpu.dma_semaphore, #tpu.memory_space<semaphore_mem>>, %arg20: memref<!tpu.dma_semaphore, #tpu.memory_space<semaphore_mem>>, %arg21: memref<!tpu.dma_semaphore, #tpu.memory_space<semaphore_mem>>, %arg22: memref<!tpu.dma_semaphore, #tpu.memory_space<semaphore_mem>>, %arg23: memref<!tpu.dma_semaphore, #tpu.memory_space<semaphore_mem>>, %arg24: memref<!tpu.dma_semaphore, #tpu.memory_space<semaphore_mem>>, %arg25: memref<!tpu.dma_semaphore, #tpu.memory_space<semaphore_mem>>, %arg26: memref<!tpu.dma_semaphore, #tpu.memory_space<semaphore_mem>>, %arg27: memref<!tpu.dma_semaphore, #tpu.memory_space<semaphore_mem>>) attributes {dimension_semantics = [#tpu.dimension_semantics<core_parallel>, #tpu.dimension_semantics<subcore_parallel>], iteration_bounds = array<i64: 2, 16>, scalar_prefetch = 0 : i64, scratch_operands = 22 : i64, tpu.core_type = #tpu.core_type<sc_vector_subcore>, window_params = [{transform_indices = #map}, {transform_indices = #map1}, {transform_indices = #map1}, {transform_indices = #map1}]} {
    %mul3A = arith.constant 2 : i32
    %mul3A_0 = arith.muli %arg1, %mul3A : i32
    %add3A = arith.addi %mul3A_0, %arg0 : i32
    %broadcast_in_dim3A = arith.constant 0.000000e+00 : f32
    %broadcast_in_dim3A_1 = vector.broadcast %broadcast_in_dim3A : f32 to vector<16xf32>
    %scan3A = arith.constant 0 : i32
    %scan3A_2 = arith.constant 0 : i32
    %scan3A_3 = arith.constant 80 : i32
    %scan3A_4 = arith.addi %scan3A_2, %scan3A_3 : i32
    %scan3A_5 = arith.constant 1 : i32
    scf.for %scan3A_204 = %scan3A_2 to %scan3A_4 step %scan3A_5  : i32 {
      %swap3A = arith.index_cast %scan3A_204 : i32 to index
      %swap3A_205 = arith.constant 0 : index
      %swap3A_206 = tpu.vector_load %arg14[%swap3A, %swap3A_205] {strides = array<i32>} : memref<80x64xf32, #tpu.memory_space<vmem>>, vector<1x16xf32>,
      %swap3A_207 = vector.shape_cast %swap3A_206 : vector<1x16xf32> to vector<16xf32>
      %swap3A_208 = vector.shape_cast %broadcast_in_dim3A_1 : vector<16xf32> to vector<1x16xf32>
      tpu.vector_store %arg14[%swap3A, %swap3A_205], %swap3A_208 {strides = array<i32>} : memref<80x64xf32, #tpu.memory_space<vmem>>, vector<1x16xf32>,
      %swap3A_209 = arith.index_cast %scan3A_204 : i32 to index
      %swap3A_210 = arith.constant 16 : index
      %swap3A_211 = tpu.vector_load %arg14[%swap3A_209, %swap3A_210] {strides = array<i32>} : memref<80x64xf32, #tpu.memory_space<vmem>>, vector<1x16xf32>,
      %swap3A_212 = vector.shape_cast %swap3A_211 : vector<1x16xf32> to vector<16xf32>
      %swap3A_213 = vector.shape_cast %broadcast_in_dim3A_1 : vector<16xf32> to vector<1x16xf32>
      tpu.vector_store %arg14[%swap3A_209, %swap3A_210], %swap3A_213 {strides = array<i32>} : memref<80x64xf32, #tpu.memory_space<vmem>>, vector<1x16xf32>,
      %swap3A_214 = arith.index_cast %scan3A_204 : i32 to index
      %swap3A_215 = arith.constant 32 : index
      %swap3A_216 = tpu.vector_load %arg14[%swap3A_214, %swap3A_215] {strides = array<i32>} : memref<80x64xf32, #tpu.memory_space<vmem>>, vector<1x16xf32>,
      %swap3A_217 = vector.shape_cast %swap3A_216 : vector<1x16xf32> to vector<16xf32>
      %swap3A_218 = vector.shape_cast %broadcast_in_dim3A_1 : vector<16xf32> to vector<1x16xf32>
      tpu.vector_store %arg14[%swap3A_214, %swap3A_215], %swap3A_218 {strides = array<i32>} : memref<80x64xf32, #tpu.memory_space<vmem>>, vector<1x16xf32>,
      %swap3A_219 = arith.index_cast %scan3A_204 : i32 to index
      %swap3A_220 = arith.constant 48 : index
      %swap3A_221 = tpu.vector_load %arg14[%swap3A_219, %swap3A_220] {strides = array<i32>} : memref<80x64xf32, #tpu.memory_space<vmem>>, vector<1x16xf32>,
      %swap3A_222 = vector.shape_cast %swap3A_221 : vector<1x16xf32> to vector<16xf32>
      %swap3A_223 = vector.shape_cast %broadcast_in_dim3A_1 : vector<16xf32> to vector<1x16xf32>
      tpu.vector_store %arg14[%swap3A_219, %swap3A_220], %swap3A_223 {strides = array<i32>} : memref<80x64xf32, #tpu.memory_space<vmem>>, vector<1x16xf32>,
    }
    %scan3A_6 = arith.constant 80 : i32
    %mul3A_7 = arith.constant 640 : i32
    %mul3A_8 = arith.muli %arg1, %mul3A_7 : i32
    %add3A_9 = arith.constant 0 : i32
    %add3A_10 = arith.addi %mul3A_8, %add3A_9 : i32
    "tpu.region"() ({
      %run_scoped3A = tpu.sem_alloc : memref<!tpu.dma_semaphore, #tpu.memory_space<semaphore_mem>>
      %dma_start3A_204 = arith.constant 0 : i32
      %dma_start3A_205 = tpu.memref_slice %arg15[%add3A_10, %dma_start3A_204] : memref<10240x64xf32, #tpu.memory_space<vmem_shared>> -> memref<80x64xf32, #tpu.memory_space<vmem_shared>>
      %dma_start3A_206 = arith.constant 0 : i32
      %dma_start3A_207 = tpu.memref_slice %arg15[%add3A_10, %dma_start3A_206] : memref<10240x64xf32, #tpu.memory_space<vmem_shared>> -> memref<80x64xf32, #tpu.memory_space<vmem_shared>>
      tpu.enqueue_dma source(%arg14 : memref<80x64xf32, #tpu.memory_space<vmem>>) target(%dma_start3A_207 : memref<80x64xf32, #tpu.memory_space<vmem_shared>>) target_semaphore(%run_scoped3A : memref<!tpu.dma_semaphore, #tpu.memory_space<semaphore_mem>>)
      %dma_wait3A_208 = arith.constant 0 : i32
      %dma_wait3A_209 = tpu.memref_slice %arg15[%add3A_10, %dma_wait3A_208] : memref<10240x64xf32, #tpu.memory_space<vmem_shared>> -> memref<80x64xf32, #tpu.memory_space<vmem_shared>>
      %dma_wait3A_210 = arith.constant 0 : i32
      %dma_wait3A_211 = tpu.memref_slice %arg15[%add3A_10, %dma_wait3A_210] : memref<10240x64xf32, #tpu.memory_space<vmem_shared>> -> memref<80x64xf32, #tpu.memory_space<vmem_shared>>
      tpu.wait_dma2 semaphore(%run_scoped3A : memref<!tpu.dma_semaphore, #tpu.memory_space<semaphore_mem>>) src(%arg14 : memref<80x64xf32, #tpu.memory_space<vmem>>) dst(%dma_wait3A_211 : memref<80x64xf32, #tpu.memory_space<vmem_shared>>)
      tpu.yield
    }) : () -> ()
    %add3A_11 = arith.constant 80 : i32
    %add3A_12 = arith.addi %mul3A_8, %add3A_11 : i32
    "tpu.region"() ({
      %run_scoped3A = tpu.sem_alloc : memref<!tpu.dma_semaphore, #tpu.memory_space<semaphore_mem>>
      %dma_start3A_204 = arith.constant 0 : i32
      %dma_start3A_205 = tpu.memref_slice %arg15[%add3A_12, %dma_start3A_204] : memref<10240x64xf32, #tpu.memory_space<vmem_shared>> -> memref<80x64xf32, #tpu.memory_space<vmem_shared>>
      %dma_start3A_206 = arith.constant 0 : i32
      %dma_start3A_207 = tpu.memref_slice %arg15[%add3A_12, %dma_start3A_206] : memref<10240x64xf32, #tpu.memory_space<vmem_shared>> -> memref<80x64xf32, #tpu.memory_space<vmem_shared>>
      tpu.enqueue_dma source(%arg14 : memref<80x64xf32, #tpu.memory_space<vmem>>) target(%dma_start3A_207 : memref<80x64xf32, #tpu.memory_space<vmem_shared>>) target_semaphore(%run_scoped3A : memref<!tpu.dma_semaphore, #tpu.memory_space<semaphore_mem>>)
      %dma_wait3A_208 = arith.constant 0 : i32
      %dma_wait3A_209 = tpu.memref_slice %arg15[%add3A_12, %dma_wait3A_208] : memref<10240x64xf32, #tpu.memory_space<vmem_shared>> -> memref<80x64xf32, #tpu.memory_space<vmem_shared>>
      %dma_wait3A_210 = arith.constant 0 : i32
      %dma_wait3A_211 = tpu.memref_slice %arg15[%add3A_12, %dma_wait3A_210] : memref<10240x64xf32, #tpu.memory_space<vmem_shared>> -> memref<80x64xf32, #tpu.memory_space<vmem_shared>>
      tpu.wait_dma2 semaphore(%run_scoped3A : memref<!tpu.dma_semaphore, #tpu.memory_space<semaphore_mem>>) src(%arg14 : memref<80x64xf32, #tpu.memory_space<vmem>>) dst(%dma_wait3A_211 : memref<80x64xf32, #tpu.memory_space<vmem_shared>>)
      tpu.yield
    }) : () -> ()
    %add3A_13 = arith.constant 160 : i32
    %add3A_14 = arith.addi %mul3A_8, %add3A_13 : i32
    "tpu.region"() ({
      %run_scoped3A = tpu.sem_alloc : memref<!tpu.dma_semaphore, #tpu.memory_space<semaphore_mem>>
      %dma_start3A_204 = arith.constant 0 : i32
      %dma_start3A_205 = tpu.memref_slice %arg15[%add3A_14, %dma_start3A_204] : memref<10240x64xf32, #tpu.memory_space<vmem_shared>> -> memref<80x64xf32, #tpu.memory_space<vmem_shared>>
      %dma_start3A_206 = arith.constant 0 : i32
      %dma_start3A_207 = tpu.memref_slice %arg15[%add3A_14, %dma_start3A_206] : memref<10240x64xf32, #tpu.memory_space<vmem_shared>> -> memref<80x64xf32, #tpu.memory_space<vmem_shared>>
      tpu.enqueue_dma source(%arg14 : memref<80x64xf32, #tpu.memory_space<vmem>>) target(%dma_start3A_207 : memref<80x64xf32, #tpu.memory_space<vmem_shared>>) target_semaphore(%run_scoped3A : memref<!tpu.dma_semaphore, #tpu.memory_space<semaphore_mem>>)
      %dma_wait3A_208 = arith.constant 0 : i32
      %dma_wait3A_209 = tpu.memref_slice %arg15[%add3A_14, %dma_wait3A_208] : memref<10240x64xf32, #tpu.memory_space<vmem_shared>> -> memref<80x64xf32, #tpu.memory_space<vmem_shared>>
      %dma_wait3A_210 = arith.constant 0 : i32
      %dma_wait3A_211 = tpu.memref_slice %arg15[%add3A_14, %dma_wait3A_210] : memref<10240x64xf32, #tpu.memory_space<vmem_shared>> -> memref<80x64xf32, #tpu.memory_space<vmem_shared>>
      tpu.wait_dma2 semaphore(%run_scoped3A : memref<!tpu.dma_semaphore, #tpu.memory_space<semaphore_mem>>) src(%arg14 : memref<80x64xf32, #tpu.memory_space<vmem>>) dst(%dma_wait3A_211 : memref<80x64xf32, #tpu.memory_space<vmem_shared>>)
      tpu.yield
    }) : () -> ()
    %add3A_15 = arith.constant 240 : i32
    %add3A_16 = arith.addi %mul3A_8, %add3A_15 : i32
    "tpu.region"() ({
      %run_scoped3A = tpu.sem_alloc : memref<!tpu.dma_semaphore, #tpu.memory_space<semaphore_mem>>
      %dma_start3A_204 = arith.constant 0 : i32
      %dma_start3A_205 = tpu.memref_slice %arg15[%add3A_16, %dma_start3A_204] : memref<10240x64xf32, #tpu.memory_space<vmem_shared>> -> memref<80x64xf32, #tpu.memory_space<vmem_shared>>
      %dma_start3A_206 = arith.constant 0 : i32
      %dma_start3A_207 = tpu.memref_slice %arg15[%add3A_16, %dma_start3A_206] : memref<10240x64xf32, #tpu.memory_space<vmem_shared>> -> memref<80x64xf32, #tpu.memory_space<vmem_shared>>
      tpu.enqueue_dma source(%arg14 : memref<80x64xf32, #tpu.memory_space<vmem>>) target(%dma_start3A_207 : memref<80x64xf32, #tpu.memory_space<vmem_shared>>) target_semaphore(%run_scoped3A : memref<!tpu.dma_semaphore, #tpu.memory_space<semaphore_mem>>)
      %dma_wait3A_208 = arith.constant 0 : i32
      %dma_wait3A_209 = tpu.memref_slice %arg15[%add3A_16, %dma_wait3A_208] : memref<10240x64xf32, #tpu.memory_space<vmem_shared>> -> memref<80x64xf32, #tpu.memory_space<vmem_shared>>
      %dma_wait3A_210 = arith.constant 0 : i32
      %dma_wait3A_211 = tpu.memref_slice %arg15[%add3A_16, %dma_wait3A_210] : memref<10240x64xf32, #tpu.memory_space<vmem_shared>> -> memref<80x64xf32, #tpu.memory_space<vmem_shared>>
      tpu.wait_dma2 semaphore(%run_scoped3A : memref<!tpu.dma_semaphore, #tpu.memory_space<semaphore_mem>>) src(%arg14 : memref<80x64xf32, #tpu.memory_space<vmem>>) dst(%dma_wait3A_211 : memref<80x64xf32, #tpu.memory_space<vmem_shared>>)
      tpu.yield
    }) : () -> ()
    %add3A_17 = arith.constant 320 : i32
    %add3A_18 = arith.addi %mul3A_8, %add3A_17 : i32
    "tpu.region"() ({
      %run_scoped3A = tpu.sem_alloc : memref<!tpu.dma_semaphore, #tpu.memory_space<semaphore_mem>>
      %dma_start3A_204 = arith.constant 0 : i32
      %dma_start3A_205 = tpu.memref_slice %arg15[%add3A_18, %dma_start3A_204] : memref<10240x64xf32, #tpu.memory_space<vmem_shared>> -> memref<80x64xf32, #tpu.memory_space<vmem_shared>>
      %dma_start3A_206 = arith.constant 0 : i32
      %dma_start3A_207 = tpu.memref_slice %arg15[%add3A_18, %dma_start3A_206] : memref<10240x64xf32, #tpu.memory_space<vmem_shared>> -> memref<80x64xf32, #tpu.memory_space<vmem_shared>>
      tpu.enqueue_dma source(%arg14 : memref<80x64xf32, #tpu.memory_space<vmem>>) target(%dma_start3A_207 : memref<80x64xf32, #tpu.memory_space<vmem_shared>>) target_semaphore(%run_scoped3A : memref<!tpu.dma_semaphore, #tpu.memory_space<semaphore_mem>>)
      %dma_wait3A_208 = arith.constant 0 : i32
      %dma_wait3A_209 = tpu.memref_slice %arg15[%add3A_18, %dma_wait3A_208] : memref<10240x64xf32, #tpu.memory_space<vmem_shared>> -> memref<80x64xf32, #tpu.memory_space<vmem_shared>>
      %dma_wait3A_210 = arith.constant 0 : i32
      %dma_wait3A_211 = tpu.memref_slice %arg15[%add3A_18, %dma_wait3A_210] : memref<10240x64xf32, #tpu.memory_space<vmem_shared>> -> memref<80x64xf32, #tpu.memory_space<vmem_shared>>
      tpu.wait_dma2 semaphore(%run_scoped3A : memref<!tpu.dma_semaphore, #tpu.memory_space<semaphore_mem>>) src(%arg14 : memref<80x64xf32, #tpu.memory_space<vmem>>) dst(%dma_wait3A_211 : memref<80x64xf32, #tpu.memory_space<vmem_shared>>)
      tpu.yield
    }) : () -> ()
    %add3A_19 = arith.constant 400 : i32
    %add3A_20 = arith.addi %mul3A_8, %add3A_19 : i32
    "tpu.region"() ({
      %run_scoped3A = tpu.sem_alloc : memref<!tpu.dma_semaphore, #tpu.memory_space<semaphore_mem>>
      %dma_start3A_204 = arith.constant 0 : i32
      %dma_start3A_205 = tpu.memref_slice %arg15[%add3A_20, %dma_start3A_204] : memref<10240x64xf32, #tpu.memory_space<vmem_shared>> -> memref<80x64xf32, #tpu.memory_space<vmem_shared>>
      %dma_start3A_206 = arith.constant 0 : i32
      %dma_start3A_207 = tpu.memref_slice %arg15[%add3A_20, %dma_start3A_206] : memref<10240x64xf32, #tpu.memory_space<vmem_shared>> -> memref<80x64xf32, #tpu.memory_space<vmem_shared>>
      tpu.enqueue_dma source(%arg14 : memref<80x64xf32, #tpu.memory_space<vmem>>) target(%dma_start3A_207 : memref<80x64xf32, #tpu.memory_space<vmem_shared>>) target_semaphore(%run_scoped3A : memref<!tpu.dma_semaphore, #tpu.memory_space<semaphore_mem>>)
      %dma_wait3A_208 = arith.constant 0 : i32
      %dma_wait3A_209 = tpu.memref_slice %arg15[%add3A_20, %dma_wait3A_208] : memref<10240x64xf32, #tpu.memory_space<vmem_shared>> -> memref<80x64xf32, #tpu.memory_space<vmem_shared>>
      %dma_wait3A_210 = arith.constant 0 : i32
      %dma_wait3A_211 = tpu.memref_slice %arg15[%add3A_20, %dma_wait3A_210] : memref<10240x64xf32, #tpu.memory_space<vmem_shared>> -> memref<80x64xf32, #tpu.memory_space<vmem_shared>>
      tpu.wait_dma2 semaphore(%run_scoped3A : memref<!tpu.dma_semaphore, #tpu.memory_space<semaphore_mem>>) src(%arg14 : memref<80x64xf32, #tpu.memory_space<vmem>>) dst(%dma_wait3A_211 : memref<80x64xf32, #tpu.memory_space<vmem_shared>>)
      tpu.yield
    }) : () -> ()
    %add3A_21 = arith.constant 480 : i32
    %add3A_22 = arith.addi %mul3A_8, %add3A_21 : i32
    "tpu.region"() ({
      %run_scoped3A = tpu.sem_alloc : memref<!tpu.dma_semaphore, #tpu.memory_space<semaphore_mem>>
      %dma_start3A_204 = arith.constant 0 : i32
      %dma_start3A_205 = tpu.memref_slice %arg15[%add3A_22, %dma_start3A_204] : memref<10240x64xf32, #tpu.memory_space<vmem_shared>> -> memref<80x64xf32, #tpu.memory_space<vmem_shared>>
      %dma_start3A_206 = arith.constant 0 : i32
      %dma_start3A_207 = tpu.memref_slice %arg15[%add3A_22, %dma_start3A_206] : memref<10240x64xf32, #tpu.memory_space<vmem_shared>> -> memref<80x64xf32, #tpu.memory_space<vmem_shared>>
      tpu.enqueue_dma source(%arg14 : memref<80x64xf32, #tpu.memory_space<vmem>>) target(%dma_start3A_207 : memref<80x64xf32, #tpu.memory_space<vmem_shared>>) target_semaphore(%run_scoped3A : memref<!tpu.dma_semaphore, #tpu.memory_space<semaphore_mem>>)
      %dma_wait3A_208 = arith.constant 0 : i32
      %dma_wait3A_209 = tpu.memref_slice %arg15[%add3A_22, %dma_wait3A_208] : memref<10240x64xf32, #tpu.memory_space<vmem_shared>> -> memref<80x64xf32, #tpu.memory_space<vmem_shared>>
      %dma_wait3A_210 = arith.constant 0 : i32
      %dma_wait3A_211 = tpu.memref_slice %arg15[%add3A_22, %dma_wait3A_210] : memref<10240x64xf32, #tpu.memory_space<vmem_shared>> -> memref<80x64xf32, #tpu.memory_space<vmem_shared>>
      tpu.wait_dma2 semaphore(%run_scoped3A : memref<!tpu.dma_semaphore, #tpu.memory_space<semaphore_mem>>) src(%arg14 : memref<80x64xf32, #tpu.memory_space<vmem>>) dst(%dma_wait3A_211 : memref<80x64xf32, #tpu.memory_space<vmem_shared>>)
      tpu.yield
    }) : () -> ()
    %add3A_23 = arith.constant 560 : i32
    %add3A_24 = arith.addi %mul3A_8, %add3A_23 : i32
    "tpu.region"() ({
      %run_scoped3A = tpu.sem_alloc : memref<!tpu.dma_semaphore, #tpu.memory_space<semaphore_mem>>
      %dma_start3A_204 = arith.constant 0 : i32
      %dma_start3A_205 = tpu.memref_slice %arg15[%add3A_24, %dma_start3A_204] : memref<10240x64xf32, #tpu.memory_space<vmem_shared>> -> memref<80x64xf32, #tpu.memory_space<vmem_shared>>
      %dma_start3A_206 = arith.constant 0 : i32
      %dma_start3A_207 = tpu.memref_slice %arg15[%add3A_24, %dma_start3A_206] : memref<10240x64xf32, #tpu.memory_space<vmem_shared>> -> memref<80x64xf32, #tpu.memory_space<vmem_shared>>
      tpu.enqueue_dma source(%arg14 : memref<80x64xf32, #tpu.memory_space<vmem>>) target(%dma_start3A_207 : memref<80x64xf32, #tpu.memory_space<vmem_shared>>) target_semaphore(%run_scoped3A : memref<!tpu.dma_semaphore, #tpu.memory_space<semaphore_mem>>)
      %dma_wait3A_208 = arith.constant 0 : i32
      %dma_wait3A_209 = tpu.memref_slice %arg15[%add3A_24, %dma_wait3A_208] : memref<10240x64xf32, #tpu.memory_space<vmem_shared>> -> memref<80x64xf32, #tpu.memory_space<vmem_shared>>
      %dma_wait3A_210 = arith.constant 0 : i32
      %dma_wait3A_211 = tpu.memref_slice %arg15[%add3A_24, %dma_wait3A_210] : memref<10240x64xf32, #tpu.memory_space<vmem_shared>> -> memref<80x64xf32, #tpu.memory_space<vmem_shared>>
      tpu.wait_dma2 semaphore(%run_scoped3A : memref<!tpu.dma_semaphore, #tpu.memory_space<semaphore_mem>>) src(%arg14 : memref<80x64xf32, #tpu.memory_space<vmem>>) dst(%dma_wait3A_211 : memref<80x64xf32, #tpu.memory_space<vmem_shared>>)
      tpu.yield
    }) : () -> ()
    "tpu.region"() ({
      %run_scoped3A = tpu.sem_alloc : memref<!tpu.dma_semaphore, #tpu.memory_space<semaphore_mem>>
      %dma_start3A_204 = arith.constant 0 : i32
      %dma_start3A_205 = arith.constant 0 : i32
      %dma_start3A_206 = tpu.memref_slice %arg3[%add3A, %dma_start3A_204, %dma_start3A_205] : memref<32x125x80xi32, #tpu.memory_space<hbm>> -> memref<1x125x80xi32, #tpu.memory_space<hbm>>
      %dma_start3A_207 = tpu.memref_squeeze %dma_start3A_206 : memref<1x125x80xi32, #tpu.memory_space<hbm>> -> memref<125x80xi32, #tpu.memory_space<hbm>>
      %dma_start3A_208 = arith.constant 0 : i32
      %dma_start3A_209 = arith.constant 0 : i32
      %dma_start3A_210 = tpu.memref_slice %arg3[%add3A, %dma_start3A_208, %dma_start3A_209] : memref<32x125x80xi32, #tpu.memory_space<hbm>> -> memref<1x125x80xi32, #tpu.memory_space<hbm>>
      %dma_start3A_211 = tpu.memref_squeeze %dma_start3A_210 : memref<1x125x80xi32, #tpu.memory_space<hbm>> -> memref<125x80xi32, #tpu.memory_space<hbm>>
      tpu.enqueue_dma source(%dma_start3A_211 : memref<125x80xi32, #tpu.memory_space<hbm>>) target(%arg6 : memref<125x80xi32, #tpu.memory_space<vmem>>) target_semaphore(%run_scoped3A : memref<!tpu.dma_semaphore, #tpu.memory_space<semaphore_mem>>)
      %dma_wait3A_212 = arith.constant 0 : i32
      %dma_wait3A_213 = arith.constant 0 : i32
      %dma_wait3A_214 = tpu.memref_slice %arg3[%add3A, %dma_wait3A_212, %dma_wait3A_213] : memref<32x125x80xi32, #tpu.memory_space<hbm>> -> memref<1x125x80xi32, #tpu.memory_space<hbm>>
      %dma_wait3A_215 = tpu.memref_squeeze %dma_wait3A_214 : memref<1x125x80xi32, #tpu.memory_space<hbm>> -> memref<125x80xi32, #tpu.memory_space<hbm>>
      %dma_wait3A_216 = arith.constant 0 : i32
      %dma_wait3A_217 = arith.constant 0 : i32
      %dma_wait3A_218 = tpu.memref_slice %arg3[%add3A, %dma_wait3A_216, %dma_wait3A_217] : memref<32x125x80xi32, #tpu.memory_space<hbm>> -> memref<1x125x80xi32, #tpu.memory_space<hbm>>
      %dma_wait3A_219 = tpu.memref_squeeze %dma_wait3A_218 : memref<1x125x80xi32, #tpu.memory_space<hbm>> -> memref<125x80xi32, #tpu.memory_space<hbm>>
      tpu.wait_dma2 semaphore(%run_scoped3A : memref<!tpu.dma_semaphore, #tpu.memory_space<semaphore_mem>>) src(%dma_wait3A_219 : memref<125x80xi32, #tpu.memory_space<hbm>>) dst(%arg6 : memref<125x80xi32, #tpu.memory_space<vmem>>)
      tpu.yield
    }) : () -> ()
    "tpu.region"() ({
      %run_scoped3A = tpu.sem_alloc : memref<!tpu.dma_semaphore, #tpu.memory_space<semaphore_mem>>
      %dma_start3A_204 = arith.constant 0 : i32
      %dma_start3A_205 = arith.constant 0 : i32
      %dma_start3A_206 = tpu.memref_slice %arg4[%add3A, %dma_start3A_204, %dma_start3A_205] : memref<32x125x80xi32, #tpu.memory_space<hbm>> -> memref<1x125x80xi32, #tpu.memory_space<hbm>>
      %dma_start3A_207 = tpu.memref_squeeze %dma_start3A_206 : memref<1x125x80xi32, #tpu.memory_space<hbm>> -> memref<125x80xi32, #tpu.memory_space<hbm>>
      %dma_start3A_208 = arith.constant 0 : i32
      %dma_start3A_209 = arith.constant 0 : i32
      %dma_start3A_210 = tpu.memref_slice %arg4[%add3A, %dma_start3A_208, %dma_start3A_209] : memref<32x125x80xi32, #tpu.memory_space<hbm>> -> memref<1x125x80xi32, #tpu.memory_space<hbm>>
      %dma_start3A_211 = tpu.memref_squeeze %dma_start3A_210 : memref<1x125x80xi32, #tpu.memory_space<hbm>> -> memref<125x80xi32, #tpu.memory_space<hbm>>
      tpu.enqueue_dma source(%dma_start3A_211 : memref<125x80xi32, #tpu.memory_space<hbm>>) target(%arg7 : memref<125x80xi32, #tpu.memory_space<vmem>>) target_semaphore(%run_scoped3A : memref<!tpu.dma_semaphore, #tpu.memory_space<semaphore_mem>>)
      %dma_wait3A_212 = arith.constant 0 : i32
      %dma_wait3A_213 = arith.constant 0 : i32
      %dma_wait3A_214 = tpu.memref_slice %arg4[%add3A, %dma_wait3A_212, %dma_wait3A_213] : memref<32x125x80xi32, #tpu.memory_space<hbm>> -> memref<1x125x80xi32, #tpu.memory_space<hbm>>
      %dma_wait3A_215 = tpu.memref_squeeze %dma_wait3A_214 : memref<1x125x80xi32, #tpu.memory_space<hbm>> -> memref<125x80xi32, #tpu.memory_space<hbm>>
      %dma_wait3A_216 = arith.constant 0 : i32
      %dma_wait3A_217 = arith.constant 0 : i32
      %dma_wait3A_218 = tpu.memref_slice %arg4[%add3A, %dma_wait3A_216, %dma_wait3A_217] : memref<32x125x80xi32, #tpu.memory_space<hbm>> -> memref<1x125x80xi32, #tpu.memory_space<hbm>>
      %dma_wait3A_219 = tpu.memref_squeeze %dma_wait3A_218 : memref<1x125x80xi32, #tpu.memory_space<hbm>> -> memref<125x80xi32, #tpu.memory_space<hbm>>
      tpu.wait_dma2 semaphore(%run_scoped3A : memref<!tpu.dma_semaphore, #tpu.memory_space<semaphore_mem>>) src(%dma_wait3A_219 : memref<125x80xi32, #tpu.memory_space<hbm>>) dst(%arg7 : memref<125x80xi32, #tpu.memory_space<vmem>>)
      tpu.yield
    }) : () -> ()
    %barrier3A = arith.constant 0 : index
    tpu.barrier barrier_id(%barrier3A)
    %dma_start3A = arith.constant 0 : i32
    %dma_start3A_25 = arith.constant 0 : i32
    %dma_start3A_26 = tpu.memref_slice %arg6[%dma_start3A, %dma_start3A_25] : memref<125x80xi32, #tpu.memory_space<vmem>> -> memref<1x80xi32, #tpu.memory_space<vmem>>
    %dma_start3A_27 = tpu.memref_squeeze %dma_start3A_26 : memref<1x80xi32, #tpu.memory_space<vmem>> -> memref<80xi32, #tpu.memory_space<vmem>>
    %dma_start3A_28 = arith.constant 0 : i32
    %dma_start3A_29 = arith.constant 0 : i32
    %dma_start3A_30 = tpu.memref_slice %arg2[%dma_start3A_28, %dma_start3A_29] : memref<10000x64xf32, #tpu.memory_space<hbm>> -> memref<10000x64xf32, #tpu.memory_space<hbm>>
    tpu.enqueue_indirect_dma source(%dma_start3A_30 : memref<10000x64xf32, #tpu.memory_space<hbm>>) target(%arg8 : memref<80x64xf32, #tpu.memory_space<vmem>>) offsets(%dma_start3A_27 : memref<80xi32, #tpu.memory_space<vmem>>) semaphore(%arg16 : memref<!tpu.dma_semaphore, #tpu.memory_space<semaphore_mem>>)
    %dma_start3A_31 = arith.constant 1 : i32
    %dma_start3A_32 = arith.constant 0 : i32
    %dma_start3A_33 = tpu.memref_slice %arg6[%dma_start3A_31, %dma_start3A_32] : memref<125x80xi32, #tpu.memory_space<vmem>> -> memref<1x80xi32, #tpu.memory_space<vmem>>
    %dma_start3A_34 = tpu.memref_squeeze %dma_start3A_33 : memref<1x80xi32, #tpu.memory_space<vmem>> -> memref<80xi32, #tpu.memory_space<vmem>>
    %dma_start3A_35 = arith.constant 0 : i32
    %dma_start3A_36 = arith.constant 0 : i32
    %dma_start3A_37 = tpu.memref_slice %arg2[%dma_start3A_35, %dma_start3A_36] : memref<10000x64xf32, #tpu.memory_space<hbm>> -> memref<10000x64xf32, #tpu.memory_space<hbm>>
    tpu.enqueue_indirect_dma source(%dma_start3A_37 : memref<10000x64xf32, #tpu.memory_space<hbm>>) target(%arg9 : memref<80x64xf32, #tpu.memory_space<vmem>>) offsets(%dma_start3A_34 : memref<80xi32, #tpu.memory_space<vmem>>) semaphore(%arg17 : memref<!tpu.dma_semaphore, #tpu.memory_space<semaphore_mem>>)
    %scan3A_38 = arith.constant 0 : i32
    %scan3A_39 = arith.constant 0 : i32
    %scan3A_40 = arith.constant 20 : i32
    %scan3A_41 = arith.addi %scan3A_39, %scan3A_40 : i32
    %scan3A_42 = arith.constant 1 : i32
    scf.for %scan3A_204 = %scan3A_39 to %scan3A_41 step %scan3A_42  : i32 {
      %mul3A_205 = arith.constant 6 : i32
      %mul3A_206 = arith.muli %mul3A_205, %scan3A_204 : i32
      %add3A_207 = arith.constant 0 : i32
      %add3A_208 = arith.addi %mul3A_206, %add3A_207 : i32
      %dma_wait3A_209 = arith.constant 0 : i32
      %dma_wait3A_210 = tpu.memref_slice %arg6[%add3A_208, %dma_wait3A_209] : memref<125x80xi32, #tpu.memory_space<vmem>> -> memref<1x80xi32, #tpu.memory_space<vmem>>
      %dma_wait3A_211 = tpu.memref_squeeze %dma_wait3A_210 : memref<1x80xi32, #tpu.memory_space<vmem>> -> memref<80xi32, #tpu.memory_space<vmem>>
      %dma_wait3A_212 = arith.constant 0 : i32
      %dma_wait3A_213 = arith.constant 0 : i32
      %dma_wait3A_214 = tpu.memref_slice %arg2[%dma_wait3A_212, %dma_wait3A_213] : memref<10000x64xf32, #tpu.memory_space<hbm>> -> memref<10000x64xf32, #tpu.memory_space<hbm>>
      tpu.wait_indirect_dma semaphore(%arg16 : memref<!tpu.dma_semaphore, #tpu.memory_space<semaphore_mem>>) src(%dma_wait3A_214 : memref<10000x64xf32, #tpu.memory_space<hbm>>) dst(%arg8 : memref<80x64xf32, #tpu.memory_space<vmem>>)
      %dma_start3A_215 = arith.constant 0 : i32
      %dma_start3A_216 = tpu.memref_slice %arg7[%add3A_208, %dma_start3A_215] : memref<125x80xi32, #tpu.memory_space<vmem>> -> memref<1x80xi32, #tpu.memory_space<vmem>>
      %dma_start3A_217 = tpu.memref_squeeze %dma_start3A_216 : memref<1x80xi32, #tpu.memory_space<vmem>> -> memref<80xi32, #tpu.memory_space<vmem>>
      %dma_start3A_218 = arith.constant 0 : i32
      %dma_start3A_219 = arith.constant 0 : i32
      %dma_start3A_220 = tpu.memref_slice %arg15[%dma_start3A_218, %dma_start3A_219] : memref<10240x64xf32, #tpu.memory_space<vmem_shared>> -> memref<10240x64xf32, #tpu.memory_space<vmem_shared>>
      tpu.enqueue_indirect_dma source(%arg8 : memref<80x64xf32, #tpu.memory_space<vmem>>) target(%dma_start3A_220 : memref<10240x64xf32, #tpu.memory_space<vmem_shared>>) offsets(%dma_start3A_217 : memref<80xi32, #tpu.memory_space<vmem>>) semaphore(%arg22 : memref<!tpu.dma_semaphore, #tpu.memory_space<semaphore_mem>>) {add = true}
      %ge3A = arith.constant 4 : i32
      %ge3A_221 = arith.cmpi sge, %add3A_208, %ge3A : i32
      %add3A_222 = arith.constant 2 : i32
      %add3A_223 = arith.addi %add3A_208, %add3A_222 : i32
      %lt3A = arith.constant 125 : i32
      %lt3A_224 = arith.cmpi slt, %add3A_223, %lt3A : i32
      %and3A_225 = arith.andi %ge3A_221, %lt3A_224 : i1
      %convert_element_type3A_226 = arith.extui %and3A_225 : i1 to i32
      %cond3A_227 = arith.constant 0 : i32
      %cond3A_228 = arith.cmpi ne, %convert_element_type3A_226, %cond3A_227 : i32
      scf.if %cond3A_228 {
        %sub3A = arith.constant 4 : i32
        %sub3A_401 = arith.subi %add3A_208, %sub3A : i32
        %dma_wait3A_402 = arith.constant 0 : i32
        %dma_wait3A_403 = tpu.memref_slice %arg7[%sub3A_401, %dma_wait3A_402] : memref<125x80xi32, #tpu.memory_space<vmem>> -> memref<1x80xi32, #tpu.memory_space<vmem>>
        %dma_wait3A_404 = tpu.memref_squeeze %dma_wait3A_403 : memref<1x80xi32, #tpu.memory_space<vmem>> -> memref<80xi32, #tpu.memory_space<vmem>>
        %dma_wait3A_405 = arith.constant 0 : i32
        %dma_wait3A_406 = arith.constant 0 : i32
        %dma_wait3A_407 = tpu.memref_slice %arg15[%dma_wait3A_405, %dma_wait3A_406] : memref<10240x64xf32, #tpu.memory_space<vmem_shared>> -> memref<10240x64xf32, #tpu.memory_space<vmem_shared>>
        tpu.wait_indirect_dma semaphore(%arg24 : memref<!tpu.dma_semaphore, #tpu.memory_space<semaphore_mem>>) src(%arg10 : memref<80x64xf32, #tpu.memory_space<vmem>>) dst(%dma_wait3A_407 : memref<10240x64xf32, #tpu.memory_space<vmem_shared>>)
      } else {
      }
      %add3A_229 = arith.constant 2 : i32
      %add3A_230 = arith.addi %add3A_208, %add3A_229 : i32
      %lt3A_231 = arith.constant 125 : i32
      %lt3A_232 = arith.cmpi slt, %add3A_230, %lt3A_231 : i32
      %convert_element_type3A_233 = arith.extui %lt3A_232 : i1 to i32
      %cond3A_234 = arith.constant 0 : i32
      %cond3A_235 = arith.cmpi ne, %convert_element_type3A_233, %cond3A_234 : i32
      scf.if %cond3A_235 {
        %add3A_401 = arith.constant 2 : i32
        %add3A_402 = arith.addi %add3A_208, %add3A_401 : i32
        %dma_start3A_403 = arith.constant 0 : i32
        %dma_start3A_404 = tpu.memref_slice %arg6[%add3A_402, %dma_start3A_403] : memref<125x80xi32, #tpu.memory_space<vmem>> -> memref<1x80xi32, #tpu.memory_space<vmem>>
        %dma_start3A_405 = tpu.memref_squeeze %dma_start3A_404 : memref<1x80xi32, #tpu.memory_space<vmem>> -> memref<80xi32, #tpu.memory_space<vmem>>
        %dma_start3A_406 = arith.constant 0 : i32
        %dma_start3A_407 = arith.constant 0 : i32
        %dma_start3A_408 = tpu.memref_slice %arg2[%dma_start3A_406, %dma_start3A_407] : memref<10000x64xf32, #tpu.memory_space<hbm>> -> memref<10000x64xf32, #tpu.memory_space<hbm>>
        tpu.enqueue_indirect_dma source(%dma_start3A_408 : memref<10000x64xf32, #tpu.memory_space<hbm>>) target(%arg10 : memref<80x64xf32, #tpu.memory_space<vmem>>) offsets(%dma_start3A_405 : memref<80xi32, #tpu.memory_space<vmem>>) semaphore(%arg18 : memref<!tpu.dma_semaphore, #tpu.memory_space<semaphore_mem>>)
      } else {
      }
      %mul3A_236 = arith.constant 6 : i32
      %mul3A_237 = arith.muli %mul3A_236, %scan3A_204 : i32
      %add3A_238 = arith.constant 1 : i32
      %add3A_239 = arith.addi %mul3A_237, %add3A_238 : i32
      %dma_wait3A_240 = arith.constant 0 : i32
      %dma_wait3A_241 = tpu.memref_slice %arg6[%add3A_239, %dma_wait3A_240] : memref<125x80xi32, #tpu.memory_space<vmem>> -> memref<1x80xi32, #tpu.memory_space<vmem>>
      %dma_wait3A_242 = tpu.memref_squeeze %dma_wait3A_241 : memref<1x80xi32, #tpu.memory_space<vmem>> -> memref<80xi32, #tpu.memory_space<vmem>>
      %dma_wait3A_243 = arith.constant 0 : i32
      %dma_wait3A_244 = arith.constant 0 : i32
      %dma_wait3A_245 = tpu.memref_slice %arg2[%dma_wait3A_243, %dma_wait3A_244] : memref<10000x64xf32, #tpu.memory_space<hbm>> -> memref<10000x64xf32, #tpu.memory_space<hbm>>
      tpu.wait_indirect_dma semaphore(%arg17 : memref<!tpu.dma_semaphore, #tpu.memory_space<semaphore_mem>>) src(%dma_wait3A_245 : memref<10000x64xf32, #tpu.memory_space<hbm>>) dst(%arg9 : memref<80x64xf32, #tpu.memory_space<vmem>>)
      %dma_start3A_246 = arith.constant 0 : i32
      %dma_start3A_247 = tpu.memref_slice %arg7[%add3A_239, %dma_start3A_246] : memref<125x80xi32, #tpu.memory_space<vmem>> -> memref<1x80xi32, #tpu.memory_space<vmem>>
      %dma_start3A_248 = tpu.memref_squeeze %dma_start3A_247 : memref<1x80xi32, #tpu.memory_space<vmem>> -> memref<80xi32, #tpu.memory_space<vmem>>
      %dma_start3A_249 = arith.constant 0 : i32
      %dma_start3A_250 = arith.constant 0 : i32
      %dma_start3A_251 = tpu.memref_slice %arg15[%dma_start3A_249, %dma_start3A_250] : memref<10240x64xf32, #tpu.memory_space<vmem_shared>> -> memref<10240x64xf32, #tpu.memory_space<vmem_shared>>
      tpu.enqueue_indirect_dma source(%arg9 : memref<80x64xf32, #tpu.memory_space<vmem>>) target(%dma_start3A_251 : memref<10240x64xf32, #tpu.memory_space<vmem_shared>>) offsets(%dma_start3A_248 : memref<80xi32, #tpu.memory_space<vmem>>) semaphore(%arg23 : memref<!tpu.dma_semaphore, #tpu.memory_space<semaphore_mem>>) {add = true}
      %ge3A_252 = arith.constant 4 : i32
      %ge3A_253 = arith.cmpi sge, %add3A_239, %ge3A_252 : i32
      %add3A_254 = arith.constant 2 : i32
      %add3A_255 = arith.addi %add3A_239, %add3A_254 : i32
      %lt3A_256 = arith.constant 125 : i32
      %lt3A_257 = arith.cmpi slt, %add3A_255, %lt3A_256 : i32
      %and3A_258 = arith.andi %ge3A_253, %lt3A_257 : i1
      %convert_element_type3A_259 = arith.extui %and3A_258 : i1 to i32
      %cond3A_260 = arith.constant 0 : i32
      %cond3A_261 = arith.cmpi ne, %convert_element_type3A_259, %cond3A_260 : i32
      scf.if %cond3A_261 {
        %sub3A = arith.constant 4 : i32
        %sub3A_401 = arith.subi %add3A_239, %sub3A : i32
        %dma_wait3A_402 = arith.constant 0 : i32
        %dma_wait3A_403 = tpu.memref_slice %arg7[%sub3A_401, %dma_wait3A_402] : memref<125x80xi32, #tpu.memory_space<vmem>> -> memref<1x80xi32, #tpu.memory_space<vmem>>
        %dma_wait3A_404 = tpu.memref_squeeze %dma_wait3A_403 : memref<1x80xi32, #tpu.memory_space<vmem>> -> memref<80xi32, #tpu.memory_space<vmem>>
        %dma_wait3A_405 = arith.constant 0 : i32
        %dma_wait3A_406 = arith.constant 0 : i32
        %dma_wait3A_407 = tpu.memref_slice %arg15[%dma_wait3A_405, %dma_wait3A_406] : memref<10240x64xf32, #tpu.memory_space<vmem_shared>> -> memref<10240x64xf32, #tpu.memory_space<vmem_shared>>
        tpu.wait_indirect_dma semaphore(%arg25 : memref<!tpu.dma_semaphore, #tpu.memory_space<semaphore_mem>>) src(%arg11 : memref<80x64xf32, #tpu.memory_space<vmem>>) dst(%dma_wait3A_407 : memref<10240x64xf32, #tpu.memory_space<vmem_shared>>)
      } else {
      }
      %add3A_262 = arith.constant 2 : i32
      %add3A_263 = arith.addi %add3A_239, %add3A_262 : i32
      %lt3A_264 = arith.constant 125 : i32
      %lt3A_265 = arith.cmpi slt, %add3A_263, %lt3A_264 : i32
      %convert_element_type3A_266 = arith.extui %lt3A_265 : i1 to i32
      %cond3A_267 = arith.constant 0 : i32
      %cond3A_268 = arith.cmpi ne, %convert_element_type3A_266, %cond3A_267 : i32
      scf.if %cond3A_268 {
        %add3A_401 = arith.constant 2 : i32
        %add3A_402 = arith.addi %add3A_239, %add3A_401 : i32
        %dma_start3A_403 = arith.constant 0 : i32
        %dma_start3A_404 = tpu.memref_slice %arg6[%add3A_402, %dma_start3A_403] : memref<125x80xi32, #tpu.memory_space<vmem>> -> memref<1x80xi32, #tpu.memory_space<vmem>>
        %dma_start3A_405 = tpu.memref_squeeze %dma_start3A_404 : memref<1x80xi32, #tpu.memory_space<vmem>> -> memref<80xi32, #tpu.memory_space<vmem>>
        %dma_start3A_406 = arith.constant 0 : i32
        %dma_start3A_407 = arith.constant 0 : i32
        %dma_start3A_408 = tpu.memref_slice %arg2[%dma_start3A_406, %dma_start3A_407] : memref<10000x64xf32, #tpu.memory_space<hbm>> -> memref<10000x64xf32, #tpu.memory_space<hbm>>
        tpu.enqueue_indirect_dma source(%dma_start3A_408 : memref<10000x64xf32, #tpu.memory_space<hbm>>) target(%arg11 : memref<80x64xf32, #tpu.memory_space<vmem>>) offsets(%dma_start3A_405 : memref<80xi32, #tpu.memory_space<vmem>>) semaphore(%arg19 : memref<!tpu.dma_semaphore, #tpu.memory_space<semaphore_mem>>)
      } else {
      }
      %mul3A_269 = arith.constant 6 : i32
      %mul3A_270 = arith.muli %mul3A_269, %scan3A_204 : i32
      %add3A_271 = arith.constant 2 : i32
      %add3A_272 = arith.addi %mul3A_270, %add3A_271 : i32
      %dma_wait3A_273 = arith.constant 0 : i32
      %dma_wait3A_274 = tpu.memref_slice %arg6[%add3A_272, %dma_wait3A_273] : memref<125x80xi32, #tpu.memory_space<vmem>> -> memref<1x80xi32, #tpu.memory_space<vmem>>
      %dma_wait3A_275 = tpu.memref_squeeze %dma_wait3A_274 : memref<1x80xi32, #tpu.memory_space<vmem>> -> memref<80xi32, #tpu.memory_space<vmem>>
      %dma_wait3A_276 = arith.constant 0 : i32
      %dma_wait3A_277 = arith.constant 0 : i32
      %dma_wait3A_278 = tpu.memref_slice %arg2[%dma_wait3A_276, %dma_wait3A_277] : memref<10000x64xf32, #tpu.memory_space<hbm>> -> memref<10000x64xf32, #tpu.memory_space<hbm>>
      tpu.wait_indirect_dma semaphore(%arg18 : memref<!tpu.dma_semaphore, #tpu.memory_space<semaphore_mem>>) src(%dma_wait3A_278 : memref<10000x64xf32, #tpu.memory_space<hbm>>) dst(%arg10 : memref<80x64xf32, #tpu.memory_space<vmem>>)
      %dma_start3A_279 = arith.constant 0 : i32
      %dma_start3A_280 = tpu.memref_slice %arg7[%add3A_272, %dma_start3A_279] : memref<125x80xi32, #tpu.memory_space<vmem>> -> memref<1x80xi32, #tpu.memory_space<vmem>>
      %dma_start3A_281 = tpu.memref_squeeze %dma_start3A_280 : memref<1x80xi32, #tpu.memory_space<vmem>> -> memref<80xi32, #tpu.memory_space<vmem>>
      %dma_start3A_282 = arith.constant 0 : i32
      %dma_start3A_283 = arith.constant 0 : i32
      %dma_start3A_284 = tpu.memref_slice %arg15[%dma_start3A_282, %dma_start3A_283] : memref<10240x64xf32, #tpu.memory_space<vmem_shared>> -> memref<10240x64xf32, #tpu.memory_space<vmem_shared>>
      tpu.enqueue_indirect_dma source(%arg10 : memref<80x64xf32, #tpu.memory_space<vmem>>) target(%dma_start3A_284 : memref<10240x64xf32, #tpu.memory_space<vmem_shared>>) offsets(%dma_start3A_281 : memref<80xi32, #tpu.memory_space<vmem>>) semaphore(%arg24 : memref<!tpu.dma_semaphore, #tpu.memory_space<semaphore_mem>>) {add = true}
      %ge3A_285 = arith.constant 4 : i32
      %ge3A_286 = arith.cmpi sge, %add3A_272, %ge3A_285 : i32
      %add3A_287 = arith.constant 2 : i32
      %add3A_288 = arith.addi %add3A_272, %add3A_287 : i32
      %lt3A_289 = arith.constant 125 : i32
      %lt3A_290 = arith.cmpi slt, %add3A_288, %lt3A_289 : i32
      %and3A_291 = arith.andi %ge3A_286, %lt3A_290 : i1
      %convert_element_type3A_292 = arith.extui %and3A_291 : i1 to i32
      %cond3A_293 = arith.constant 0 : i32
      %cond3A_294 = arith.cmpi ne, %convert_element_type3A_292, %cond3A_293 : i32
      scf.if %cond3A_294 {
        %sub3A = arith.constant 4 : i32
        %sub3A_401 = arith.subi %add3A_272, %sub3A : i32
        %dma_wait3A_402 = arith.constant 0 : i32
        %dma_wait3A_403 = tpu.memref_slice %arg7[%sub3A_401, %dma_wait3A_402] : memref<125x80xi32, #tpu.memory_space<vmem>> -> memref<1x80xi32, #tpu.memory_space<vmem>>
        %dma_wait3A_404 = tpu.memref_squeeze %dma_wait3A_403 : memref<1x80xi32, #tpu.memory_space<vmem>> -> memref<80xi32, #tpu.memory_space<vmem>>
        %dma_wait3A_405 = arith.constant 0 : i32
        %dma_wait3A_406 = arith.constant 0 : i32
        %dma_wait3A_407 = tpu.memref_slice %arg15[%dma_wait3A_405, %dma_wait3A_406] : memref<10240x64xf32, #tpu.memory_space<vmem_shared>> -> memref<10240x64xf32, #tpu.memory_space<vmem_shared>>
        tpu.wait_indirect_dma semaphore(%arg26 : memref<!tpu.dma_semaphore, #tpu.memory_space<semaphore_mem>>) src(%arg12 : memref<80x64xf32, #tpu.memory_space<vmem>>) dst(%dma_wait3A_407 : memref<10240x64xf32, #tpu.memory_space<vmem_shared>>)
      } else {
      }
      %add3A_295 = arith.constant 2 : i32
      %add3A_296 = arith.addi %add3A_272, %add3A_295 : i32
      %lt3A_297 = arith.constant 125 : i32
      %lt3A_298 = arith.cmpi slt, %add3A_296, %lt3A_297 : i32
      %convert_element_type3A_299 = arith.extui %lt3A_298 : i1 to i32
      %cond3A_300 = arith.constant 0 : i32
      %cond3A_301 = arith.cmpi ne, %convert_element_type3A_299, %cond3A_300 : i32
      scf.if %cond3A_301 {
        %add3A_401 = arith.constant 2 : i32
        %add3A_402 = arith.addi %add3A_272, %add3A_401 : i32
        %dma_start3A_403 = arith.constant 0 : i32
        %dma_start3A_404 = tpu.memref_slice %arg6[%add3A_402, %dma_start3A_403] : memref<125x80xi32, #tpu.memory_space<vmem>> -> memref<1x80xi32, #tpu.memory_space<vmem>>
        %dma_start3A_405 = tpu.memref_squeeze %dma_start3A_404 : memref<1x80xi32, #tpu.memory_space<vmem>> -> memref<80xi32, #tpu.memory_space<vmem>>
        %dma_start3A_406 = arith.constant 0 : i32
        %dma_start3A_407 = arith.constant 0 : i32
        %dma_start3A_408 = tpu.memref_slice %arg2[%dma_start3A_406, %dma_start3A_407] : memref<10000x64xf32, #tpu.memory_space<hbm>> -> memref<10000x64xf32, #tpu.memory_space<hbm>>
        tpu.enqueue_indirect_dma source(%dma_start3A_408 : memref<10000x64xf32, #tpu.memory_space<hbm>>) target(%arg12 : memref<80x64xf32, #tpu.memory_space<vmem>>) offsets(%dma_start3A_405 : memref<80xi32, #tpu.memory_space<vmem>>) semaphore(%arg20 : memref<!tpu.dma_semaphore, #tpu.memory_space<semaphore_mem>>)
      } else {
      }
      %mul3A_302 = arith.constant 6 : i32
      %mul3A_303 = arith.muli %mul3A_302, %scan3A_204 : i32
      %add3A_304 = arith.constant 3 : i32
      %add3A_305 = arith.addi %mul3A_303, %add3A_304 : i32
      %dma_wait3A_306 = arith.constant 0 : i32
      %dma_wait3A_307 = tpu.memref_slice %arg6[%add3A_305, %dma_wait3A_306] : memref<125x80xi32, #tpu.memory_space<vmem>> -> memref<1x80xi32, #tpu.memory_space<vmem>>
      %dma_wait3A_308 = tpu.memref_squeeze %dma_wait3A_307 : memref<1x80xi32, #tpu.memory_space<vmem>> -> memref<80xi32, #tpu.memory_space<vmem>>
      %dma_wait3A_309 = arith.constant 0 : i32
      %dma_wait3A_310 = arith.constant 0 : i32
      %dma_wait3A_311 = tpu.memref_slice %arg2[%dma_wait3A_309, %dma_wait3A_310] : memref<10000x64xf32, #tpu.memory_space<hbm>> -> memref<10000x64xf32, #tpu.memory_space<hbm>>
      tpu.wait_indirect_dma semaphore(%arg19 : memref<!tpu.dma_semaphore, #tpu.memory_space<semaphore_mem>>) src(%dma_wait3A_311 : memref<10000x64xf32, #tpu.memory_space<hbm>>) dst(%arg11 : memref<80x64xf32, #tpu.memory_space<vmem>>)
      %dma_start3A_312 = arith.constant 0 : i32
      %dma_start3A_313 = tpu.memref_slice %arg7[%add3A_305, %dma_start3A_312] : memref<125x80xi32, #tpu.memory_space<vmem>> -> memref<1x80xi32, #tpu.memory_space<vmem>>
      %dma_start3A_314 = tpu.memref_squeeze %dma_start3A_313 : memref<1x80xi32, #tpu.memory_space<vmem>> -> memref<80xi32, #tpu.memory_space<vmem>>
      %dma_start3A_315 = arith.constant 0 : i32
      %dma_start3A_316 = arith.constant 0 : i32
      %dma_start3A_317 = tpu.memref_slice %arg15[%dma_start3A_315, %dma_start3A_316] : memref<10240x64xf32, #tpu.memory_space<vmem_shared>> -> memref<10240x64xf32, #tpu.memory_space<vmem_shared>>
      tpu.enqueue_indirect_dma source(%arg11 : memref<80x64xf32, #tpu.memory_space<vmem>>) target(%dma_start3A_317 : memref<10240x64xf32, #tpu.memory_space<vmem_shared>>) offsets(%dma_start3A_314 : memref<80xi32, #tpu.memory_space<vmem>>) semaphore(%arg25 : memref<!tpu.dma_semaphore, #tpu.memory_space<semaphore_mem>>) {add = true}
      %ge3A_318 = arith.constant 4 : i32
      %ge3A_319 = arith.cmpi sge, %add3A_305, %ge3A_318 : i32
      %add3A_320 = arith.constant 2 : i32
      %add3A_321 = arith.addi %add3A_305, %add3A_320 : i32
      %lt3A_322 = arith.constant 125 : i32
      %lt3A_323 = arith.cmpi slt, %add3A_321, %lt3A_322 : i32
      %and3A_324 = arith.andi %ge3A_319, %lt3A_323 : i1
      %convert_element_type3A_325 = arith.extui %and3A_324 : i1 to i32
      %cond3A_326 = arith.constant 0 : i32
      %cond3A_327 = arith.cmpi ne, %convert_element_type3A_325, %cond3A_326 : i32
      scf.if %cond3A_327 {
        %sub3A = arith.constant 4 : i32
        %sub3A_401 = arith.subi %add3A_305, %sub3A : i32
        %dma_wait3A_402 = arith.constant 0 : i32
        %dma_wait3A_403 = tpu.memref_slice %arg7[%sub3A_401, %dma_wait3A_402] : memref<125x80xi32, #tpu.memory_space<vmem>> -> memref<1x80xi32, #tpu.memory_space<vmem>>
        %dma_wait3A_404 = tpu.memref_squeeze %dma_wait3A_403 : memref<1x80xi32, #tpu.memory_space<vmem>> -> memref<80xi32, #tpu.memory_space<vmem>>
        %dma_wait3A_405 = arith.constant 0 : i32
        %dma_wait3A_406 = arith.constant 0 : i32
        %dma_wait3A_407 = tpu.memref_slice %arg15[%dma_wait3A_405, %dma_wait3A_406] : memref<10240x64xf32, #tpu.memory_space<vmem_shared>> -> memref<10240x64xf32, #tpu.memory_space<vmem_shared>>
        tpu.wait_indirect_dma semaphore(%arg27 : memref<!tpu.dma_semaphore, #tpu.memory_space<semaphore_mem>>) src(%arg13 : memref<80x64xf32, #tpu.memory_space<vmem>>) dst(%dma_wait3A_407 : memref<10240x64xf32, #tpu.memory_space<vmem_shared>>)
      } else {
      }
      %add3A_328 = arith.constant 2 : i32
      %add3A_329 = arith.addi %add3A_305, %add3A_328 : i32
      %lt3A_330 = arith.constant 125 : i32
      %lt3A_331 = arith.cmpi slt, %add3A_329, %lt3A_330 : i32
      %convert_element_type3A_332 = arith.extui %lt3A_331 : i1 to i32
      %cond3A_333 = arith.constant 0 : i32
      %cond3A_334 = arith.cmpi ne, %convert_element_type3A_332, %cond3A_333 : i32
      scf.if %cond3A_334 {
        %add3A_401 = arith.constant 2 : i32
        %add3A_402 = arith.addi %add3A_305, %add3A_401 : i32
        %dma_start3A_403 = arith.constant 0 : i32
        %dma_start3A_404 = tpu.memref_slice %arg6[%add3A_402, %dma_start3A_403] : memref<125x80xi32, #tpu.memory_space<vmem>> -> memref<1x80xi32, #tpu.memory_space<vmem>>
        %dma_start3A_405 = tpu.memref_squeeze %dma_start3A_404 : memref<1x80xi32, #tpu.memory_space<vmem>> -> memref<80xi32, #tpu.memory_space<vmem>>
        %dma_start3A_406 = arith.constant 0 : i32
        %dma_start3A_407 = arith.constant 0 : i32
        %dma_start3A_408 = tpu.memref_slice %arg2[%dma_start3A_406, %dma_start3A_407] : memref<10000x64xf32, #tpu.memory_space<hbm>> -> memref<10000x64xf32, #tpu.memory_space<hbm>>
        tpu.enqueue_indirect_dma source(%dma_start3A_408 : memref<10000x64xf32, #tpu.memory_space<hbm>>) target(%arg13 : memref<80x64xf32, #tpu.memory_space<vmem>>) offsets(%dma_start3A_405 : memref<80xi32, #tpu.memory_space<vmem>>) semaphore(%arg21 : memref<!tpu.dma_semaphore, #tpu.memory_space<semaphore_mem>>)
      } else {
      }
      %mul3A_335 = arith.constant 6 : i32
      %mul3A_336 = arith.muli %mul3A_335, %scan3A_204 : i32
      %add3A_337 = arith.constant 4 : i32
      %add3A_338 = arith.addi %mul3A_336, %add3A_337 : i32
      %dma_wait3A_339 = arith.constant 0 : i32
      %dma_wait3A_340 = tpu.memref_slice %arg6[%add3A_338, %dma_wait3A_339] : memref<125x80xi32, #tpu.memory_space<vmem>> -> memref<1x80xi32, #tpu.memory_space<vmem>>
      %dma_wait3A_341 = tpu.memref_squeeze %dma_wait3A_340 : memref<1x80xi32, #tpu.memory_space<vmem>> -> memref<80xi32, #tpu.memory_space<vmem>>
      %dma_wait3A_342 = arith.constant 0 : i32
      %dma_wait3A_343 = arith.constant 0 : i32
      %dma_wait3A_344 = tpu.memref_slice %arg2[%dma_wait3A_342, %dma_wait3A_343] : memref<10000x64xf32, #tpu.memory_space<hbm>> -> memref<10000x64xf32, #tpu.memory_space<hbm>>
      tpu.wait_indirect_dma semaphore(%arg20 : memref<!tpu.dma_semaphore, #tpu.memory_space<semaphore_mem>>) src(%dma_wait3A_344 : memref<10000x64xf32, #tpu.memory_space<hbm>>) dst(%arg12 : memref<80x64xf32, #tpu.memory_space<vmem>>)
      %dma_start3A_345 = arith.constant 0 : i32
      %dma_start3A_346 = tpu.memref_slice %arg7[%add3A_338, %dma_start3A_345] : memref<125x80xi32, #tpu.memory_space<vmem>> -> memref<1x80xi32, #tpu.memory_space<vmem>>
      %dma_start3A_347 = tpu.memref_squeeze %dma_start3A_346 : memref<1x80xi32, #tpu.memory_space<vmem>> -> memref<80xi32, #tpu.memory_space<vmem>>
      %dma_start3A_348 = arith.constant 0 : i32
      %dma_start3A_349 = arith.constant 0 : i32
      %dma_start3A_350 = tpu.memref_slice %arg15[%dma_start3A_348, %dma_start3A_349] : memref<10240x64xf32, #tpu.memory_space<vmem_shared>> -> memref<10240x64xf32, #tpu.memory_space<vmem_shared>>
      tpu.enqueue_indirect_dma source(%arg12 : memref<80x64xf32, #tpu.memory_space<vmem>>) target(%dma_start3A_350 : memref<10240x64xf32, #tpu.memory_space<vmem_shared>>) offsets(%dma_start3A_347 : memref<80xi32, #tpu.memory_space<vmem>>) semaphore(%arg26 : memref<!tpu.dma_semaphore, #tpu.memory_space<semaphore_mem>>) {add = true}
      %ge3A_351 = arith.constant 4 : i32
      %ge3A_352 = arith.cmpi sge, %add3A_338, %ge3A_351 : i32
      %add3A_353 = arith.constant 2 : i32
      %add3A_354 = arith.addi %add3A_338, %add3A_353 : i32
      %lt3A_355 = arith.constant 125 : i32
      %lt3A_356 = arith.cmpi slt, %add3A_354, %lt3A_355 : i32
      %and3A_357 = arith.andi %ge3A_352, %lt3A_356 : i1
      %convert_element_type3A_358 = arith.extui %and3A_357 : i1 to i32
      %cond3A_359 = arith.constant 0 : i32
      %cond3A_360 = arith.cmpi ne, %convert_element_type3A_358, %cond3A_359 : i32
      scf.if %cond3A_360 {
        %sub3A = arith.constant 4 : i32
        %sub3A_401 = arith.subi %add3A_338, %sub3A : i32
        %dma_wait3A_402 = arith.constant 0 : i32
        %dma_wait3A_403 = tpu.memref_slice %arg7[%sub3A_401, %dma_wait3A_402] : memref<125x80xi32, #tpu.memory_space<vmem>> -> memref<1x80xi32, #tpu.memory_space<vmem>>
        %dma_wait3A_404 = tpu.memref_squeeze %dma_wait3A_403 : memref<1x80xi32, #tpu.memory_space<vmem>> -> memref<80xi32, #tpu.memory_space<vmem>>
        %dma_wait3A_405 = arith.constant 0 : i32
        %dma_wait3A_406 = arith.constant 0 : i32
        %dma_wait3A_407 = tpu.memref_slice %arg15[%dma_wait3A_405, %dma_wait3A_406] : memref<10240x64xf32, #tpu.memory_space<vmem_shared>> -> memref<10240x64xf32, #tpu.memory_space<vmem_shared>>
        tpu.wait_indirect_dma semaphore(%arg22 : memref<!tpu.dma_semaphore, #tpu.memory_space<semaphore_mem>>) src(%arg8 : memref<80x64xf32, #tpu.memory_space<vmem>>) dst(%dma_wait3A_407 : memref<10240x64xf32, #tpu.memory_space<vmem_shared>>)
      } else {
      }
      %add3A_361 = arith.constant 2 : i32
      %add3A_362 = arith.addi %add3A_338, %add3A_361 : i32
      %lt3A_363 = arith.constant 125 : i32
      %lt3A_364 = arith.cmpi slt, %add3A_362, %lt3A_363 : i32
      %convert_element_type3A_365 = arith.extui %lt3A_364 : i1 to i32
      %cond3A_366 = arith.constant 0 : i32
      %cond3A_367 = arith.cmpi ne, %convert_element_type3A_365, %cond3A_366 : i32
      scf.if %cond3A_367 {
        %add3A_401 = arith.constant 2 : i32
        %add3A_402 = arith.addi %add3A_338, %add3A_401 : i32
        %dma_start3A_403 = arith.constant 0 : i32
        %dma_start3A_404 = tpu.memref_slice %arg6[%add3A_402, %dma_start3A_403] : memref<125x80xi32, #tpu.memory_space<vmem>> -> memref<1x80xi32, #tpu.memory_space<vmem>>
        %dma_start3A_405 = tpu.memref_squeeze %dma_start3A_404 : memref<1x80xi32, #tpu.memory_space<vmem>> -> memref<80xi32, #tpu.memory_space<vmem>>
        %dma_start3A_406 = arith.constant 0 : i32
        %dma_start3A_407 = arith.constant 0 : i32
        %dma_start3A_408 = tpu.memref_slice %arg2[%dma_start3A_406, %dma_start3A_407] : memref<10000x64xf32, #tpu.memory_space<hbm>> -> memref<10000x64xf32, #tpu.memory_space<hbm>>
        tpu.enqueue_indirect_dma source(%dma_start3A_408 : memref<10000x64xf32, #tpu.memory_space<hbm>>) target(%arg8 : memref<80x64xf32, #tpu.memory_space<vmem>>) offsets(%dma_start3A_405 : memref<80xi32, #tpu.memory_space<vmem>>) semaphore(%arg16 : memref<!tpu.dma_semaphore, #tpu.memory_space<semaphore_mem>>)
      } else {
      }
      %mul3A_368 = arith.constant 6 : i32
      %mul3A_369 = arith.muli %mul3A_368, %scan3A_204 : i32
      %add3A_370 = arith.constant 5 : i32
      %add3A_371 = arith.addi %mul3A_369, %add3A_370 : i32
      %dma_wait3A_372 = arith.constant 0 : i32
      %dma_wait3A_373 = tpu.memref_slice %arg6[%add3A_371, %dma_wait3A_372] : memref<125x80xi32, #tpu.memory_space<vmem>> -> memref<1x80xi32, #tpu.memory_space<vmem>>
      %dma_wait3A_374 = tpu.memref_squeeze %dma_wait3A_373 : memref<1x80xi32, #tpu.memory_space<vmem>> -> memref<80xi32, #tpu.memory_space<vmem>>
      %dma_wait3A_375 = arith.constant 0 : i32
      %dma_wait3A_376 = arith.constant 0 : i32
      %dma_wait3A_377 = tpu.memref_slice %arg2[%dma_wait3A_375, %dma_wait3A_376] : memref<10000x64xf32, #tpu.memory_space<hbm>> -> memref<10000x64xf32, #tpu.memory_space<hbm>>
      tpu.wait_indirect_dma semaphore(%arg21 : memref<!tpu.dma_semaphore, #tpu.memory_space<semaphore_mem>>) src(%dma_wait3A_377 : memref<10000x64xf32, #tpu.memory_space<hbm>>) dst(%arg13 : memref<80x64xf32, #tpu.memory_space<vmem>>)
      %dma_start3A_378 = arith.constant 0 : i32
      %dma_start3A_379 = tpu.memref_slice %arg7[%add3A_371, %dma_start3A_378] : memref<125x80xi32, #tpu.memory_space<vmem>> -> memref<1x80xi32, #tpu.memory_space<vmem>>
      %dma_start3A_380 = tpu.memref_squeeze %dma_start3A_379 : memref<1x80xi32, #tpu.memory_space<vmem>> -> memref<80xi32, #tpu.memory_space<vmem>>
      %dma_start3A_381 = arith.constant 0 : i32
      %dma_start3A_382 = arith.constant 0 : i32
      %dma_start3A_383 = tpu.memref_slice %arg15[%dma_start3A_381, %dma_start3A_382] : memref<10240x64xf32, #tpu.memory_space<vmem_shared>> -> memref<10240x64xf32, #tpu.memory_space<vmem_shared>>
      tpu.enqueue_indirect_dma source(%arg13 : memref<80x64xf32, #tpu.memory_space<vmem>>) target(%dma_start3A_383 : memref<10240x64xf32, #tpu.memory_space<vmem_shared>>) offsets(%dma_start3A_380 : memref<80xi32, #tpu.memory_space<vmem>>) semaphore(%arg27 : memref<!tpu.dma_semaphore, #tpu.memory_space<semaphore_mem>>) {add = true}
      %ge3A_384 = arith.constant 4 : i32
      %ge3A_385 = arith.cmpi sge, %add3A_371, %ge3A_384 : i32
      %add3A_386 = arith.constant 2 : i32
      %add3A_387 = arith.addi %add3A_371, %add3A_386 : i32
      %lt3A_388 = arith.constant 125 : i32
      %lt3A_389 = arith.cmpi slt, %add3A_387, %lt3A_388 : i32
      %and3A_390 = arith.andi %ge3A_385, %lt3A_389 : i1
      %convert_element_type3A_391 = arith.extui %and3A_390 : i1 to i32
      %cond3A_392 = arith.constant 0 : i32
      %cond3A_393 = arith.cmpi ne, %convert_element_type3A_391, %cond3A_392 : i32
      scf.if %cond3A_393 {
        %sub3A = arith.constant 4 : i32
        %sub3A_401 = arith.subi %add3A_371, %sub3A : i32
        %dma_wait3A_402 = arith.constant 0 : i32
        %dma_wait3A_403 = tpu.memref_slice %arg7[%sub3A_401, %dma_wait3A_402] : memref<125x80xi32, #tpu.memory_space<vmem>> -> memref<1x80xi32, #tpu.memory_space<vmem>>
        %dma_wait3A_404 = tpu.memref_squeeze %dma_wait3A_403 : memref<1x80xi32, #tpu.memory_space<vmem>> -> memref<80xi32, #tpu.memory_space<vmem>>
        %dma_wait3A_405 = arith.constant 0 : i32
        %dma_wait3A_406 = arith.constant 0 : i32
        %dma_wait3A_407 = tpu.memref_slice %arg15[%dma_wait3A_405, %dma_wait3A_406] : memref<10240x64xf32, #tpu.memory_space<vmem_shared>> -> memref<10240x64xf32, #tpu.memory_space<vmem_shared>>
        tpu.wait_indirect_dma semaphore(%arg23 : memref<!tpu.dma_semaphore, #tpu.memory_space<semaphore_mem>>) src(%arg9 : memref<80x64xf32, #tpu.memory_space<vmem>>) dst(%dma_wait3A_407 : memref<10240x64xf32, #tpu.memory_space<vmem_shared>>)
      } else {
      }
      %add3A_394 = arith.constant 2 : i32
      %add3A_395 = arith.addi %add3A_371, %add3A_394 : i32
      %lt3A_396 = arith.constant 125 : i32
      %lt3A_397 = arith.cmpi slt, %add3A_395, %lt3A_396 : i32
      %convert_element_type3A_398 = arith.extui %lt3A_397 : i1 to i32
      %cond3A_399 = arith.constant 0 : i32
      %cond3A_400 = arith.cmpi ne, %convert_element_type3A_398, %cond3A_399 : i32
      scf.if %cond3A_400 {
        %add3A_401 = arith.constant 2 : i32
        %add3A_402 = arith.addi %add3A_371, %add3A_401 : i32
        %dma_start3A_403 = arith.constant 0 : i32
        %dma_start3A_404 = tpu.memref_slice %arg6[%add3A_402, %dma_start3A_403] : memref<125x80xi32, #tpu.memory_space<vmem>> -> memref<1x80xi32, #tpu.memory_space<vmem>>
        %dma_start3A_405 = tpu.memref_squeeze %dma_start3A_404 : memref<1x80xi32, #tpu.memory_space<vmem>> -> memref<80xi32, #tpu.memory_space<vmem>>
        %dma_start3A_406 = arith.constant 0 : i32
        %dma_start3A_407 = arith.constant 0 : i32
        %dma_start3A_408 = tpu.memref_slice %arg2[%dma_start3A_406, %dma_start3A_407] : memref<10000x64xf32, #tpu.memory_space<hbm>> -> memref<10000x64xf32, #tpu.memory_space<hbm>>
        tpu.enqueue_indirect_dma source(%dma_start3A_408 : memref<10000x64xf32, #tpu.memory_space<hbm>>) target(%arg9 : memref<80x64xf32, #tpu.memory_space<vmem>>) offsets(%dma_start3A_405 : memref<80xi32, #tpu.memory_space<vmem>>) semaphore(%arg17 : memref<!tpu.dma_semaphore, #tpu.memory_space<semaphore_mem>>)
      } else {
      }
    }
    %scan3A_43 = arith.constant 20 : i32
    %dma_wait3A = arith.constant 120 : i32
    %dma_wait3A_44 = arith.constant 0 : i32
    %dma_wait3A_45 = tpu.memref_slice %arg6[%dma_wait3A, %dma_wait3A_44] : memref<125x80xi32, #tpu.memory_space<vmem>> -> memref<1x80xi32, #tpu.memory_space<vmem>>
    %dma_wait3A_46 = tpu.memref_squeeze %dma_wait3A_45 : memref<1x80xi32, #tpu.memory_space<vmem>> -> memref<80xi32, #tpu.memory_space<vmem>>
    %dma_wait3A_47 = arith.constant 0 : i32
    %dma_wait3A_48 = arith.constant 0 : i32
    %dma_wait3A_49 = tpu.memref_slice %arg2[%dma_wait3A_47, %dma_wait3A_48] : memref<10000x64xf32, #tpu.memory_space<hbm>> -> memref<10000x64xf32, #tpu.memory_space<hbm>>
    tpu.wait_indirect_dma semaphore(%arg16 : memref<!tpu.dma_semaphore, #tpu.memory_space<semaphore_mem>>) src(%dma_wait3A_49 : memref<10000x64xf32, #tpu.memory_space<hbm>>) dst(%arg8 : memref<80x64xf32, #tpu.memory_space<vmem>>)
    %dma_start3A_50 = arith.constant 120 : i32
    %dma_start3A_51 = arith.constant 0 : i32
    %dma_start3A_52 = tpu.memref_slice %arg7[%dma_start3A_50, %dma_start3A_51] : memref<125x80xi32, #tpu.memory_space<vmem>> -> memref<1x80xi32, #tpu.memory_space<vmem>>
    %dma_start3A_53 = tpu.memref_squeeze %dma_start3A_52 : memref<1x80xi32, #tpu.memory_space<vmem>> -> memref<80xi32, #tpu.memory_space<vmem>>
    %dma_start3A_54 = arith.constant 0 : i32
    %dma_start3A_55 = arith.constant 0 : i32
    %dma_start3A_56 = tpu.memref_slice %arg15[%dma_start3A_54, %dma_start3A_55] : memref<10240x64xf32, #tpu.memory_space<vmem_shared>> -> memref<10240x64xf32, #tpu.memory_space<vmem_shared>>
    tpu.enqueue_indirect_dma source(%arg8 : memref<80x64xf32, #tpu.memory_space<vmem>>) target(%dma_start3A_56 : memref<10240x64xf32, #tpu.memory_space<vmem_shared>>) offsets(%dma_start3A_53 : memref<80xi32, #tpu.memory_space<vmem>>) semaphore(%arg22 : memref<!tpu.dma_semaphore, #tpu.memory_space<semaphore_mem>>) {add = true}
    %and3A = arith.constant true
    %and3A_57 = arith.constant true
    %and3A_58 = arith.andi %and3A, %and3A_57 : i1
    %convert_element_type3A = arith.extui %and3A_58 : i1 to i32
    %cond3A = arith.constant 0 : i32
    %cond3A_59 = arith.cmpi ne, %convert_element_type3A, %cond3A : i32
    scf.if %cond3A_59 {
      %dma_wait3A_204 = arith.constant 116 : i32
      %dma_wait3A_205 = arith.constant 0 : i32
      %dma_wait3A_206 = tpu.memref_slice %arg7[%dma_wait3A_204, %dma_wait3A_205] : memref<125x80xi32, #tpu.memory_space<vmem>> -> memref<1x80xi32, #tpu.memory_space<vmem>>
      %dma_wait3A_207 = tpu.memref_squeeze %dma_wait3A_206 : memref<1x80xi32, #tpu.memory_space<vmem>> -> memref<80xi32, #tpu.memory_space<vmem>>
      %dma_wait3A_208 = arith.constant 0 : i32
      %dma_wait3A_209 = arith.constant 0 : i32
      %dma_wait3A_210 = tpu.memref_slice %arg15[%dma_wait3A_208, %dma_wait3A_209] : memref<10240x64xf32, #tpu.memory_space<vmem_shared>> -> memref<10240x64xf32, #tpu.memory_space<vmem_shared>>
      tpu.wait_indirect_dma semaphore(%arg24 : memref<!tpu.dma_semaphore, #tpu.memory_space<semaphore_mem>>) src(%arg10 : memref<80x64xf32, #tpu.memory_space<vmem>>) dst(%dma_wait3A_210 : memref<10240x64xf32, #tpu.memory_space<vmem_shared>>)
    } else {
    }
    %dma_start3A_60 = arith.constant 122 : i32
    %dma_start3A_61 = arith.constant 0 : i32
    %dma_start3A_62 = tpu.memref_slice %arg6[%dma_start3A_60, %dma_start3A_61] : memref<125x80xi32, #tpu.memory_space<vmem>> -> memref<1x80xi32, #tpu.memory_space<vmem>>
    %dma_start3A_63 = tpu.memref_squeeze %dma_start3A_62 : memref<1x80xi32, #tpu.memory_space<vmem>> -> memref<80xi32, #tpu.memory_space<vmem>>
    %dma_start3A_64 = arith.constant 0 : i32
    %dma_start3A_65 = arith.constant 0 : i32
    %dma_start3A_66 = tpu.memref_slice %arg2[%dma_start3A_64, %dma_start3A_65] : memref<10000x64xf32, #tpu.memory_space<hbm>> -> memref<10000x64xf32, #tpu.memory_space<hbm>>
    tpu.enqueue_indirect_dma source(%dma_start3A_66 : memref<10000x64xf32, #tpu.memory_space<hbm>>) target(%arg10 : memref<80x64xf32, #tpu.memory_space<vmem>>) offsets(%dma_start3A_63 : memref<80xi32, #tpu.memory_space<vmem>>) semaphore(%arg18 : memref<!tpu.dma_semaphore, #tpu.memory_space<semaphore_mem>>)
    %dma_wait3A_67 = arith.constant 121 : i32
    %dma_wait3A_68 = arith.constant 0 : i32
    %dma_wait3A_69 = tpu.memref_slice %arg6[%dma_wait3A_67, %dma_wait3A_68] : memref<125x80xi32, #tpu.memory_space<vmem>> -> memref<1x80xi32, #tpu.memory_space<vmem>>
    %dma_wait3A_70 = tpu.memref_squeeze %dma_wait3A_69 : memref<1x80xi32, #tpu.memory_space<vmem>> -> memref<80xi32, #tpu.memory_space<vmem>>
    %dma_wait3A_71 = arith.constant 0 : i32
    %dma_wait3A_72 = arith.constant 0 : i32
    %dma_wait3A_73 = tpu.memref_slice %arg2[%dma_wait3A_71, %dma_wait3A_72] : memref<10000x64xf32, #tpu.memory_space<hbm>> -> memref<10000x64xf32, #tpu.memory_space<hbm>>
    tpu.wait_indirect_dma semaphore(%arg17 : memref<!tpu.dma_semaphore, #tpu.memory_space<semaphore_mem>>) src(%dma_wait3A_73 : memref<10000x64xf32, #tpu.memory_space<hbm>>) dst(%arg9 : memref<80x64xf32, #tpu.memory_space<vmem>>)
    %dma_start3A_74 = arith.constant 121 : i32
    %dma_start3A_75 = arith.constant 0 : i32
    %dma_start3A_76 = tpu.memref_slice %arg7[%dma_start3A_74, %dma_start3A_75] : memref<125x80xi32, #tpu.memory_space<vmem>> -> memref<1x80xi32, #tpu.memory_space<vmem>>
    %dma_start3A_77 = tpu.memref_squeeze %dma_start3A_76 : memref<1x80xi32, #tpu.memory_space<vmem>> -> memref<80xi32, #tpu.memory_space<vmem>>
    %dma_start3A_78 = arith.constant 0 : i32
    %dma_start3A_79 = arith.constant 0 : i32
    %dma_start3A_80 = tpu.memref_slice %arg15[%dma_start3A_78, %dma_start3A_79] : memref<10240x64xf32, #tpu.memory_space<vmem_shared>> -> memref<10240x64xf32, #tpu.memory_space<vmem_shared>>
    tpu.enqueue_indirect_dma source(%arg9 : memref<80x64xf32, #tpu.memory_space<vmem>>) target(%dma_start3A_80 : memref<10240x64xf32, #tpu.memory_space<vmem_shared>>) offsets(%dma_start3A_77 : memref<80xi32, #tpu.memory_space<vmem>>) semaphore(%arg23 : memref<!tpu.dma_semaphore, #tpu.memory_space<semaphore_mem>>) {add = true}
    %and3A_81 = arith.constant true
    %and3A_82 = arith.constant true
    %and3A_83 = arith.andi %and3A_81, %and3A_82 : i1
    %convert_element_type3A_84 = arith.extui %and3A_83 : i1 to i32
    %cond3A_85 = arith.constant 0 : i32
    %cond3A_86 = arith.cmpi ne, %convert_element_type3A_84, %cond3A_85 : i32
    scf.if %cond3A_86 {
      %dma_wait3A_204 = arith.constant 117 : i32
      %dma_wait3A_205 = arith.constant 0 : i32
      %dma_wait3A_206 = tpu.memref_slice %arg7[%dma_wait3A_204, %dma_wait3A_205] : memref<125x80xi32, #tpu.memory_space<vmem>> -> memref<1x80xi32, #tpu.memory_space<vmem>>
      %dma_wait3A_207 = tpu.memref_squeeze %dma_wait3A_206 : memref<1x80xi32, #tpu.memory_space<vmem>> -> memref<80xi32, #tpu.memory_space<vmem>>
      %dma_wait3A_208 = arith.constant 0 : i32
      %dma_wait3A_209 = arith.constant 0 : i32
      %dma_wait3A_210 = tpu.memref_slice %arg15[%dma_wait3A_208, %dma_wait3A_209] : memref<10240x64xf32, #tpu.memory_space<vmem_shared>> -> memref<10240x64xf32, #tpu.memory_space<vmem_shared>>
      tpu.wait_indirect_dma semaphore(%arg25 : memref<!tpu.dma_semaphore, #tpu.memory_space<semaphore_mem>>) src(%arg11 : memref<80x64xf32, #tpu.memory_space<vmem>>) dst(%dma_wait3A_210 : memref<10240x64xf32, #tpu.memory_space<vmem_shared>>)
    } else {
    }
    %dma_start3A_87 = arith.constant 123 : i32
    %dma_start3A_88 = arith.constant 0 : i32
    %dma_start3A_89 = tpu.memref_slice %arg6[%dma_start3A_87, %dma_start3A_88] : memref<125x80xi32, #tpu.memory_space<vmem>> -> memref<1x80xi32, #tpu.memory_space<vmem>>
    %dma_start3A_90 = tpu.memref_squeeze %dma_start3A_89 : memref<1x80xi32, #tpu.memory_space<vmem>> -> memref<80xi32, #tpu.memory_space<vmem>>
    %dma_start3A_91 = arith.constant 0 : i32
    %dma_start3A_92 = arith.constant 0 : i32
    %dma_start3A_93 = tpu.memref_slice %arg2[%dma_start3A_91, %dma_start3A_92] : memref<10000x64xf32, #tpu.memory_space<hbm>> -> memref<10000x64xf32, #tpu.memory_space<hbm>>
    tpu.enqueue_indirect_dma source(%dma_start3A_93 : memref<10000x64xf32, #tpu.memory_space<hbm>>) target(%arg11 : memref<80x64xf32, #tpu.memory_space<vmem>>) offsets(%dma_start3A_90 : memref<80xi32, #tpu.memory_space<vmem>>) semaphore(%arg19 : memref<!tpu.dma_semaphore, #tpu.memory_space<semaphore_mem>>)
    %dma_wait3A_94 = arith.constant 122 : i32
    %dma_wait3A_95 = arith.constant 0 : i32
    %dma_wait3A_96 = tpu.memref_slice %arg6[%dma_wait3A_94, %dma_wait3A_95] : memref<125x80xi32, #tpu.memory_space<vmem>> -> memref<1x80xi32, #tpu.memory_space<vmem>>
    %dma_wait3A_97 = tpu.memref_squeeze %dma_wait3A_96 : memref<1x80xi32, #tpu.memory_space<vmem>> -> memref<80xi32, #tpu.memory_space<vmem>>
    %dma_wait3A_98 = arith.constant 0 : i32
    %dma_wait3A_99 = arith.constant 0 : i32
    %dma_wait3A_100 = tpu.memref_slice %arg2[%dma_wait3A_98, %dma_wait3A_99] : memref<10000x64xf32, #tpu.memory_space<hbm>> -> memref<10000x64xf32, #tpu.memory_space<hbm>>
    tpu.wait_indirect_dma semaphore(%arg18 : memref<!tpu.dma_semaphore, #tpu.memory_space<semaphore_mem>>) src(%dma_wait3A_100 : memref<10000x64xf32, #tpu.memory_space<hbm>>) dst(%arg10 : memref<80x64xf32, #tpu.memory_space<vmem>>)
    %dma_start3A_101 = arith.constant 122 : i32
    %dma_start3A_102 = arith.constant 0 : i32
    %dma_start3A_103 = tpu.memref_slice %arg7[%dma_start3A_101, %dma_start3A_102] : memref<125x80xi32, #tpu.memory_space<vmem>> -> memref<1x80xi32, #tpu.memory_space<vmem>>
    %dma_start3A_104 = tpu.memref_squeeze %dma_start3A_103 : memref<1x80xi32, #tpu.memory_space<vmem>> -> memref<80xi32, #tpu.memory_space<vmem>>
    %dma_start3A_105 = arith.constant 0 : i32
    %dma_start3A_106 = arith.constant 0 : i32
    %dma_start3A_107 = tpu.memref_slice %arg15[%dma_start3A_105, %dma_start3A_106] : memref<10240x64xf32, #tpu.memory_space<vmem_shared>> -> memref<10240x64xf32, #tpu.memory_space<vmem_shared>>
    tpu.enqueue_indirect_dma source(%arg10 : memref<80x64xf32, #tpu.memory_space<vmem>>) target(%dma_start3A_107 : memref<10240x64xf32, #tpu.memory_space<vmem_shared>>) offsets(%dma_start3A_104 : memref<80xi32, #tpu.memory_space<vmem>>) semaphore(%arg24 : memref<!tpu.dma_semaphore, #tpu.memory_space<semaphore_mem>>) {add = true}
    %and3A_108 = arith.constant true
    %and3A_109 = arith.constant true
    %and3A_110 = arith.andi %and3A_108, %and3A_109 : i1
    %convert_element_type3A_111 = arith.extui %and3A_110 : i1 to i32
    %cond3A_112 = arith.constant 0 : i32
    %cond3A_113 = arith.cmpi ne, %convert_element_type3A_111, %cond3A_112 : i32
    scf.if %cond3A_113 {
      %dma_wait3A_204 = arith.constant 118 : i32
      %dma_wait3A_205 = arith.constant 0 : i32
      %dma_wait3A_206 = tpu.memref_slice %arg7[%dma_wait3A_204, %dma_wait3A_205] : memref<125x80xi32, #tpu.memory_space<vmem>> -> memref<1x80xi32, #tpu.memory_space<vmem>>
      %dma_wait3A_207 = tpu.memref_squeeze %dma_wait3A_206 : memref<1x80xi32, #tpu.memory_space<vmem>> -> memref<80xi32, #tpu.memory_space<vmem>>
      %dma_wait3A_208 = arith.constant 0 : i32
      %dma_wait3A_209 = arith.constant 0 : i32
      %dma_wait3A_210 = tpu.memref_slice %arg15[%dma_wait3A_208, %dma_wait3A_209] : memref<10240x64xf32, #tpu.memory_space<vmem_shared>> -> memref<10240x64xf32, #tpu.memory_space<vmem_shared>>
      tpu.wait_indirect_dma semaphore(%arg26 : memref<!tpu.dma_semaphore, #tpu.memory_space<semaphore_mem>>) src(%arg12 : memref<80x64xf32, #tpu.memory_space<vmem>>) dst(%dma_wait3A_210 : memref<10240x64xf32, #tpu.memory_space<vmem_shared>>)
    } else {
    }
    %dma_start3A_114 = arith.constant 124 : i32
    %dma_start3A_115 = arith.constant 0 : i32
    %dma_start3A_116 = tpu.memref_slice %arg6[%dma_start3A_114, %dma_start3A_115] : memref<125x80xi32, #tpu.memory_space<vmem>> -> memref<1x80xi32, #tpu.memory_space<vmem>>
    %dma_start3A_117 = tpu.memref_squeeze %dma_start3A_116 : memref<1x80xi32, #tpu.memory_space<vmem>> -> memref<80xi32, #tpu.memory_space<vmem>>
    %dma_start3A_118 = arith.constant 0 : i32
    %dma_start3A_119 = arith.constant 0 : i32
    %dma_start3A_120 = tpu.memref_slice %arg2[%dma_start3A_118, %dma_start3A_119] : memref<10000x64xf32, #tpu.memory_space<hbm>> -> memref<10000x64xf32, #tpu.memory_space<hbm>>
    tpu.enqueue_indirect_dma source(%dma_start3A_120 : memref<10000x64xf32, #tpu.memory_space<hbm>>) target(%arg12 : memref<80x64xf32, #tpu.memory_space<vmem>>) offsets(%dma_start3A_117 : memref<80xi32, #tpu.memory_space<vmem>>) semaphore(%arg20 : memref<!tpu.dma_semaphore, #tpu.memory_space<semaphore_mem>>)
    %dma_wait3A_121 = arith.constant 123 : i32
    %dma_wait3A_122 = arith.constant 0 : i32
    %dma_wait3A_123 = tpu.memref_slice %arg6[%dma_wait3A_121, %dma_wait3A_122] : memref<125x80xi32, #tpu.memory_space<vmem>> -> memref<1x80xi32, #tpu.memory_space<vmem>>
    %dma_wait3A_124 = tpu.memref_squeeze %dma_wait3A_123 : memref<1x80xi32, #tpu.memory_space<vmem>> -> memref<80xi32, #tpu.memory_space<vmem>>
    %dma_wait3A_125 = arith.constant 0 : i32
    %dma_wait3A_126 = arith.constant 0 : i32
    %dma_wait3A_127 = tpu.memref_slice %arg2[%dma_wait3A_125, %dma_wait3A_126] : memref<10000x64xf32, #tpu.memory_space<hbm>> -> memref<10000x64xf32, #tpu.memory_space<hbm>>
    tpu.wait_indirect_dma semaphore(%arg19 : memref<!tpu.dma_semaphore, #tpu.memory_space<semaphore_mem>>) src(%dma_wait3A_127 : memref<10000x64xf32, #tpu.memory_space<hbm>>) dst(%arg11 : memref<80x64xf32, #tpu.memory_space<vmem>>)
    %dma_start3A_128 = arith.constant 123 : i32
    %dma_start3A_129 = arith.constant 0 : i32
    %dma_start3A_130 = tpu.memref_slice %arg7[%dma_start3A_128, %dma_start3A_129] : memref<125x80xi32, #tpu.memory_space<vmem>> -> memref<1x80xi32, #tpu.memory_space<vmem>>
    %dma_start3A_131 = tpu.memref_squeeze %dma_start3A_130 : memref<1x80xi32, #tpu.memory_space<vmem>> -> memref<80xi32, #tpu.memory_space<vmem>>
    %dma_start3A_132 = arith.constant 0 : i32
    %dma_start3A_133 = arith.constant 0 : i32
    %dma_start3A_134 = tpu.memref_slice %arg15[%dma_start3A_132, %dma_start3A_133] : memref<10240x64xf32, #tpu.memory_space<vmem_shared>> -> memref<10240x64xf32, #tpu.memory_space<vmem_shared>>
    tpu.enqueue_indirect_dma source(%arg11 : memref<80x64xf32, #tpu.memory_space<vmem>>) target(%dma_start3A_134 : memref<10240x64xf32, #tpu.memory_space<vmem_shared>>) offsets(%dma_start3A_131 : memref<80xi32, #tpu.memory_space<vmem>>) semaphore(%arg25 : memref<!tpu.dma_semaphore, #tpu.memory_space<semaphore_mem>>) {add = true}
    %and3A_135 = arith.constant true
    %and3A_136 = arith.constant false
    %and3A_137 = arith.andi %and3A_135, %and3A_136 : i1
    %convert_element_type3A_138 = arith.extui %and3A_137 : i1 to i32
    %cond3A_139 = arith.constant 0 : i32
    %cond3A_140 = arith.cmpi ne, %convert_element_type3A_138, %cond3A_139 : i32
    scf.if %cond3A_140 {
      %dma_wait3A_204 = arith.constant 119 : i32
      %dma_wait3A_205 = arith.constant 0 : i32
      %dma_wait3A_206 = tpu.memref_slice %arg7[%dma_wait3A_204, %dma_wait3A_205] : memref<125x80xi32, #tpu.memory_space<vmem>> -> memref<1x80xi32, #tpu.memory_space<vmem>>
      %dma_wait3A_207 = tpu.memref_squeeze %dma_wait3A_206 : memref<1x80xi32, #tpu.memory_space<vmem>> -> memref<80xi32, #tpu.memory_space<vmem>>
      %dma_wait3A_208 = arith.constant 0 : i32
      %dma_wait3A_209 = arith.constant 0 : i32
      %dma_wait3A_210 = tpu.memref_slice %arg15[%dma_wait3A_208, %dma_wait3A_209] : memref<10240x64xf32, #tpu.memory_space<vmem_shared>> -> memref<10240x64xf32, #tpu.memory_space<vmem_shared>>
      tpu.wait_indirect_dma semaphore(%arg27 : memref<!tpu.dma_semaphore, #tpu.memory_space<semaphore_mem>>) src(%arg13 : memref<80x64xf32, #tpu.memory_space<vmem>>) dst(%dma_wait3A_210 : memref<10240x64xf32, #tpu.memory_space<vmem_shared>>)
    } else {
    }
    %dma_wait3A_141 = arith.constant 124 : i32
    %dma_wait3A_142 = arith.constant 0 : i32
    %dma_wait3A_143 = tpu.memref_slice %arg6[%dma_wait3A_141, %dma_wait3A_142] : memref<125x80xi32, #tpu.memory_space<vmem>> -> memref<1x80xi32, #tpu.memory_space<vmem>>
    %dma_wait3A_144 = tpu.memref_squeeze %dma_wait3A_143 : memref<1x80xi32, #tpu.memory_space<vmem>> -> memref<80xi32, #tpu.memory_space<vmem>>
    %dma_wait3A_145 = arith.constant 0 : i32
    %dma_wait3A_146 = arith.constant 0 : i32
    %dma_wait3A_147 = tpu.memref_slice %arg2[%dma_wait3A_145, %dma_wait3A_146] : memref<10000x64xf32, #tpu.memory_space<hbm>> -> memref<10000x64xf32, #tpu.memory_space<hbm>>
    tpu.wait_indirect_dma semaphore(%arg20 : memref<!tpu.dma_semaphore, #tpu.memory_space<semaphore_mem>>) src(%dma_wait3A_147 : memref<10000x64xf32, #tpu.memory_space<hbm>>) dst(%arg12 : memref<80x64xf32, #tpu.memory_space<vmem>>)
    %dma_start3A_148 = arith.constant 124 : i32
    %dma_start3A_149 = arith.constant 0 : i32
    %dma_start3A_150 = tpu.memref_slice %arg7[%dma_start3A_148, %dma_start3A_149] : memref<125x80xi32, #tpu.memory_space<vmem>> -> memref<1x80xi32, #tpu.memory_space<vmem>>
    %dma_start3A_151 = tpu.memref_squeeze %dma_start3A_150 : memref<1x80xi32, #tpu.memory_space<vmem>> -> memref<80xi32, #tpu.memory_space<vmem>>
    %dma_start3A_152 = arith.constant 0 : i32
    %dma_start3A_153 = arith.constant 0 : i32
    %dma_start3A_154 = tpu.memref_slice %arg15[%dma_start3A_152, %dma_start3A_153] : memref<10240x64xf32, #tpu.memory_space<vmem_shared>> -> memref<10240x64xf32, #tpu.memory_space<vmem_shared>>
    tpu.enqueue_indirect_dma source(%arg12 : memref<80x64xf32, #tpu.memory_space<vmem>>) target(%dma_start3A_154 : memref<10240x64xf32, #tpu.memory_space<vmem_shared>>) offsets(%dma_start3A_151 : memref<80xi32, #tpu.memory_space<vmem>>) semaphore(%arg26 : memref<!tpu.dma_semaphore, #tpu.memory_space<semaphore_mem>>) {add = true}
    %and3A_155 = arith.constant true
    %and3A_156 = arith.constant false
    %and3A_157 = arith.andi %and3A_155, %and3A_156 : i1
    %convert_element_type3A_158 = arith.extui %and3A_157 : i1 to i32
    %cond3A_159 = arith.constant 0 : i32
    %cond3A_160 = arith.cmpi ne, %convert_element_type3A_158, %cond3A_159 : i32
    scf.if %cond3A_160 {
      %dma_wait3A_204 = arith.constant 120 : i32
      %dma_wait3A_205 = arith.constant 0 : i32
      %dma_wait3A_206 = tpu.memref_slice %arg7[%dma_wait3A_204, %dma_wait3A_205] : memref<125x80xi32, #tpu.memory_space<vmem>> -> memref<1x80xi32, #tpu.memory_space<vmem>>
      %dma_wait3A_207 = tpu.memref_squeeze %dma_wait3A_206 : memref<1x80xi32, #tpu.memory_space<vmem>> -> memref<80xi32, #tpu.memory_space<vmem>>
      %dma_wait3A_208 = arith.constant 0 : i32
      %dma_wait3A_209 = arith.constant 0 : i32
      %dma_wait3A_210 = tpu.memref_slice %arg15[%dma_wait3A_208, %dma_wait3A_209] : memref<10240x64xf32, #tpu.memory_space<vmem_shared>> -> memref<10240x64xf32, #tpu.memory_space<vmem_shared>>
      tpu.wait_indirect_dma semaphore(%arg22 : memref<!tpu.dma_semaphore, #tpu.memory_space<semaphore_mem>>) src(%arg8 : memref<80x64xf32, #tpu.memory_space<vmem>>) dst(%dma_wait3A_210 : memref<10240x64xf32, #tpu.memory_space<vmem_shared>>)
    } else {
    }
    %dma_wait3A_161 = arith.constant 119 : i32
    %dma_wait3A_162 = arith.constant 0 : i32
    %dma_wait3A_163 = tpu.memref_slice %arg7[%dma_wait3A_161, %dma_wait3A_162] : memref<125x80xi32, #tpu.memory_space<vmem>> -> memref<1x80xi32, #tpu.memory_space<vmem>>
    %dma_wait3A_164 = tpu.memref_squeeze %dma_wait3A_163 : memref<1x80xi32, #tpu.memory_space<vmem>> -> memref<80xi32, #tpu.memory_space<vmem>>
    %dma_wait3A_165 = arith.constant 0 : i32
    %dma_wait3A_166 = arith.constant 0 : i32
    %dma_wait3A_167 = tpu.memref_slice %arg15[%dma_wait3A_165, %dma_wait3A_166] : memref<10240x64xf32, #tpu.memory_space<vmem_shared>> -> memref<10240x64xf32, #tpu.memory_space<vmem_shared>>
    tpu.wait_indirect_dma semaphore(%arg27 : memref<!tpu.dma_semaphore, #tpu.memory_space<semaphore_mem>>) src(%arg13 : memref<80x64xf32, #tpu.memory_space<vmem>>) dst(%dma_wait3A_167 : memref<10240x64xf32, #tpu.memory_space<vmem_shared>>)
    %dma_wait3A_168 = arith.constant 120 : i32
    %dma_wait3A_169 = arith.constant 0 : i32
    %dma_wait3A_170 = tpu.memref_slice %arg7[%dma_wait3A_168, %dma_wait3A_169] : memref<125x80xi32, #tpu.memory_space<vmem>> -> memref<1x80xi32, #tpu.memory_space<vmem>>
    %dma_wait3A_171 = tpu.memref_squeeze %dma_wait3A_170 : memref<1x80xi32, #tpu.memory_space<vmem>> -> memref<80xi32, #tpu.memory_space<vmem>>
    %dma_wait3A_172 = arith.constant 0 : i32
    %dma_wait3A_173 = arith.constant 0 : i32
    %dma_wait3A_174 = tpu.memref_slice %arg15[%dma_wait3A_172, %dma_wait3A_173] : memref<10240x64xf32, #tpu.memory_space<vmem_shared>> -> memref<10240x64xf32, #tpu.memory_space<vmem_shared>>
    tpu.wait_indirect_dma semaphore(%arg22 : memref<!tpu.dma_semaphore, #tpu.memory_space<semaphore_mem>>) src(%arg8 : memref<80x64xf32, #tpu.memory_space<vmem>>) dst(%dma_wait3A_174 : memref<10240x64xf32, #tpu.memory_space<vmem_shared>>)
    %dma_wait3A_175 = arith.constant 121 : i32
    %dma_wait3A_176 = arith.constant 0 : i32
    %dma_wait3A_177 = tpu.memref_slice %arg7[%dma_wait3A_175, %dma_wait3A_176] : memref<125x80xi32, #tpu.memory_space<vmem>> -> memref<1x80xi32, #tpu.memory_space<vmem>>
    %dma_wait3A_178 = tpu.memref_squeeze %dma_wait3A_177 : memref<1x80xi32, #tpu.memory_space<vmem>> -> memref<80xi32, #tpu.memory_space<vmem>>
    %dma_wait3A_179 = arith.constant 0 : i32
    %dma_wait3A_180 = arith.constant 0 : i32
    %dma_wait3A_181 = tpu.memref_slice %arg15[%dma_wait3A_179, %dma_wait3A_180] : memref<10240x64xf32, #tpu.memory_space<vmem_shared>> -> memref<10240x64xf32, #tpu.memory_space<vmem_shared>>
    tpu.wait_indirect_dma semaphore(%arg23 : memref<!tpu.dma_semaphore, #tpu.memory_space<semaphore_mem>>) src(%arg9 : memref<80x64xf32, #tpu.memory_space<vmem>>) dst(%dma_wait3A_181 : memref<10240x64xf32, #tpu.memory_space<vmem_shared>>)
    %dma_wait3A_182 = arith.constant 122 : i32
    %dma_wait3A_183 = arith.constant 0 : i32
    %dma_wait3A_184 = tpu.memref_slice %arg7[%dma_wait3A_182, %dma_wait3A_183] : memref<125x80xi32, #tpu.memory_space<vmem>> -> memref<1x80xi32, #tpu.memory_space<vmem>>
    %dma_wait3A_185 = tpu.memref_squeeze %dma_wait3A_184 : memref<1x80xi32, #tpu.memory_space<vmem>> -> memref<80xi32, #tpu.memory_space<vmem>>
    %dma_wait3A_186 = arith.constant 0 : i32
    %dma_wait3A_187 = arith.constant 0 : i32
    %dma_wait3A_188 = tpu.memref_slice %arg15[%dma_wait3A_186, %dma_wait3A_187] : memref<10240x64xf32, #tpu.memory_space<vmem_shared>> -> memref<10240x64xf32, #tpu.memory_space<vmem_shared>>
    tpu.wait_indirect_dma semaphore(%arg24 : memref<!tpu.dma_semaphore, #tpu.memory_space<semaphore_mem>>) src(%arg10 : memref<80x64xf32, #tpu.memory_space<vmem>>) dst(%dma_wait3A_188 : memref<10240x64xf32, #tpu.memory_space<vmem_shared>>)
    %dma_wait3A_189 = arith.constant 123 : i32
    %dma_wait3A_190 = arith.constant 0 : i32
    %dma_wait3A_191 = tpu.memref_slice %arg7[%dma_wait3A_189, %dma_wait3A_190] : memref<125x80xi32, #tpu.memory_space<vmem>> -> memref<1x80xi32, #tpu.memory_space<vmem>>
    %dma_wait3A_192 = tpu.memref_squeeze %dma_wait3A_191 : memref<1x80xi32, #tpu.memory_space<vmem>> -> memref<80xi32, #tpu.memory_space<vmem>>
    %dma_wait3A_193 = arith.constant 0 : i32
    %dma_wait3A_194 = arith.constant 0 : i32
    %dma_wait3A_195 = tpu.memref_slice %arg15[%dma_wait3A_193, %dma_wait3A_194] : memref<10240x64xf32, #tpu.memory_space<vmem_shared>> -> memref<10240x64xf32, #tpu.memory_space<vmem_shared>>
    tpu.wait_indirect_dma semaphore(%arg25 : memref<!tpu.dma_semaphore, #tpu.memory_space<semaphore_mem>>) src(%arg11 : memref<80x64xf32, #tpu.memory_space<vmem>>) dst(%dma_wait3A_195 : memref<10240x64xf32, #tpu.memory_space<vmem_shared>>)
    %dma_wait3A_196 = arith.constant 124 : i32
    %dma_wait3A_197 = arith.constant 0 : i32
    %dma_wait3A_198 = tpu.memref_slice %arg7[%dma_wait3A_196, %dma_wait3A_197] : memref<125x80xi32, #tpu.memory_space<vmem>> -> memref<1x80xi32, #tpu.memory_space<vmem>>
    %dma_wait3A_199 = tpu.memref_squeeze %dma_wait3A_198 : memref<1x80xi32, #tpu.memory_space<vmem>> -> memref<80xi32, #tpu.memory_space<vmem>>
    %dma_wait3A_200 = arith.constant 0 : i32
    %dma_wait3A_201 = arith.constant 0 : i32
    %dma_wait3A_202 = tpu.memref_slice %arg15[%dma_wait3A_200, %dma_wait3A_201] : memref<10240x64xf32, #tpu.memory_space<vmem_shared>> -> memref<10240x64xf32, #tpu.memory_space<vmem_shared>>
    tpu.wait_indirect_dma semaphore(%arg26 : memref<!tpu.dma_semaphore, #tpu.memory_space<semaphore_mem>>) src(%arg12 : memref<80x64xf32, #tpu.memory_space<vmem>>) dst(%dma_wait3A_202 : memref<10240x64xf32, #tpu.memory_space<vmem_shared>>)
    %barrier3A_203 = arith.constant 0 : index
    tpu.barrier barrier_id(%barrier3A_203)
    "tpu.region"() ({
      %run_scoped3A = tpu.sem_alloc : memref<!tpu.dma_semaphore, #tpu.memory_space<semaphore_mem>>
      %dma_start3A_204 = arith.constant 0 : i32
      %dma_start3A_205 = tpu.memref_slice %arg5[%arg0, %mul3A_8, %dma_start3A_204] : memref<2x10240x64xf32, #tpu.memory_space<hbm>> -> memref<1x640x64xf32, #tpu.memory_space<hbm>>
      %dma_start3A_206 = tpu.memref_squeeze %dma_start3A_205 : memref<1x640x64xf32, #tpu.memory_space<hbm>> -> memref<640x64xf32, #tpu.memory_space<hbm>>
      %dma_start3A_207 = arith.constant 0 : i32
      %dma_start3A_208 = tpu.memref_slice %arg15[%mul3A_8, %dma_start3A_207] : memref<10240x64xf32, #tpu.memory_space<vmem_shared>> -> memref<640x64xf32, #tpu.memory_space<vmem_shared>>
      tpu.enqueue_dma source(%dma_start3A_208 : memref<640x64xf32, #tpu.memory_space<vmem_shared>>) target(%dma_start3A_206 : memref<640x64xf32, #tpu.memory_space<hbm>>) target_semaphore(%run_scoped3A : memref<!tpu.dma_semaphore, #tpu.memory_space<semaphore_mem>>)
      %dma_wait3A_209 = arith.constant 0 : i32
      %dma_wait3A_210 = tpu.memref_slice %arg5[%arg0, %mul3A_8, %dma_wait3A_209] : memref<2x10240x64xf32, #tpu.memory_space<hbm>> -> memref<1x640x64xf32, #tpu.memory_space<hbm>>
      %dma_wait3A_211 = tpu.memref_squeeze %dma_wait3A_210 : memref<1x640x64xf32, #tpu.memory_space<hbm>> -> memref<640x64xf32, #tpu.memory_space<hbm>>
      %dma_wait3A_212 = arith.constant 0 : i32
      %dma_wait3A_213 = tpu.memref_slice %arg15[%mul3A_8, %dma_wait3A_212] : memref<10240x64xf32, #tpu.memory_space<vmem_shared>> -> memref<640x64xf32, #tpu.memory_space<vmem_shared>>
      tpu.wait_dma2 semaphore(%run_scoped3A : memref<!tpu.dma_semaphore, #tpu.memory_space<semaphore_mem>>) src(%dma_wait3A_213 : memref<640x64xf32, #tpu.memory_space<vmem_shared>>) dst(%dma_wait3A_211 : memref<640x64xf32, #tpu.memory_space<hbm>>)
      tpu.yield
    }) : () -> ()
    return
  }
}

#map = affine_map<(d0, d1) -> (0, 0)>
#map1 = affine_map<(d0, d1) -> (0, 0, 0)>
module attributes {stable_mosaic.version = 14 : i64} {
  func.func @body(%arg0: i32, %arg1: i32, %arg2: memref<10000x64xf32, #tpu.memory_space<hbm>>, %arg3: memref<32x125x80xi32, #tpu.memory_space<hbm>>, %arg4: memref<32x125x80xi32, #tpu.memory_space<hbm>>, %arg5: memref<2x10240x64xf32, #tpu.memory_space<hbm>>, %arg6: memref<125x80xi32, #tpu.memory_space<vmem>>, %arg7: memref<125x80xi32, #tpu.memory_space<vmem>>, %arg8: memref<80x64xf32, #tpu.memory_space<vmem>>, %arg9: memref<80x64xf32, #tpu.memory_space<vmem>>, %arg10: memref<80x64xf32, #tpu.memory_space<vmem>>, %arg11: memref<80x64xf32, #tpu.memory_space<vmem>>, %arg12: memref<80x64xf32, #tpu.memory_space<vmem>>, %arg13: memref<80x64xf32, #tpu.memory_space<vmem>>, %arg14: memref<80x64xf32, #tpu.memory_space<vmem>>, %arg15: memref<10240x64xf32, #tpu.memory_space<vmem_shared>>, %arg16: memref<!tpu.dma_semaphore, #tpu.memory_space<semaphore_mem>>, %arg17: memref<!tpu.dma_semaphore, #tpu.memory_space<semaphore_mem>>, %arg18: memref<!tpu.dma_semaphore, #tpu.memory_space<semaphore_mem>>, %arg19: memref<!tpu.dma_semaphore, #tpu.memory_space<semaphore_mem>>, %arg20: memref<!tpu.dma_semaphore, #tpu.memory_space<semaphore_mem>>, %arg21: memref<!tpu.dma_semaphore, #tpu.memory_space<semaphore_mem>>, %arg22: memref<!tpu.dma_semaphore, #tpu.memory_space<semaphore_mem>>, %arg23: memref<!tpu.dma_semaphore, #tpu.memory_space<semaphore_mem>>, %arg24: memref<!tpu.dma_semaphore, #tpu.memory_space<semaphore_mem>>, %arg25: memref<!tpu.dma_semaphore, #tpu.memory_space<semaphore_mem>>, %arg26: memref<!tpu.dma_semaphore, #tpu.memory_space<semaphore_mem>>, %arg27: memref<!tpu.dma_semaphore, #tpu.memory_space<semaphore_mem>>) attributes {dimension_semantics = [#tpu.dimension_semantics<core_parallel>, #tpu.dimension_semantics<subcore_parallel>], iteration_bounds = array<i64: 2, 16>, scalar_prefetch = 0 : i64, scratch_operands = 22 : i64, tpu.core_type = #tpu.core_type<sc_vector_subcore>, window_params = [{transform_indices = #map}, {transform_indices = #map1}, {transform_indices = #map1}, {transform_indices = #map1}]} {
    %mul3A = arith.constant 2 : i32
    %mul3A_0 = arith.muli %arg1, %mul3A : i32
    %add3A = arith.addi %mul3A_0, %arg0 : i32
    %broadcast_in_dim3A = arith.constant 0.000000e+00 : f32
    %broadcast_in_dim3A_1 = vector.broadcast %broadcast_in_dim3A : f32 to vector<16xf32>
    %scan3A = arith.constant 0 : i32
    %scan3A_2 = arith.constant 0 : i32
    %scan3A_3 = arith.constant 80 : i32
    %scan3A_4 = arith.addi %scan3A_2, %scan3A_3 : i32
    %scan3A_5 = arith.constant 1 : i32
    scf.for %scan3A_204 = %scan3A_2 to %scan3A_4 step %scan3A_5  : i32 {
      %swap3A = arith.index_cast %scan3A_204 : i32 to index
      %swap3A_205 = arith.constant 0 : index
      %swap3A_206 = tpu.vector_load %arg14[%swap3A, %swap3A_205] {strides = array<i32>} : memref<80x64xf32, #tpu.memory_space<vmem>>, vector<1x16xf32>,
      %swap3A_207 = vector.shape_cast %swap3A_206 : vector<1x16xf32> to vector<16xf32>
      %swap3A_208 = vector.shape_cast %broadcast_in_dim3A_1 : vector<16xf32> to vector<1x16xf32>
      tpu.vector_store %arg14[%swap3A, %swap3A_205], %swap3A_208 {strides = array<i32>} : memref<80x64xf32, #tpu.memory_space<vmem>>, vector<1x16xf32>,
      %swap3A_209 = arith.index_cast %scan3A_204 : i32 to index
      %swap3A_210 = arith.constant 16 : index
      %swap3A_211 = tpu.vector_load %arg14[%swap3A_209, %swap3A_210] {strides = array<i32>} : memref<80x64xf32, #tpu.memory_space<vmem>>, vector<1x16xf32>,
      %swap3A_212 = vector.shape_cast %swap3A_211 : vector<1x16xf32> to vector<16xf32>
      %swap3A_213 = vector.shape_cast %broadcast_in_dim3A_1 : vector<16xf32> to vector<1x16xf32>
      tpu.vector_store %arg14[%swap3A_209, %swap3A_210], %swap3A_213 {strides = array<i32>} : memref<80x64xf32, #tpu.memory_space<vmem>>, vector<1x16xf32>,
      %swap3A_214 = arith.index_cast %scan3A_204 : i32 to index
      %swap3A_215 = arith.constant 32 : index
      %swap3A_216 = tpu.vector_load %arg14[%swap3A_214, %swap3A_215] {strides = array<i32>} : memref<80x64xf32, #tpu.memory_space<vmem>>, vector<1x16xf32>,
      %swap3A_217 = vector.shape_cast %swap3A_216 : vector<1x16xf32> to vector<16xf32>
      %swap3A_218 = vector.shape_cast %broadcast_in_dim3A_1 : vector<16xf32> to vector<1x16xf32>
      tpu.vector_store %arg14[%swap3A_214, %swap3A_215], %swap3A_218 {strides = array<i32>} : memref<80x64xf32, #tpu.memory_space<vmem>>, vector<1x16xf32>,
      %swap3A_219 = arith.index_cast %scan3A_204 : i32 to index
      %swap3A_220 = arith.constant 48 : index
      %swap3A_221 = tpu.vector_load %arg14[%swap3A_219, %swap3A_220] {strides = array<i32>} : memref<80x64xf32, #tpu.memory_space<vmem>>, vector<1x16xf32>,
      %swap3A_222 = vector.shape_cast %swap3A_221 : vector<1x16xf32> to vector<16xf32>
      %swap3A_223 = vector.shape_cast %broadcast_in_dim3A_1 : vector<16xf32> to vector<1x16xf32>
      tpu.vector_store %arg14[%swap3A_219, %swap3A_220], %swap3A_223 {strides = array<i32>} : memref<80x64xf32, #tpu.memory_space<vmem>>, vector<1x16xf32>,
    }
    %scan3A_6 = arith.constant 80 : i32
    %mul3A_7 = arith.constant 640 : i32
    %mul3A_8 = arith.muli %arg1, %mul3A_7 : i32
    %add3A_9 = arith.constant 0 : i32
    %add3A_10 = arith.addi %mul3A_8, %add3A_9 : i32
    "tpu.region"() ({
      %run_scoped3A = tpu.sem_alloc : memref<!tpu.dma_semaphore, #tpu.memory_space<semaphore_mem>>
      %dma_start3A_204 = arith.constant 0 : i32
      %dma_start3A_205 = tpu.memref_slice %arg15[%add3A_10, %dma_start3A_204] : memref<10240x64xf32, #tpu.memory_space<vmem_shared>> -> memref<80x64xf32, #tpu.memory_space<vmem_shared>>
      %dma_start3A_206 = arith.constant 0 : i32
      %dma_start3A_207 = tpu.memref_slice %arg15[%add3A_10, %dma_start3A_206] : memref<10240x64xf32, #tpu.memory_space<vmem_shared>> -> memref<80x64xf32, #tpu.memory_space<vmem_shared>>
      tpu.enqueue_dma source(%arg14 : memref<80x64xf32, #tpu.memory_space<vmem>>) target(%dma_start3A_207 : memref<80x64xf32, #tpu.memory_space<vmem_shared>>) target_semaphore(%run_scoped3A : memref<!tpu.dma_semaphore, #tpu.memory_space<semaphore_mem>>)
      %dma_wait3A_208 = arith.constant 0 : i32
      %dma_wait3A_209 = tpu.memref_slice %arg15[%add3A_10, %dma_wait3A_208] : memref<10240x64xf32, #tpu.memory_space<vmem_shared>> -> memref<80x64xf32, #tpu.memory_space<vmem_shared>>
      %dma_wait3A_210 = arith.constant 0 : i32
      %dma_wait3A_211 = tpu.memref_slice %arg15[%add3A_10, %dma_wait3A_210] : memref<10240x64xf32, #tpu.memory_space<vmem_shared>> -> memref<80x64xf32, #tpu.memory_space<vmem_shared>>
      tpu.wait_dma2 semaphore(%run_scoped3A : memref<!tpu.dma_semaphore, #tpu.memory_space<semaphore_mem>>) src(%arg14 : memref<80x64xf32, #tpu.memory_space<vmem>>) dst(%dma_wait3A_211 : memref<80x64xf32, #tpu.memory_space<vmem_shared>>)
      tpu.yield
    }) : () -> ()
    %add3A_11 = arith.constant 80 : i32
    %add3A_12 = arith.addi %mul3A_8, %add3A_11 : i32
    "tpu.region"() ({
      %run_scoped3A = tpu.sem_alloc : memref<!tpu.dma_semaphore, #tpu.memory_space<semaphore_mem>>
      %dma_start3A_204 = arith.constant 0 : i32
      %dma_start3A_205 = tpu.memref_slice %arg15[%add3A_12, %dma_start3A_204] : memref<10240x64xf32, #tpu.memory_space<vmem_shared>> -> memref<80x64xf32, #tpu.memory_space<vmem_shared>>
      %dma_start3A_206 = arith.constant 0 : i32
      %dma_start3A_207 = tpu.memref_slice %arg15[%add3A_12, %dma_start3A_206] : memref<10240x64xf32, #tpu.memory_space<vmem_shared>> -> memref<80x64xf32, #tpu.memory_space<vmem_shared>>
      tpu.enqueue_dma source(%arg14 : memref<80x64xf32, #tpu.memory_space<vmem>>) target(%dma_start3A_207 : memref<80x64xf32, #tpu.memory_space<vmem_shared>>) target_semaphore(%run_scoped3A : memref<!tpu.dma_semaphore, #tpu.memory_space<semaphore_mem>>)
      %dma_wait3A_208 = arith.constant 0 : i32
      %dma_wait3A_209 = tpu.memref_slice %arg15[%add3A_12, %dma_wait3A_208] : memref<10240x64xf32, #tpu.memory_space<vmem_shared>> -> memref<80x64xf32, #tpu.memory_space<vmem_shared>>
      %dma_wait3A_210 = arith.constant 0 : i32
      %dma_wait3A_211 = tpu.memref_slice %arg15[%add3A_12, %dma_wait3A_210] : memref<10240x64xf32, #tpu.memory_space<vmem_shared>> -> memref<80x64xf32, #tpu.memory_space<vmem_shared>>
      tpu.wait_dma2 semaphore(%run_scoped3A : memref<!tpu.dma_semaphore, #tpu.memory_space<semaphore_mem>>) src(%arg14 : memref<80x64xf32, #tpu.memory_space<vmem>>) dst(%dma_wait3A_211 : memref<80x64xf32, #tpu.memory_space<vmem_shared>>)
      tpu.yield
    }) : () -> ()
    %add3A_13 = arith.constant 160 : i32
    %add3A_14 = arith.addi %mul3A_8, %add3A_13 : i32
    "tpu.region"() ({
      %run_scoped3A = tpu.sem_alloc : memref<!tpu.dma_semaphore, #tpu.memory_space<semaphore_mem>>
      %dma_start3A_204 = arith.constant 0 : i32
      %dma_start3A_205 = tpu.memref_slice %arg15[%add3A_14, %dma_start3A_204] : memref<10240x64xf32, #tpu.memory_space<vmem_shared>> -> memref<80x64xf32, #tpu.memory_space<vmem_shared>>
      %dma_start3A_206 = arith.constant 0 : i32
      %dma_start3A_207 = tpu.memref_slice %arg15[%add3A_14, %dma_start3A_206] : memref<10240x64xf32, #tpu.memory_space<vmem_shared>> -> memref<80x64xf32, #tpu.memory_space<vmem_shared>>
      tpu.enqueue_dma source(%arg14 : memref<80x64xf32, #tpu.memory_space<vmem>>) target(%dma_start3A_207 : memref<80x64xf32, #tpu.memory_space<vmem_shared>>) target_semaphore(%run_scoped3A : memref<!tpu.dma_semaphore, #tpu.memory_space<semaphore_mem>>)
      %dma_wait3A_208 = arith.constant 0 : i32
      %dma_wait3A_209 = tpu.memref_slice %arg15[%add3A_14, %dma_wait3A_208] : memref<10240x64xf32, #tpu.memory_space<vmem_shared>> -> memref<80x64xf32, #tpu.memory_space<vmem_shared>>
      %dma_wait3A_210 = arith.constant 0 : i32
      %dma_wait3A_211 = tpu.memref_slice %arg15[%add3A_14, %dma_wait3A_210] : memref<10240x64xf32, #tpu.memory_space<vmem_shared>> -> memref<80x64xf32, #tpu.memory_space<vmem_shared>>
      tpu.wait_dma2 semaphore(%run_scoped3A : memref<!tpu.dma_semaphore, #tpu.memory_space<semaphore_mem>>) src(%arg14 : memref<80x64xf32, #tpu.memory_space<vmem>>) dst(%dma_wait3A_211 : memref<80x64xf32, #tpu.memory_space<vmem_shared>>)
      tpu.yield
    }) : () -> ()
    %add3A_15 = arith.constant 240 : i32
    %add3A_16 = arith.addi %mul3A_8, %add3A_15 : i32
    "tpu.region"() ({
      %run_scoped3A = tpu.sem_alloc : memref<!tpu.dma_semaphore, #tpu.memory_space<semaphore_mem>>
      %dma_start3A_204 = arith.constant 0 : i32
      %dma_start3A_205 = tpu.memref_slice %arg15[%add3A_16, %dma_start3A_204] : memref<10240x64xf32, #tpu.memory_space<vmem_shared>> -> memref<80x64xf32, #tpu.memory_space<vmem_shared>>
      %dma_start3A_206 = arith.constant 0 : i32
      %dma_start3A_207 = tpu.memref_slice %arg15[%add3A_16, %dma_start3A_206] : memref<10240x64xf32, #tpu.memory_space<vmem_shared>> -> memref<80x64xf32, #tpu.memory_space<vmem_shared>>
      tpu.enqueue_dma source(%arg14 : memref<80x64xf32, #tpu.memory_space<vmem>>) target(%dma_start3A_207 : memref<80x64xf32, #tpu.memory_space<vmem_shared>>) target_semaphore(%run_scoped3A : memref<!tpu.dma_semaphore, #tpu.memory_space<semaphore_mem>>)
      %dma_wait3A_208 = arith.constant 0 : i32
      %dma_wait3A_209 = tpu.memref_slice %arg15[%add3A_16, %dma_wait3A_208] : memref<10240x64xf32, #tpu.memory_space<vmem_shared>> -> memref<80x64xf32, #tpu.memory_space<vmem_shared>>
      %dma_wait3A_210 = arith.constant 0 : i32
      %dma_wait3A_211 = tpu.memref_slice %arg15[%add3A_16, %dma_wait3A_210] : memref<10240x64xf32, #tpu.memory_space<vmem_shared>> -> memref<80x64xf32, #tpu.memory_space<vmem_shared>>
      tpu.wait_dma2 semaphore(%run_scoped3A : memref<!tpu.dma_semaphore, #tpu.memory_space<semaphore_mem>>) src(%arg14 : memref<80x64xf32, #tpu.memory_space<vmem>>) dst(%dma_wait3A_211 : memref<80x64xf32, #tpu.memory_space<vmem_shared>>)
      tpu.yield
    }) : () -> ()
    %add3A_17 = arith.constant 320 : i32
    %add3A_18 = arith.addi %mul3A_8, %add3A_17 : i32
    "tpu.region"() ({
      %run_scoped3A = tpu.sem_alloc : memref<!tpu.dma_semaphore, #tpu.memory_space<semaphore_mem>>
      %dma_start3A_204 = arith.constant 0 : i32
      %dma_start3A_205 = tpu.memref_slice %arg15[%add3A_18, %dma_start3A_204] : memref<10240x64xf32, #tpu.memory_space<vmem_shared>> -> memref<80x64xf32, #tpu.memory_space<vmem_shared>>
      %dma_start3A_206 = arith.constant 0 : i32
      %dma_start3A_207 = tpu.memref_slice %arg15[%add3A_18, %dma_start3A_206] : memref<10240x64xf32, #tpu.memory_space<vmem_shared>> -> memref<80x64xf32, #tpu.memory_space<vmem_shared>>
      tpu.enqueue_dma source(%arg14 : memref<80x64xf32, #tpu.memory_space<vmem>>) target(%dma_start3A_207 : memref<80x64xf32, #tpu.memory_space<vmem_shared>>) target_semaphore(%run_scoped3A : memref<!tpu.dma_semaphore, #tpu.memory_space<semaphore_mem>>)
      %dma_wait3A_208 = arith.constant 0 : i32
      %dma_wait3A_209 = tpu.memref_slice %arg15[%add3A_18, %dma_wait3A_208] : memref<10240x64xf32, #tpu.memory_space<vmem_shared>> -> memref<80x64xf32, #tpu.memory_space<vmem_shared>>
      %dma_wait3A_210 = arith.constant 0 : i32
      %dma_wait3A_211 = tpu.memref_slice %arg15[%add3A_18, %dma_wait3A_210] : memref<10240x64xf32, #tpu.memory_space<vmem_shared>> -> memref<80x64xf32, #tpu.memory_space<vmem_shared>>
      tpu.wait_dma2 semaphore(%run_scoped3A : memref<!tpu.dma_semaphore, #tpu.memory_space<semaphore_mem>>) src(%arg14 : memref<80x64xf32, #tpu.memory_space<vmem>>) dst(%dma_wait3A_211 : memref<80x64xf32, #tpu.memory_space<vmem_shared>>)
      tpu.yield
    }) : () -> ()
    %add3A_19 = arith.constant 400 : i32
    %add3A_20 = arith.addi %mul3A_8, %add3A_19 : i32
    "tpu.region"() ({
      %run_scoped3A = tpu.sem_alloc : memref<!tpu.dma_semaphore, #tpu.memory_space<semaphore_mem>>
      %dma_start3A_204 = arith.constant 0 : i32
      %dma_start3A_205 = tpu.memref_slice %arg15[%add3A_20, %dma_start3A_204] : memref<10240x64xf32, #tpu.memory_space<vmem_shared>> -> memref<80x64xf32, #tpu.memory_space<vmem_shared>>
      %dma_start3A_206 = arith.constant 0 : i32
      %dma_start3A_207 = tpu.memref_slice %arg15[%add3A_20, %dma_start3A_206] : memref<10240x64xf32, #tpu.memory_space<vmem_shared>> -> memref<80x64xf32, #tpu.memory_space<vmem_shared>>
      tpu.enqueue_dma source(%arg14 : memref<80x64xf32, #tpu.memory_space<vmem>>) target(%dma_start3A_207 : memref<80x64xf32, #tpu.memory_space<vmem_shared>>) target_semaphore(%run_scoped3A : memref<!tpu.dma_semaphore, #tpu.memory_space<semaphore_mem>>)
      %dma_wait3A_208 = arith.constant 0 : i32
      %dma_wait3A_209 = tpu.memref_slice %arg15[%add3A_20, %dma_wait3A_208] : memref<10240x64xf32, #tpu.memory_space<vmem_shared>> -> memref<80x64xf32, #tpu.memory_space<vmem_shared>>
      %dma_wait3A_210 = arith.constant 0 : i32
      %dma_wait3A_211 = tpu.memref_slice %arg15[%add3A_20, %dma_wait3A_210] : memref<10240x64xf32, #tpu.memory_space<vmem_shared>> -> memref<80x64xf32, #tpu.memory_space<vmem_shared>>
      tpu.wait_dma2 semaphore(%run_scoped3A : memref<!tpu.dma_semaphore, #tpu.memory_space<semaphore_mem>>) src(%arg14 : memref<80x64xf32, #tpu.memory_space<vmem>>) dst(%dma_wait3A_211 : memref<80x64xf32, #tpu.memory_space<vmem_shared>>)
      tpu.yield
    }) : () -> ()
    %add3A_21 = arith.constant 480 : i32
    %add3A_22 = arith.addi %mul3A_8, %add3A_21 : i32
    "tpu.region"() ({
      %run_scoped3A = tpu.sem_alloc : memref<!tpu.dma_semaphore, #tpu.memory_space<semaphore_mem>>
      %dma_start3A_204 = arith.constant 0 : i32
      %dma_start3A_205 = tpu.memref_slice %arg15[%add3A_22, %dma_start3A_204] : memref<10240x64xf32, #tpu.memory_space<vmem_shared>> -> memref<80x64xf32, #tpu.memory_space<vmem_shared>>
      %dma_start3A_206 = arith.constant 0 : i32
      %dma_start3A_207 = tpu.memref_slice %arg15[%add3A_22, %dma_start3A_206] : memref<10240x64xf32, #tpu.memory_space<vmem_shared>> -> memref<80x64xf32, #tpu.memory_space<vmem_shared>>
      tpu.enqueue_dma source(%arg14 : memref<80x64xf32, #tpu.memory_space<vmem>>) target(%dma_start3A_207 : memref<80x64xf32, #tpu.memory_space<vmem_shared>>) target_semaphore(%run_scoped3A : memref<!tpu.dma_semaphore, #tpu.memory_space<semaphore_mem>>)
      %dma_wait3A_208 = arith.constant 0 : i32
      %dma_wait3A_209 = tpu.memref_slice %arg15[%add3A_22, %dma_wait3A_208] : memref<10240x64xf32, #tpu.memory_space<vmem_shared>> -> memref<80x64xf32, #tpu.memory_space<vmem_shared>>
      %dma_wait3A_210 = arith.constant 0 : i32
      %dma_wait3A_211 = tpu.memref_slice %arg15[%add3A_22, %dma_wait3A_210] : memref<10240x64xf32, #tpu.memory_space<vmem_shared>> -> memref<80x64xf32, #tpu.memory_space<vmem_shared>>
      tpu.wait_dma2 semaphore(%run_scoped3A : memref<!tpu.dma_semaphore, #tpu.memory_space<semaphore_mem>>) src(%arg14 : memref<80x64xf32, #tpu.memory_space<vmem>>) dst(%dma_wait3A_211 : memref<80x64xf32, #tpu.memory_space<vmem_shared>>)
      tpu.yield
    }) : () -> ()
    %add3A_23 = arith.constant 560 : i32
    %add3A_24 = arith.addi %mul3A_8, %add3A_23 : i32
    "tpu.region"() ({
      %run_scoped3A = tpu.sem_alloc : memref<!tpu.dma_semaphore, #tpu.memory_space<semaphore_mem>>
      %dma_start3A_204 = arith.constant 0 : i32
      %dma_start3A_205 = tpu.memref_slice %arg15[%add3A_24, %dma_start3A_204] : memref<10240x64xf32, #tpu.memory_space<vmem_shared>> -> memref<80x64xf32, #tpu.memory_space<vmem_shared>>
      %dma_start3A_206 = arith.constant 0 : i32
      %dma_start3A_207 = tpu.memref_slice %arg15[%add3A_24, %dma_start3A_206] : memref<10240x64xf32, #tpu.memory_space<vmem_shared>> -> memref<80x64xf32, #tpu.memory_space<vmem_shared>>
      tpu.enqueue_dma source(%arg14 : memref<80x64xf32, #tpu.memory_space<vmem>>) target(%dma_start3A_207 : memref<80x64xf32, #tpu.memory_space<vmem_shared>>) target_semaphore(%run_scoped3A : memref<!tpu.dma_semaphore, #tpu.memory_space<semaphore_mem>>)
      %dma_wait3A_208 = arith.constant 0 : i32
      %dma_wait3A_209 = tpu.memref_slice %arg15[%add3A_24, %dma_wait3A_208] : memref<10240x64xf32, #tpu.memory_space<vmem_shared>> -> memref<80x64xf32, #tpu.memory_space<vmem_shared>>
      %dma_wait3A_210 = arith.constant 0 : i32
      %dma_wait3A_211 = tpu.memref_slice %arg15[%add3A_24, %dma_wait3A_210] : memref<10240x64xf32, #tpu.memory_space<vmem_shared>> -> memref<80x64xf32, #tpu.memory_space<vmem_shared>>
      tpu.wait_dma2 semaphore(%run_scoped3A : memref<!tpu.dma_semaphore, #tpu.memory_space<semaphore_mem>>) src(%arg14 : memref<80x64xf32, #tpu.memory_space<vmem>>) dst(%dma_wait3A_211 : memref<80x64xf32, #tpu.memory_space<vmem_shared>>)
      tpu.yield
    }) : () -> ()
    "tpu.region"() ({
      %run_scoped3A = tpu.sem_alloc : memref<!tpu.dma_semaphore, #tpu.memory_space<semaphore_mem>>
      %dma_start3A_204 = arith.constant 0 : i32
      %dma_start3A_205 = arith.constant 0 : i32
      %dma_start3A_206 = tpu.memref_slice %arg3[%add3A, %dma_start3A_204, %dma_start3A_205] : memref<32x125x80xi32, #tpu.memory_space<hbm>> -> memref<1x125x80xi32, #tpu.memory_space<hbm>>
      %dma_start3A_207 = tpu.memref_squeeze %dma_start3A_206 : memref<1x125x80xi32, #tpu.memory_space<hbm>> -> memref<125x80xi32, #tpu.memory_space<hbm>>
      %dma_start3A_208 = arith.constant 0 : i32
      %dma_start3A_209 = arith.constant 0 : i32
      %dma_start3A_210 = tpu.memref_slice %arg3[%add3A, %dma_start3A_208, %dma_start3A_209] : memref<32x125x80xi32, #tpu.memory_space<hbm>> -> memref<1x125x80xi32, #tpu.memory_space<hbm>>
      %dma_start3A_211 = tpu.memref_squeeze %dma_start3A_210 : memref<1x125x80xi32, #tpu.memory_space<hbm>> -> memref<125x80xi32, #tpu.memory_space<hbm>>
      tpu.enqueue_dma source(%dma_start3A_211 : memref<125x80xi32, #tpu.memory_space<hbm>>) target(%arg6 : memref<125x80xi32, #tpu.memory_space<vmem>>) target_semaphore(%run_scoped3A : memref<!tpu.dma_semaphore, #tpu.memory_space<semaphore_mem>>)
      %dma_wait3A_212 = arith.constant 0 : i32
      %dma_wait3A_213 = arith.constant 0 : i32
      %dma_wait3A_214 = tpu.memref_slice %arg3[%add3A, %dma_wait3A_212, %dma_wait3A_213] : memref<32x125x80xi32, #tpu.memory_space<hbm>> -> memref<1x125x80xi32, #tpu.memory_space<hbm>>
      %dma_wait3A_215 = tpu.memref_squeeze %dma_wait3A_214 : memref<1x125x80xi32, #tpu.memory_space<hbm>> -> memref<125x80xi32, #tpu.memory_space<hbm>>
      %dma_wait3A_216 = arith.constant 0 : i32
      %dma_wait3A_217 = arith.constant 0 : i32
      %dma_wait3A_218 = tpu.memref_slice %arg3[%add3A, %dma_wait3A_216, %dma_wait3A_217] : memref<32x125x80xi32, #tpu.memory_space<hbm>> -> memref<1x125x80xi32, #tpu.memory_space<hbm>>
      %dma_wait3A_219 = tpu.memref_squeeze %dma_wait3A_218 : memref<1x125x80xi32, #tpu.memory_space<hbm>> -> memref<125x80xi32, #tpu.memory_space<hbm>>
      tpu.wait_dma2 semaphore(%run_scoped3A : memref<!tpu.dma_semaphore, #tpu.memory_space<semaphore_mem>>) src(%dma_wait3A_219 : memref<125x80xi32, #tpu.memory_space<hbm>>) dst(%arg6 : memref<125x80xi32, #tpu.memory_space<vmem>>)
      tpu.yield
    }) : () -> ()
    "tpu.region"() ({
      %run_scoped3A = tpu.sem_alloc : memref<!tpu.dma_semaphore, #tpu.memory_space<semaphore_mem>>
      %dma_start3A_204 = arith.constant 0 : i32
      %dma_start3A_205 = arith.constant 0 : i32
      %dma_start3A_206 = tpu.memref_slice %arg4[%add3A, %dma_start3A_204, %dma_start3A_205] : memref<32x125x80xi32, #tpu.memory_space<hbm>> -> memref<1x125x80xi32, #tpu.memory_space<hbm>>
      %dma_start3A_207 = tpu.memref_squeeze %dma_start3A_206 : memref<1x125x80xi32, #tpu.memory_space<hbm>> -> memref<125x80xi32, #tpu.memory_space<hbm>>
      %dma_start3A_208 = arith.constant 0 : i32
      %dma_start3A_209 = arith.constant 0 : i32
      %dma_start3A_210 = tpu.memref_slice %arg4[%add3A, %dma_start3A_208, %dma_start3A_209] : memref<32x125x80xi32, #tpu.memory_space<hbm>> -> memref<1x125x80xi32, #tpu.memory_space<hbm>>
      %dma_start3A_211 = tpu.memref_squeeze %dma_start3A_210 : memref<1x125x80xi32, #tpu.memory_space<hbm>> -> memref<125x80xi32, #tpu.memory_space<hbm>>
      tpu.enqueue_dma source(%dma_start3A_211 : memref<125x80xi32, #tpu.memory_space<hbm>>) target(%arg7 : memref<125x80xi32, #tpu.memory_space<vmem>>) target_semaphore(%run_scoped3A : memref<!tpu.dma_semaphore, #tpu.memory_space<semaphore_mem>>)
      %dma_wait3A_212 = arith.constant 0 : i32
      %dma_wait3A_213 = arith.constant 0 : i32
      %dma_wait3A_214 = tpu.memref_slice %arg4[%add3A, %dma_wait3A_212, %dma_wait3A_213] : memref<32x125x80xi32, #tpu.memory_space<hbm>> -> memref<1x125x80xi32, #tpu.memory_space<hbm>>
      %dma_wait3A_215 = tpu.memref_squeeze %dma_wait3A_214 : memref<1x125x80xi32, #tpu.memory_space<hbm>> -> memref<125x80xi32, #tpu.memory_space<hbm>>
      %dma_wait3A_216 = arith.constant 0 : i32
      %dma_wait3A_217 = arith.constant 0 : i32
      %dma_wait3A_218 = tpu.memref_slice %arg4[%add3A, %dma_wait3A_216, %dma_wait3A_217] : memref<32x125x80xi32, #tpu.memory_space<hbm>> -> memref<1x125x80xi32, #tpu.memory_space<hbm>>
      %dma_wait3A_219 = tpu.memref_squeeze %dma_wait3A_218 : memref<1x125x80xi32, #tpu.memory_space<hbm>> -> memref<125x80xi32, #tpu.memory_space<hbm>>
      tpu.wait_dma2 semaphore(%run_scoped3A : memref<!tpu.dma_semaphore, #tpu.memory_space<semaphore_mem>>) src(%dma_wait3A_219 : memref<125x80xi32, #tpu.memory_space<hbm>>) dst(%arg7 : memref<125x80xi32, #tpu.memory_space<vmem>>)
      tpu.yield
    }) : () -> ()
    %barrier3A = arith.constant 0 : index
    tpu.barrier barrier_id(%barrier3A)
    %dma_start3A = arith.constant 0 : i32
    %dma_start3A_25 = arith.constant 0 : i32
    %dma_start3A_26 = tpu.memref_slice %arg6[%dma_start3A, %dma_start3A_25] : memref<125x80xi32, #tpu.memory_space<vmem>> -> memref<1x80xi32, #tpu.memory_space<vmem>>
    %dma_start3A_27 = tpu.memref_squeeze %dma_start3A_26 : memref<1x80xi32, #tpu.memory_space<vmem>> -> memref<80xi32, #tpu.memory_space<vmem>>
    %dma_start3A_28 = arith.constant 0 : i32
    %dma_start3A_29 = arith.constant 0 : i32
    %dma_start3A_30 = tpu.memref_slice %arg2[%dma_start3A_28, %dma_start3A_29] : memref<10000x64xf32, #tpu.memory_space<hbm>> -> memref<10000x64xf32, #tpu.memory_space<hbm>>
    tpu.enqueue_indirect_dma source(%dma_start3A_30 : memref<10000x64xf32, #tpu.memory_space<hbm>>) target(%arg8 : memref<80x64xf32, #tpu.memory_space<vmem>>) offsets(%dma_start3A_27 : memref<80xi32, #tpu.memory_space<vmem>>) semaphore(%arg16 : memref<!tpu.dma_semaphore, #tpu.memory_space<semaphore_mem>>)
    %dma_start3A_31 = arith.constant 1 : i32
    %dma_start3A_32 = arith.constant 0 : i32
    %dma_start3A_33 = tpu.memref_slice %arg6[%dma_start3A_31, %dma_start3A_32] : memref<125x80xi32, #tpu.memory_space<vmem>> -> memref<1x80xi32, #tpu.memory_space<vmem>>
    %dma_start3A_34 = tpu.memref_squeeze %dma_start3A_33 : memref<1x80xi32, #tpu.memory_space<vmem>> -> memref<80xi32, #tpu.memory_space<vmem>>
    %dma_start3A_35 = arith.constant 0 : i32
    %dma_start3A_36 = arith.constant 0 : i32
    %dma_start3A_37 = tpu.memref_slice %arg2[%dma_start3A_35, %dma_start3A_36] : memref<10000x64xf32, #tpu.memory_space<hbm>> -> memref<10000x64xf32, #tpu.memory_space<hbm>>
    tpu.enqueue_indirect_dma source(%dma_start3A_37 : memref<10000x64xf32, #tpu.memory_space<hbm>>) target(%arg9 : memref<80x64xf32, #tpu.memory_space<vmem>>) offsets(%dma_start3A_34 : memref<80xi32, #tpu.memory_space<vmem>>) semaphore(%arg17 : memref<!tpu.dma_semaphore, #tpu.memory_space<semaphore_mem>>)
    %scan3A_38 = arith.constant 0 : i32
    %scan3A_39 = arith.constant 0 : i32
    %scan3A_40 = arith.constant 20 : i32
    %scan3A_41 = arith.addi %scan3A_39, %scan3A_40 : i32
    %scan3A_42 = arith.constant 1 : i32
    scf.for %scan3A_204 = %scan3A_39 to %scan3A_41 step %scan3A_42  : i32 {
      %mul3A_205 = arith.constant 6 : i32
      %mul3A_206 = arith.muli %mul3A_205, %scan3A_204 : i32
      %add3A_207 = arith.constant 0 : i32
      %add3A_208 = arith.addi %mul3A_206, %add3A_207 : i32
      %dma_wait3A_209 = arith.constant 0 : i32
      %dma_wait3A_210 = tpu.memref_slice %arg6[%add3A_208, %dma_wait3A_209] : memref<125x80xi32, #tpu.memory_space<vmem>> -> memref<1x80xi32, #tpu.memory_space<vmem>>
      %dma_wait3A_211 = tpu.memref_squeeze %dma_wait3A_210 : memref<1x80xi32, #tpu.memory_space<vmem>> -> memref<80xi32, #tpu.memory_space<vmem>>
      %dma_wait3A_212 = arith.constant 0 : i32
      %dma_wait3A_213 = arith.constant 0 : i32
      %dma_wait3A_214 = tpu.memref_slice %arg2[%dma_wait3A_212, %dma_wait3A_213] : memref<10000x64xf32, #tpu.memory_space<hbm>> -> memref<10000x64xf32, #tpu.memory_space<hbm>>
      tpu.wait_indirect_dma semaphore(%arg16 : memref<!tpu.dma_semaphore, #tpu.memory_space<semaphore_mem>>) src(%dma_wait3A_214 : memref<10000x64xf32, #tpu.memory_space<hbm>>) dst(%arg8 : memref<80x64xf32, #tpu.memory_space<vmem>>)
      %dma_start3A_215 = arith.constant 0 : i32
      %dma_start3A_216 = tpu.memref_slice %arg7[%add3A_208, %dma_start3A_215] : memref<125x80xi32, #tpu.memory_space<vmem>> -> memref<1x80xi32, #tpu.memory_space<vmem>>
      %dma_start3A_217 = tpu.memref_squeeze %dma_start3A_216 : memref<1x80xi32, #tpu.memory_space<vmem>> -> memref<80xi32, #tpu.memory_space<vmem>>
      %dma_start3A_218 = arith.constant 0 : i32
      %dma_start3A_219 = arith.constant 0 : i32
      %dma_start3A_220 = tpu.memref_slice %arg15[%dma_start3A_218, %dma_start3A_219] : memref<10240x64xf32, #tpu.memory_space<vmem_shared>> -> memref<10240x64xf32, #tpu.memory_space<vmem_shared>>
      tpu.enqueue_indirect_dma source(%arg8 : memref<80x64xf32, #tpu.memory_space<vmem>>) target(%dma_start3A_220 : memref<10240x64xf32, #tpu.memory_space<vmem_shared>>) offsets(%dma_start3A_217 : memref<80xi32, #tpu.memory_space<vmem>>) semaphore(%arg22 : memref<!tpu.dma_semaphore, #tpu.memory_space<semaphore_mem>>) {add = true}
      %ge3A = arith.constant 4 : i32
      %ge3A_221 = arith.cmpi sge, %add3A_208, %ge3A : i32
      %add3A_222 = arith.constant 2 : i32
      %add3A_223 = arith.addi %add3A_208, %add3A_222 : i32
      %lt3A = arith.constant 125 : i32
      %lt3A_224 = arith.cmpi slt, %add3A_223, %lt3A : i32
      %and3A_225 = arith.andi %ge3A_221, %lt3A_224 : i1
      %convert_element_type3A_226 = arith.extui %and3A_225 : i1 to i32
      %cond3A_227 = arith.constant 0 : i32
      %cond3A_228 = arith.cmpi ne, %convert_element_type3A_226, %cond3A_227 : i32
      scf.if %cond3A_228 {
        %sub3A = arith.constant 4 : i32
        %sub3A_401 = arith.subi %add3A_208, %sub3A : i32
        %dma_wait3A_402 = arith.constant 0 : i32
        %dma_wait3A_403 = tpu.memref_slice %arg7[%sub3A_401, %dma_wait3A_402] : memref<125x80xi32, #tpu.memory_space<vmem>> -> memref<1x80xi32, #tpu.memory_space<vmem>>
        %dma_wait3A_404 = tpu.memref_squeeze %dma_wait3A_403 : memref<1x80xi32, #tpu.memory_space<vmem>> -> memref<80xi32, #tpu.memory_space<vmem>>
        %dma_wait3A_405 = arith.constant 0 : i32
        %dma_wait3A_406 = arith.constant 0 : i32
        %dma_wait3A_407 = tpu.memref_slice %arg15[%dma_wait3A_405, %dma_wait3A_406] : memref<10240x64xf32, #tpu.memory_space<vmem_shared>> -> memref<10240x64xf32, #tpu.memory_space<vmem_shared>>
        tpu.wait_indirect_dma semaphore(%arg24 : memref<!tpu.dma_semaphore, #tpu.memory_space<semaphore_mem>>) src(%arg10 : memref<80x64xf32, #tpu.memory_space<vmem>>) dst(%dma_wait3A_407 : memref<10240x64xf32, #tpu.memory_space<vmem_shared>>)
      } else {
      }
      %add3A_229 = arith.constant 2 : i32
      %add3A_230 = arith.addi %add3A_208, %add3A_229 : i32
      %lt3A_231 = arith.constant 125 : i32
      %lt3A_232 = arith.cmpi slt, %add3A_230, %lt3A_231 : i32
      %convert_element_type3A_233 = arith.extui %lt3A_232 : i1 to i32
      %cond3A_234 = arith.constant 0 : i32
      %cond3A_235 = arith.cmpi ne, %convert_element_type3A_233, %cond3A_234 : i32
      scf.if %cond3A_235 {
        %add3A_401 = arith.constant 2 : i32
        %add3A_402 = arith.addi %add3A_208, %add3A_401 : i32
        %dma_start3A_403 = arith.constant 0 : i32
        %dma_start3A_404 = tpu.memref_slice %arg6[%add3A_402, %dma_start3A_403] : memref<125x80xi32, #tpu.memory_space<vmem>> -> memref<1x80xi32, #tpu.memory_space<vmem>>
        %dma_start3A_405 = tpu.memref_squeeze %dma_start3A_404 : memref<1x80xi32, #tpu.memory_space<vmem>> -> memref<80xi32, #tpu.memory_space<vmem>>
        %dma_start3A_406 = arith.constant 0 : i32
        %dma_start3A_407 = arith.constant 0 : i32
        %dma_start3A_408 = tpu.memref_slice %arg2[%dma_start3A_406, %dma_start3A_407] : memref<10000x64xf32, #tpu.memory_space<hbm>> -> memref<10000x64xf32, #tpu.memory_space<hbm>>
        tpu.enqueue_indirect_dma source(%dma_start3A_408 : memref<10000x64xf32, #tpu.memory_space<hbm>>) target(%arg10 : memref<80x64xf32, #tpu.memory_space<vmem>>) offsets(%dma_start3A_405 : memref<80xi32, #tpu.memory_space<vmem>>) semaphore(%arg18 : memref<!tpu.dma_semaphore, #tpu.memory_space<semaphore_mem>>)
      } else {
      }
      %mul3A_236 = arith.constant 6 : i32
      %mul3A_237 = arith.muli %mul3A_236, %scan3A_204 : i32
      %add3A_238 = arith.constant 1 : i32
      %add3A_239 = arith.addi %mul3A_237, %add3A_238 : i32
      %dma_wait3A_240 = arith.constant 0 : i32
      %dma_wait3A_241 = tpu.memref_slice %arg6[%add3A_239, %dma_wait3A_240] : memref<125x80xi32, #tpu.memory_space<vmem>> -> memref<1x80xi32, #tpu.memory_space<vmem>>
      %dma_wait3A_242 = tpu.memref_squeeze %dma_wait3A_241 : memref<1x80xi32, #tpu.memory_space<vmem>> -> memref<80xi32, #tpu.memory_space<vmem>>
      %dma_wait3A_243 = arith.constant 0 : i32
      %dma_wait3A_244 = arith.constant 0 : i32
      %dma_wait3A_245 = tpu.memref_slice %arg2[%dma_wait3A_243, %dma_wait3A_244] : memref<10000x64xf32, #tpu.memory_space<hbm>> -> memref<10000x64xf32, #tpu.memory_space<hbm>>
      tpu.wait_indirect_dma semaphore(%arg17 : memref<!tpu.dma_semaphore, #tpu.memory_space<semaphore_mem>>) src(%dma_wait3A_245 : memref<10000x64xf32, #tpu.memory_space<hbm>>) dst(%arg9 : memref<80x64xf32, #tpu.memory_space<vmem>>)
      %dma_start3A_246 = arith.constant 0 : i32
      %dma_start3A_247 = tpu.memref_slice %arg7[%add3A_239, %dma_start3A_246] : memref<125x80xi32, #tpu.memory_space<vmem>> -> memref<1x80xi32, #tpu.memory_space<vmem>>
      %dma_start3A_248 = tpu.memref_squeeze %dma_start3A_247 : memref<1x80xi32, #tpu.memory_space<vmem>> -> memref<80xi32, #tpu.memory_space<vmem>>
      %dma_start3A_249 = arith.constant 0 : i32
      %dma_start3A_250 = arith.constant 0 : i32
      %dma_start3A_251 = tpu.memref_slice %arg15[%dma_start3A_249, %dma_start3A_250] : memref<10240x64xf32, #tpu.memory_space<vmem_shared>> -> memref<10240x64xf32, #tpu.memory_space<vmem_shared>>
      tpu.enqueue_indirect_dma source(%arg9 : memref<80x64xf32, #tpu.memory_space<vmem>>) target(%dma_start3A_251 : memref<10240x64xf32, #tpu.memory_space<vmem_shared>>) offsets(%dma_start3A_248 : memref<80xi32, #tpu.memory_space<vmem>>) semaphore(%arg23 : memref<!tpu.dma_semaphore, #tpu.memory_space<semaphore_mem>>) {add = true}
      %ge3A_252 = arith.constant 4 : i32
      %ge3A_253 = arith.cmpi sge, %add3A_239, %ge3A_252 : i32
      %add3A_254 = arith.constant 2 : i32
      %add3A_255 = arith.addi %add3A_239, %add3A_254 : i32
      %lt3A_256 = arith.constant 125 : i32
      %lt3A_257 = arith.cmpi slt, %add3A_255, %lt3A_256 : i32
      %and3A_258 = arith.andi %ge3A_253, %lt3A_257 : i1
      %convert_element_type3A_259 = arith.extui %and3A_258 : i1 to i32
      %cond3A_260 = arith.constant 0 : i32
      %cond3A_261 = arith.cmpi ne, %convert_element_type3A_259, %cond3A_260 : i32
      scf.if %cond3A_261 {
        %sub3A = arith.constant 4 : i32
        %sub3A_401 = arith.subi %add3A_239, %sub3A : i32
        %dma_wait3A_402 = arith.constant 0 : i32
        %dma_wait3A_403 = tpu.memref_slice %arg7[%sub3A_401, %dma_wait3A_402] : memref<125x80xi32, #tpu.memory_space<vmem>> -> memref<1x80xi32, #tpu.memory_space<vmem>>
        %dma_wait3A_404 = tpu.memref_squeeze %dma_wait3A_403 : memref<1x80xi32, #tpu.memory_space<vmem>> -> memref<80xi32, #tpu.memory_space<vmem>>
        %dma_wait3A_405 = arith.constant 0 : i32
        %dma_wait3A_406 = arith.constant 0 : i32
        %dma_wait3A_407 = tpu.memref_slice %arg15[%dma_wait3A_405, %dma_wait3A_406] : memref<10240x64xf32, #tpu.memory_space<vmem_shared>> -> memref<10240x64xf32, #tpu.memory_space<vmem_shared>>
        tpu.wait_indirect_dma semaphore(%arg25 : memref<!tpu.dma_semaphore, #tpu.memory_space<semaphore_mem>>) src(%arg11 : memref<80x64xf32, #tpu.memory_space<vmem>>) dst(%dma_wait3A_407 : memref<10240x64xf32, #tpu.memory_space<vmem_shared>>)
      } else {
      }
      %add3A_262 = arith.constant 2 : i32
      %add3A_263 = arith.addi %add3A_239, %add3A_262 : i32
      %lt3A_264 = arith.constant 125 : i32
      %lt3A_265 = arith.cmpi slt, %add3A_263, %lt3A_264 : i32
      %convert_element_type3A_266 = arith.extui %lt3A_265 : i1 to i32
      %cond3A_267 = arith.constant 0 : i32
      %cond3A_268 = arith.cmpi ne, %convert_element_type3A_266, %cond3A_267 : i32
      scf.if %cond3A_268 {
        %add3A_401 = arith.constant 2 : i32
        %add3A_402 = arith.addi %add3A_239, %add3A_401 : i32
        %dma_start3A_403 = arith.constant 0 : i32
        %dma_start3A_404 = tpu.memref_slice %arg6[%add3A_402, %dma_start3A_403] : memref<125x80xi32, #tpu.memory_space<vmem>> -> memref<1x80xi32, #tpu.memory_space<vmem>>
        %dma_start3A_405 = tpu.memref_squeeze %dma_start3A_404 : memref<1x80xi32, #tpu.memory_space<vmem>> -> memref<80xi32, #tpu.memory_space<vmem>>
        %dma_start3A_406 = arith.constant 0 : i32
        %dma_start3A_407 = arith.constant 0 : i32
        %dma_start3A_408 = tpu.memref_slice %arg2[%dma_start3A_406, %dma_start3A_407] : memref<10000x64xf32, #tpu.memory_space<hbm>> -> memref<10000x64xf32, #tpu.memory_space<hbm>>
        tpu.enqueue_indirect_dma source(%dma_start3A_408 : memref<10000x64xf32, #tpu.memory_space<hbm>>) target(%arg11 : memref<80x64xf32, #tpu.memory_space<vmem>>) offsets(%dma_start3A_405 : memref<80xi32, #tpu.memory_space<vmem>>) semaphore(%arg19 : memref<!tpu.dma_semaphore, #tpu.memory_space<semaphore_mem>>)
      } else {
      }
      %mul3A_269 = arith.constant 6 : i32
      %mul3A_270 = arith.muli %mul3A_269, %scan3A_204 : i32
      %add3A_271 = arith.constant 2 : i32
      %add3A_272 = arith.addi %mul3A_270, %add3A_271 : i32
      %dma_wait3A_273 = arith.constant 0 : i32
      %dma_wait3A_274 = tpu.memref_slice %arg6[%add3A_272, %dma_wait3A_273] : memref<125x80xi32, #tpu.memory_space<vmem>> -> memref<1x80xi32, #tpu.memory_space<vmem>>
      %dma_wait3A_275 = tpu.memref_squeeze %dma_wait3A_274 : memref<1x80xi32, #tpu.memory_space<vmem>> -> memref<80xi32, #tpu.memory_space<vmem>>
      %dma_wait3A_276 = arith.constant 0 : i32
      %dma_wait3A_277 = arith.constant 0 : i32
      %dma_wait3A_278 = tpu.memref_slice %arg2[%dma_wait3A_276, %dma_wait3A_277] : memref<10000x64xf32, #tpu.memory_space<hbm>> -> memref<10000x64xf32, #tpu.memory_space<hbm>>
      tpu.wait_indirect_dma semaphore(%arg18 : memref<!tpu.dma_semaphore, #tpu.memory_space<semaphore_mem>>) src(%dma_wait3A_278 : memref<10000x64xf32, #tpu.memory_space<hbm>>) dst(%arg10 : memref<80x64xf32, #tpu.memory_space<vmem>>)
      %dma_start3A_279 = arith.constant 0 : i32
      %dma_start3A_280 = tpu.memref_slice %arg7[%add3A_272, %dma_start3A_279] : memref<125x80xi32, #tpu.memory_space<vmem>> -> memref<1x80xi32, #tpu.memory_space<vmem>>
      %dma_start3A_281 = tpu.memref_squeeze %dma_start3A_280 : memref<1x80xi32, #tpu.memory_space<vmem>> -> memref<80xi32, #tpu.memory_space<vmem>>
      %dma_start3A_282 = arith.constant 0 : i32
      %dma_start3A_283 = arith.constant 0 : i32
      %dma_start3A_284 = tpu.memref_slice %arg15[%dma_start3A_282, %dma_start3A_283] : memref<10240x64xf32, #tpu.memory_space<vmem_shared>> -> memref<10240x64xf32, #tpu.memory_space<vmem_shared>>
      tpu.enqueue_indirect_dma source(%arg10 : memref<80x64xf32, #tpu.memory_space<vmem>>) target(%dma_start3A_284 : memref<10240x64xf32, #tpu.memory_space<vmem_shared>>) offsets(%dma_start3A_281 : memref<80xi32, #tpu.memory_space<vmem>>) semaphore(%arg24 : memref<!tpu.dma_semaphore, #tpu.memory_space<semaphore_mem>>) {add = true}
      %ge3A_285 = arith.constant 4 : i32
      %ge3A_286 = arith.cmpi sge, %add3A_272, %ge3A_285 : i32
      %add3A_287 = arith.constant 2 : i32
      %add3A_288 = arith.addi %add3A_272, %add3A_287 : i32
      %lt3A_289 = arith.constant 125 : i32
      %lt3A_290 = arith.cmpi slt, %add3A_288, %lt3A_289 : i32
      %and3A_291 = arith.andi %ge3A_286, %lt3A_290 : i1
      %convert_element_type3A_292 = arith.extui %and3A_291 : i1 to i32
      %cond3A_293 = arith.constant 0 : i32
      %cond3A_294 = arith.cmpi ne, %convert_element_type3A_292, %cond3A_293 : i32
      scf.if %cond3A_294 {
        %sub3A = arith.constant 4 : i32
        %sub3A_401 = arith.subi %add3A_272, %sub3A : i32
        %dma_wait3A_402 = arith.constant 0 : i32
        %dma_wait3A_403 = tpu.memref_slice %arg7[%sub3A_401, %dma_wait3A_402] : memref<125x80xi32, #tpu.memory_space<vmem>> -> memref<1x80xi32, #tpu.memory_space<vmem>>
        %dma_wait3A_404 = tpu.memref_squeeze %dma_wait3A_403 : memref<1x80xi32, #tpu.memory_space<vmem>> -> memref<80xi32, #tpu.memory_space<vmem>>
        %dma_wait3A_405 = arith.constant 0 : i32
        %dma_wait3A_406 = arith.constant 0 : i32
        %dma_wait3A_407 = tpu.memref_slice %arg15[%dma_wait3A_405, %dma_wait3A_406] : memref<10240x64xf32, #tpu.memory_space<vmem_shared>> -> memref<10240x64xf32, #tpu.memory_space<vmem_shared>>
        tpu.wait_indirect_dma semaphore(%arg26 : memref<!tpu.dma_semaphore, #tpu.memory_space<semaphore_mem>>) src(%arg12 : memref<80x64xf32, #tpu.memory_space<vmem>>) dst(%dma_wait3A_407 : memref<10240x64xf32, #tpu.memory_space<vmem_shared>>)
      } else {
      }
      %add3A_295 = arith.constant 2 : i32
      %add3A_296 = arith.addi %add3A_272, %add3A_295 : i32
      %lt3A_297 = arith.constant 125 : i32
      %lt3A_298 = arith.cmpi slt, %add3A_296, %lt3A_297 : i32
      %convert_element_type3A_299 = arith.extui %lt3A_298 : i1 to i32
      %cond3A_300 = arith.constant 0 : i32
      %cond3A_301 = arith.cmpi ne, %convert_element_type3A_299, %cond3A_300 : i32
      scf.if %cond3A_301 {
        %add3A_401 = arith.constant 2 : i32
        %add3A_402 = arith.addi %add3A_272, %add3A_401 : i32
        %dma_start3A_403 = arith.constant 0 : i32
        %dma_start3A_404 = tpu.memref_slice %arg6[%add3A_402, %dma_start3A_403] : memref<125x80xi32, #tpu.memory_space<vmem>> -> memref<1x80xi32, #tpu.memory_space<vmem>>
        %dma_start3A_405 = tpu.memref_squeeze %dma_start3A_404 : memref<1x80xi32, #tpu.memory_space<vmem>> -> memref<80xi32, #tpu.memory_space<vmem>>
        %dma_start3A_406 = arith.constant 0 : i32
        %dma_start3A_407 = arith.constant 0 : i32
        %dma_start3A_408 = tpu.memref_slice %arg2[%dma_start3A_406, %dma_start3A_407] : memref<10000x64xf32, #tpu.memory_space<hbm>> -> memref<10000x64xf32, #tpu.memory_space<hbm>>
        tpu.enqueue_indirect_dma source(%dma_start3A_408 : memref<10000x64xf32, #tpu.memory_space<hbm>>) target(%arg12 : memref<80x64xf32, #tpu.memory_space<vmem>>) offsets(%dma_start3A_405 : memref<80xi32, #tpu.memory_space<vmem>>) semaphore(%arg20 : memref<!tpu.dma_semaphore, #tpu.memory_space<semaphore_mem>>)
      } else {
      }
      %mul3A_302 = arith.constant 6 : i32
      %mul3A_303 = arith.muli %mul3A_302, %scan3A_204 : i32
      %add3A_304 = arith.constant 3 : i32
      %add3A_305 = arith.addi %mul3A_303, %add3A_304 : i32
      %dma_wait3A_306 = arith.constant 0 : i32
      %dma_wait3A_307 = tpu.memref_slice %arg6[%add3A_305, %dma_wait3A_306] : memref<125x80xi32, #tpu.memory_space<vmem>> -> memref<1x80xi32, #tpu.memory_space<vmem>>
      %dma_wait3A_308 = tpu.memref_squeeze %dma_wait3A_307 : memref<1x80xi32, #tpu.memory_space<vmem>> -> memref<80xi32, #tpu.memory_space<vmem>>
      %dma_wait3A_309 = arith.constant 0 : i32
      %dma_wait3A_310 = arith.constant 0 : i32
      %dma_wait3A_311 = tpu.memref_slice %arg2[%dma_wait3A_309, %dma_wait3A_310] : memref<10000x64xf32, #tpu.memory_space<hbm>> -> memref<10000x64xf32, #tpu.memory_space<hbm>>
      tpu.wait_indirect_dma semaphore(%arg19 : memref<!tpu.dma_semaphore, #tpu.memory_space<semaphore_mem>>) src(%dma_wait3A_311 : memref<10000x64xf32, #tpu.memory_space<hbm>>) dst(%arg11 : memref<80x64xf32, #tpu.memory_space<vmem>>)
      %dma_start3A_312 = arith.constant 0 : i32
      %dma_start3A_313 = tpu.memref_slice %arg7[%add3A_305, %dma_start3A_312] : memref<125x80xi32, #tpu.memory_space<vmem>> -> memref<1x80xi32, #tpu.memory_space<vmem>>
      %dma_start3A_314 = tpu.memref_squeeze %dma_start3A_313 : memref<1x80xi32, #tpu.memory_space<vmem>> -> memref<80xi32, #tpu.memory_space<vmem>>
      %dma_start3A_315 = arith.constant 0 : i32
      %dma_start3A_316 = arith.constant 0 : i32
      %dma_start3A_317 = tpu.memref_slice %arg15[%dma_start3A_315, %dma_start3A_316] : memref<10240x64xf32, #tpu.memory_space<vmem_shared>> -> memref<10240x64xf32, #tpu.memory_space<vmem_shared>>
      tpu.enqueue_indirect_dma source(%arg11 : memref<80x64xf32, #tpu.memory_space<vmem>>) target(%dma_start3A_317 : memref<10240x64xf32, #tpu.memory_space<vmem_shared>>) offsets(%dma_start3A_314 : memref<80xi32, #tpu.memory_space<vmem>>) semaphore(%arg25 : memref<!tpu.dma_semaphore, #tpu.memory_space<semaphore_mem>>) {add = true}
      %ge3A_318 = arith.constant 4 : i32
      %ge3A_319 = arith.cmpi sge, %add3A_305, %ge3A_318 : i32
      %add3A_320 = arith.constant 2 : i32
      %add3A_321 = arith.addi %add3A_305, %add3A_320 : i32
      %lt3A_322 = arith.constant 125 : i32
      %lt3A_323 = arith.cmpi slt, %add3A_321, %lt3A_322 : i32
      %and3A_324 = arith.andi %ge3A_319, %lt3A_323 : i1
      %convert_element_type3A_325 = arith.extui %and3A_324 : i1 to i32
      %cond3A_326 = arith.constant 0 : i32
      %cond3A_327 = arith.cmpi ne, %convert_element_type3A_325, %cond3A_326 : i32
      scf.if %cond3A_327 {
        %sub3A = arith.constant 4 : i32
        %sub3A_401 = arith.subi %add3A_305, %sub3A : i32
        %dma_wait3A_402 = arith.constant 0 : i32
        %dma_wait3A_403 = tpu.memref_slice %arg7[%sub3A_401, %dma_wait3A_402] : memref<125x80xi32, #tpu.memory_space<vmem>> -> memref<1x80xi32, #tpu.memory_space<vmem>>
        %dma_wait3A_404 = tpu.memref_squeeze %dma_wait3A_403 : memref<1x80xi32, #tpu.memory_space<vmem>> -> memref<80xi32, #tpu.memory_space<vmem>>
        %dma_wait3A_405 = arith.constant 0 : i32
        %dma_wait3A_406 = arith.constant 0 : i32
        %dma_wait3A_407 = tpu.memref_slice %arg15[%dma_wait3A_405, %dma_wait3A_406] : memref<10240x64xf32, #tpu.memory_space<vmem_shared>> -> memref<10240x64xf32, #tpu.memory_space<vmem_shared>>
        tpu.wait_indirect_dma semaphore(%arg27 : memref<!tpu.dma_semaphore, #tpu.memory_space<semaphore_mem>>) src(%arg13 : memref<80x64xf32, #tpu.memory_space<vmem>>) dst(%dma_wait3A_407 : memref<10240x64xf32, #tpu.memory_space<vmem_shared>>)
      } else {
      }
      %add3A_328 = arith.constant 2 : i32
      %add3A_329 = arith.addi %add3A_305, %add3A_328 : i32
      %lt3A_330 = arith.constant 125 : i32
      %lt3A_331 = arith.cmpi slt, %add3A_329, %lt3A_330 : i32
      %convert_element_type3A_332 = arith.extui %lt3A_331 : i1 to i32
      %cond3A_333 = arith.constant 0 : i32
      %cond3A_334 = arith.cmpi ne, %convert_element_type3A_332, %cond3A_333 : i32
      scf.if %cond3A_334 {
        %add3A_401 = arith.constant 2 : i32
        %add3A_402 = arith.addi %add3A_305, %add3A_401 : i32
        %dma_start3A_403 = arith.constant 0 : i32
        %dma_start3A_404 = tpu.memref_slice %arg6[%add3A_402, %dma_start3A_403] : memref<125x80xi32, #tpu.memory_space<vmem>> -> memref<1x80xi32, #tpu.memory_space<vmem>>
        %dma_start3A_405 = tpu.memref_squeeze %dma_start3A_404 : memref<1x80xi32, #tpu.memory_space<vmem>> -> memref<80xi32, #tpu.memory_space<vmem>>
        %dma_start3A_406 = arith.constant 0 : i32
        %dma_start3A_407 = arith.constant 0 : i32
        %dma_start3A_408 = tpu.memref_slice %arg2[%dma_start3A_406, %dma_start3A_407] : memref<10000x64xf32, #tpu.memory_space<hbm>> -> memref<10000x64xf32, #tpu.memory_space<hbm>>
        tpu.enqueue_indirect_dma source(%dma_start3A_408 : memref<10000x64xf32, #tpu.memory_space<hbm>>) target(%arg13 : memref<80x64xf32, #tpu.memory_space<vmem>>) offsets(%dma_start3A_405 : memref<80xi32, #tpu.memory_space<vmem>>) semaphore(%arg21 : memref<!tpu.dma_semaphore, #tpu.memory_space<semaphore_mem>>)
      } else {
      }
      %mul3A_335 = arith.constant 6 : i32
      %mul3A_336 = arith.muli %mul3A_335, %scan3A_204 : i32
      %add3A_337 = arith.constant 4 : i32
      %add3A_338 = arith.addi %mul3A_336, %add3A_337 : i32
      %dma_wait3A_339 = arith.constant 0 : i32
      %dma_wait3A_340 = tpu.memref_slice %arg6[%add3A_338, %dma_wait3A_339] : memref<125x80xi32, #tpu.memory_space<vmem>> -> memref<1x80xi32, #tpu.memory_space<vmem>>
      %dma_wait3A_341 = tpu.memref_squeeze %dma_wait3A_340 : memref<1x80xi32, #tpu.memory_space<vmem>> -> memref<80xi32, #tpu.memory_space<vmem>>
      %dma_wait3A_342 = arith.constant 0 : i32
      %dma_wait3A_343 = arith.constant 0 : i32
      %dma_wait3A_344 = tpu.memref_slice %arg2[%dma_wait3A_342, %dma_wait3A_343] : memref<10000x64xf32, #tpu.memory_space<hbm>> -> memref<10000x64xf32, #tpu.memory_space<hbm>>
      tpu.wait_indirect_dma semaphore(%arg20 : memref<!tpu.dma_semaphore, #tpu.memory_space<semaphore_mem>>) src(%dma_wait3A_344 : memref<10000x64xf32, #tpu.memory_space<hbm>>) dst(%arg12 : memref<80x64xf32, #tpu.memory_space<vmem>>)
      %dma_start3A_345 = arith.constant 0 : i32
      %dma_start3A_346 = tpu.memref_slice %arg7[%add3A_338, %dma_start3A_345] : memref<125x80xi32, #tpu.memory_space<vmem>> -> memref<1x80xi32, #tpu.memory_space<vmem>>
      %dma_start3A_347 = tpu.memref_squeeze %dma_start3A_346 : memref<1x80xi32, #tpu.memory_space<vmem>> -> memref<80xi32, #tpu.memory_space<vmem>>
      %dma_start3A_348 = arith.constant 0 : i32
      %dma_start3A_349 = arith.constant 0 : i32
      %dma_start3A_350 = tpu.memref_slice %arg15[%dma_start3A_348, %dma_start3A_349] : memref<10240x64xf32, #tpu.memory_space<vmem_shared>> -> memref<10240x64xf32, #tpu.memory_space<vmem_shared>>
      tpu.enqueue_indirect_dma source(%arg12 : memref<80x64xf32, #tpu.memory_space<vmem>>) target(%dma_start3A_350 : memref<10240x64xf32, #tpu.memory_space<vmem_shared>>) offsets(%dma_start3A_347 : memref<80xi32, #tpu.memory_space<vmem>>) semaphore(%arg26 : memref<!tpu.dma_semaphore, #tpu.memory_space<semaphore_mem>>) {add = true}
      %ge3A_351 = arith.constant 4 : i32
      %ge3A_352 = arith.cmpi sge, %add3A_338, %ge3A_351 : i32
      %add3A_353 = arith.constant 2 : i32
      %add3A_354 = arith.addi %add3A_338, %add3A_353 : i32
      %lt3A_355 = arith.constant 125 : i32
      %lt3A_356 = arith.cmpi slt, %add3A_354, %lt3A_355 : i32
      %and3A_357 = arith.andi %ge3A_352, %lt3A_356 : i1
      %convert_element_type3A_358 = arith.extui %and3A_357 : i1 to i32
      %cond3A_359 = arith.constant 0 : i32
      %cond3A_360 = arith.cmpi ne, %convert_element_type3A_358, %cond3A_359 : i32
      scf.if %cond3A_360 {
        %sub3A = arith.constant 4 : i32
        %sub3A_401 = arith.subi %add3A_338, %sub3A : i32
        %dma_wait3A_402 = arith.constant 0 : i32
        %dma_wait3A_403 = tpu.memref_slice %arg7[%sub3A_401, %dma_wait3A_402] : memref<125x80xi32, #tpu.memory_space<vmem>> -> memref<1x80xi32, #tpu.memory_space<vmem>>
        %dma_wait3A_404 = tpu.memref_squeeze %dma_wait3A_403 : memref<1x80xi32, #tpu.memory_space<vmem>> -> memref<80xi32, #tpu.memory_space<vmem>>
        %dma_wait3A_405 = arith.constant 0 : i32
        %dma_wait3A_406 = arith.constant 0 : i32
        %dma_wait3A_407 = tpu.memref_slice %arg15[%dma_wait3A_405, %dma_wait3A_406] : memref<10240x64xf32, #tpu.memory_space<vmem_shared>> -> memref<10240x64xf32, #tpu.memory_space<vmem_shared>>
        tpu.wait_indirect_dma semaphore(%arg22 : memref<!tpu.dma_semaphore, #tpu.memory_space<semaphore_mem>>) src(%arg8 : memref<80x64xf32, #tpu.memory_space<vmem>>) dst(%dma_wait3A_407 : memref<10240x64xf32, #tpu.memory_space<vmem_shared>>)
      } else {
      }
      %add3A_361 = arith.constant 2 : i32
      %add3A_362 = arith.addi %add3A_338, %add3A_361 : i32
      %lt3A_363 = arith.constant 125 : i32
      %lt3A_364 = arith.cmpi slt, %add3A_362, %lt3A_363 : i32
      %convert_element_type3A_365 = arith.extui %lt3A_364 : i1 to i32
      %cond3A_366 = arith.constant 0 : i32
      %cond3A_367 = arith.cmpi ne, %convert_element_type3A_365, %cond3A_366 : i32
      scf.if %cond3A_367 {
        %add3A_401 = arith.constant 2 : i32
        %add3A_402 = arith.addi %add3A_338, %add3A_401 : i32
        %dma_start3A_403 = arith.constant 0 : i32
        %dma_start3A_404 = tpu.memref_slice %arg6[%add3A_402, %dma_start3A_403] : memref<125x80xi32, #tpu.memory_space<vmem>> -> memref<1x80xi32, #tpu.memory_space<vmem>>
        %dma_start3A_405 = tpu.memref_squeeze %dma_start3A_404 : memref<1x80xi32, #tpu.memory_space<vmem>> -> memref<80xi32, #tpu.memory_space<vmem>>
        %dma_start3A_406 = arith.constant 0 : i32
        %dma_start3A_407 = arith.constant 0 : i32
        %dma_start3A_408 = tpu.memref_slice %arg2[%dma_start3A_406, %dma_start3A_407] : memref<10000x64xf32, #tpu.memory_space<hbm>> -> memref<10000x64xf32, #tpu.memory_space<hbm>>
        tpu.enqueue_indirect_dma source(%dma_start3A_408 : memref<10000x64xf32, #tpu.memory_space<hbm>>) target(%arg8 : memref<80x64xf32, #tpu.memory_space<vmem>>) offsets(%dma_start3A_405 : memref<80xi32, #tpu.memory_space<vmem>>) semaphore(%arg16 : memref<!tpu.dma_semaphore, #tpu.memory_space<semaphore_mem>>)
      } else {
      }
      %mul3A_368 = arith.constant 6 : i32
      %mul3A_369 = arith.muli %mul3A_368, %scan3A_204 : i32
      %add3A_370 = arith.constant 5 : i32
      %add3A_371 = arith.addi %mul3A_369, %add3A_370 : i32
      %dma_wait3A_372 = arith.constant 0 : i32
      %dma_wait3A_373 = tpu.memref_slice %arg6[%add3A_371, %dma_wait3A_372] : memref<125x80xi32, #tpu.memory_space<vmem>> -> memref<1x80xi32, #tpu.memory_space<vmem>>
      %dma_wait3A_374 = tpu.memref_squeeze %dma_wait3A_373 : memref<1x80xi32, #tpu.memory_space<vmem>> -> memref<80xi32, #tpu.memory_space<vmem>>
      %dma_wait3A_375 = arith.constant 0 : i32
      %dma_wait3A_376 = arith.constant 0 : i32
      %dma_wait3A_377 = tpu.memref_slice %arg2[%dma_wait3A_375, %dma_wait3A_376] : memref<10000x64xf32, #tpu.memory_space<hbm>> -> memref<10000x64xf32, #tpu.memory_space<hbm>>
      tpu.wait_indirect_dma semaphore(%arg21 : memref<!tpu.dma_semaphore, #tpu.memory_space<semaphore_mem>>) src(%dma_wait3A_377 : memref<10000x64xf32, #tpu.memory_space<hbm>>) dst(%arg13 : memref<80x64xf32, #tpu.memory_space<vmem>>)
      %dma_start3A_378 = arith.constant 0 : i32
      %dma_start3A_379 = tpu.memref_slice %arg7[%add3A_371, %dma_start3A_378] : memref<125x80xi32, #tpu.memory_space<vmem>> -> memref<1x80xi32, #tpu.memory_space<vmem>>
      %dma_start3A_380 = tpu.memref_squeeze %dma_start3A_379 : memref<1x80xi32, #tpu.memory_space<vmem>> -> memref<80xi32, #tpu.memory_space<vmem>>
      %dma_start3A_381 = arith.constant 0 : i32
      %dma_start3A_382 = arith.constant 0 : i32
      %dma_start3A_383 = tpu.memref_slice %arg15[%dma_start3A_381, %dma_start3A_382] : memref<10240x64xf32, #tpu.memory_space<vmem_shared>> -> memref<10240x64xf32, #tpu.memory_space<vmem_shared>>
      tpu.enqueue_indirect_dma source(%arg13 : memref<80x64xf32, #tpu.memory_space<vmem>>) target(%dma_start3A_383 : memref<10240x64xf32, #tpu.memory_space<vmem_shared>>) offsets(%dma_start3A_380 : memref<80xi32, #tpu.memory_space<vmem>>) semaphore(%arg27 : memref<!tpu.dma_semaphore, #tpu.memory_space<semaphore_mem>>) {add = true}
      %ge3A_384 = arith.constant 4 : i32
      %ge3A_385 = arith.cmpi sge, %add3A_371, %ge3A_384 : i32
      %add3A_386 = arith.constant 2 : i32
      %add3A_387 = arith.addi %add3A_371, %add3A_386 : i32
      %lt3A_388 = arith.constant 125 : i32
      %lt3A_389 = arith.cmpi slt, %add3A_387, %lt3A_388 : i32
      %and3A_390 = arith.andi %ge3A_385, %lt3A_389 : i1
      %convert_element_type3A_391 = arith.extui %and3A_390 : i1 to i32
      %cond3A_392 = arith.constant 0 : i32
      %cond3A_393 = arith.cmpi ne, %convert_element_type3A_391, %cond3A_392 : i32
      scf.if %cond3A_393 {
        %sub3A = arith.constant 4 : i32
        %sub3A_401 = arith.subi %add3A_371, %sub3A : i32
        %dma_wait3A_402 = arith.constant 0 : i32
        %dma_wait3A_403 = tpu.memref_slice %arg7[%sub3A_401, %dma_wait3A_402] : memref<125x80xi32, #tpu.memory_space<vmem>> -> memref<1x80xi32, #tpu.memory_space<vmem>>
        %dma_wait3A_404 = tpu.memref_squeeze %dma_wait3A_403 : memref<1x80xi32, #tpu.memory_space<vmem>> -> memref<80xi32, #tpu.memory_space<vmem>>
        %dma_wait3A_405 = arith.constant 0 : i32
        %dma_wait3A_406 = arith.constant 0 : i32
        %dma_wait3A_407 = tpu.memref_slice %arg15[%dma_wait3A_405, %dma_wait3A_406] : memref<10240x64xf32, #tpu.memory_space<vmem_shared>> -> memref<10240x64xf32, #tpu.memory_space<vmem_shared>>
        tpu.wait_indirect_dma semaphore(%arg23 : memref<!tpu.dma_semaphore, #tpu.memory_space<semaphore_mem>>) src(%arg9 : memref<80x64xf32, #tpu.memory_space<vmem>>) dst(%dma_wait3A_407 : memref<10240x64xf32, #tpu.memory_space<vmem_shared>>)
      } else {
      }
      %add3A_394 = arith.constant 2 : i32
      %add3A_395 = arith.addi %add3A_371, %add3A_394 : i32
      %lt3A_396 = arith.constant 125 : i32
      %lt3A_397 = arith.cmpi slt, %add3A_395, %lt3A_396 : i32
      %convert_element_type3A_398 = arith.extui %lt3A_397 : i1 to i32
      %cond3A_399 = arith.constant 0 : i32
      %cond3A_400 = arith.cmpi ne, %convert_element_type3A_398, %cond3A_399 : i32
      scf.if %cond3A_400 {
        %add3A_401 = arith.constant 2 : i32
        %add3A_402 = arith.addi %add3A_371, %add3A_401 : i32
        %dma_start3A_403 = arith.constant 0 : i32
        %dma_start3A_404 = tpu.memref_slice %arg6[%add3A_402, %dma_start3A_403] : memref<125x80xi32, #tpu.memory_space<vmem>> -> memref<1x80xi32, #tpu.memory_space<vmem>>
        %dma_start3A_405 = tpu.memref_squeeze %dma_start3A_404 : memref<1x80xi32, #tpu.memory_space<vmem>> -> memref<80xi32, #tpu.memory_space<vmem>>
        %dma_start3A_406 = arith.constant 0 : i32
        %dma_start3A_407 = arith.constant 0 : i32
        %dma_start3A_408 = tpu.memref_slice %arg2[%dma_start3A_406, %dma_start3A_407] : memref<10000x64xf32, #tpu.memory_space<hbm>> -> memref<10000x64xf32, #tpu.memory_space<hbm>>
        tpu.enqueue_indirect_dma source(%dma_start3A_408 : memref<10000x64xf32, #tpu.memory_space<hbm>>) target(%arg9 : memref<80x64xf32, #tpu.memory_space<vmem>>) offsets(%dma_start3A_405 : memref<80xi32, #tpu.memory_space<vmem>>) semaphore(%arg17 : memref<!tpu.dma_semaphore, #tpu.memory_space<semaphore_mem>>)
      } else {
      }
    }
    %scan3A_43 = arith.constant 20 : i32
    %dma_wait3A = arith.constant 120 : i32
    %dma_wait3A_44 = arith.constant 0 : i32
    %dma_wait3A_45 = tpu.memref_slice %arg6[%dma_wait3A, %dma_wait3A_44] : memref<125x80xi32, #tpu.memory_space<vmem>> -> memref<1x80xi32, #tpu.memory_space<vmem>>
    %dma_wait3A_46 = tpu.memref_squeeze %dma_wait3A_45 : memref<1x80xi32, #tpu.memory_space<vmem>> -> memref<80xi32, #tpu.memory_space<vmem>>
    %dma_wait3A_47 = arith.constant 0 : i32
    %dma_wait3A_48 = arith.constant 0 : i32
    %dma_wait3A_49 = tpu.memref_slice %arg2[%dma_wait3A_47, %dma_wait3A_48] : memref<10000x64xf32, #tpu.memory_space<hbm>> -> memref<10000x64xf32, #tpu.memory_space<hbm>>
    tpu.wait_indirect_dma semaphore(%arg16 : memref<!tpu.dma_semaphore, #tpu.memory_space<semaphore_mem>>) src(%dma_wait3A_49 : memref<10000x64xf32, #tpu.memory_space<hbm>>) dst(%arg8 : memref<80x64xf32, #tpu.memory_space<vmem>>)
    %dma_start3A_50 = arith.constant 120 : i32
    %dma_start3A_51 = arith.constant 0 : i32
    %dma_start3A_52 = tpu.memref_slice %arg7[%dma_start3A_50, %dma_start3A_51] : memref<125x80xi32, #tpu.memory_space<vmem>> -> memref<1x80xi32, #tpu.memory_space<vmem>>
    %dma_start3A_53 = tpu.memref_squeeze %dma_start3A_52 : memref<1x80xi32, #tpu.memory_space<vmem>> -> memref<80xi32, #tpu.memory_space<vmem>>
    %dma_start3A_54 = arith.constant 0 : i32
    %dma_start3A_55 = arith.constant 0 : i32
    %dma_start3A_56 = tpu.memref_slice %arg15[%dma_start3A_54, %dma_start3A_55] : memref<10240x64xf32, #tpu.memory_space<vmem_shared>> -> memref<10240x64xf32, #tpu.memory_space<vmem_shared>>
    tpu.enqueue_indirect_dma source(%arg8 : memref<80x64xf32, #tpu.memory_space<vmem>>) target(%dma_start3A_56 : memref<10240x64xf32, #tpu.memory_space<vmem_shared>>) offsets(%dma_start3A_53 : memref<80xi32, #tpu.memory_space<vmem>>) semaphore(%arg22 : memref<!tpu.dma_semaphore, #tpu.memory_space<semaphore_mem>>) {add = true}
    %and3A = arith.constant true
    %and3A_57 = arith.constant true
    %and3A_58 = arith.andi %and3A, %and3A_57 : i1
    %convert_element_type3A = arith.extui %and3A_58 : i1 to i32
    %cond3A = arith.constant 0 : i32
    %cond3A_59 = arith.cmpi ne, %convert_element_type3A, %cond3A : i32
    scf.if %cond3A_59 {
      %dma_wait3A_204 = arith.constant 116 : i32
      %dma_wait3A_205 = arith.constant 0 : i32
      %dma_wait3A_206 = tpu.memref_slice %arg7[%dma_wait3A_204, %dma_wait3A_205] : memref<125x80xi32, #tpu.memory_space<vmem>> -> memref<1x80xi32, #tpu.memory_space<vmem>>
      %dma_wait3A_207 = tpu.memref_squeeze %dma_wait3A_206 : memref<1x80xi32, #tpu.memory_space<vmem>> -> memref<80xi32, #tpu.memory_space<vmem>>
      %dma_wait3A_208 = arith.constant 0 : i32
      %dma_wait3A_209 = arith.constant 0 : i32
      %dma_wait3A_210 = tpu.memref_slice %arg15[%dma_wait3A_208, %dma_wait3A_209] : memref<10240x64xf32, #tpu.memory_space<vmem_shared>> -> memref<10240x64xf32, #tpu.memory_space<vmem_shared>>
      tpu.wait_indirect_dma semaphore(%arg24 : memref<!tpu.dma_semaphore, #tpu.memory_space<semaphore_mem>>) src(%arg10 : memref<80x64xf32, #tpu.memory_space<vmem>>) dst(%dma_wait3A_210 : memref<10240x64xf32, #tpu.memory_space<vmem_shared>>)
    } else {
    }
    %dma_start3A_60 = arith.constant 122 : i32
    %dma_start3A_61 = arith.constant 0 : i32
    %dma_start3A_62 = tpu.memref_slice %arg6[%dma_start3A_60, %dma_start3A_61] : memref<125x80xi32, #tpu.memory_space<vmem>> -> memref<1x80xi32, #tpu.memory_space<vmem>>
    %dma_start3A_63 = tpu.memref_squeeze %dma_start3A_62 : memref<1x80xi32, #tpu.memory_space<vmem>> -> memref<80xi32, #tpu.memory_space<vmem>>
    %dma_start3A_64 = arith.constant 0 : i32
    %dma_start3A_65 = arith.constant 0 : i32
    %dma_start3A_66 = tpu.memref_slice %arg2[%dma_start3A_64, %dma_start3A_65] : memref<10000x64xf32, #tpu.memory_space<hbm>> -> memref<10000x64xf32, #tpu.memory_space<hbm>>
    tpu.enqueue_indirect_dma source(%dma_start3A_66 : memref<10000x64xf32, #tpu.memory_space<hbm>>) target(%arg10 : memref<80x64xf32, #tpu.memory_space<vmem>>) offsets(%dma_start3A_63 : memref<80xi32, #tpu.memory_space<vmem>>) semaphore(%arg18 : memref<!tpu.dma_semaphore, #tpu.memory_space<semaphore_mem>>)
    %dma_wait3A_67 = arith.constant 121 : i32
    %dma_wait3A_68 = arith.constant 0 : i32
    %dma_wait3A_69 = tpu.memref_slice %arg6[%dma_wait3A_67, %dma_wait3A_68] : memref<125x80xi32, #tpu.memory_space<vmem>> -> memref<1x80xi32, #tpu.memory_space<vmem>>
    %dma_wait3A_70 = tpu.memref_squeeze %dma_wait3A_69 : memref<1x80xi32, #tpu.memory_space<vmem>> -> memref<80xi32, #tpu.memory_space<vmem>>
    %dma_wait3A_71 = arith.constant 0 : i32
    %dma_wait3A_72 = arith.constant 0 : i32
    %dma_wait3A_73 = tpu.memref_slice %arg2[%dma_wait3A_71, %dma_wait3A_72] : memref<10000x64xf32, #tpu.memory_space<hbm>> -> memref<10000x64xf32, #tpu.memory_space<hbm>>
    tpu.wait_indirect_dma semaphore(%arg17 : memref<!tpu.dma_semaphore, #tpu.memory_space<semaphore_mem>>) src(%dma_wait3A_73 : memref<10000x64xf32, #tpu.memory_space<hbm>>) dst(%arg9 : memref<80x64xf32, #tpu.memory_space<vmem>>)
    %dma_start3A_74 = arith.constant 121 : i32
    %dma_start3A_75 = arith.constant 0 : i32
    %dma_start3A_76 = tpu.memref_slice %arg7[%dma_start3A_74, %dma_start3A_75] : memref<125x80xi32, #tpu.memory_space<vmem>> -> memref<1x80xi32, #tpu.memory_space<vmem>>
    %dma_start3A_77 = tpu.memref_squeeze %dma_start3A_76 : memref<1x80xi32, #tpu.memory_space<vmem>> -> memref<80xi32, #tpu.memory_space<vmem>>
    %dma_start3A_78 = arith.constant 0 : i32
    %dma_start3A_79 = arith.constant 0 : i32
    %dma_start3A_80 = tpu.memref_slice %arg15[%dma_start3A_78, %dma_start3A_79] : memref<10240x64xf32, #tpu.memory_space<vmem_shared>> -> memref<10240x64xf32, #tpu.memory_space<vmem_shared>>
    tpu.enqueue_indirect_dma source(%arg9 : memref<80x64xf32, #tpu.memory_space<vmem>>) target(%dma_start3A_80 : memref<10240x64xf32, #tpu.memory_space<vmem_shared>>) offsets(%dma_start3A_77 : memref<80xi32, #tpu.memory_space<vmem>>) semaphore(%arg23 : memref<!tpu.dma_semaphore, #tpu.memory_space<semaphore_mem>>) {add = true}
    %and3A_81 = arith.constant true
    %and3A_82 = arith.constant true
    %and3A_83 = arith.andi %and3A_81, %and3A_82 : i1
    %convert_element_type3A_84 = arith.extui %and3A_83 : i1 to i32
    %cond3A_85 = arith.constant 0 : i32
    %cond3A_86 = arith.cmpi ne, %convert_element_type3A_84, %cond3A_85 : i32
    scf.if %cond3A_86 {
      %dma_wait3A_204 = arith.constant 117 : i32
      %dma_wait3A_205 = arith.constant 0 : i32
      %dma_wait3A_206 = tpu.memref_slice %arg7[%dma_wait3A_204, %dma_wait3A_205] : memref<125x80xi32, #tpu.memory_space<vmem>> -> memref<1x80xi32, #tpu.memory_space<vmem>>
      %dma_wait3A_207 = tpu.memref_squeeze %dma_wait3A_206 : memref<1x80xi32, #tpu.memory_space<vmem>> -> memref<80xi32, #tpu.memory_space<vmem>>
      %dma_wait3A_208 = arith.constant 0 : i32
      %dma_wait3A_209 = arith.constant 0 : i32
      %dma_wait3A_210 = tpu.memref_slice %arg15[%dma_wait3A_208, %dma_wait3A_209] : memref<10240x64xf32, #tpu.memory_space<vmem_shared>> -> memref<10240x64xf32, #tpu.memory_space<vmem_shared>>
      tpu.wait_indirect_dma semaphore(%arg25 : memref<!tpu.dma_semaphore, #tpu.memory_space<semaphore_mem>>) src(%arg11 : memref<80x64xf32, #tpu.memory_space<vmem>>) dst(%dma_wait3A_210 : memref<10240x64xf32, #tpu.memory_space<vmem_shared>>)
    } else {
    }
    %dma_start3A_87 = arith.constant 123 : i32
    %dma_start3A_88 = arith.constant 0 : i32
    %dma_start3A_89 = tpu.memref_slice %arg6[%dma_start3A_87, %dma_start3A_88] : memref<125x80xi32, #tpu.memory_space<vmem>> -> memref<1x80xi32, #tpu.memory_space<vmem>>
    %dma_start3A_90 = tpu.memref_squeeze %dma_start3A_89 : memref<1x80xi32, #tpu.memory_space<vmem>> -> memref<80xi32, #tpu.memory_space<vmem>>
    %dma_start3A_91 = arith.constant 0 : i32
    %dma_start3A_92 = arith.constant 0 : i32
    %dma_start3A_93 = tpu.memref_slice %arg2[%dma_start3A_91, %dma_start3A_92] : memref<10000x64xf32, #tpu.memory_space<hbm>> -> memref<10000x64xf32, #tpu.memory_space<hbm>>
    tpu.enqueue_indirect_dma source(%dma_start3A_93 : memref<10000x64xf32, #tpu.memory_space<hbm>>) target(%arg11 : memref<80x64xf32, #tpu.memory_space<vmem>>) offsets(%dma_start3A_90 : memref<80xi32, #tpu.memory_space<vmem>>) semaphore(%arg19 : memref<!tpu.dma_semaphore, #tpu.memory_space<semaphore_mem>>)
    %dma_wait3A_94 = arith.constant 122 : i32
    %dma_wait3A_95 = arith.constant 0 : i32
    %dma_wait3A_96 = tpu.memref_slice %arg6[%dma_wait3A_94, %dma_wait3A_95] : memref<125x80xi32, #tpu.memory_space<vmem>> -> memref<1x80xi32, #tpu.memory_space<vmem>>
    %dma_wait3A_97 = tpu.memref_squeeze %dma_wait3A_96 : memref<1x80xi32, #tpu.memory_space<vmem>> -> memref<80xi32, #tpu.memory_space<vmem>>
    %dma_wait3A_98 = arith.constant 0 : i32
    %dma_wait3A_99 = arith.constant 0 : i32
    %dma_wait3A_100 = tpu.memref_slice %arg2[%dma_wait3A_98, %dma_wait3A_99] : memref<10000x64xf32, #tpu.memory_space<hbm>> -> memref<10000x64xf32, #tpu.memory_space<hbm>>
    tpu.wait_indirect_dma semaphore(%arg18 : memref<!tpu.dma_semaphore, #tpu.memory_space<semaphore_mem>>) src(%dma_wait3A_100 : memref<10000x64xf32, #tpu.memory_space<hbm>>) dst(%arg10 : memref<80x64xf32, #tpu.memory_space<vmem>>)
    %dma_start3A_101 = arith.constant 122 : i32
    %dma_start3A_102 = arith.constant 0 : i32
    %dma_start3A_103 = tpu.memref_slice %arg7[%dma_start3A_101, %dma_start3A_102] : memref<125x80xi32, #tpu.memory_space<vmem>> -> memref<1x80xi32, #tpu.memory_space<vmem>>
    %dma_start3A_104 = tpu.memref_squeeze %dma_start3A_103 : memref<1x80xi32, #tpu.memory_space<vmem>> -> memref<80xi32, #tpu.memory_space<vmem>>
    %dma_start3A_105 = arith.constant 0 : i32
    %dma_start3A_106 = arith.constant 0 : i32
    %dma_start3A_107 = tpu.memref_slice %arg15[%dma_start3A_105, %dma_start3A_106] : memref<10240x64xf32, #tpu.memory_space<vmem_shared>> -> memref<10240x64xf32, #tpu.memory_space<vmem_shared>>
    tpu.enqueue_indirect_dma source(%arg10 : memref<80x64xf32, #tpu.memory_space<vmem>>) target(%dma_start3A_107 : memref<10240x64xf32, #tpu.memory_space<vmem_shared>>) offsets(%dma_start3A_104 : memref<80xi32, #tpu.memory_space<vmem>>) semaphore(%arg24 : memref<!tpu.dma_semaphore, #tpu.memory_space<semaphore_mem>>) {add = true}
    %and3A_108 = arith.constant true
    %and3A_109 = arith.constant true
    %and3A_110 = arith.andi %and3A_108, %and3A_109 : i1
    %convert_element_type3A_111 = arith.extui %and3A_110 : i1 to i32
    %cond3A_112 = arith.constant 0 : i32
    %cond3A_113 = arith.cmpi ne, %convert_element_type3A_111, %cond3A_112 : i32
    scf.if %cond3A_113 {
      %dma_wait3A_204 = arith.constant 118 : i32
      %dma_wait3A_205 = arith.constant 0 : i32
      %dma_wait3A_206 = tpu.memref_slice %arg7[%dma_wait3A_204, %dma_wait3A_205] : memref<125x80xi32, #tpu.memory_space<vmem>> -> memref<1x80xi32, #tpu.memory_space<vmem>>
      %dma_wait3A_207 = tpu.memref_squeeze %dma_wait3A_206 : memref<1x80xi32, #tpu.memory_space<vmem>> -> memref<80xi32, #tpu.memory_space<vmem>>
      %dma_wait3A_208 = arith.constant 0 : i32
      %dma_wait3A_209 = arith.constant 0 : i32
      %dma_wait3A_210 = tpu.memref_slice %arg15[%dma_wait3A_208, %dma_wait3A_209] : memref<10240x64xf32, #tpu.memory_space<vmem_shared>> -> memref<10240x64xf32, #tpu.memory_space<vmem_shared>>
      tpu.wait_indirect_dma semaphore(%arg26 : memref<!tpu.dma_semaphore, #tpu.memory_space<semaphore_mem>>) src(%arg12 : memref<80x64xf32, #tpu.memory_space<vmem>>) dst(%dma_wait3A_210 : memref<10240x64xf32, #tpu.memory_space<vmem_shared>>)
    } else {
    }
    %dma_start3A_114 = arith.constant 124 : i32
    %dma_start3A_115 = arith.constant 0 : i32
    %dma_start3A_116 = tpu.memref_slice %arg6[%dma_start3A_114, %dma_start3A_115] : memref<125x80xi32, #tpu.memory_space<vmem>> -> memref<1x80xi32, #tpu.memory_space<vmem>>
    %dma_start3A_117 = tpu.memref_squeeze %dma_start3A_116 : memref<1x80xi32, #tpu.memory_space<vmem>> -> memref<80xi32, #tpu.memory_space<vmem>>
    %dma_start3A_118 = arith.constant 0 : i32
    %dma_start3A_119 = arith.constant 0 : i32
    %dma_start3A_120 = tpu.memref_slice %arg2[%dma_start3A_118, %dma_start3A_119] : memref<10000x64xf32, #tpu.memory_space<hbm>> -> memref<10000x64xf32, #tpu.memory_space<hbm>>
    tpu.enqueue_indirect_dma source(%dma_start3A_120 : memref<10000x64xf32, #tpu.memory_space<hbm>>) target(%arg12 : memref<80x64xf32, #tpu.memory_space<vmem>>) offsets(%dma_start3A_117 : memref<80xi32, #tpu.memory_space<vmem>>) semaphore(%arg20 : memref<!tpu.dma_semaphore, #tpu.memory_space<semaphore_mem>>)
    %dma_wait3A_121 = arith.constant 123 : i32
    %dma_wait3A_122 = arith.constant 0 : i32
    %dma_wait3A_123 = tpu.memref_slice %arg6[%dma_wait3A_121, %dma_wait3A_122] : memref<125x80xi32, #tpu.memory_space<vmem>> -> memref<1x80xi32, #tpu.memory_space<vmem>>
    %dma_wait3A_124 = tpu.memref_squeeze %dma_wait3A_123 : memref<1x80xi32, #tpu.memory_space<vmem>> -> memref<80xi32, #tpu.memory_space<vmem>>
    %dma_wait3A_125 = arith.constant 0 : i32
    %dma_wait3A_126 = arith.constant 0 : i32
    %dma_wait3A_127 = tpu.memref_slice %arg2[%dma_wait3A_125, %dma_wait3A_126] : memref<10000x64xf32, #tpu.memory_space<hbm>> -> memref<10000x64xf32, #tpu.memory_space<hbm>>
    tpu.wait_indirect_dma semaphore(%arg19 : memref<!tpu.dma_semaphore, #tpu.memory_space<semaphore_mem>>) src(%dma_wait3A_127 : memref<10000x64xf32, #tpu.memory_space<hbm>>) dst(%arg11 : memref<80x64xf32, #tpu.memory_space<vmem>>)
    %dma_start3A_128 = arith.constant 123 : i32
    %dma_start3A_129 = arith.constant 0 : i32
    %dma_start3A_130 = tpu.memref_slice %arg7[%dma_start3A_128, %dma_start3A_129] : memref<125x80xi32, #tpu.memory_space<vmem>> -> memref<1x80xi32, #tpu.memory_space<vmem>>
    %dma_start3A_131 = tpu.memref_squeeze %dma_start3A_130 : memref<1x80xi32, #tpu.memory_space<vmem>> -> memref<80xi32, #tpu.memory_space<vmem>>
    %dma_start3A_132 = arith.constant 0 : i32
    %dma_start3A_133 = arith.constant 0 : i32
    %dma_start3A_134 = tpu.memref_slice %arg15[%dma_start3A_132, %dma_start3A_133] : memref<10240x64xf32, #tpu.memory_space<vmem_shared>> -> memref<10240x64xf32, #tpu.memory_space<vmem_shared>>
    tpu.enqueue_indirect_dma source(%arg11 : memref<80x64xf32, #tpu.memory_space<vmem>>) target(%dma_start3A_134 : memref<10240x64xf32, #tpu.memory_space<vmem_shared>>) offsets(%dma_start3A_131 : memref<80xi32, #tpu.memory_space<vmem>>) semaphore(%arg25 : memref<!tpu.dma_semaphore, #tpu.memory_space<semaphore_mem>>) {add = true}
    %and3A_135 = arith.constant true
    %and3A_136 = arith.constant false
    %and3A_137 = arith.andi %and3A_135, %and3A_136 : i1
    %convert_element_type3A_138 = arith.extui %and3A_137 : i1 to i32
    %cond3A_139 = arith.constant 0 : i32
    %cond3A_140 = arith.cmpi ne, %convert_element_type3A_138, %cond3A_139 : i32
    scf.if %cond3A_140 {
      %dma_wait3A_204 = arith.constant 119 : i32
      %dma_wait3A_205 = arith.constant 0 : i32
      %dma_wait3A_206 = tpu.memref_slice %arg7[%dma_wait3A_204, %dma_wait3A_205] : memref<125x80xi32, #tpu.memory_space<vmem>> -> memref<1x80xi32, #tpu.memory_space<vmem>>
      %dma_wait3A_207 = tpu.memref_squeeze %dma_wait3A_206 : memref<1x80xi32, #tpu.memory_space<vmem>> -> memref<80xi32, #tpu.memory_space<vmem>>
      %dma_wait3A_208 = arith.constant 0 : i32
      %dma_wait3A_209 = arith.constant 0 : i32
      %dma_wait3A_210 = tpu.memref_slice %arg15[%dma_wait3A_208, %dma_wait3A_209] : memref<10240x64xf32, #tpu.memory_space<vmem_shared>> -> memref<10240x64xf32, #tpu.memory_space<vmem_shared>>
      tpu.wait_indirect_dma semaphore(%arg27 : memref<!tpu.dma_semaphore, #tpu.memory_space<semaphore_mem>>) src(%arg13 : memref<80x64xf32, #tpu.memory_space<vmem>>) dst(%dma_wait3A_210 : memref<10240x64xf32, #tpu.memory_space<vmem_shared>>)
    } else {
    }
    %dma_wait3A_141 = arith.constant 124 : i32
    %dma_wait3A_142 = arith.constant 0 : i32
    %dma_wait3A_143 = tpu.memref_slice %arg6[%dma_wait3A_141, %dma_wait3A_142] : memref<125x80xi32, #tpu.memory_space<vmem>> -> memref<1x80xi32, #tpu.memory_space<vmem>>
    %dma_wait3A_144 = tpu.memref_squeeze %dma_wait3A_143 : memref<1x80xi32, #tpu.memory_space<vmem>> -> memref<80xi32, #tpu.memory_space<vmem>>
    %dma_wait3A_145 = arith.constant 0 : i32
    %dma_wait3A_146 = arith.constant 0 : i32
    %dma_wait3A_147 = tpu.memref_slice %arg2[%dma_wait3A_145, %dma_wait3A_146] : memref<10000x64xf32, #tpu.memory_space<hbm>> -> memref<10000x64xf32, #tpu.memory_space<hbm>>
    tpu.wait_indirect_dma semaphore(%arg20 : memref<!tpu.dma_semaphore, #tpu.memory_space<semaphore_mem>>) src(%dma_wait3A_147 : memref<10000x64xf32, #tpu.memory_space<hbm>>) dst(%arg12 : memref<80x64xf32, #tpu.memory_space<vmem>>)
    %dma_start3A_148 = arith.constant 124 : i32
    %dma_start3A_149 = arith.constant 0 : i32
    %dma_start3A_150 = tpu.memref_slice %arg7[%dma_start3A_148, %dma_start3A_149] : memref<125x80xi32, #tpu.memory_space<vmem>> -> memref<1x80xi32, #tpu.memory_space<vmem>>
    %dma_start3A_151 = tpu.memref_squeeze %dma_start3A_150 : memref<1x80xi32, #tpu.memory_space<vmem>> -> memref<80xi32, #tpu.memory_space<vmem>>
    %dma_start3A_152 = arith.constant 0 : i32
    %dma_start3A_153 = arith.constant 0 : i32
    %dma_start3A_154 = tpu.memref_slice %arg15[%dma_start3A_152, %dma_start3A_153] : memref<10240x64xf32, #tpu.memory_space<vmem_shared>> -> memref<10240x64xf32, #tpu.memory_space<vmem_shared>>
    tpu.enqueue_indirect_dma source(%arg12 : memref<80x64xf32, #tpu.memory_space<vmem>>) target(%dma_start3A_154 : memref<10240x64xf32, #tpu.memory_space<vmem_shared>>) offsets(%dma_start3A_151 : memref<80xi32, #tpu.memory_space<vmem>>) semaphore(%arg26 : memref<!tpu.dma_semaphore, #tpu.memory_space<semaphore_mem>>) {add = true}
    %and3A_155 = arith.constant true
    %and3A_156 = arith.constant false
    %and3A_157 = arith.andi %and3A_155, %and3A_156 : i1
    %convert_element_type3A_158 = arith.extui %and3A_157 : i1 to i32
    %cond3A_159 = arith.constant 0 : i32
    %cond3A_160 = arith.cmpi ne, %convert_element_type3A_158, %cond3A_159 : i32
    scf.if %cond3A_160 {
      %dma_wait3A_204 = arith.constant 120 : i32
      %dma_wait3A_205 = arith.constant 0 : i32
      %dma_wait3A_206 = tpu.memref_slice %arg7[%dma_wait3A_204, %dma_wait3A_205] : memref<125x80xi32, #tpu.memory_space<vmem>> -> memref<1x80xi32, #tpu.memory_space<vmem>>
      %dma_wait3A_207 = tpu.memref_squeeze %dma_wait3A_206 : memref<1x80xi32, #tpu.memory_space<vmem>> -> memref<80xi32, #tpu.memory_space<vmem>>
      %dma_wait3A_208 = arith.constant 0 : i32
      %dma_wait3A_209 = arith.constant 0 : i32
      %dma_wait3A_210 = tpu.memref_slice %arg15[%dma_wait3A_208, %dma_wait3A_209] : memref<10240x64xf32, #tpu.memory_space<vmem_shared>> -> memref<10240x64xf32, #tpu.memory_space<vmem_shared>>
      tpu.wait_indirect_dma semaphore(%arg22 : memref<!tpu.dma_semaphore, #tpu.memory_space<semaphore_mem>>) src(%arg8 : memref<80x64xf32, #tpu.memory_space<vmem>>) dst(%dma_wait3A_210 : memref<10240x64xf32, #tpu.memory_space<vmem_shared>>)
    } else {
    }
    %dma_wait3A_161 = arith.constant 119 : i32
    %dma_wait3A_162 = arith.constant 0 : i32
    %dma_wait3A_163 = tpu.memref_slice %arg7[%dma_wait3A_161, %dma_wait3A_162] : memref<125x80xi32, #tpu.memory_space<vmem>> -> memref<1x80xi32, #tpu.memory_space<vmem>>
    %dma_wait3A_164 = tpu.memref_squeeze %dma_wait3A_163 : memref<1x80xi32, #tpu.memory_space<vmem>> -> memref<80xi32, #tpu.memory_space<vmem>>
    %dma_wait3A_165 = arith.constant 0 : i32
    %dma_wait3A_166 = arith.constant 0 : i32
    %dma_wait3A_167 = tpu.memref_slice %arg15[%dma_wait3A_165, %dma_wait3A_166] : memref<10240x64xf32, #tpu.memory_space<vmem_shared>> -> memref<10240x64xf32, #tpu.memory_space<vmem_shared>>
    tpu.wait_indirect_dma semaphore(%arg27 : memref<!tpu.dma_semaphore, #tpu.memory_space<semaphore_mem>>) src(%arg13 : memref<80x64xf32, #tpu.memory_space<vmem>>) dst(%dma_wait3A_167 : memref<10240x64xf32, #tpu.memory_space<vmem_shared>>)
    %dma_wait3A_168 = arith.constant 120 : i32
    %dma_wait3A_169 = arith.constant 0 : i32
    %dma_wait3A_170 = tpu.memref_slice %arg7[%dma_wait3A_168, %dma_wait3A_169] : memref<125x80xi32, #tpu.memory_space<vmem>> -> memref<1x80xi32, #tpu.memory_space<vmem>>
    %dma_wait3A_171 = tpu.memref_squeeze %dma_wait3A_170 : memref<1x80xi32, #tpu.memory_space<vmem>> -> memref<80xi32, #tpu.memory_space<vmem>>
    %dma_wait3A_172 = arith.constant 0 : i32
    %dma_wait3A_173 = arith.constant 0 : i32
    %dma_wait3A_174 = tpu.memref_slice %arg15[%dma_wait3A_172, %dma_wait3A_173] : memref<10240x64xf32, #tpu.memory_space<vmem_shared>> -> memref<10240x64xf32, #tpu.memory_space<vmem_shared>>
    tpu.wait_indirect_dma semaphore(%arg22 : memref<!tpu.dma_semaphore, #tpu.memory_space<semaphore_mem>>) src(%arg8 : memref<80x64xf32, #tpu.memory_space<vmem>>) dst(%dma_wait3A_174 : memref<10240x64xf32, #tpu.memory_space<vmem_shared>>)
    %dma_wait3A_175 = arith.constant 121 : i32
    %dma_wait3A_176 = arith.constant 0 : i32
    %dma_wait3A_177 = tpu.memref_slice %arg7[%dma_wait3A_175, %dma_wait3A_176] : memref<125x80xi32, #tpu.memory_space<vmem>> -> memref<1x80xi32, #tpu.memory_space<vmem>>
    %dma_wait3A_178 = tpu.memref_squeeze %dma_wait3A_177 : memref<1x80xi32, #tpu.memory_space<vmem>> -> memref<80xi32, #tpu.memory_space<vmem>>
    %dma_wait3A_179 = arith.constant 0 : i32
    %dma_wait3A_180 = arith.constant 0 : i32
    %dma_wait3A_181 = tpu.memref_slice %arg15[%dma_wait3A_179, %dma_wait3A_180] : memref<10240x64xf32, #tpu.memory_space<vmem_shared>> -> memref<10240x64xf32, #tpu.memory_space<vmem_shared>>
    tpu.wait_indirect_dma semaphore(%arg23 : memref<!tpu.dma_semaphore, #tpu.memory_space<semaphore_mem>>) src(%arg9 : memref<80x64xf32, #tpu.memory_space<vmem>>) dst(%dma_wait3A_181 : memref<10240x64xf32, #tpu.memory_space<vmem_shared>>)
    %dma_wait3A_182 = arith.constant 122 : i32
    %dma_wait3A_183 = arith.constant 0 : i32
    %dma_wait3A_184 = tpu.memref_slice %arg7[%dma_wait3A_182, %dma_wait3A_183] : memref<125x80xi32, #tpu.memory_space<vmem>> -> memref<1x80xi32, #tpu.memory_space<vmem>>
    %dma_wait3A_185 = tpu.memref_squeeze %dma_wait3A_184 : memref<1x80xi32, #tpu.memory_space<vmem>> -> memref<80xi32, #tpu.memory_space<vmem>>
    %dma_wait3A_186 = arith.constant 0 : i32
    %dma_wait3A_187 = arith.constant 0 : i32
    %dma_wait3A_188 = tpu.memref_slice %arg15[%dma_wait3A_186, %dma_wait3A_187] : memref<10240x64xf32, #tpu.memory_space<vmem_shared>> -> memref<10240x64xf32, #tpu.memory_space<vmem_shared>>
    tpu.wait_indirect_dma semaphore(%arg24 : memref<!tpu.dma_semaphore, #tpu.memory_space<semaphore_mem>>) src(%arg10 : memref<80x64xf32, #tpu.memory_space<vmem>>) dst(%dma_wait3A_188 : memref<10240x64xf32, #tpu.memory_space<vmem_shared>>)
    %dma_wait3A_189 = arith.constant 123 : i32
    %dma_wait3A_190 = arith.constant 0 : i32
    %dma_wait3A_191 = tpu.memref_slice %arg7[%dma_wait3A_189, %dma_wait3A_190] : memref<125x80xi32, #tpu.memory_space<vmem>> -> memref<1x80xi32, #tpu.memory_space<vmem>>
    %dma_wait3A_192 = tpu.memref_squeeze %dma_wait3A_191 : memref<1x80xi32, #tpu.memory_space<vmem>> -> memref<80xi32, #tpu.memory_space<vmem>>
    %dma_wait3A_193 = arith.constant 0 : i32
    %dma_wait3A_194 = arith.constant 0 : i32
    %dma_wait3A_195 = tpu.memref_slice %arg15[%dma_wait3A_193, %dma_wait3A_194] : memref<10240x64xf32, #tpu.memory_space<vmem_shared>> -> memref<10240x64xf32, #tpu.memory_space<vmem_shared>>
    tpu.wait_indirect_dma semaphore(%arg25 : memref<!tpu.dma_semaphore, #tpu.memory_space<semaphore_mem>>) src(%arg11 : memref<80x64xf32, #tpu.memory_space<vmem>>) dst(%dma_wait3A_195 : memref<10240x64xf32, #tpu.memory_space<vmem_shared>>)
    %dma_wait3A_196 = arith.constant 124 : i32
    %dma_wait3A_197 = arith.constant 0 : i32
    %dma_wait3A_198 = tpu.memref_slice %arg7[%dma_wait3A_196, %dma_wait3A_197] : memref<125x80xi32, #tpu.memory_space<vmem>> -> memref<1x80xi32, #tpu.memory_space<vmem>>
    %dma_wait3A_199 = tpu.memref_squeeze %dma_wait3A_198 : memref<1x80xi32, #tpu.memory_space<vmem>> -> memref<80xi32, #tpu.memory_space<vmem>>
    %dma_wait3A_200 = arith.constant 0 : i32
    %dma_wait3A_201 = arith.constant 0 : i32
    %dma_wait3A_202 = tpu.memref_slice %arg15[%dma_wait3A_200, %dma_wait3A_201] : memref<10240x64xf32, #tpu.memory_space<vmem_shared>> -> memref<10240x64xf32, #tpu.memory_space<vmem_shared>>
    tpu.wait_indirect_dma semaphore(%arg26 : memref<!tpu.dma_semaphore, #tpu.memory_space<semaphore_mem>>) src(%arg12 : memref<80x64xf32, #tpu.memory_space<vmem>>) dst(%dma_wait3A_202 : memref<10240x64xf32, #tpu.memory_space<vmem_shared>>)
    %barrier3A_203 = arith.constant 0 : index
    tpu.barrier barrier_id(%barrier3A_203)
    "tpu.region"() ({
      %run_scoped3A = tpu.sem_alloc : memref<!tpu.dma_semaphore, #tpu.memory_space<semaphore_mem>>
      %dma_start3A_204 = arith.constant 0 : i32
      %dma_start3A_205 = tpu.memref_slice %arg5[%arg0, %mul3A_8, %dma_start3A_204] : memref<2x10240x64xf32, #tpu.memory_space<hbm>> -> memref<1x640x64xf32, #tpu.memory_space<hbm>>
      %dma_start3A_206 = tpu.memref_squeeze %dma_start3A_205 : memref<1x640x64xf32, #tpu.memory_space<hbm>> -> memref<640x64xf32, #tpu.memory_space<hbm>>
      %dma_start3A_207 = arith.constant 0 : i32
      %dma_start3A_208 = tpu.memref_slice %arg15[%mul3A_8, %dma_start3A_207] : memref<10240x64xf32, #tpu.memory_space<vmem_shared>> -> memref<640x64xf32, #tpu.memory_space<vmem_shared>>
      tpu.enqueue_dma source(%dma_start3A_208 : memref<640x64xf32, #tpu.memory_space<vmem_shared>>) target(%dma_start3A_206 : memref<640x64xf32, #tpu.memory_space<hbm>>) target_semaphore(%run_scoped3A : memref<!tpu.dma_semaphore, #tpu.memory_space<semaphore_mem>>)
      %dma_wait3A_209 = arith.constant 0 : i32
      %dma_wait3A_210 = tpu.memref_slice %arg5[%arg0, %mul3A_8, %dma_wait3A_209] : memref<2x10240x64xf32, #tpu.memory_space<hbm>> -> memref<1x640x64xf32, #tpu.memory_space<hbm>>
      %dma_wait3A_211 = tpu.memref_squeeze %dma_wait3A_210 : memref<1x640x64xf32, #tpu.memory_space<hbm>> -> memref<640x64xf32, #tpu.memory_space<hbm>>
      %dma_wait3A_212 = arith.constant 0 : i32
      %dma_wait3A_213 = tpu.memref_slice %arg15[%mul3A_8, %dma_wait3A_212] : memref<10240x64xf32, #tpu.memory_space<vmem_shared>> -> memref<640x64xf32, #tpu.memory_space<vmem_shared>>
      tpu.wait_dma2 semaphore(%run_scoped3A : memref<!tpu.dma_semaphore, #tpu.memory_space<semaphore_mem>>) src(%dma_wait3A_213 : memref<640x64xf32, #tpu.memory_space<vmem_shared>>) dst(%dma_wait3A_211 : memref<640x64xf32, #tpu.memory_space<hbm>>)
      tpu.yield
    }) : () -> ()
    return
  }
}

module attributes {stable_mosaic.version = 14 : i64} {
  func.func @_proj_body(%arg0: i32, %arg1: memref<2000x128xf32, #tpu.memory_space<vmem>>, %arg2: memref<64x128xf32, #tpu.memory_space<vmem>>, %arg3: memref<1x64xf32, #tpu.memory_space<vmem>>, %arg4: memref<2000x64xf32, #tpu.memory_space<vmem>>) attributes {dimension_semantics = [#tpu.dimension_semantics<arbitrary>], iteration_bounds = array<i64: 5>, scalar_prefetch = 0 : i64, scratch_operands = 0 : i64, tpu.core_type = #tpu.core_type<tc>, window_params = [{transform_indices = @transform_0, window_bounds = array<i64: 2000, 128>}, {pipeline_mode = #tpu.pipeline_mode<synchronous>, transform_indices = @transform_1, window_bounds = array<i64: 64, 128>}, {pipeline_mode = #tpu.pipeline_mode<synchronous>, transform_indices = @transform_2, window_bounds = array<i64: 1, 64>}, {transform_indices = @transform_3, window_bounds = array<i64: 2000, 64>}]} {
    %get3A = arith.constant 0 : index
    %get3A_0 = arith.constant 0 : index
    %get3A_1 = vector.load %arg1[%get3A, %get3A_0] : memref<2000x128xf32, #tpu.memory_space<vmem>>, vector<2000x128xf32>
    %get3A_2 = arith.constant 0 : index
    %get3A_3 = arith.constant 0 : index
    %get3A_4 = vector.load %arg2[%get3A_2, %get3A_3] : memref<64x128xf32, #tpu.memory_space<vmem>>, vector<64x128xf32>
    %dot_general3A = arith.constant dense<0.000000e+00> : vector<2000x64xf32>
    %dot_general3A_5 = tpu.matmul %get3A_1, %get3A_4, %dot_general3A {dimension_numbers = #tpu.dot_dimension_numbers<[1], [1], [0], [0], [0, 0, 1, 0], [], []>, transpose_lhs_hint = false} : vector<2000x128xf32>, vector<64x128xf32>, vector<2000x64xf32> -> vector<2000x64xf32>
    %get3A_6 = arith.constant 0 : index
    %get3A_7 = arith.constant 0 : index
    %get3A_8 = vector.load %arg3[%get3A_6, %get3A_7] : memref<1x64xf32, #tpu.memory_space<vmem>>, vector<1x64xf32>
    %add3A = vector.broadcast %get3A_8 : vector<1x64xf32> to vector<2000x64xf32>
    %add3A_9 = arith.addf %dot_general3A_5, %add3A : vector<2000x64xf32>
    %max3A = arith.constant 0.000000e+00 : f32
    %max3A_10 = vector.broadcast %max3A : f32 to vector<2000x64xf32>
    %max3A_11 = arith.maximumf %add3A_9, %max3A_10 : vector<2000x64xf32>
    %swap3A = arith.constant 0 : index
    %swap3A_12 = arith.constant 0 : index
    %swap3A_13 = vector.load %arg4[%swap3A, %swap3A_12] : memref<2000x64xf32, #tpu.memory_space<vmem>>, vector<2000x64xf32>
    tpu.vector_store %arg4[%swap3A, %swap3A_12], %max3A_11 {strides = array<i32>} : memref<2000x64xf32, #tpu.memory_space<vmem>>, vector<2000x64xf32>,
    return
  }
  func.func @transform_0(%arg0: i32) -> (i32, i32) {
    %c0_i32 = arith.constant 0 : i32
    %c0_i32_0 = arith.constant 0 : i32
    return %arg0, %c0_i32 : i32, i32
  }
  func.func @transform_1(%arg0: i32) -> (i32, i32) {
    %c0_i32 = arith.constant 0 : i32
    %c0_i32_0 = arith.constant 0 : i32
    %c0_i32_1 = arith.constant 0 : i32
    return %c0_i32, %c0_i32_0 : i32, i32
  }
  func.func @transform_2(%arg0: i32) -> (i32, i32) {
    %c0_i32 = arith.constant 0 : i32
    %c0_i32_0 = arith.constant 0 : i32
    %c0_i32_1 = arith.constant 0 : i32
    return %c0_i32, %c0_i32_0 : i32, i32
  }
  func.func @transform_3(%arg0: i32) -> (i32, i32) {
    %c0_i32 = arith.constant 0 : i32
    %c0_i32_0 = arith.constant 0 : i32
    return %arg0, %c0_i32 : i32, i32
  }
}

module attributes {stable_mosaic.version = 14 : i64} {
  func.func @_step_body(%arg0: i32, %arg1: memref<2x2000x64xf32, #tpu.memory_space<vmem>>, %arg2: memref<2x2000x16xf32, #tpu.memory_space<vmem>>, %arg3: memref<2000x64xf32, #tpu.memory_space<vmem>>, %arg4: memref<2000x64xf32, #tpu.memory_space<vmem>>, %arg5: memref<64x64xf32, #tpu.memory_space<vmem>>, %arg6: memref<1x64xf32, #tpu.memory_space<vmem>>, %arg7: memref<64x64xf32, #tpu.memory_space<vmem>>, %arg8: memref<1x64xf32, #tpu.memory_space<vmem>>, %arg9: memref<1x1xf32, #tpu.memory_space<vmem>>, %arg10: memref<1x64xf32, #tpu.memory_space<vmem>>, %arg11: memref<1x1xf32, #tpu.memory_space<vmem>>, %arg12: memref<192x64xf32, #tpu.memory_space<vmem>>, %arg13: memref<192x64xf32, #tpu.memory_space<vmem>>, %arg14: memref<1x192xf32, #tpu.memory_space<vmem>>, %arg15: memref<1x192xf32, #tpu.memory_space<vmem>>, %arg16: memref<192x64xf32, #tpu.memory_space<vmem>>, %arg17: memref<192x64xf32, #tpu.memory_space<vmem>>, %arg18: memref<1x192xf32, #tpu.memory_space<vmem>>, %arg19: memref<1x192xf32, #tpu.memory_space<vmem>>, %arg20: memref<2000x64xf32, #tpu.memory_space<vmem>>, %arg21: memref<2000x64xf32, #tpu.memory_space<vmem>>, %arg22: memref<2000x1xf32, #tpu.memory_space<vmem>>) attributes {dimension_semantics = [#tpu.dimension_semantics<arbitrary>], iteration_bounds = array<i64: 5>, scalar_prefetch = 0 : i64, scratch_operands = 0 : i64, tpu.core_type = #tpu.core_type<tc>, window_params = [{transform_indices = @transform_0, window_bounds = array<i64: 2, 2000, 64>}, {transform_indices = @transform_1, window_bounds = array<i64: 2, 2000, 16>}, {transform_indices = @transform_2, window_bounds = array<i64: 2000, 64>}, {transform_indices = @transform_3, window_bounds = array<i64: 2000, 64>}, {pipeline_mode = #tpu.pipeline_mode<synchronous>, transform_indices = @transform_4, window_bounds = array<i64: 64, 64>}, {pipeline_mode = #tpu.pipeline_mode<synchronous>, transform_indices = @transform_5, window_bounds = array<i64: 1, 64>}, {pipeline_mode = #tpu.pipeline_mode<synchronous>, transform_indices = @transform_6, window_bounds = array<i64: 64, 64>}, {pipeline_mode = #tpu.pipeline_mode<synchronous>, transform_indices = @transform_7, window_bounds = array<i64: 1, 64>}, {pipeline_mode = #tpu.pipeline_mode<synchronous>, transform_indices = @transform_8, window_bounds = array<i64: 1, 1>}, {pipeline_mode = #tpu.pipeline_mode<synchronous>, transform_indices = @transform_9, window_bounds = array<i64: 1, 64>}, {pipeline_mode = #tpu.pipeline_mode<synchronous>, transform_indices = @transform_10, window_bounds = array<i64: 1, 1>}, {pipeline_mode = #tpu.pipeline_mode<synchronous>, transform_indices = @transform_11, window_bounds = array<i64: 192, 64>}, {pipeline_mode = #tpu.pipeline_mode<synchronous>, transform_indices = @transform_12, window_bounds = array<i64: 192, 64>}, {pipeline_mode = #tpu.pipeline_mode<synchronous>, transform_indices = @transform_13, window_bounds = array<i64: 1, 192>}, {pipeline_mode = #tpu.pipeline_mode<synchronous>, transform_indices = @transform_14, window_bounds = array<i64: 1, 192>}, {pipeline_mode = #tpu.pipeline_mode<synchronous>, transform_indices = @transform_15, window_bounds = array<i64: 192, 64>}, {pipeline_mode = #tpu.pipeline_mode<synchronous>, transform_indices = @transform_16, window_bounds = array<i64: 192, 64>}, {pipeline_mode = #tpu.pipeline_mode<synchronous>, transform_indices = @transform_17, window_bounds = array<i64: 1, 192>}, {pipeline_mode = #tpu.pipeline_mode<synchronous>, transform_indices = @transform_18, window_bounds = array<i64: 1, 192>}, {transform_indices = @transform_19, window_bounds = array<i64: 2000, 64>}, {transform_indices = @transform_20, window_bounds = array<i64: 2000, 64>}, {transform_indices = @transform_21, window_bounds = array<i64: 2000, 1>}]} {
    %get3A = arith.constant 0 : index
    %get3A_0 = arith.constant 0 : index
    %get3A_1 = arith.constant 0 : index
    %get3A_2 = vector.load %arg1[%get3A, %get3A_0, %get3A_1] : memref<2x2000x64xf32, #tpu.memory_space<vmem>>, vector<2x2000x64xf32>
    %get3A_3 = arith.constant 0 : index
    %get3A_4 = arith.constant 0 : index
    %get3A_5 = arith.constant 0 : index
    %get3A_6 = vector.load %arg2[%get3A_3, %get3A_4, %get3A_5] : memref<2x2000x16xf32, #tpu.memory_space<vmem>>, vector<2x2000x16xf32>
    %slice3A = vector.extract_strided_slice %get3A_6 {offsets = [0, 0, 0], sizes = [1, 2000, 1], strides = [1, 1, 1]} : vector<2x2000x16xf32> to vector<1x2000x1xf32>
    %squeeze3A = vector.shape_cast %slice3A : vector<1x2000x1xf32> to vector<2000x1xf32>
    %slice3A_7 = vector.extract_strided_slice %get3A_6 {offsets = [1, 0, 0], sizes = [1, 2000, 1], strides = [1, 1, 1]} : vector<2x2000x16xf32> to vector<1x2000x1xf32>
    %squeeze3A_8 = vector.shape_cast %slice3A_7 : vector<1x2000x1xf32> to vector<2000x1xf32>
    %add3A = arith.addf %squeeze3A, %squeeze3A_8 : vector<2000x1xf32>
    %max3A = arith.constant 1.000000e+00 : f32
    %max3A_9 = vector.broadcast %max3A : f32 to vector<2000x1xf32>
    %max3A_10 = arith.maximumf %add3A, %max3A_9 : vector<2000x1xf32>
    %slice3A_11 = vector.extract_strided_slice %get3A_2 {offsets = [0, 0, 0], sizes = [1, 2000, 64], strides = [1, 1, 1]} : vector<2x2000x64xf32> to vector<1x2000x64xf32>
    %squeeze3A_12 = vector.shape_cast %slice3A_11 : vector<1x2000x64xf32> to vector<2000x64xf32>
    %slice3A_13 = vector.extract_strided_slice %get3A_2 {offsets = [1, 0, 0], sizes = [1, 2000, 64], strides = [1, 1, 1]} : vector<2x2000x64xf32> to vector<1x2000x64xf32>
    %squeeze3A_14 = vector.shape_cast %slice3A_13 : vector<1x2000x64xf32> to vector<2000x64xf32>
    %add3A_15 = arith.addf %squeeze3A_12, %squeeze3A_14 : vector<2000x64xf32>
    %div3A = vector.broadcast %max3A_10 : vector<2000x1xf32> to vector<2000x64xf32>
    %div3A_16 = arith.divf %add3A_15, %div3A : vector<2000x64xf32>
    %get3A_17 = arith.constant 0 : index
    %get3A_18 = arith.constant 0 : index
    %get3A_19 = vector.load %arg3[%get3A_17, %get3A_18] : memref<2000x64xf32, #tpu.memory_space<vmem>>, vector<2000x64xf32>
    %get3A_20 = arith.constant 0 : index
    %get3A_21 = arith.constant 0 : index
    %get3A_22 = vector.load %arg4[%get3A_20, %get3A_21] : memref<2000x64xf32, #tpu.memory_space<vmem>>, vector<2000x64xf32>
    %get3A_23 = arith.constant 0 : index
    %get3A_24 = arith.constant 0 : index
    %get3A_25 = vector.load %arg5[%get3A_23, %get3A_24] : memref<64x64xf32, #tpu.memory_space<vmem>>, vector<64x64xf32>
    %dot_general3A = arith.constant dense<0.000000e+00> : vector<2000x64xf32>
    %dot_general3A_26 = tpu.matmul %div3A_16, %get3A_25, %dot_general3A {dimension_numbers = #tpu.dot_dimension_numbers<[1], [1], [0], [0], [0, 0, 1, 0], [], []>, transpose_lhs_hint = false} : vector<2000x64xf32>, vector<64x64xf32>, vector<2000x64xf32> -> vector<2000x64xf32>
    %get3A_27 = arith.constant 0 : index
    %get3A_28 = arith.constant 0 : index
    %get3A_29 = vector.load %arg6[%get3A_27, %get3A_28] : memref<1x64xf32, #tpu.memory_space<vmem>>, vector<1x64xf32>
    %add3A_30 = vector.broadcast %get3A_29 : vector<1x64xf32> to vector<2000x64xf32>
    %add3A_31 = arith.addf %dot_general3A_26, %add3A_30 : vector<2000x64xf32>
    %get3A_32 = arith.constant 0 : index
    %get3A_33 = arith.constant 0 : index
    %get3A_34 = vector.load %arg7[%get3A_32, %get3A_33] : memref<64x64xf32, #tpu.memory_space<vmem>>, vector<64x64xf32>
    %dot_general3A_35 = arith.constant dense<0.000000e+00> : vector<2000x64xf32>
    %dot_general3A_36 = tpu.matmul %get3A_19, %get3A_34, %dot_general3A_35 {dimension_numbers = #tpu.dot_dimension_numbers<[1], [1], [0], [0], [0, 0, 1, 0], [], []>, transpose_lhs_hint = false} : vector<2000x64xf32>, vector<64x64xf32>, vector<2000x64xf32> -> vector<2000x64xf32>
    %add3A_37 = arith.addf %add3A_31, %dot_general3A_36 : vector<2000x64xf32>
    %max3A_38 = arith.constant 0.000000e+00 : f32
    %max3A_39 = vector.broadcast %max3A_38 : f32 to vector<2000x64xf32>
    %max3A_40 = arith.maximumf %add3A_37, %max3A_39 : vector<2000x64xf32>
    %get3A_41 = arith.constant 0 : index
    %get3A_42 = arith.constant 0 : index
    %get3A_43 = vector.load %arg8[%get3A_41, %get3A_42] : memref<1x64xf32, #tpu.memory_space<vmem>>, vector<1x64xf32>
    %mul3A = vector.broadcast %get3A_43 : vector<1x64xf32> to vector<2000x64xf32>
    %mul3A_44 = arith.mulf %get3A_19, %mul3A : vector<2000x64xf32>
    %reduce_sum3A = arith.constant dense<0.000000e+00> : vector<2000xf32>
    %reduce_sum3A_45 = vector.multi_reduction <add>, %mul3A_44, %reduce_sum3A [1] : vector<2000x64xf32> to vector<2000xf32>
    %broadcast_in_dim3A = vector.shape_cast %reduce_sum3A_45 : vector<2000xf32> to vector<2000x1xf32>
    %get3A_46 = arith.constant 0 : index
    %get3A_47 = arith.constant 0 : index
    %get3A_48 = vector.load %arg9[%get3A_46, %get3A_47] : memref<1x1xf32, #tpu.memory_space<vmem>>, vector<1x1xf32>
    %get3A_49 = vector.extract %get3A_48[0, 0] : f32 from vector<1x1xf32>
    %add3A_50 = vector.broadcast %get3A_49 : f32 to vector<2000x1xf32>
    %add3A_51 = arith.addf %broadcast_in_dim3A, %add3A_50 : vector<2000x1xf32>
    %logistic3A = arith.negf %add3A_51 : vector<2000x1xf32>
    %logistic3A_52 = math.exp %logistic3A : vector<2000x1xf32>
    %logistic3A_53 = arith.constant 1.000000e+00 : f32
    %logistic3A_54 = vector.broadcast %logistic3A_53 : f32 to vector<2000x1xf32>
    %logistic3A_55 = arith.addf %logistic3A_54, %logistic3A_52 : vector<2000x1xf32>
    %logistic3A_56 = arith.divf %logistic3A_54, %logistic3A_55 : vector<2000x1xf32>
    %mul3A_57 = vector.broadcast %logistic3A_56 : vector<2000x1xf32> to vector<2000x64xf32>
    %mul3A_58 = arith.mulf %mul3A_57, %max3A_40 : vector<2000x64xf32>
    %get3A_59 = arith.constant 0 : index
    %get3A_60 = arith.constant 0 : index
    %get3A_61 = vector.load %arg12[%get3A_59, %get3A_60] : memref<192x64xf32, #tpu.memory_space<vmem>>, vector<192x64xf32>
    %dot_general3A_62 = arith.constant dense<0.000000e+00> : vector<2000x192xf32>
    %dot_general3A_63 = tpu.matmul %mul3A_58, %get3A_61, %dot_general3A_62 {dimension_numbers = #tpu.dot_dimension_numbers<[1], [1], [0], [0], [0, 0, 1, 0], [], []>, transpose_lhs_hint = false} : vector<2000x64xf32>, vector<192x64xf32>, vector<2000x192xf32> -> vector<2000x192xf32>
    %get3A_64 = arith.constant 0 : index
    %get3A_65 = arith.constant 0 : index
    %get3A_66 = vector.load %arg14[%get3A_64, %get3A_65] : memref<1x192xf32, #tpu.memory_space<vmem>>, vector<1x192xf32>
    %add3A_67 = vector.broadcast %get3A_66 : vector<1x192xf32> to vector<2000x192xf32>
    %add3A_68 = arith.addf %dot_general3A_63, %add3A_67 : vector<2000x192xf32>
    %get3A_69 = arith.constant 0 : index
    %get3A_70 = arith.constant 0 : index
    %get3A_71 = vector.load %arg13[%get3A_69, %get3A_70] : memref<192x64xf32, #tpu.memory_space<vmem>>, vector<192x64xf32>
    %dot_general3A_72 = arith.constant dense<0.000000e+00> : vector<2000x192xf32>
    %dot_general3A_73 = tpu.matmul %get3A_19, %get3A_71, %dot_general3A_72 {dimension_numbers = #tpu.dot_dimension_numbers<[1], [1], [0], [0], [0, 0, 1, 0], [], []>, transpose_lhs_hint = false} : vector<2000x64xf32>, vector<192x64xf32>, vector<2000x192xf32> -> vector<2000x192xf32>
    %get3A_74 = arith.constant 0 : index
    %get3A_75 = arith.constant 0 : index
    %get3A_76 = vector.load %arg15[%get3A_74, %get3A_75] : memref<1x192xf32, #tpu.memory_space<vmem>>, vector<1x192xf32>
    %add3A_77 = vector.broadcast %get3A_76 : vector<1x192xf32> to vector<2000x192xf32>
    %add3A_78 = arith.addf %dot_general3A_73, %add3A_77 : vector<2000x192xf32>
    %slice3A_79 = vector.extract_strided_slice %add3A_68 {offsets = [0, 0], sizes = [2000, 64], strides = [1, 1]} : vector<2000x192xf32> to vector<2000x64xf32>
    %slice3A_80 = vector.extract_strided_slice %add3A_78 {offsets = [0, 0], sizes = [2000, 64], strides = [1, 1]} : vector<2000x192xf32> to vector<2000x64xf32>
    %add3A_81 = arith.addf %slice3A_79, %slice3A_80 : vector<2000x64xf32>
    %logistic3A_82 = arith.negf %add3A_81 : vector<2000x64xf32>
    %logistic3A_83 = math.exp %logistic3A_82 : vector<2000x64xf32>
    %logistic3A_84 = arith.constant 1.000000e+00 : f32
    %logistic3A_85 = vector.broadcast %logistic3A_84 : f32 to vector<2000x64xf32>
    %logistic3A_86 = arith.addf %logistic3A_85, %logistic3A_83 : vector<2000x64xf32>
    %logistic3A_87 = arith.divf %logistic3A_85, %logistic3A_86 : vector<2000x64xf32>
    %slice3A_88 = vector.extract_strided_slice %add3A_68 {offsets = [0, 64], sizes = [2000, 64], strides = [1, 1]} : vector<2000x192xf32> to vector<2000x64xf32>
    %slice3A_89 = vector.extract_strided_slice %add3A_78 {offsets = [0, 64], sizes = [2000, 64], strides = [1, 1]} : vector<2000x192xf32> to vector<2000x64xf32>
    %add3A_90 = arith.addf %slice3A_88, %slice3A_89 : vector<2000x64xf32>
    %logistic3A_91 = arith.negf %add3A_90 : vector<2000x64xf32>
    %logistic3A_92 = math.exp %logistic3A_91 : vector<2000x64xf32>
    %logistic3A_93 = arith.constant 1.000000e+00 : f32
    %logistic3A_94 = vector.broadcast %logistic3A_93 : f32 to vector<2000x64xf32>
    %logistic3A_95 = arith.addf %logistic3A_94, %logistic3A_92 : vector<2000x64xf32>
    %logistic3A_96 = arith.divf %logistic3A_94, %logistic3A_95 : vector<2000x64xf32>
    %slice3A_97 = vector.extract_strided_slice %add3A_68 {offsets = [0, 128], sizes = [2000, 64], strides = [1, 1]} : vector<2000x192xf32> to vector<2000x64xf32>
    %slice3A_98 = vector.extract_strided_slice %add3A_78 {offsets = [0, 128], sizes = [2000, 64], strides = [1, 1]} : vector<2000x192xf32> to vector<2000x64xf32>
    %mul3A_99 = arith.mulf %logistic3A_87, %slice3A_98 : vector<2000x64xf32>
    %add3A_100 = arith.addf %slice3A_97, %mul3A_99 : vector<2000x64xf32>
    %tanh3A = math.tanh %add3A_100 : vector<2000x64xf32>
    %sub3A = arith.constant 1.000000e+00 : f32
    %sub3A_101 = vector.broadcast %sub3A : f32 to vector<2000x64xf32>
    %sub3A_102 = arith.subf %sub3A_101, %logistic3A_96 : vector<2000x64xf32>
    %mul3A_103 = arith.mulf %sub3A_102, %tanh3A : vector<2000x64xf32>
    %mul3A_104 = arith.mulf %logistic3A_96, %get3A_19 : vector<2000x64xf32>
    %add3A_105 = arith.addf %mul3A_103, %mul3A_104 : vector<2000x64xf32>
    %swap3A = arith.constant 0 : index
    %swap3A_106 = arith.constant 0 : index
    %swap3A_107 = vector.load %arg20[%swap3A, %swap3A_106] : memref<2000x64xf32, #tpu.memory_space<vmem>>, vector<2000x64xf32>
    tpu.vector_store %arg20[%swap3A, %swap3A_106], %add3A_105 {strides = array<i32>} : memref<2000x64xf32, #tpu.memory_space<vmem>>, vector<2000x64xf32>,
    %get3A_108 = arith.constant 0 : index
    %get3A_109 = arith.constant 0 : index
    %get3A_110 = vector.load %arg10[%get3A_108, %get3A_109] : memref<1x64xf32, #tpu.memory_space<vmem>>, vector<1x64xf32>
    %mul3A_111 = vector.broadcast %get3A_110 : vector<1x64xf32> to vector<2000x64xf32>
    %mul3A_112 = arith.mulf %get3A_22, %mul3A_111 : vector<2000x64xf32>
    %reduce_sum3A_113 = arith.constant dense<0.000000e+00> : vector<2000xf32>
    %reduce_sum3A_114 = vector.multi_reduction <add>, %mul3A_112, %reduce_sum3A_113 [1] : vector<2000x64xf32> to vector<2000xf32>
    %broadcast_in_dim3A_115 = vector.shape_cast %reduce_sum3A_114 : vector<2000xf32> to vector<2000x1xf32>
    %get3A_116 = arith.constant 0 : index
    %get3A_117 = arith.constant 0 : index
    %get3A_118 = vector.load %arg11[%get3A_116, %get3A_117] : memref<1x1xf32, #tpu.memory_space<vmem>>, vector<1x1xf32>
    %get3A_119 = vector.extract %get3A_118[0, 0] : f32 from vector<1x1xf32>
    %add3A_120 = vector.broadcast %get3A_119 : f32 to vector<2000x1xf32>
    %add3A_121 = arith.addf %broadcast_in_dim3A_115, %add3A_120 : vector<2000x1xf32>
    %logistic3A_122 = arith.negf %add3A_121 : vector<2000x1xf32>
    %logistic3A_123 = math.exp %logistic3A_122 : vector<2000x1xf32>
    %logistic3A_124 = arith.constant 1.000000e+00 : f32
    %logistic3A_125 = vector.broadcast %logistic3A_124 : f32 to vector<2000x1xf32>
    %logistic3A_126 = arith.addf %logistic3A_125, %logistic3A_123 : vector<2000x1xf32>
    %logistic3A_127 = arith.divf %logistic3A_125, %logistic3A_126 : vector<2000x1xf32>
    %mul3A_128 = vector.broadcast %logistic3A_127 : vector<2000x1xf32> to vector<2000x64xf32>
    %mul3A_129 = arith.mulf %mul3A_128, %max3A_40 : vector<2000x64xf32>
    %get3A_130 = arith.constant 0 : index
    %get3A_131 = arith.constant 0 : index
    %get3A_132 = vector.load %arg16[%get3A_130, %get3A_131] : memref<192x64xf32, #tpu.memory_space<vmem>>, vector<192x64xf32>
    %dot_general3A_133 = arith.constant dense<0.000000e+00> : vector<2000x192xf32>
    %dot_general3A_134 = tpu.matmul %mul3A_129, %get3A_132, %dot_general3A_133 {dimension_numbers = #tpu.dot_dimension_numbers<[1], [1], [0], [0], [0, 0, 1, 0], [], []>, transpose_lhs_hint = false} : vector<2000x64xf32>, vector<192x64xf32>, vector<2000x192xf32> -> vector<2000x192xf32>
    %get3A_135 = arith.constant 0 : index
    %get3A_136 = arith.constant 0 : index
    %get3A_137 = vector.load %arg18[%get3A_135, %get3A_136] : memref<1x192xf32, #tpu.memory_space<vmem>>, vector<1x192xf32>
    %add3A_138 = vector.broadcast %get3A_137 : vector<1x192xf32> to vector<2000x192xf32>
    %add3A_139 = arith.addf %dot_general3A_134, %add3A_138 : vector<2000x192xf32>
    %get3A_140 = arith.constant 0 : index
    %get3A_141 = arith.constant 0 : index
    %get3A_142 = vector.load %arg17[%get3A_140, %get3A_141] : memref<192x64xf32, #tpu.memory_space<vmem>>, vector<192x64xf32>
    %dot_general3A_143 = arith.constant dense<0.000000e+00> : vector<2000x192xf32>
    %dot_general3A_144 = tpu.matmul %get3A_22, %get3A_142, %dot_general3A_143 {dimension_numbers = #tpu.dot_dimension_numbers<[1], [1], [0], [0], [0, 0, 1, 0], [], []>, transpose_lhs_hint = false} : vector<2000x64xf32>, vector<192x64xf32>, vector<2000x192xf32> -> vector<2000x192xf32>
    %get3A_145 = arith.constant 0 : index
    %get3A_146 = arith.constant 0 : index
    %get3A_147 = vector.load %arg19[%get3A_145, %get3A_146] : memref<1x192xf32, #tpu.memory_space<vmem>>, vector<1x192xf32>
    %add3A_148 = vector.broadcast %get3A_147 : vector<1x192xf32> to vector<2000x192xf32>
    %add3A_149 = arith.addf %dot_general3A_144, %add3A_148 : vector<2000x192xf32>
    %slice3A_150 = vector.extract_strided_slice %add3A_139 {offsets = [0, 0], sizes = [2000, 64], strides = [1, 1]} : vector<2000x192xf32> to vector<2000x64xf32>
    %slice3A_151 = vector.extract_strided_slice %add3A_149 {offsets = [0, 0], sizes = [2000, 64], strides = [1, 1]} : vector<2000x192xf32> to vector<2000x64xf32>
    %add3A_152 = arith.addf %slice3A_150, %slice3A_151 : vector<2000x64xf32>
    %logistic3A_153 = arith.negf %add3A_152 : vector<2000x64xf32>
    %logistic3A_154 = math.exp %logistic3A_153 : vector<2000x64xf32>
    %logistic3A_155 = arith.constant 1.000000e+00 : f32
    %logistic3A_156 = vector.broadcast %logistic3A_155 : f32 to vector<2000x64xf32>
    %logistic3A_157 = arith.addf %logistic3A_156, %logistic3A_154 : vector<2000x64xf32>
    %logistic3A_158 = arith.divf %logistic3A_156, %logistic3A_157 : vector<2000x64xf32>
    %slice3A_159 = vector.extract_strided_slice %add3A_139 {offsets = [0, 64], sizes = [2000, 64], strides = [1, 1]} : vector<2000x192xf32> to vector<2000x64xf32>
    %slice3A_160 = vector.extract_strided_slice %add3A_149 {offsets = [0, 64], sizes = [2000, 64], strides = [1, 1]} : vector<2000x192xf32> to vector<2000x64xf32>
    %add3A_161 = arith.addf %slice3A_159, %slice3A_160 : vector<2000x64xf32>
    %logistic3A_162 = arith.negf %add3A_161 : vector<2000x64xf32>
    %logistic3A_163 = math.exp %logistic3A_162 : vector<2000x64xf32>
    %logistic3A_164 = arith.constant 1.000000e+00 : f32
    %logistic3A_165 = vector.broadcast %logistic3A_164 : f32 to vector<2000x64xf32>
    %logistic3A_166 = arith.addf %logistic3A_165, %logistic3A_163 : vector<2000x64xf32>
    %logistic3A_167 = arith.divf %logistic3A_165, %logistic3A_166 : vector<2000x64xf32>
    %slice3A_168 = vector.extract_strided_slice %add3A_139 {offsets = [0, 128], sizes = [2000, 64], strides = [1, 1]} : vector<2000x192xf32> to vector<2000x64xf32>
    %slice3A_169 = vector.extract_strided_slice %add3A_149 {offsets = [0, 128], sizes = [2000, 64], strides = [1, 1]} : vector<2000x192xf32> to vector<2000x64xf32>
    %mul3A_170 = arith.mulf %logistic3A_158, %slice3A_169 : vector<2000x64xf32>
    %add3A_171 = arith.addf %slice3A_168, %mul3A_170 : vector<2000x64xf32>
    %tanh3A_172 = math.tanh %add3A_171 : vector<2000x64xf32>
    %sub3A_173 = arith.constant 1.000000e+00 : f32
    %sub3A_174 = vector.broadcast %sub3A_173 : f32 to vector<2000x64xf32>
    %sub3A_175 = arith.subf %sub3A_174, %logistic3A_167 : vector<2000x64xf32>
    %mul3A_176 = arith.mulf %sub3A_175, %tanh3A_172 : vector<2000x64xf32>
    %mul3A_177 = arith.mulf %logistic3A_167, %get3A_22 : vector<2000x64xf32>
    %add3A_178 = arith.addf %mul3A_176, %mul3A_177 : vector<2000x64xf32>
    %swap3A_179 = arith.constant 0 : index
    %swap3A_180 = arith.constant 0 : index
    %swap3A_181 = vector.load %arg21[%swap3A_179, %swap3A_180] : memref<2000x64xf32, #tpu.memory_space<vmem>>, vector<2000x64xf32>
    tpu.vector_store %arg21[%swap3A_179, %swap3A_180], %add3A_178 {strides = array<i32>} : memref<2000x64xf32, #tpu.memory_space<vmem>>, vector<2000x64xf32>,
    %swap3A_182 = arith.constant 0 : index
    %swap3A_183 = arith.constant 0 : index
    %swap3A_184 = vector.load %arg22[%swap3A_182, %swap3A_183] : memref<2000x1xf32, #tpu.memory_space<vmem>>, vector<2000x1xf32>
    tpu.vector_store %arg22[%swap3A_182, %swap3A_183], %logistic3A_127 {strides = array<i32>} : memref<2000x1xf32, #tpu.memory_space<vmem>>, vector<2000x1xf32>,
    return
  }
  func.func @transform_0(%arg0: i32) -> (i32, i32, i32) {
    %c0_i32 = arith.constant 0 : i32
    %c0_i32_0 = arith.constant 0 : i32
    %c0_i32_1 = arith.constant 0 : i32
    return %c0_i32, %arg0, %c0_i32_0 : i32, i32, i32
  }
  func.func @transform_1(%arg0: i32) -> (i32, i32, i32) {
    %c0_i32 = arith.constant 0 : i32
    %c0_i32_0 = arith.constant 0 : i32
    %c0_i32_1 = arith.constant 0 : i32
    return %c0_i32, %arg0, %c0_i32_0 : i32, i32, i32
  }
  func.func @transform_2(%arg0: i32) -> (i32, i32) {
    %c0_i32 = arith.constant 0 : i32
    %c0_i32_0 = arith.constant 0 : i32
    return %arg0, %c0_i32 : i32, i32
  }
  func.func @transform_3(%arg0: i32) -> (i32, i32) {
    %c0_i32 = arith.constant 0 : i32
    %c0_i32_0 = arith.constant 0 : i32
    return %arg0, %c0_i32 : i32, i32
  }
  func.func @transform_4(%arg0: i32) -> (i32, i32) {
    %c0_i32 = arith.constant 0 : i32
    %c0_i32_0 = arith.constant 0 : i32
    %c0_i32_1 = arith.constant 0 : i32
    return %c0_i32, %c0_i32_0 : i32, i32
  }
  func.func @transform_5(%arg0: i32) -> (i32, i32) {
    %c0_i32 = arith.constant 0 : i32
    %c0_i32_0 = arith.constant 0 : i32
    %c0_i32_1 = arith.constant 0 : i32
    return %c0_i32, %c0_i32_0 : i32, i32
  }
  func.func @transform_6(%arg0: i32) -> (i32, i32) {
    %c0_i32 = arith.constant 0 : i32
    %c0_i32_0 = arith.constant 0 : i32
    %c0_i32_1 = arith.constant 0 : i32
    return %c0_i32, %c0_i32_0 : i32, i32
  }
  func.func @transform_7(%arg0: i32) -> (i32, i32) {
    %c0_i32 = arith.constant 0 : i32
    %c0_i32_0 = arith.constant 0 : i32
    %c0_i32_1 = arith.constant 0 : i32
    return %c0_i32, %c0_i32_0 : i32, i32
  }
  func.func @transform_8(%arg0: i32) -> (i32, i32) {
    %c0_i32 = arith.constant 0 : i32
    %c0_i32_0 = arith.constant 0 : i32
    %c0_i32_1 = arith.constant 0 : i32
    return %c0_i32, %c0_i32_0 : i32, i32
  }
  func.func @transform_9(%arg0: i32) -> (i32, i32) {
    %c0_i32 = arith.constant 0 : i32
    %c0_i32_0 = arith.constant 0 : i32
    %c0_i32_1 = arith.constant 0 : i32
    return %c0_i32, %c0_i32_0 : i32, i32
  }
  func.func @transform_10(%arg0: i32) -> (i32, i32) {
    %c0_i32 = arith.constant 0 : i32
    %c0_i32_0 = arith.constant 0 : i32
    %c0_i32_1 = arith.constant 0 : i32
    return %c0_i32, %c0_i32_0 : i32, i32
  }
  func.func @transform_11(%arg0: i32) -> (i32, i32) {
    %c0_i32 = arith.constant 0 : i32
    %c0_i32_0 = arith.constant 0 : i32
    %c0_i32_1 = arith.constant 0 : i32
    return %c0_i32, %c0_i32_0 : i32, i32
  }
  func.func @transform_12(%arg0: i32) -> (i32, i32) {
    %c0_i32 = arith.constant 0 : i32
    %c0_i32_0 = arith.constant 0 : i32
    %c0_i32_1 = arith.constant 0 : i32
    return %c0_i32, %c0_i32_0 : i32, i32
  }
  func.func @transform_13(%arg0: i32) -> (i32, i32) {
    %c0_i32 = arith.constant 0 : i32
    %c0_i32_0 = arith.constant 0 : i32
    %c0_i32_1 = arith.constant 0 : i32
    return %c0_i32, %c0_i32_0 : i32, i32
  }
  func.func @transform_14(%arg0: i32) -> (i32, i32) {
    %c0_i32 = arith.constant 0 : i32
    %c0_i32_0 = arith.constant 0 : i32
    %c0_i32_1 = arith.constant 0 : i32
    return %c0_i32, %c0_i32_0 : i32, i32
  }
  func.func @transform_15(%arg0: i32) -> (i32, i32) {
    %c0_i32 = arith.constant 0 : i32
    %c0_i32_0 = arith.constant 0 : i32
    %c0_i32_1 = arith.constant 0 : i32
    return %c0_i32, %c0_i32_0 : i32, i32
  }
  func.func @transform_16(%arg0: i32) -> (i32, i32) {
    %c0_i32 = arith.constant 0 : i32
    %c0_i32_0 = arith.constant 0 : i32
    %c0_i32_1 = arith.constant 0 : i32
    return %c0_i32, %c0_i32_0 : i32, i32
  }
  func.func @transform_17(%arg0: i32) -> (i32, i32) {
    %c0_i32 = arith.constant 0 : i32
    %c0_i32_0 = arith.constant 0 : i32
    %c0_i32_1 = arith.constant 0 : i32
    return %c0_i32, %c0_i32_0 : i32, i32
  }
  func.func @transform_18(%arg0: i32) -> (i32, i32) {
    %c0_i32 = arith.constant 0 : i32
    %c0_i32_0 = arith.constant 0 : i32
    %c0_i32_1 = arith.constant 0 : i32
    return %c0_i32, %c0_i32_0 : i32, i32
  }
  func.func @transform_19(%arg0: i32) -> (i32, i32) {
    %c0_i32 = arith.constant 0 : i32
    %c0_i32_0 = arith.constant 0 : i32
    return %arg0, %c0_i32 : i32, i32
  }
  func.func @transform_20(%arg0: i32) -> (i32, i32) {
    %c0_i32 = arith.constant 0 : i32
    %c0_i32_0 = arith.constant 0 : i32
    return %arg0, %c0_i32 : i32, i32
  }
  func.func @transform_21(%arg0: i32) -> (i32, i32) {
    %c0_i32 = arith.constant 0 : i32
    %c0_i32_0 = arith.constant 0 : i32
    return %arg0, %c0_i32 : i32, i32
  }
}

module attributes {stable_mosaic.version = 14 : i64} {
  func.func @_step_body(%arg0: i32, %arg1: memref<2x2000x64xf32, #tpu.memory_space<vmem>>, %arg2: memref<2x2000x16xf32, #tpu.memory_space<vmem>>, %arg3: memref<2000x64xf32, #tpu.memory_space<vmem>>, %arg4: memref<2000x64xf32, #tpu.memory_space<vmem>>, %arg5: memref<64x64xf32, #tpu.memory_space<vmem>>, %arg6: memref<1x64xf32, #tpu.memory_space<vmem>>, %arg7: memref<64x64xf32, #tpu.memory_space<vmem>>, %arg8: memref<1x64xf32, #tpu.memory_space<vmem>>, %arg9: memref<1x1xf32, #tpu.memory_space<vmem>>, %arg10: memref<1x64xf32, #tpu.memory_space<vmem>>, %arg11: memref<1x1xf32, #tpu.memory_space<vmem>>, %arg12: memref<192x64xf32, #tpu.memory_space<vmem>>, %arg13: memref<192x64xf32, #tpu.memory_space<vmem>>, %arg14: memref<1x192xf32, #tpu.memory_space<vmem>>, %arg15: memref<1x192xf32, #tpu.memory_space<vmem>>, %arg16: memref<192x64xf32, #tpu.memory_space<vmem>>, %arg17: memref<192x64xf32, #tpu.memory_space<vmem>>, %arg18: memref<1x192xf32, #tpu.memory_space<vmem>>, %arg19: memref<1x192xf32, #tpu.memory_space<vmem>>, %arg20: memref<2000x64xf32, #tpu.memory_space<vmem>>, %arg21: memref<2000x64xf32, #tpu.memory_space<vmem>>, %arg22: memref<2000x1xf32, #tpu.memory_space<vmem>>) attributes {dimension_semantics = [#tpu.dimension_semantics<arbitrary>], iteration_bounds = array<i64: 5>, scalar_prefetch = 0 : i64, scratch_operands = 0 : i64, tpu.core_type = #tpu.core_type<tc>, window_params = [{transform_indices = @transform_0, window_bounds = array<i64: 2, 2000, 64>}, {transform_indices = @transform_1, window_bounds = array<i64: 2, 2000, 16>}, {transform_indices = @transform_2, window_bounds = array<i64: 2000, 64>}, {transform_indices = @transform_3, window_bounds = array<i64: 2000, 64>}, {pipeline_mode = #tpu.pipeline_mode<synchronous>, transform_indices = @transform_4, window_bounds = array<i64: 64, 64>}, {pipeline_mode = #tpu.pipeline_mode<synchronous>, transform_indices = @transform_5, window_bounds = array<i64: 1, 64>}, {pipeline_mode = #tpu.pipeline_mode<synchronous>, transform_indices = @transform_6, window_bounds = array<i64: 64, 64>}, {pipeline_mode = #tpu.pipeline_mode<synchronous>, transform_indices = @transform_7, window_bounds = array<i64: 1, 64>}, {pipeline_mode = #tpu.pipeline_mode<synchronous>, transform_indices = @transform_8, window_bounds = array<i64: 1, 1>}, {pipeline_mode = #tpu.pipeline_mode<synchronous>, transform_indices = @transform_9, window_bounds = array<i64: 1, 64>}, {pipeline_mode = #tpu.pipeline_mode<synchronous>, transform_indices = @transform_10, window_bounds = array<i64: 1, 1>}, {pipeline_mode = #tpu.pipeline_mode<synchronous>, transform_indices = @transform_11, window_bounds = array<i64: 192, 64>}, {pipeline_mode = #tpu.pipeline_mode<synchronous>, transform_indices = @transform_12, window_bounds = array<i64: 192, 64>}, {pipeline_mode = #tpu.pipeline_mode<synchronous>, transform_indices = @transform_13, window_bounds = array<i64: 1, 192>}, {pipeline_mode = #tpu.pipeline_mode<synchronous>, transform_indices = @transform_14, window_bounds = array<i64: 1, 192>}, {pipeline_mode = #tpu.pipeline_mode<synchronous>, transform_indices = @transform_15, window_bounds = array<i64: 192, 64>}, {pipeline_mode = #tpu.pipeline_mode<synchronous>, transform_indices = @transform_16, window_bounds = array<i64: 192, 64>}, {pipeline_mode = #tpu.pipeline_mode<synchronous>, transform_indices = @transform_17, window_bounds = array<i64: 1, 192>}, {pipeline_mode = #tpu.pipeline_mode<synchronous>, transform_indices = @transform_18, window_bounds = array<i64: 1, 192>}, {transform_indices = @transform_19, window_bounds = array<i64: 2000, 64>}, {transform_indices = @transform_20, window_bounds = array<i64: 2000, 64>}, {transform_indices = @transform_21, window_bounds = array<i64: 2000, 1>}]} {
    %get3A = arith.constant 0 : index
    %get3A_0 = arith.constant 0 : index
    %get3A_1 = arith.constant 0 : index
    %get3A_2 = vector.load %arg1[%get3A, %get3A_0, %get3A_1] : memref<2x2000x64xf32, #tpu.memory_space<vmem>>, vector<2x2000x64xf32>
    %get3A_3 = arith.constant 0 : index
    %get3A_4 = arith.constant 0 : index
    %get3A_5 = arith.constant 0 : index
    %get3A_6 = vector.load %arg2[%get3A_3, %get3A_4, %get3A_5] : memref<2x2000x16xf32, #tpu.memory_space<vmem>>, vector<2x2000x16xf32>
    %slice3A = vector.extract_strided_slice %get3A_6 {offsets = [0, 0, 0], sizes = [1, 2000, 1], strides = [1, 1, 1]} : vector<2x2000x16xf32> to vector<1x2000x1xf32>
    %squeeze3A = vector.shape_cast %slice3A : vector<1x2000x1xf32> to vector<2000x1xf32>
    %slice3A_7 = vector.extract_strided_slice %get3A_6 {offsets = [1, 0, 0], sizes = [1, 2000, 1], strides = [1, 1, 1]} : vector<2x2000x16xf32> to vector<1x2000x1xf32>
    %squeeze3A_8 = vector.shape_cast %slice3A_7 : vector<1x2000x1xf32> to vector<2000x1xf32>
    %add3A = arith.addf %squeeze3A, %squeeze3A_8 : vector<2000x1xf32>
    %max3A = arith.constant 1.000000e+00 : f32
    %max3A_9 = vector.broadcast %max3A : f32 to vector<2000x1xf32>
    %max3A_10 = arith.maximumf %add3A, %max3A_9 : vector<2000x1xf32>
    %slice3A_11 = vector.extract_strided_slice %get3A_2 {offsets = [0, 0, 0], sizes = [1, 2000, 64], strides = [1, 1, 1]} : vector<2x2000x64xf32> to vector<1x2000x64xf32>
    %squeeze3A_12 = vector.shape_cast %slice3A_11 : vector<1x2000x64xf32> to vector<2000x64xf32>
    %slice3A_13 = vector.extract_strided_slice %get3A_2 {offsets = [1, 0, 0], sizes = [1, 2000, 64], strides = [1, 1, 1]} : vector<2x2000x64xf32> to vector<1x2000x64xf32>
    %squeeze3A_14 = vector.shape_cast %slice3A_13 : vector<1x2000x64xf32> to vector<2000x64xf32>
    %add3A_15 = arith.addf %squeeze3A_12, %squeeze3A_14 : vector<2000x64xf32>
    %div3A = vector.broadcast %max3A_10 : vector<2000x1xf32> to vector<2000x64xf32>
    %div3A_16 = arith.divf %add3A_15, %div3A : vector<2000x64xf32>
    %get3A_17 = arith.constant 0 : index
    %get3A_18 = arith.constant 0 : index
    %get3A_19 = vector.load %arg3[%get3A_17, %get3A_18] : memref<2000x64xf32, #tpu.memory_space<vmem>>, vector<2000x64xf32>
    %get3A_20 = arith.constant 0 : index
    %get3A_21 = arith.constant 0 : index
    %get3A_22 = vector.load %arg4[%get3A_20, %get3A_21] : memref<2000x64xf32, #tpu.memory_space<vmem>>, vector<2000x64xf32>
    %get3A_23 = arith.constant 0 : index
    %get3A_24 = arith.constant 0 : index
    %get3A_25 = vector.load %arg5[%get3A_23, %get3A_24] : memref<64x64xf32, #tpu.memory_space<vmem>>, vector<64x64xf32>
    %dot_general3A = arith.constant dense<0.000000e+00> : vector<2000x64xf32>
    %dot_general3A_26 = tpu.matmul %div3A_16, %get3A_25, %dot_general3A {dimension_numbers = #tpu.dot_dimension_numbers<[1], [1], [0], [0], [0, 0, 1, 0], [], []>, transpose_lhs_hint = false} : vector<2000x64xf32>, vector<64x64xf32>, vector<2000x64xf32> -> vector<2000x64xf32>
    %get3A_27 = arith.constant 0 : index
    %get3A_28 = arith.constant 0 : index
    %get3A_29 = vector.load %arg6[%get3A_27, %get3A_28] : memref<1x64xf32, #tpu.memory_space<vmem>>, vector<1x64xf32>
    %add3A_30 = vector.broadcast %get3A_29 : vector<1x64xf32> to vector<2000x64xf32>
    %add3A_31 = arith.addf %dot_general3A_26, %add3A_30 : vector<2000x64xf32>
    %get3A_32 = arith.constant 0 : index
    %get3A_33 = arith.constant 0 : index
    %get3A_34 = vector.load %arg7[%get3A_32, %get3A_33] : memref<64x64xf32, #tpu.memory_space<vmem>>, vector<64x64xf32>
    %dot_general3A_35 = arith.constant dense<0.000000e+00> : vector<2000x64xf32>
    %dot_general3A_36 = tpu.matmul %get3A_19, %get3A_34, %dot_general3A_35 {dimension_numbers = #tpu.dot_dimension_numbers<[1], [1], [0], [0], [0, 0, 1, 0], [], []>, transpose_lhs_hint = false} : vector<2000x64xf32>, vector<64x64xf32>, vector<2000x64xf32> -> vector<2000x64xf32>
    %add3A_37 = arith.addf %add3A_31, %dot_general3A_36 : vector<2000x64xf32>
    %max3A_38 = arith.constant 0.000000e+00 : f32
    %max3A_39 = vector.broadcast %max3A_38 : f32 to vector<2000x64xf32>
    %max3A_40 = arith.maximumf %add3A_37, %max3A_39 : vector<2000x64xf32>
    %get3A_41 = arith.constant 0 : index
    %get3A_42 = arith.constant 0 : index
    %get3A_43 = vector.load %arg8[%get3A_41, %get3A_42] : memref<1x64xf32, #tpu.memory_space<vmem>>, vector<1x64xf32>
    %mul3A = vector.broadcast %get3A_43 : vector<1x64xf32> to vector<2000x64xf32>
    %mul3A_44 = arith.mulf %get3A_19, %mul3A : vector<2000x64xf32>
    %reduce_sum3A = arith.constant dense<0.000000e+00> : vector<2000xf32>
    %reduce_sum3A_45 = vector.multi_reduction <add>, %mul3A_44, %reduce_sum3A [1] : vector<2000x64xf32> to vector<2000xf32>
    %broadcast_in_dim3A = vector.shape_cast %reduce_sum3A_45 : vector<2000xf32> to vector<2000x1xf32>
    %get3A_46 = arith.constant 0 : index
    %get3A_47 = arith.constant 0 : index
    %get3A_48 = vector.load %arg9[%get3A_46, %get3A_47] : memref<1x1xf32, #tpu.memory_space<vmem>>, vector<1x1xf32>
    %get3A_49 = vector.extract %get3A_48[0, 0] : f32 from vector<1x1xf32>
    %add3A_50 = vector.broadcast %get3A_49 : f32 to vector<2000x1xf32>
    %add3A_51 = arith.addf %broadcast_in_dim3A, %add3A_50 : vector<2000x1xf32>
    %logistic3A = arith.negf %add3A_51 : vector<2000x1xf32>
    %logistic3A_52 = math.exp %logistic3A : vector<2000x1xf32>
    %logistic3A_53 = arith.constant 1.000000e+00 : f32
    %logistic3A_54 = vector.broadcast %logistic3A_53 : f32 to vector<2000x1xf32>
    %logistic3A_55 = arith.addf %logistic3A_54, %logistic3A_52 : vector<2000x1xf32>
    %logistic3A_56 = arith.divf %logistic3A_54, %logistic3A_55 : vector<2000x1xf32>
    %mul3A_57 = vector.broadcast %logistic3A_56 : vector<2000x1xf32> to vector<2000x64xf32>
    %mul3A_58 = arith.mulf %mul3A_57, %max3A_40 : vector<2000x64xf32>
    %get3A_59 = arith.constant 0 : index
    %get3A_60 = arith.constant 0 : index
    %get3A_61 = vector.load %arg12[%get3A_59, %get3A_60] : memref<192x64xf32, #tpu.memory_space<vmem>>, vector<192x64xf32>
    %dot_general3A_62 = arith.constant dense<0.000000e+00> : vector<2000x192xf32>
    %dot_general3A_63 = tpu.matmul %mul3A_58, %get3A_61, %dot_general3A_62 {dimension_numbers = #tpu.dot_dimension_numbers<[1], [1], [0], [0], [0, 0, 1, 0], [], []>, transpose_lhs_hint = false} : vector<2000x64xf32>, vector<192x64xf32>, vector<2000x192xf32> -> vector<2000x192xf32>
    %get3A_64 = arith.constant 0 : index
    %get3A_65 = arith.constant 0 : index
    %get3A_66 = vector.load %arg14[%get3A_64, %get3A_65] : memref<1x192xf32, #tpu.memory_space<vmem>>, vector<1x192xf32>
    %add3A_67 = vector.broadcast %get3A_66 : vector<1x192xf32> to vector<2000x192xf32>
    %add3A_68 = arith.addf %dot_general3A_63, %add3A_67 : vector<2000x192xf32>
    %get3A_69 = arith.constant 0 : index
    %get3A_70 = arith.constant 0 : index
    %get3A_71 = vector.load %arg13[%get3A_69, %get3A_70] : memref<192x64xf32, #tpu.memory_space<vmem>>, vector<192x64xf32>
    %dot_general3A_72 = arith.constant dense<0.000000e+00> : vector<2000x192xf32>
    %dot_general3A_73 = tpu.matmul %get3A_19, %get3A_71, %dot_general3A_72 {dimension_numbers = #tpu.dot_dimension_numbers<[1], [1], [0], [0], [0, 0, 1, 0], [], []>, transpose_lhs_hint = false} : vector<2000x64xf32>, vector<192x64xf32>, vector<2000x192xf32> -> vector<2000x192xf32>
    %get3A_74 = arith.constant 0 : index
    %get3A_75 = arith.constant 0 : index
    %get3A_76 = vector.load %arg15[%get3A_74, %get3A_75] : memref<1x192xf32, #tpu.memory_space<vmem>>, vector<1x192xf32>
    %add3A_77 = vector.broadcast %get3A_76 : vector<1x192xf32> to vector<2000x192xf32>
    %add3A_78 = arith.addf %dot_general3A_73, %add3A_77 : vector<2000x192xf32>
    %slice3A_79 = vector.extract_strided_slice %add3A_68 {offsets = [0, 0], sizes = [2000, 64], strides = [1, 1]} : vector<2000x192xf32> to vector<2000x64xf32>
    %slice3A_80 = vector.extract_strided_slice %add3A_78 {offsets = [0, 0], sizes = [2000, 64], strides = [1, 1]} : vector<2000x192xf32> to vector<2000x64xf32>
    %add3A_81 = arith.addf %slice3A_79, %slice3A_80 : vector<2000x64xf32>
    %logistic3A_82 = arith.negf %add3A_81 : vector<2000x64xf32>
    %logistic3A_83 = math.exp %logistic3A_82 : vector<2000x64xf32>
    %logistic3A_84 = arith.constant 1.000000e+00 : f32
    %logistic3A_85 = vector.broadcast %logistic3A_84 : f32 to vector<2000x64xf32>
    %logistic3A_86 = arith.addf %logistic3A_85, %logistic3A_83 : vector<2000x64xf32>
    %logistic3A_87 = arith.divf %logistic3A_85, %logistic3A_86 : vector<2000x64xf32>
    %slice3A_88 = vector.extract_strided_slice %add3A_68 {offsets = [0, 64], sizes = [2000, 64], strides = [1, 1]} : vector<2000x192xf32> to vector<2000x64xf32>
    %slice3A_89 = vector.extract_strided_slice %add3A_78 {offsets = [0, 64], sizes = [2000, 64], strides = [1, 1]} : vector<2000x192xf32> to vector<2000x64xf32>
    %add3A_90 = arith.addf %slice3A_88, %slice3A_89 : vector<2000x64xf32>
    %logistic3A_91 = arith.negf %add3A_90 : vector<2000x64xf32>
    %logistic3A_92 = math.exp %logistic3A_91 : vector<2000x64xf32>
    %logistic3A_93 = arith.constant 1.000000e+00 : f32
    %logistic3A_94 = vector.broadcast %logistic3A_93 : f32 to vector<2000x64xf32>
    %logistic3A_95 = arith.addf %logistic3A_94, %logistic3A_92 : vector<2000x64xf32>
    %logistic3A_96 = arith.divf %logistic3A_94, %logistic3A_95 : vector<2000x64xf32>
    %slice3A_97 = vector.extract_strided_slice %add3A_68 {offsets = [0, 128], sizes = [2000, 64], strides = [1, 1]} : vector<2000x192xf32> to vector<2000x64xf32>
    %slice3A_98 = vector.extract_strided_slice %add3A_78 {offsets = [0, 128], sizes = [2000, 64], strides = [1, 1]} : vector<2000x192xf32> to vector<2000x64xf32>
    %mul3A_99 = arith.mulf %logistic3A_87, %slice3A_98 : vector<2000x64xf32>
    %add3A_100 = arith.addf %slice3A_97, %mul3A_99 : vector<2000x64xf32>
    %tanh3A = math.tanh %add3A_100 : vector<2000x64xf32>
    %sub3A = arith.constant 1.000000e+00 : f32
    %sub3A_101 = vector.broadcast %sub3A : f32 to vector<2000x64xf32>
    %sub3A_102 = arith.subf %sub3A_101, %logistic3A_96 : vector<2000x64xf32>
    %mul3A_103 = arith.mulf %sub3A_102, %tanh3A : vector<2000x64xf32>
    %mul3A_104 = arith.mulf %logistic3A_96, %get3A_19 : vector<2000x64xf32>
    %add3A_105 = arith.addf %mul3A_103, %mul3A_104 : vector<2000x64xf32>
    %swap3A = arith.constant 0 : index
    %swap3A_106 = arith.constant 0 : index
    %swap3A_107 = vector.load %arg20[%swap3A, %swap3A_106] : memref<2000x64xf32, #tpu.memory_space<vmem>>, vector<2000x64xf32>
    tpu.vector_store %arg20[%swap3A, %swap3A_106], %add3A_105 {strides = array<i32>} : memref<2000x64xf32, #tpu.memory_space<vmem>>, vector<2000x64xf32>,
    %get3A_108 = arith.constant 0 : index
    %get3A_109 = arith.constant 0 : index
    %get3A_110 = vector.load %arg10[%get3A_108, %get3A_109] : memref<1x64xf32, #tpu.memory_space<vmem>>, vector<1x64xf32>
    %mul3A_111 = vector.broadcast %get3A_110 : vector<1x64xf32> to vector<2000x64xf32>
    %mul3A_112 = arith.mulf %get3A_22, %mul3A_111 : vector<2000x64xf32>
    %reduce_sum3A_113 = arith.constant dense<0.000000e+00> : vector<2000xf32>
    %reduce_sum3A_114 = vector.multi_reduction <add>, %mul3A_112, %reduce_sum3A_113 [1] : vector<2000x64xf32> to vector<2000xf32>
    %broadcast_in_dim3A_115 = vector.shape_cast %reduce_sum3A_114 : vector<2000xf32> to vector<2000x1xf32>
    %get3A_116 = arith.constant 0 : index
    %get3A_117 = arith.constant 0 : index
    %get3A_118 = vector.load %arg11[%get3A_116, %get3A_117] : memref<1x1xf32, #tpu.memory_space<vmem>>, vector<1x1xf32>
    %get3A_119 = vector.extract %get3A_118[0, 0] : f32 from vector<1x1xf32>
    %add3A_120 = vector.broadcast %get3A_119 : f32 to vector<2000x1xf32>
    %add3A_121 = arith.addf %broadcast_in_dim3A_115, %add3A_120 : vector<2000x1xf32>
    %logistic3A_122 = arith.negf %add3A_121 : vector<2000x1xf32>
    %logistic3A_123 = math.exp %logistic3A_122 : vector<2000x1xf32>
    %logistic3A_124 = arith.constant 1.000000e+00 : f32
    %logistic3A_125 = vector.broadcast %logistic3A_124 : f32 to vector<2000x1xf32>
    %logistic3A_126 = arith.addf %logistic3A_125, %logistic3A_123 : vector<2000x1xf32>
    %logistic3A_127 = arith.divf %logistic3A_125, %logistic3A_126 : vector<2000x1xf32>
    %mul3A_128 = vector.broadcast %logistic3A_127 : vector<2000x1xf32> to vector<2000x64xf32>
    %mul3A_129 = arith.mulf %mul3A_128, %max3A_40 : vector<2000x64xf32>
    %get3A_130 = arith.constant 0 : index
    %get3A_131 = arith.constant 0 : index
    %get3A_132 = vector.load %arg16[%get3A_130, %get3A_131] : memref<192x64xf32, #tpu.memory_space<vmem>>, vector<192x64xf32>
    %dot_general3A_133 = arith.constant dense<0.000000e+00> : vector<2000x192xf32>
    %dot_general3A_134 = tpu.matmul %mul3A_129, %get3A_132, %dot_general3A_133 {dimension_numbers = #tpu.dot_dimension_numbers<[1], [1], [0], [0], [0, 0, 1, 0], [], []>, transpose_lhs_hint = false} : vector<2000x64xf32>, vector<192x64xf32>, vector<2000x192xf32> -> vector<2000x192xf32>
    %get3A_135 = arith.constant 0 : index
    %get3A_136 = arith.constant 0 : index
    %get3A_137 = vector.load %arg18[%get3A_135, %get3A_136] : memref<1x192xf32, #tpu.memory_space<vmem>>, vector<1x192xf32>
    %add3A_138 = vector.broadcast %get3A_137 : vector<1x192xf32> to vector<2000x192xf32>
    %add3A_139 = arith.addf %dot_general3A_134, %add3A_138 : vector<2000x192xf32>
    %get3A_140 = arith.constant 0 : index
    %get3A_141 = arith.constant 0 : index
    %get3A_142 = vector.load %arg17[%get3A_140, %get3A_141] : memref<192x64xf32, #tpu.memory_space<vmem>>, vector<192x64xf32>
    %dot_general3A_143 = arith.constant dense<0.000000e+00> : vector<2000x192xf32>
    %dot_general3A_144 = tpu.matmul %get3A_22, %get3A_142, %dot_general3A_143 {dimension_numbers = #tpu.dot_dimension_numbers<[1], [1], [0], [0], [0, 0, 1, 0], [], []>, transpose_lhs_hint = false} : vector<2000x64xf32>, vector<192x64xf32>, vector<2000x192xf32> -> vector<2000x192xf32>
    %get3A_145 = arith.constant 0 : index
    %get3A_146 = arith.constant 0 : index
    %get3A_147 = vector.load %arg19[%get3A_145, %get3A_146] : memref<1x192xf32, #tpu.memory_space<vmem>>, vector<1x192xf32>
    %add3A_148 = vector.broadcast %get3A_147 : vector<1x192xf32> to vector<2000x192xf32>
    %add3A_149 = arith.addf %dot_general3A_144, %add3A_148 : vector<2000x192xf32>
    %slice3A_150 = vector.extract_strided_slice %add3A_139 {offsets = [0, 0], sizes = [2000, 64], strides = [1, 1]} : vector<2000x192xf32> to vector<2000x64xf32>
    %slice3A_151 = vector.extract_strided_slice %add3A_149 {offsets = [0, 0], sizes = [2000, 64], strides = [1, 1]} : vector<2000x192xf32> to vector<2000x64xf32>
    %add3A_152 = arith.addf %slice3A_150, %slice3A_151 : vector<2000x64xf32>
    %logistic3A_153 = arith.negf %add3A_152 : vector<2000x64xf32>
    %logistic3A_154 = math.exp %logistic3A_153 : vector<2000x64xf32>
    %logistic3A_155 = arith.constant 1.000000e+00 : f32
    %logistic3A_156 = vector.broadcast %logistic3A_155 : f32 to vector<2000x64xf32>
    %logistic3A_157 = arith.addf %logistic3A_156, %logistic3A_154 : vector<2000x64xf32>
    %logistic3A_158 = arith.divf %logistic3A_156, %logistic3A_157 : vector<2000x64xf32>
    %slice3A_159 = vector.extract_strided_slice %add3A_139 {offsets = [0, 64], sizes = [2000, 64], strides = [1, 1]} : vector<2000x192xf32> to vector<2000x64xf32>
    %slice3A_160 = vector.extract_strided_slice %add3A_149 {offsets = [0, 64], sizes = [2000, 64], strides = [1, 1]} : vector<2000x192xf32> to vector<2000x64xf32>
    %add3A_161 = arith.addf %slice3A_159, %slice3A_160 : vector<2000x64xf32>
    %logistic3A_162 = arith.negf %add3A_161 : vector<2000x64xf32>
    %logistic3A_163 = math.exp %logistic3A_162 : vector<2000x64xf32>
    %logistic3A_164 = arith.constant 1.000000e+00 : f32
    %logistic3A_165 = vector.broadcast %logistic3A_164 : f32 to vector<2000x64xf32>
    %logistic3A_166 = arith.addf %logistic3A_165, %logistic3A_163 : vector<2000x64xf32>
    %logistic3A_167 = arith.divf %logistic3A_165, %logistic3A_166 : vector<2000x64xf32>
    %slice3A_168 = vector.extract_strided_slice %add3A_139 {offsets = [0, 128], sizes = [2000, 64], strides = [1, 1]} : vector<2000x192xf32> to vector<2000x64xf32>
    %slice3A_169 = vector.extract_strided_slice %add3A_149 {offsets = [0, 128], sizes = [2000, 64], strides = [1, 1]} : vector<2000x192xf32> to vector<2000x64xf32>
    %mul3A_170 = arith.mulf %logistic3A_158, %slice3A_169 : vector<2000x64xf32>
    %add3A_171 = arith.addf %slice3A_168, %mul3A_170 : vector<2000x64xf32>
    %tanh3A_172 = math.tanh %add3A_171 : vector<2000x64xf32>
    %sub3A_173 = arith.constant 1.000000e+00 : f32
    %sub3A_174 = vector.broadcast %sub3A_173 : f32 to vector<2000x64xf32>
    %sub3A_175 = arith.subf %sub3A_174, %logistic3A_167 : vector<2000x64xf32>
    %mul3A_176 = arith.mulf %sub3A_175, %tanh3A_172 : vector<2000x64xf32>
    %mul3A_177 = arith.mulf %logistic3A_167, %get3A_22 : vector<2000x64xf32>
    %add3A_178 = arith.addf %mul3A_176, %mul3A_177 : vector<2000x64xf32>
    %swap3A_179 = arith.constant 0 : index
    %swap3A_180 = arith.constant 0 : index
    %swap3A_181 = vector.load %arg21[%swap3A_179, %swap3A_180] : memref<2000x64xf32, #tpu.memory_space<vmem>>, vector<2000x64xf32>
    tpu.vector_store %arg21[%swap3A_179, %swap3A_180], %add3A_178 {strides = array<i32>} : memref<2000x64xf32, #tpu.memory_space<vmem>>, vector<2000x64xf32>,
    %swap3A_182 = arith.constant 0 : index
    %swap3A_183 = arith.constant 0 : index
    %swap3A_184 = vector.load %arg22[%swap3A_182, %swap3A_183] : memref<2000x1xf32, #tpu.memory_space<vmem>>, vector<2000x1xf32>
    tpu.vector_store %arg22[%swap3A_182, %swap3A_183], %logistic3A_127 {strides = array<i32>} : memref<2000x1xf32, #tpu.memory_space<vmem>>, vector<2000x1xf32>,
    return
  }
  func.func @transform_0(%arg0: i32) -> (i32, i32, i32) {
    %c0_i32 = arith.constant 0 : i32
    %c0_i32_0 = arith.constant 0 : i32
    %c0_i32_1 = arith.constant 0 : i32
    return %c0_i32, %arg0, %c0_i32_0 : i32, i32, i32
  }
  func.func @transform_1(%arg0: i32) -> (i32, i32, i32) {
    %c0_i32 = arith.constant 0 : i32
    %c0_i32_0 = arith.constant 0 : i32
    %c0_i32_1 = arith.constant 0 : i32
    return %c0_i32, %arg0, %c0_i32_0 : i32, i32, i32
  }
  func.func @transform_2(%arg0: i32) -> (i32, i32) {
    %c0_i32 = arith.constant 0 : i32
    %c0_i32_0 = arith.constant 0 : i32
    return %arg0, %c0_i32 : i32, i32
  }
  func.func @transform_3(%arg0: i32) -> (i32, i32) {
    %c0_i32 = arith.constant 0 : i32
    %c0_i32_0 = arith.constant 0 : i32
    return %arg0, %c0_i32 : i32, i32
  }
  func.func @transform_4(%arg0: i32) -> (i32, i32) {
    %c0_i32 = arith.constant 0 : i32
    %c0_i32_0 = arith.constant 0 : i32
    %c0_i32_1 = arith.constant 0 : i32
    return %c0_i32, %c0_i32_0 : i32, i32
  }
  func.func @transform_5(%arg0: i32) -> (i32, i32) {
    %c0_i32 = arith.constant 0 : i32
    %c0_i32_0 = arith.constant 0 : i32
    %c0_i32_1 = arith.constant 0 : i32
    return %c0_i32, %c0_i32_0 : i32, i32
  }
  func.func @transform_6(%arg0: i32) -> (i32, i32) {
    %c0_i32 = arith.constant 0 : i32
    %c0_i32_0 = arith.constant 0 : i32
    %c0_i32_1 = arith.constant 0 : i32
    return %c0_i32, %c0_i32_0 : i32, i32
  }
  func.func @transform_7(%arg0: i32) -> (i32, i32) {
    %c0_i32 = arith.constant 0 : i32
    %c0_i32_0 = arith.constant 0 : i32
    %c0_i32_1 = arith.constant 0 : i32
    return %c0_i32, %c0_i32_0 : i32, i32
  }
  func.func @transform_8(%arg0: i32) -> (i32, i32) {
    %c0_i32 = arith.constant 0 : i32
    %c0_i32_0 = arith.constant 0 : i32
    %c0_i32_1 = arith.constant 0 : i32
    return %c0_i32, %c0_i32_0 : i32, i32
  }
  func.func @transform_9(%arg0: i32) -> (i32, i32) {
    %c0_i32 = arith.constant 0 : i32
    %c0_i32_0 = arith.constant 0 : i32
    %c0_i32_1 = arith.constant 0 : i32
    return %c0_i32, %c0_i32_0 : i32, i32
  }
  func.func @transform_10(%arg0: i32) -> (i32, i32) {
    %c0_i32 = arith.constant 0 : i32
    %c0_i32_0 = arith.constant 0 : i32
    %c0_i32_1 = arith.constant 0 : i32
    return %c0_i32, %c0_i32_0 : i32, i32
  }
  func.func @transform_11(%arg0: i32) -> (i32, i32) {
    %c0_i32 = arith.constant 0 : i32
    %c0_i32_0 = arith.constant 0 : i32
    %c0_i32_1 = arith.constant 0 : i32
    return %c0_i32, %c0_i32_0 : i32, i32
  }
  func.func @transform_12(%arg0: i32) -> (i32, i32) {
    %c0_i32 = arith.constant 0 : i32
    %c0_i32_0 = arith.constant 0 : i32
    %c0_i32_1 = arith.constant 0 : i32
    return %c0_i32, %c0_i32_0 : i32, i32
  }
  func.func @transform_13(%arg0: i32) -> (i32, i32) {
    %c0_i32 = arith.constant 0 : i32
    %c0_i32_0 = arith.constant 0 : i32
    %c0_i32_1 = arith.constant 0 : i32
    return %c0_i32, %c0_i32_0 : i32, i32
  }
  func.func @transform_14(%arg0: i32) -> (i32, i32) {
    %c0_i32 = arith.constant 0 : i32
    %c0_i32_0 = arith.constant 0 : i32
    %c0_i32_1 = arith.constant 0 : i32
    return %c0_i32, %c0_i32_0 : i32, i32
  }
  func.func @transform_15(%arg0: i32) -> (i32, i32) {
    %c0_i32 = arith.constant 0 : i32
    %c0_i32_0 = arith.constant 0 : i32
    %c0_i32_1 = arith.constant 0 : i32
    return %c0_i32, %c0_i32_0 : i32, i32
  }
  func.func @transform_16(%arg0: i32) -> (i32, i32) {
    %c0_i32 = arith.constant 0 : i32
    %c0_i32_0 = arith.constant 0 : i32
    %c0_i32_1 = arith.constant 0 : i32
    return %c0_i32, %c0_i32_0 : i32, i32
  }
  func.func @transform_17(%arg0: i32) -> (i32, i32) {
    %c0_i32 = arith.constant 0 : i32
    %c0_i32_0 = arith.constant 0 : i32
    %c0_i32_1 = arith.constant 0 : i32
    return %c0_i32, %c0_i32_0 : i32, i32
  }
  func.func @transform_18(%arg0: i32) -> (i32, i32) {
    %c0_i32 = arith.constant 0 : i32
    %c0_i32_0 = arith.constant 0 : i32
    %c0_i32_1 = arith.constant 0 : i32
    return %c0_i32, %c0_i32_0 : i32, i32
  }
  func.func @transform_19(%arg0: i32) -> (i32, i32) {
    %c0_i32 = arith.constant 0 : i32
    %c0_i32_0 = arith.constant 0 : i32
    return %arg0, %c0_i32 : i32, i32
  }
  func.func @transform_20(%arg0: i32) -> (i32, i32) {
    %c0_i32 = arith.constant 0 : i32
    %c0_i32_0 = arith.constant 0 : i32
    return %arg0, %c0_i32 : i32, i32
  }
  func.func @transform_21(%arg0: i32) -> (i32, i32) {
    %c0_i32 = arith.constant 0 : i32
    %c0_i32_0 = arith.constant 0 : i32
    return %arg0, %c0_i32 : i32, i32
  }
}

module attributes {stable_mosaic.version = 14 : i64} {
  func.func @_s2s_body(%arg0: memref<10000x64xf32, #tpu.memory_space<vmem>>, %arg1: memref<10000x64xf32, #tpu.memory_space<vmem>>, %arg2: memref<10000x64xf32, #tpu.memory_space<vmem>>, %arg3: memref<10000x1xi32, #tpu.memory_space<vmem>>, %arg4: memref<768x384xf32, #tpu.memory_space<vmem>>, %arg5: memref<768x192xf32, #tpu.memory_space<vmem>>, %arg6: memref<1x768xf32, #tpu.memory_space<vmem>>, %arg7: memref<1x768xf32, #tpu.memory_space<vmem>>, %arg8: memref<1024x384xf32, #tpu.memory_space<vmem>>, %arg9: memref<1x1024xf32, #tpu.memory_space<vmem>>, %arg10: memref<1x1xf32, #tpu.memory_space<vmem>>, %arg11: memref<256x1024xf32, #tpu.memory_space<vmem>>, %arg12: memref<10000x192xf32, #tpu.memory_space<vmem>>, %arg13: memref<10000x1xf32, #tpu.memory_space<vmem>>) attributes {dimension_semantics = [], scalar_prefetch = 0 : i64, scratch_operands = 2 : i64, tpu.core_type = #tpu.core_type<tc>} {
    %get3A = arith.constant 0 : index
    %get3A_0 = arith.constant 0 : index
    %get3A_1 = vector.load %arg0[%get3A, %get3A_0] : memref<10000x64xf32, #tpu.memory_space<vmem>>, vector<10000x64xf32>
    %swap3A = arith.constant 0 : index
    %swap3A_2 = arith.constant 0 : index
    %swap3A_3 = vector.load %arg12[%swap3A, %swap3A_2] : memref<10000x192xf32, #tpu.memory_space<vmem>>, vector<10000x64xf32>
    tpu.vector_store %arg12[%swap3A, %swap3A_2], %get3A_1 {strides = array<i32>} : memref<10000x192xf32, #tpu.memory_space<vmem>>, vector<10000x64xf32>,
    %get3A_4 = arith.constant 0 : index
    %get3A_5 = arith.constant 0 : index
    %get3A_6 = vector.load %arg1[%get3A_4, %get3A_5] : memref<10000x64xf32, #tpu.memory_space<vmem>>, vector<10000x64xf32>
    %swap3A_7 = arith.constant 0 : index
    %swap3A_8 = arith.constant 64 : index
    %swap3A_9 = vector.load %arg12[%swap3A_7, %swap3A_8] : memref<10000x192xf32, #tpu.memory_space<vmem>>, vector<10000x64xf32>
    tpu.vector_store %arg12[%swap3A_7, %swap3A_8], %get3A_6 {strides = array<i32>} : memref<10000x192xf32, #tpu.memory_space<vmem>>, vector<10000x64xf32>,
    %get3A_10 = arith.constant 0 : index
    %get3A_11 = arith.constant 0 : index
    %get3A_12 = vector.load %arg2[%get3A_10, %get3A_11] : memref<10000x64xf32, #tpu.memory_space<vmem>>, vector<10000x64xf32>
    %swap3A_13 = arith.constant 0 : index
    %swap3A_14 = arith.constant 128 : index
    %swap3A_15 = vector.load %arg12[%swap3A_13, %swap3A_14] : memref<10000x192xf32, #tpu.memory_space<vmem>>, vector<10000x64xf32>
    tpu.vector_store %arg12[%swap3A_13, %swap3A_14], %get3A_12 {strides = array<i32>} : memref<10000x192xf32, #tpu.memory_space<vmem>>, vector<10000x64xf32>,
    %get3A_16 = arith.constant 0 : index
    %get3A_17 = arith.constant 0 : index
    %get3A_18 = vector.load %arg4[%get3A_16, %get3A_17] : memref<768x384xf32, #tpu.memory_space<vmem>>, vector<768x384xf32>
    %get3A_19 = arith.constant 0 : index
    %get3A_20 = arith.constant 0 : index
    %get3A_21 = vector.load %arg5[%get3A_19, %get3A_20] : memref<768x192xf32, #tpu.memory_space<vmem>>, vector<768x192xf32>
    %get3A_22 = arith.constant 0 : index
    %get3A_23 = arith.constant 0 : index
    %get3A_24 = vector.load %arg6[%get3A_22, %get3A_23] : memref<1x768xf32, #tpu.memory_space<vmem>>, vector<1x768xf32>
    %get3A_25 = arith.constant 0 : index
    %get3A_26 = arith.constant 0 : index
    %get3A_27 = vector.load %arg7[%get3A_25, %get3A_26] : memref<1x768xf32, #tpu.memory_space<vmem>>, vector<1x768xf32>
    %broadcast_in_dim3A = arith.constant 0.000000e+00 : f32
    %broadcast_in_dim3A_28 = vector.broadcast %broadcast_in_dim3A : f32 to vector<256x192xf32>
    %broadcast_in_dim3A_29 = arith.constant 0.000000e+00 : f32
    %broadcast_in_dim3A_30 = vector.broadcast %broadcast_in_dim3A_29 : f32 to vector<256x192xf32>
    %broadcast_in_dim3A_31 = arith.constant 0.000000e+00 : f32
    %broadcast_in_dim3A_32 = vector.broadcast %broadcast_in_dim3A_31 : f32 to vector<256x384xf32>
    %dot_general3A = arith.constant dense<0.000000e+00> : vector<256x768xf32>
    %dot_general3A_33 = tpu.matmul %broadcast_in_dim3A_32, %get3A_18, %dot_general3A {dimension_numbers = #tpu.dot_dimension_numbers<[1], [1], [0], [0], [0, 0, 1, 0], [], []>, transpose_lhs_hint = false} : vector<256x384xf32>, vector<768x384xf32>, vector<256x768xf32> -> vector<256x768xf32>
    %add3A = vector.broadcast %get3A_24 : vector<1x768xf32> to vector<256x768xf32>
    %add3A_34 = arith.addf %dot_general3A_33, %add3A : vector<256x768xf32>
    %dot_general3A_35 = arith.constant dense<0.000000e+00> : vector<256x768xf32>
    %dot_general3A_36 = tpu.matmul %broadcast_in_dim3A_28, %get3A_21, %dot_general3A_35 {dimension_numbers = #tpu.dot_dimension_numbers<[1], [1], [0], [0], [0, 0, 1, 0], [], []>, transpose_lhs_hint = false} : vector<256x192xf32>, vector<768x192xf32>, vector<256x768xf32> -> vector<256x768xf32>
    %add3A_37 = arith.addf %add3A_34, %dot_general3A_36 : vector<256x768xf32>
    %add3A_38 = vector.broadcast %get3A_27 : vector<1x768xf32> to vector<256x768xf32>
    %add3A_39 = arith.addf %add3A_37, %add3A_38 : vector<256x768xf32>
    %slice3A = vector.extract_strided_slice %add3A_39 {offsets = [0, 0], sizes = [256, 192], strides = [1, 1]} : vector<256x768xf32> to vector<256x192xf32>
    %logistic3A = arith.negf %slice3A : vector<256x192xf32>
    %logistic3A_40 = math.exp %logistic3A : vector<256x192xf32>
    %logistic3A_41 = arith.constant 1.000000e+00 : f32
    %logistic3A_42 = vector.broadcast %logistic3A_41 : f32 to vector<256x192xf32>
    %logistic3A_43 = arith.addf %logistic3A_42, %logistic3A_40 : vector<256x192xf32>
    %logistic3A_44 = arith.divf %logistic3A_42, %logistic3A_43 : vector<256x192xf32>
    %slice3A_45 = vector.extract_strided_slice %add3A_39 {offsets = [0, 192], sizes = [256, 192], strides = [1, 1]} : vector<256x768xf32> to vector<256x192xf32>
    %logistic3A_46 = arith.negf %slice3A_45 : vector<256x192xf32>
    %logistic3A_47 = math.exp %logistic3A_46 : vector<256x192xf32>
    %logistic3A_48 = arith.constant 1.000000e+00 : f32
    %logistic3A_49 = vector.broadcast %logistic3A_48 : f32 to vector<256x192xf32>
    %logistic3A_50 = arith.addf %logistic3A_49, %logistic3A_47 : vector<256x192xf32>
    %logistic3A_51 = arith.divf %logistic3A_49, %logistic3A_50 : vector<256x192xf32>
    %slice3A_52 = vector.extract_strided_slice %add3A_39 {offsets = [0, 384], sizes = [256, 192], strides = [1, 1]} : vector<256x768xf32> to vector<256x192xf32>
    %tanh3A = math.tanh %slice3A_52 : vector<256x192xf32>
    %slice3A_53 = vector.extract_strided_slice %add3A_39 {offsets = [0, 576], sizes = [256, 192], strides = [1, 1]} : vector<256x768xf32> to vector<256x192xf32>
    %logistic3A_54 = arith.negf %slice3A_53 : vector<256x192xf32>
    %logistic3A_55 = math.exp %logistic3A_54 : vector<256x192xf32>
    %logistic3A_56 = arith.constant 1.000000e+00 : f32
    %logistic3A_57 = vector.broadcast %logistic3A_56 : f32 to vector<256x192xf32>
    %logistic3A_58 = arith.addf %logistic3A_57, %logistic3A_55 : vector<256x192xf32>
    %logistic3A_59 = arith.divf %logistic3A_57, %logistic3A_58 : vector<256x192xf32>
    %mul3A = arith.mulf %logistic3A_51, %broadcast_in_dim3A_30 : vector<256x192xf32>
    %mul3A_60 = arith.mulf %logistic3A_44, %tanh3A : vector<256x192xf32>
    %add3A_61 = arith.addf %mul3A, %mul3A_60 : vector<256x192xf32>
    %tanh3A_62 = math.tanh %add3A_61 : vector<256x192xf32>
    %mul3A_63 = arith.mulf %logistic3A_59, %tanh3A_62 : vector<256x192xf32>
    %broadcast_in_dim3A_64 = arith.constant -1.000000e+30 : f32
    %broadcast_in_dim3A_65 = vector.broadcast %broadcast_in_dim3A_64 : f32 to vector<1x256xf32>
    %scan3A = arith.constant 0 : i32
    %scan3A_66 = arith.constant 5 : i32
    %scan3A_67 = arith.addi %scan3A, %scan3A_66 : i32
    %scan3A_68 = arith.constant 1 : i32
    %scan3A_69 = scf.for %scan3A_235 = %scan3A to %scan3A_67 step %scan3A_68 iter_args(%scan3A_236 = %broadcast_in_dim3A_65) -> (vector<1x256xf32>)  : i32 {
      %mul3A_237 = arith.constant 2000 : i32
      %mul3A_238 = arith.muli %scan3A_235, %mul3A_237 : i32
      %get3A_239 = arith.index_cast %mul3A_238 : i32 to index
      %get3A_240 = arith.constant 0 : index
      %get3A_241 = vector.load %arg3[%get3A_239, %get3A_240] : memref<10000x1xi32, #tpu.memory_space<vmem>>, vector<2000x1xi32>
      %iota3A = tpu.iota {dimensions = array<i32: 1>} : vector<2000x256xi32>
      %eq3A = vector.broadcast %get3A_241 : vector<2000x1xi32> to vector<2000x256xi32>
      %eq3A_242 = arith.cmpi eq, %eq3A, %iota3A : vector<2000x256xi32>
      %convert_element_type3A = arith.extui %eq3A_242 : vector<2000x256xi1> to vector<2000x256xi32>
      %convert_element_type3A_243 = arith.sitofp %convert_element_type3A : vector<2000x256xi32> to vector<2000x256xf32>
      %dot_general3A_244 = arith.constant dense<0.000000e+00> : vector<2000x192xf32>
      %dot_general3A_245 = tpu.matmul %convert_element_type3A_243, %mul3A_63, %dot_general3A_244 {dimension_numbers = #tpu.dot_dimension_numbers<[1], [0], [0], [1], [0, 0, 1, 1], [], []>, transpose_lhs_hint = false} : vector<2000x256xf32>, vector<256x192xf32>, vector<2000x192xf32> -> vector<2000x192xf32>
      %get3A_246 = arith.index_cast %mul3A_238 : i32 to index
      %get3A_247 = arith.constant 0 : index
      %get3A_248 = vector.load %arg12[%get3A_246, %get3A_247] : memref<10000x192xf32, #tpu.memory_space<vmem>>, vector<2000x192xf32>
      %mul3A_249 = arith.mulf %get3A_248, %dot_general3A_245 : vector<2000x192xf32>
      %reduce_sum3A = arith.constant dense<0.000000e+00> : vector<2000xf32>
      %reduce_sum3A_250 = vector.multi_reduction <add>, %mul3A_249, %reduce_sum3A [1] : vector<2000x192xf32> to vector<2000xf32>
      %broadcast_in_dim3A_251 = vector.shape_cast %reduce_sum3A_250 : vector<2000xf32> to vector<2000x1xf32>
      %swap3A_252 = arith.index_cast %mul3A_238 : i32 to index
      %swap3A_253 = arith.constant 0 : index
      %swap3A_254 = vector.load %arg13[%swap3A_252, %swap3A_253] : memref<10000x1xf32, #tpu.memory_space<vmem>>, vector<2000x1xf32>
      tpu.vector_store %arg13[%swap3A_252, %swap3A_253], %broadcast_in_dim3A_251 {strides = array<i32>} : memref<10000x1xf32, #tpu.memory_space<vmem>>, vector<2000x1xf32>,
      %gt3A = arith.constant 5.000000e-01 : f32
      %gt3A_255 = vector.broadcast %gt3A : f32 to vector<2000x256xf32>
      %gt3A_256 = arith.cmpf ogt, %convert_element_type3A_243, %gt3A_255 : vector<2000x256xf32>
      %jit3A = arith.constant -1.000000e+30 : f32
      %broadcast_in_dim3A_257 = vector.shape_cast %broadcast_in_dim3A_251 : vector<2000x1xf32> to vector<2000x1xf32>
      %broadcast_in_dim3A_258 = vector.broadcast %broadcast_in_dim3A_257 : vector<2000x1xf32> to vector<2000x256xf32>
      %broadcast_in_dim3A_259 = vector.broadcast %jit3A : f32 to vector<2000x256xf32>
      %select_n3A = arith.select %gt3A_256, %broadcast_in_dim3A_258, %broadcast_in_dim3A_259 : vector<2000x256xi1>, vector<2000x256xf32>
      %reduce_max3A = arith.constant dense<0xFF800000> : vector<256xf32>
      %reduce_max3A_260 = vector.multi_reduction <maximumf>, %select_n3A, %reduce_max3A [0] : vector<2000x256xf32> to vector<256xf32>
      %broadcast_in_dim3A_261 = vector.shape_cast %reduce_max3A_260 : vector<256xf32> to vector<1x256xf32>
      %max3A_262 = arith.maximumf %scan3A_236, %broadcast_in_dim3A_261 : vector<1x256xf32>
      scf.yield %max3A_262 : vector<1x256xf32>
    }
    %scan3A_70 = arith.constant 5 : i32
    %broadcast_in_dim3A_71 = arith.constant 0.000000e+00 : f32
    %broadcast_in_dim3A_72 = vector.broadcast %broadcast_in_dim3A_71 : f32 to vector<1x256xf32>
    %scan3A_73 = arith.constant 0 : i32
    %scan3A_74 = arith.constant 5 : i32
    %scan3A_75 = arith.addi %scan3A_73, %scan3A_74 : i32
    %scan3A_76 = arith.constant 1 : i32
    %scan3A_77 = scf.for %scan3A_235 = %scan3A_73 to %scan3A_75 step %scan3A_76 iter_args(%scan3A_236 = %broadcast_in_dim3A_72) -> (vector<1x256xf32>)  : i32 {
      %mul3A_237 = arith.constant 2000 : i32
      %mul3A_238 = arith.muli %scan3A_235, %mul3A_237 : i32
      %get3A_239 = arith.index_cast %mul3A_238 : i32 to index
      %get3A_240 = arith.constant 0 : index
      %get3A_241 = vector.load %arg3[%get3A_239, %get3A_240] : memref<10000x1xi32, #tpu.memory_space<vmem>>, vector<2000x1xi32>
      %iota3A = tpu.iota {dimensions = array<i32: 1>} : vector<2000x256xi32>
      %eq3A = vector.broadcast %get3A_241 : vector<2000x1xi32> to vector<2000x256xi32>
      %eq3A_242 = arith.cmpi eq, %eq3A, %iota3A : vector<2000x256xi32>
      %convert_element_type3A = arith.extui %eq3A_242 : vector<2000x256xi1> to vector<2000x256xi32>
      %convert_element_type3A_243 = arith.sitofp %convert_element_type3A : vector<2000x256xi32> to vector<2000x256xf32>
      %mul3A_244 = vector.broadcast %scan3A_69 : vector<1x256xf32> to vector<2000x256xf32>
      %mul3A_245 = arith.mulf %convert_element_type3A_243, %mul3A_244 : vector<2000x256xf32>
      %reduce_sum3A = arith.constant dense<0.000000e+00> : vector<2000xf32>
      %reduce_sum3A_246 = vector.multi_reduction <add>, %mul3A_245, %reduce_sum3A [1] : vector<2000x256xf32> to vector<2000xf32>
      %broadcast_in_dim3A_247 = vector.shape_cast %reduce_sum3A_246 : vector<2000xf32> to vector<2000x1xf32>
      %get3A_248 = arith.index_cast %mul3A_238 : i32 to index
      %get3A_249 = arith.constant 0 : index
      %get3A_250 = vector.load %arg13[%get3A_248, %get3A_249] : memref<10000x1xf32, #tpu.memory_space<vmem>>, vector<2000x1xf32>
      %sub3A = arith.subf %get3A_250, %broadcast_in_dim3A_247 : vector<2000x1xf32>
      %exp3A = math.exp %sub3A : vector<2000x1xf32>
      %swap3A_251 = arith.index_cast %mul3A_238 : i32 to index
      %swap3A_252 = arith.constant 0 : index
      %swap3A_253 = vector.load %arg13[%swap3A_251, %swap3A_252] : memref<10000x1xf32, #tpu.memory_space<vmem>>, vector<2000x1xf32>
      tpu.vector_store %arg13[%swap3A_251, %swap3A_252], %exp3A {strides = array<i32>} : memref<10000x1xf32, #tpu.memory_space<vmem>>, vector<2000x1xf32>,
      %dot_general3A_254 = arith.constant dense<0.000000e+00> : vector<1x256xf32>
      %dot_general3A_255 = tpu.matmul %exp3A, %convert_element_type3A_243, %dot_general3A_254 {dimension_numbers = #tpu.dot_dimension_numbers<[0], [0], [1], [1], [0, 1, 1, 1], [], []>, transpose_lhs_hint = false} : vector<2000x1xf32>, vector<2000x256xf32>, vector<1x256xf32> -> vector<1x256xf32>
      %add3A_256 = arith.addf %scan3A_236, %dot_general3A_255 : vector<1x256xf32>
      scf.yield %add3A_256 : vector<1x256xf32>
    }
    %scan3A_78 = arith.constant 5 : i32
    %broadcast_in_dim3A_79 = arith.constant 0.000000e+00 : f32
    %broadcast_in_dim3A_80 = vector.broadcast %broadcast_in_dim3A_79 : f32 to vector<256x192xf32>
    %scan3A_81 = arith.constant 0 : i32
    %scan3A_82 = arith.constant 5 : i32
    %scan3A_83 = arith.addi %scan3A_81, %scan3A_82 : i32
    %scan3A_84 = arith.constant 1 : i32
    %scan3A_85 = scf.for %scan3A_235 = %scan3A_81 to %scan3A_83 step %scan3A_84 iter_args(%scan3A_236 = %broadcast_in_dim3A_80) -> (vector<256x192xf32>)  : i32 {
      %mul3A_237 = arith.constant 2000 : i32
      %mul3A_238 = arith.muli %scan3A_235, %mul3A_237 : i32
      %get3A_239 = arith.index_cast %mul3A_238 : i32 to index
      %get3A_240 = arith.constant 0 : index
      %get3A_241 = vector.load %arg3[%get3A_239, %get3A_240] : memref<10000x1xi32, #tpu.memory_space<vmem>>, vector<2000x1xi32>
      %iota3A = tpu.iota {dimensions = array<i32: 1>} : vector<2000x256xi32>
      %eq3A = vector.broadcast %get3A_241 : vector<2000x1xi32> to vector<2000x256xi32>
      %eq3A_242 = arith.cmpi eq, %eq3A, %iota3A : vector<2000x256xi32>
      %convert_element_type3A = arith.extui %eq3A_242 : vector<2000x256xi1> to vector<2000x256xi32>
      %convert_element_type3A_243 = arith.sitofp %convert_element_type3A : vector<2000x256xi32> to vector<2000x256xf32>
      %mul3A_244 = vector.broadcast %scan3A_77 : vector<1x256xf32> to vector<2000x256xf32>
      %mul3A_245 = arith.mulf %convert_element_type3A_243, %mul3A_244 : vector<2000x256xf32>
      %reduce_sum3A = arith.constant dense<0.000000e+00> : vector<2000xf32>
      %reduce_sum3A_246 = vector.multi_reduction <add>, %mul3A_245, %reduce_sum3A [1] : vector<2000x256xf32> to vector<2000xf32>
      %broadcast_in_dim3A_247 = vector.shape_cast %reduce_sum3A_246 : vector<2000xf32> to vector<2000x1xf32>
      %get3A_248 = arith.index_cast %mul3A_238 : i32 to index
      %get3A_249 = arith.constant 0 : index
      %get3A_250 = vector.load %arg13[%get3A_248, %get3A_249] : memref<10000x1xf32, #tpu.memory_space<vmem>>, vector<2000x1xf32>
      %add3A_251 = arith.constant 1.000000e-16 : f32
      %add3A_252 = vector.broadcast %add3A_251 : f32 to vector<2000x1xf32>
      %add3A_253 = arith.addf %broadcast_in_dim3A_247, %add3A_252 : vector<2000x1xf32>
      %div3A = arith.divf %get3A_250, %add3A_253 : vector<2000x1xf32>
      %get3A_254 = arith.index_cast %mul3A_238 : i32 to index
      %get3A_255 = arith.constant 0 : index
      %get3A_256 = vector.load %arg12[%get3A_254, %get3A_255] : memref<10000x192xf32, #tpu.memory_space<vmem>>, vector<2000x192xf32>
      %mul3A_257 = vector.broadcast %div3A : vector<2000x1xf32> to vector<2000x192xf32>
      %mul3A_258 = arith.mulf %mul3A_257, %get3A_256 : vector<2000x192xf32>
      %dot_general3A_259 = arith.constant dense<0.000000e+00> : vector<256x192xf32>
      %dot_general3A_260 = tpu.matmul %convert_element_type3A_243, %mul3A_258, %dot_general3A_259 {dimension_numbers = #tpu.dot_dimension_numbers<[0], [0], [1], [1], [0, 1, 1, 1], [], []>, transpose_lhs_hint = false} : vector<2000x256xf32>, vector<2000x192xf32>, vector<256x192xf32> -> vector<256x192xf32>
      %add3A_261 = arith.addf %scan3A_236, %dot_general3A_260 : vector<256x192xf32>
      scf.yield %add3A_261 : vector<256x192xf32>
    }
    %scan3A_86 = arith.constant 5 : i32
    %concatenate3A = tpu.concatenate %mul3A_63, %scan3A_85 in 1 : vector<256x192xf32>, vector<256x192xf32> -> vector<256x384xf32>
    %dot_general3A_87 = arith.constant dense<0.000000e+00> : vector<256x768xf32>
    %dot_general3A_88 = tpu.matmul %concatenate3A, %get3A_18, %dot_general3A_87 {dimension_numbers = #tpu.dot_dimension_numbers<[1], [1], [0], [0], [0, 0, 1, 0], [], []>, transpose_lhs_hint = false} : vector<256x384xf32>, vector<768x384xf32>, vector<256x768xf32> -> vector<256x768xf32>
    %add3A_89 = vector.broadcast %get3A_24 : vector<1x768xf32> to vector<256x768xf32>
    %add3A_90 = arith.addf %dot_general3A_88, %add3A_89 : vector<256x768xf32>
    %dot_general3A_91 = arith.constant dense<0.000000e+00> : vector<256x768xf32>
    %dot_general3A_92 = tpu.matmul %mul3A_63, %get3A_21, %dot_general3A_91 {dimension_numbers = #tpu.dot_dimension_numbers<[1], [1], [0], [0], [0, 0, 1, 0], [], []>, transpose_lhs_hint = false} : vector<256x192xf32>, vector<768x192xf32>, vector<256x768xf32> -> vector<256x768xf32>
    %add3A_93 = arith.addf %add3A_90, %dot_general3A_92 : vector<256x768xf32>
    %add3A_94 = vector.broadcast %get3A_27 : vector<1x768xf32> to vector<256x768xf32>
    %add3A_95 = arith.addf %add3A_93, %add3A_94 : vector<256x768xf32>
    %slice3A_96 = vector.extract_strided_slice %add3A_95 {offsets = [0, 0], sizes = [256, 192], strides = [1, 1]} : vector<256x768xf32> to vector<256x192xf32>
    %logistic3A_97 = arith.negf %slice3A_96 : vector<256x192xf32>
    %logistic3A_98 = math.exp %logistic3A_97 : vector<256x192xf32>
    %logistic3A_99 = arith.constant 1.000000e+00 : f32
    %logistic3A_100 = vector.broadcast %logistic3A_99 : f32 to vector<256x192xf32>
    %logistic3A_101 = arith.addf %logistic3A_100, %logistic3A_98 : vector<256x192xf32>
    %logistic3A_102 = arith.divf %logistic3A_100, %logistic3A_101 : vector<256x192xf32>
    %slice3A_103 = vector.extract_strided_slice %add3A_95 {offsets = [0, 192], sizes = [256, 192], strides = [1, 1]} : vector<256x768xf32> to vector<256x192xf32>
    %logistic3A_104 = arith.negf %slice3A_103 : vector<256x192xf32>
    %logistic3A_105 = math.exp %logistic3A_104 : vector<256x192xf32>
    %logistic3A_106 = arith.constant 1.000000e+00 : f32
    %logistic3A_107 = vector.broadcast %logistic3A_106 : f32 to vector<256x192xf32>
    %logistic3A_108 = arith.addf %logistic3A_107, %logistic3A_105 : vector<256x192xf32>
    %logistic3A_109 = arith.divf %logistic3A_107, %logistic3A_108 : vector<256x192xf32>
    %slice3A_110 = vector.extract_strided_slice %add3A_95 {offsets = [0, 384], sizes = [256, 192], strides = [1, 1]} : vector<256x768xf32> to vector<256x192xf32>
    %tanh3A_111 = math.tanh %slice3A_110 : vector<256x192xf32>
    %slice3A_112 = vector.extract_strided_slice %add3A_95 {offsets = [0, 576], sizes = [256, 192], strides = [1, 1]} : vector<256x768xf32> to vector<256x192xf32>
    %logistic3A_113 = arith.negf %slice3A_112 : vector<256x192xf32>
    %logistic3A_114 = math.exp %logistic3A_113 : vector<256x192xf32>
    %logistic3A_115 = arith.constant 1.000000e+00 : f32
    %logistic3A_116 = vector.broadcast %logistic3A_115 : f32 to vector<256x192xf32>
    %logistic3A_117 = arith.addf %logistic3A_116, %logistic3A_114 : vector<256x192xf32>
    %logistic3A_118 = arith.divf %logistic3A_116, %logistic3A_117 : vector<256x192xf32>
    %mul3A_119 = arith.mulf %logistic3A_109, %add3A_61 : vector<256x192xf32>
    %mul3A_120 = arith.mulf %logistic3A_102, %tanh3A_111 : vector<256x192xf32>
    %add3A_121 = arith.addf %mul3A_119, %mul3A_120 : vector<256x192xf32>
    %tanh3A_122 = math.tanh %add3A_121 : vector<256x192xf32>
    %mul3A_123 = arith.mulf %logistic3A_118, %tanh3A_122 : vector<256x192xf32>
    %broadcast_in_dim3A_124 = arith.constant -1.000000e+30 : f32
    %broadcast_in_dim3A_125 = vector.broadcast %broadcast_in_dim3A_124 : f32 to vector<1x256xf32>
    %scan3A_126 = arith.constant 0 : i32
    %scan3A_127 = arith.constant 5 : i32
    %scan3A_128 = arith.addi %scan3A_126, %scan3A_127 : i32
    %scan3A_129 = arith.constant 1 : i32
    %scan3A_130 = scf.for %scan3A_235 = %scan3A_126 to %scan3A_128 step %scan3A_129 iter_args(%scan3A_236 = %broadcast_in_dim3A_125) -> (vector<1x256xf32>)  : i32 {
      %mul3A_237 = arith.constant 2000 : i32
      %mul3A_238 = arith.muli %scan3A_235, %mul3A_237 : i32
      %get3A_239 = arith.index_cast %mul3A_238 : i32 to index
      %get3A_240 = arith.constant 0 : index
      %get3A_241 = vector.load %arg3[%get3A_239, %get3A_240] : memref<10000x1xi32, #tpu.memory_space<vmem>>, vector<2000x1xi32>
      %iota3A = tpu.iota {dimensions = array<i32: 1>} : vector<2000x256xi32>
      %eq3A = vector.broadcast %get3A_241 : vector<2000x1xi32> to vector<2000x256xi32>
      %eq3A_242 = arith.cmpi eq, %eq3A, %iota3A : vector<2000x256xi32>
      %convert_element_type3A = arith.extui %eq3A_242 : vector<2000x256xi1> to vector<2000x256xi32>
      %convert_element_type3A_243 = arith.sitofp %convert_element_type3A : vector<2000x256xi32> to vector<2000x256xf32>
      %dot_general3A_244 = arith.constant dense<0.000000e+00> : vector<2000x192xf32>
      %dot_general3A_245 = tpu.matmul %convert_element_type3A_243, %mul3A_123, %dot_general3A_244 {dimension_numbers = #tpu.dot_dimension_numbers<[1], [0], [0], [1], [0, 0, 1, 1], [], []>, transpose_lhs_hint = false} : vector<2000x256xf32>, vector<256x192xf32>, vector<2000x192xf32> -> vector<2000x192xf32>
      %get3A_246 = arith.index_cast %mul3A_238 : i32 to index
      %get3A_247 = arith.constant 0 : index
      %get3A_248 = vector.load %arg12[%get3A_246, %get3A_247] : memref<10000x192xf32, #tpu.memory_space<vmem>>, vector<2000x192xf32>
      %mul3A_249 = arith.mulf %get3A_248, %dot_general3A_245 : vector<2000x192xf32>
      %reduce_sum3A = arith.constant dense<0.000000e+00> : vector<2000xf32>
      %reduce_sum3A_250 = vector.multi_reduction <add>, %mul3A_249, %reduce_sum3A [1] : vector<2000x192xf32> to vector<2000xf32>
      %broadcast_in_dim3A_251 = vector.shape_cast %reduce_sum3A_250 : vector<2000xf32> to vector<2000x1xf32>
      %swap3A_252 = arith.index_cast %mul3A_238 : i32 to index
      %swap3A_253 = arith.constant 0 : index
      %swap3A_254 = vector.load %arg13[%swap3A_252, %swap3A_253] : memref<10000x1xf32, #tpu.memory_space<vmem>>, vector<2000x1xf32>
      tpu.vector_store %arg13[%swap3A_252, %swap3A_253], %broadcast_in_dim3A_251 {strides = array<i32>} : memref<10000x1xf32, #tpu.memory_space<vmem>>, vector<2000x1xf32>,
      %gt3A = arith.constant 5.000000e-01 : f32
      %gt3A_255 = vector.broadcast %gt3A : f32 to vector<2000x256xf32>
      %gt3A_256 = arith.cmpf ogt, %convert_element_type3A_243, %gt3A_255 : vector<2000x256xf32>
      %jit3A = arith.constant -1.000000e+30 : f32
      %broadcast_in_dim3A_257 = vector.shape_cast %broadcast_in_dim3A_251 : vector<2000x1xf32> to vector<2000x1xf32>
      %broadcast_in_dim3A_258 = vector.broadcast %broadcast_in_dim3A_257 : vector<2000x1xf32> to vector<2000x256xf32>
      %broadcast_in_dim3A_259 = vector.broadcast %jit3A : f32 to vector<2000x256xf32>
      %select_n3A = arith.select %gt3A_256, %broadcast_in_dim3A_258, %broadcast_in_dim3A_259 : vector<2000x256xi1>, vector<2000x256xf32>
      %reduce_max3A = arith.constant dense<0xFF800000> : vector<256xf32>
      %reduce_max3A_260 = vector.multi_reduction <maximumf>, %select_n3A, %reduce_max3A [0] : vector<2000x256xf32> to vector<256xf32>
      %broadcast_in_dim3A_261 = vector.shape_cast %reduce_max3A_260 : vector<256xf32> to vector<1x256xf32>
      %max3A_262 = arith.maximumf %scan3A_236, %broadcast_in_dim3A_261 : vector<1x256xf32>
      scf.yield %max3A_262 : vector<1x256xf32>
    }
    %scan3A_131 = arith.constant 5 : i32
    %broadcast_in_dim3A_132 = arith.constant 0.000000e+00 : f32
    %broadcast_in_dim3A_133 = vector.broadcast %broadcast_in_dim3A_132 : f32 to vector<1x256xf32>
    %scan3A_134 = arith.constant 0 : i32
    %scan3A_135 = arith.constant 5 : i32
    %scan3A_136 = arith.addi %scan3A_134, %scan3A_135 : i32
    %scan3A_137 = arith.constant 1 : i32
    %scan3A_138 = scf.for %scan3A_235 = %scan3A_134 to %scan3A_136 step %scan3A_137 iter_args(%scan3A_236 = %broadcast_in_dim3A_133) -> (vector<1x256xf32>)  : i32 {
      %mul3A_237 = arith.constant 2000 : i32
      %mul3A_238 = arith.muli %scan3A_235, %mul3A_237 : i32
      %get3A_239 = arith.index_cast %mul3A_238 : i32 to index
      %get3A_240 = arith.constant 0 : index
      %get3A_241 = vector.load %arg3[%get3A_239, %get3A_240] : memref<10000x1xi32, #tpu.memory_space<vmem>>, vector<2000x1xi32>
      %iota3A = tpu.iota {dimensions = array<i32: 1>} : vector<2000x256xi32>
      %eq3A = vector.broadcast %get3A_241 : vector<2000x1xi32> to vector<2000x256xi32>
      %eq3A_242 = arith.cmpi eq, %eq3A, %iota3A : vector<2000x256xi32>
      %convert_element_type3A = arith.extui %eq3A_242 : vector<2000x256xi1> to vector<2000x256xi32>
      %convert_element_type3A_243 = arith.sitofp %convert_element_type3A : vector<2000x256xi32> to vector<2000x256xf32>
      %mul3A_244 = vector.broadcast %scan3A_130 : vector<1x256xf32> to vector<2000x256xf32>
      %mul3A_245 = arith.mulf %convert_element_type3A_243, %mul3A_244 : vector<2000x256xf32>
      %reduce_sum3A = arith.constant dense<0.000000e+00> : vector<2000xf32>
      %reduce_sum3A_246 = vector.multi_reduction <add>, %mul3A_245, %reduce_sum3A [1] : vector<2000x256xf32> to vector<2000xf32>
      %broadcast_in_dim3A_247 = vector.shape_cast %reduce_sum3A_246 : vector<2000xf32> to vector<2000x1xf32>
      %get3A_248 = arith.index_cast %mul3A_238 : i32 to index
      %get3A_249 = arith.constant 0 : index
      %get3A_250 = vector.load %arg13[%get3A_248, %get3A_249] : memref<10000x1xf32, #tpu.memory_space<vmem>>, vector<2000x1xf32>
      %sub3A = arith.subf %get3A_250, %broadcast_in_dim3A_247 : vector<2000x1xf32>
      %exp3A = math.exp %sub3A : vector<2000x1xf32>
      %swap3A_251 = arith.index_cast %mul3A_238 : i32 to index
      %swap3A_252 = arith.constant 0 : index
      %swap3A_253 = vector.load %arg13[%swap3A_251, %swap3A_252] : memref<10000x1xf32, #tpu.memory_space<vmem>>, vector<2000x1xf32>
      tpu.vector_store %arg13[%swap3A_251, %swap3A_252], %exp3A {strides = array<i32>} : memref<10000x1xf32, #tpu.memory_space<vmem>>, vector<2000x1xf32>,
      %dot_general3A_254 = arith.constant dense<0.000000e+00> : vector<1x256xf32>
      %dot_general3A_255 = tpu.matmul %exp3A, %convert_element_type3A_243, %dot_general3A_254 {dimension_numbers = #tpu.dot_dimension_numbers<[0], [0], [1], [1], [0, 1, 1, 1], [], []>, transpose_lhs_hint = false} : vector<2000x1xf32>, vector<2000x256xf32>, vector<1x256xf32> -> vector<1x256xf32>
      %add3A_256 = arith.addf %scan3A_236, %dot_general3A_255 : vector<1x256xf32>
      scf.yield %add3A_256 : vector<1x256xf32>
    }
    %scan3A_139 = arith.constant 5 : i32
    %broadcast_in_dim3A_140 = arith.constant 0.000000e+00 : f32
    %broadcast_in_dim3A_141 = vector.broadcast %broadcast_in_dim3A_140 : f32 to vector<256x192xf32>
    %scan3A_142 = arith.constant 0 : i32
    %scan3A_143 = arith.constant 5 : i32
    %scan3A_144 = arith.addi %scan3A_142, %scan3A_143 : i32
    %scan3A_145 = arith.constant 1 : i32
    %scan3A_146 = scf.for %scan3A_235 = %scan3A_142 to %scan3A_144 step %scan3A_145 iter_args(%scan3A_236 = %broadcast_in_dim3A_141) -> (vector<256x192xf32>)  : i32 {
      %mul3A_237 = arith.constant 2000 : i32
      %mul3A_238 = arith.muli %scan3A_235, %mul3A_237 : i32
      %get3A_239 = arith.index_cast %mul3A_238 : i32 to index
      %get3A_240 = arith.constant 0 : index
      %get3A_241 = vector.load %arg3[%get3A_239, %get3A_240] : memref<10000x1xi32, #tpu.memory_space<vmem>>, vector<2000x1xi32>
      %iota3A = tpu.iota {dimensions = array<i32: 1>} : vector<2000x256xi32>
      %eq3A = vector.broadcast %get3A_241 : vector<2000x1xi32> to vector<2000x256xi32>
      %eq3A_242 = arith.cmpi eq, %eq3A, %iota3A : vector<2000x256xi32>
      %convert_element_type3A = arith.extui %eq3A_242 : vector<2000x256xi1> to vector<2000x256xi32>
      %convert_element_type3A_243 = arith.sitofp %convert_element_type3A : vector<2000x256xi32> to vector<2000x256xf32>
      %mul3A_244 = vector.broadcast %scan3A_138 : vector<1x256xf32> to vector<2000x256xf32>
      %mul3A_245 = arith.mulf %convert_element_type3A_243, %mul3A_244 : vector<2000x256xf32>
      %reduce_sum3A = arith.constant dense<0.000000e+00> : vector<2000xf32>
      %reduce_sum3A_246 = vector.multi_reduction <add>, %mul3A_245, %reduce_sum3A [1] : vector<2000x256xf32> to vector<2000xf32>
      %broadcast_in_dim3A_247 = vector.shape_cast %reduce_sum3A_246 : vector<2000xf32> to vector<2000x1xf32>
      %get3A_248 = arith.index_cast %mul3A_238 : i32 to index
      %get3A_249 = arith.constant 0 : index
      %get3A_250 = vector.load %arg13[%get3A_248, %get3A_249] : memref<10000x1xf32, #tpu.memory_space<vmem>>, vector<2000x1xf32>
      %add3A_251 = arith.constant 1.000000e-16 : f32
      %add3A_252 = vector.broadcast %add3A_251 : f32 to vector<2000x1xf32>
      %add3A_253 = arith.addf %broadcast_in_dim3A_247, %add3A_252 : vector<2000x1xf32>
      %div3A = arith.divf %get3A_250, %add3A_253 : vector<2000x1xf32>
      %get3A_254 = arith.index_cast %mul3A_238 : i32 to index
      %get3A_255 = arith.constant 0 : index
      %get3A_256 = vector.load %arg12[%get3A_254, %get3A_255] : memref<10000x192xf32, #tpu.memory_space<vmem>>, vector<2000x192xf32>
      %mul3A_257 = vector.broadcast %div3A : vector<2000x1xf32> to vector<2000x192xf32>
      %mul3A_258 = arith.mulf %mul3A_257, %get3A_256 : vector<2000x192xf32>
      %dot_general3A_259 = arith.constant dense<0.000000e+00> : vector<256x192xf32>
      %dot_general3A_260 = tpu.matmul %convert_element_type3A_243, %mul3A_258, %dot_general3A_259 {dimension_numbers = #tpu.dot_dimension_numbers<[0], [0], [1], [1], [0, 1, 1, 1], [], []>, transpose_lhs_hint = false} : vector<2000x256xf32>, vector<2000x192xf32>, vector<256x192xf32> -> vector<256x192xf32>
      %add3A_261 = arith.addf %scan3A_236, %dot_general3A_260 : vector<256x192xf32>
      scf.yield %add3A_261 : vector<256x192xf32>
    }
    %scan3A_147 = arith.constant 5 : i32
    %concatenate3A_148 = tpu.concatenate %mul3A_123, %scan3A_146 in 1 : vector<256x192xf32>, vector<256x192xf32> -> vector<256x384xf32>
    %dot_general3A_149 = arith.constant dense<0.000000e+00> : vector<256x768xf32>
    %dot_general3A_150 = tpu.matmul %concatenate3A_148, %get3A_18, %dot_general3A_149 {dimension_numbers = #tpu.dot_dimension_numbers<[1], [1], [0], [0], [0, 0, 1, 0], [], []>, transpose_lhs_hint = false} : vector<256x384xf32>, vector<768x384xf32>, vector<256x768xf32> -> vector<256x768xf32>
    %add3A_151 = vector.broadcast %get3A_24 : vector<1x768xf32> to vector<256x768xf32>
    %add3A_152 = arith.addf %dot_general3A_150, %add3A_151 : vector<256x768xf32>
    %dot_general3A_153 = arith.constant dense<0.000000e+00> : vector<256x768xf32>
    %dot_general3A_154 = tpu.matmul %mul3A_123, %get3A_21, %dot_general3A_153 {dimension_numbers = #tpu.dot_dimension_numbers<[1], [1], [0], [0], [0, 0, 1, 0], [], []>, transpose_lhs_hint = false} : vector<256x192xf32>, vector<768x192xf32>, vector<256x768xf32> -> vector<256x768xf32>
    %add3A_155 = arith.addf %add3A_152, %dot_general3A_154 : vector<256x768xf32>
    %add3A_156 = vector.broadcast %get3A_27 : vector<1x768xf32> to vector<256x768xf32>
    %add3A_157 = arith.addf %add3A_155, %add3A_156 : vector<256x768xf32>
    %slice3A_158 = vector.extract_strided_slice %add3A_157 {offsets = [0, 0], sizes = [256, 192], strides = [1, 1]} : vector<256x768xf32> to vector<256x192xf32>
    %logistic3A_159 = arith.negf %slice3A_158 : vector<256x192xf32>
    %logistic3A_160 = math.exp %logistic3A_159 : vector<256x192xf32>
    %logistic3A_161 = arith.constant 1.000000e+00 : f32
    %logistic3A_162 = vector.broadcast %logistic3A_161 : f32 to vector<256x192xf32>
    %logistic3A_163 = arith.addf %logistic3A_162, %logistic3A_160 : vector<256x192xf32>
    %logistic3A_164 = arith.divf %logistic3A_162, %logistic3A_163 : vector<256x192xf32>
    %slice3A_165 = vector.extract_strided_slice %add3A_157 {offsets = [0, 192], sizes = [256, 192], strides = [1, 1]} : vector<256x768xf32> to vector<256x192xf32>
    %logistic3A_166 = arith.negf %slice3A_165 : vector<256x192xf32>
    %logistic3A_167 = math.exp %logistic3A_166 : vector<256x192xf32>
    %logistic3A_168 = arith.constant 1.000000e+00 : f32
    %logistic3A_169 = vector.broadcast %logistic3A_168 : f32 to vector<256x192xf32>
    %logistic3A_170 = arith.addf %logistic3A_169, %logistic3A_167 : vector<256x192xf32>
    %logistic3A_171 = arith.divf %logistic3A_169, %logistic3A_170 : vector<256x192xf32>
    %slice3A_172 = vector.extract_strided_slice %add3A_157 {offsets = [0, 384], sizes = [256, 192], strides = [1, 1]} : vector<256x768xf32> to vector<256x192xf32>
    %tanh3A_173 = math.tanh %slice3A_172 : vector<256x192xf32>
    %slice3A_174 = vector.extract_strided_slice %add3A_157 {offsets = [0, 576], sizes = [256, 192], strides = [1, 1]} : vector<256x768xf32> to vector<256x192xf32>
    %logistic3A_175 = arith.negf %slice3A_174 : vector<256x192xf32>
    %logistic3A_176 = math.exp %logistic3A_175 : vector<256x192xf32>
    %logistic3A_177 = arith.constant 1.000000e+00 : f32
    %logistic3A_178 = vector.broadcast %logistic3A_177 : f32 to vector<256x192xf32>
    %logistic3A_179 = arith.addf %logistic3A_178, %logistic3A_176 : vector<256x192xf32>
    %logistic3A_180 = arith.divf %logistic3A_178, %logistic3A_179 : vector<256x192xf32>
    %mul3A_181 = arith.mulf %logistic3A_171, %add3A_121 : vector<256x192xf32>
    %mul3A_182 = arith.mulf %logistic3A_164, %tanh3A_173 : vector<256x192xf32>
    %add3A_183 = arith.addf %mul3A_181, %mul3A_182 : vector<256x192xf32>
    %tanh3A_184 = math.tanh %add3A_183 : vector<256x192xf32>
    %mul3A_185 = arith.mulf %logistic3A_180, %tanh3A_184 : vector<256x192xf32>
    %broadcast_in_dim3A_186 = arith.constant -1.000000e+30 : f32
    %broadcast_in_dim3A_187 = vector.broadcast %broadcast_in_dim3A_186 : f32 to vector<1x256xf32>
    %scan3A_188 = arith.constant 0 : i32
    %scan3A_189 = arith.constant 5 : i32
    %scan3A_190 = arith.addi %scan3A_188, %scan3A_189 : i32
    %scan3A_191 = arith.constant 1 : i32
    %scan3A_192 = scf.for %scan3A_235 = %scan3A_188 to %scan3A_190 step %scan3A_191 iter_args(%scan3A_236 = %broadcast_in_dim3A_187) -> (vector<1x256xf32>)  : i32 {
      %mul3A_237 = arith.constant 2000 : i32
      %mul3A_238 = arith.muli %scan3A_235, %mul3A_237 : i32
      %get3A_239 = arith.index_cast %mul3A_238 : i32 to index
      %get3A_240 = arith.constant 0 : index
      %get3A_241 = vector.load %arg3[%get3A_239, %get3A_240] : memref<10000x1xi32, #tpu.memory_space<vmem>>, vector<2000x1xi32>
      %iota3A = tpu.iota {dimensions = array<i32: 1>} : vector<2000x256xi32>
      %eq3A = vector.broadcast %get3A_241 : vector<2000x1xi32> to vector<2000x256xi32>
      %eq3A_242 = arith.cmpi eq, %eq3A, %iota3A : vector<2000x256xi32>
      %convert_element_type3A = arith.extui %eq3A_242 : vector<2000x256xi1> to vector<2000x256xi32>
      %convert_element_type3A_243 = arith.sitofp %convert_element_type3A : vector<2000x256xi32> to vector<2000x256xf32>
      %dot_general3A_244 = arith.constant dense<0.000000e+00> : vector<2000x192xf32>
      %dot_general3A_245 = tpu.matmul %convert_element_type3A_243, %mul3A_185, %dot_general3A_244 {dimension_numbers = #tpu.dot_dimension_numbers<[1], [0], [0], [1], [0, 0, 1, 1], [], []>, transpose_lhs_hint = false} : vector<2000x256xf32>, vector<256x192xf32>, vector<2000x192xf32> -> vector<2000x192xf32>
      %get3A_246 = arith.index_cast %mul3A_238 : i32 to index
      %get3A_247 = arith.constant 0 : index
      %get3A_248 = vector.load %arg12[%get3A_246, %get3A_247] : memref<10000x192xf32, #tpu.memory_space<vmem>>, vector<2000x192xf32>
      %mul3A_249 = arith.mulf %get3A_248, %dot_general3A_245 : vector<2000x192xf32>
      %reduce_sum3A = arith.constant dense<0.000000e+00> : vector<2000xf32>
      %reduce_sum3A_250 = vector.multi_reduction <add>, %mul3A_249, %reduce_sum3A [1] : vector<2000x192xf32> to vector<2000xf32>
      %broadcast_in_dim3A_251 = vector.shape_cast %reduce_sum3A_250 : vector<2000xf32> to vector<2000x1xf32>
      %swap3A_252 = arith.index_cast %mul3A_238 : i32 to index
      %swap3A_253 = arith.constant 0 : index
      %swap3A_254 = vector.load %arg13[%swap3A_252, %swap3A_253] : memref<10000x1xf32, #tpu.memory_space<vmem>>, vector<2000x1xf32>
      tpu.vector_store %arg13[%swap3A_252, %swap3A_253], %broadcast_in_dim3A_251 {strides = array<i32>} : memref<10000x1xf32, #tpu.memory_space<vmem>>, vector<2000x1xf32>,
      %gt3A = arith.constant 5.000000e-01 : f32
      %gt3A_255 = vector.broadcast %gt3A : f32 to vector<2000x256xf32>
      %gt3A_256 = arith.cmpf ogt, %convert_element_type3A_243, %gt3A_255 : vector<2000x256xf32>
      %jit3A = arith.constant -1.000000e+30 : f32
      %broadcast_in_dim3A_257 = vector.shape_cast %broadcast_in_dim3A_251 : vector<2000x1xf32> to vector<2000x1xf32>
      %broadcast_in_dim3A_258 = vector.broadcast %broadcast_in_dim3A_257 : vector<2000x1xf32> to vector<2000x256xf32>
      %broadcast_in_dim3A_259 = vector.broadcast %jit3A : f32 to vector<2000x256xf32>
      %select_n3A = arith.select %gt3A_256, %broadcast_in_dim3A_258, %broadcast_in_dim3A_259 : vector<2000x256xi1>, vector<2000x256xf32>
      %reduce_max3A = arith.constant dense<0xFF800000> : vector<256xf32>
      %reduce_max3A_260 = vector.multi_reduction <maximumf>, %select_n3A, %reduce_max3A [0] : vector<2000x256xf32> to vector<256xf32>
      %broadcast_in_dim3A_261 = vector.shape_cast %reduce_max3A_260 : vector<256xf32> to vector<1x256xf32>
      %max3A_262 = arith.maximumf %scan3A_236, %broadcast_in_dim3A_261 : vector<1x256xf32>
      scf.yield %max3A_262 : vector<1x256xf32>
    }
    %scan3A_193 = arith.constant 5 : i32
    %broadcast_in_dim3A_194 = arith.constant 0.000000e+00 : f32
    %broadcast_in_dim3A_195 = vector.broadcast %broadcast_in_dim3A_194 : f32 to vector<1x256xf32>
    %scan3A_196 = arith.constant 0 : i32
    %scan3A_197 = arith.constant 5 : i32
    %scan3A_198 = arith.addi %scan3A_196, %scan3A_197 : i32
    %scan3A_199 = arith.constant 1 : i32
    %scan3A_200 = scf.for %scan3A_235 = %scan3A_196 to %scan3A_198 step %scan3A_199 iter_args(%scan3A_236 = %broadcast_in_dim3A_195) -> (vector<1x256xf32>)  : i32 {
      %mul3A_237 = arith.constant 2000 : i32
      %mul3A_238 = arith.muli %scan3A_235, %mul3A_237 : i32
      %get3A_239 = arith.index_cast %mul3A_238 : i32 to index
      %get3A_240 = arith.constant 0 : index
      %get3A_241 = vector.load %arg3[%get3A_239, %get3A_240] : memref<10000x1xi32, #tpu.memory_space<vmem>>, vector<2000x1xi32>
      %iota3A = tpu.iota {dimensions = array<i32: 1>} : vector<2000x256xi32>
      %eq3A = vector.broadcast %get3A_241 : vector<2000x1xi32> to vector<2000x256xi32>
      %eq3A_242 = arith.cmpi eq, %eq3A, %iota3A : vector<2000x256xi32>
      %convert_element_type3A = arith.extui %eq3A_242 : vector<2000x256xi1> to vector<2000x256xi32>
      %convert_element_type3A_243 = arith.sitofp %convert_element_type3A : vector<2000x256xi32> to vector<2000x256xf32>
      %mul3A_244 = vector.broadcast %scan3A_192 : vector<1x256xf32> to vector<2000x256xf32>
      %mul3A_245 = arith.mulf %convert_element_type3A_243, %mul3A_244 : vector<2000x256xf32>
      %reduce_sum3A = arith.constant dense<0.000000e+00> : vector<2000xf32>
      %reduce_sum3A_246 = vector.multi_reduction <add>, %mul3A_245, %reduce_sum3A [1] : vector<2000x256xf32> to vector<2000xf32>
      %broadcast_in_dim3A_247 = vector.shape_cast %reduce_sum3A_246 : vector<2000xf32> to vector<2000x1xf32>
      %get3A_248 = arith.index_cast %mul3A_238 : i32 to index
      %get3A_249 = arith.constant 0 : index
      %get3A_250 = vector.load %arg13[%get3A_248, %get3A_249] : memref<10000x1xf32, #tpu.memory_space<vmem>>, vector<2000x1xf32>
      %sub3A = arith.subf %get3A_250, %broadcast_in_dim3A_247 : vector<2000x1xf32>
      %exp3A = math.exp %sub3A : vector<2000x1xf32>
      %swap3A_251 = arith.index_cast %mul3A_238 : i32 to index
      %swap3A_252 = arith.constant 0 : index
      %swap3A_253 = vector.load %arg13[%swap3A_251, %swap3A_252] : memref<10000x1xf32, #tpu.memory_space<vmem>>, vector<2000x1xf32>
      tpu.vector_store %arg13[%swap3A_251, %swap3A_252], %exp3A {strides = array<i32>} : memref<10000x1xf32, #tpu.memory_space<vmem>>, vector<2000x1xf32>,
      %dot_general3A_254 = arith.constant dense<0.000000e+00> : vector<1x256xf32>
      %dot_general3A_255 = tpu.matmul %exp3A, %convert_element_type3A_243, %dot_general3A_254 {dimension_numbers = #tpu.dot_dimension_numbers<[0], [0], [1], [1], [0, 1, 1, 1], [], []>, transpose_lhs_hint = false} : vector<2000x1xf32>, vector<2000x256xf32>, vector<1x256xf32> -> vector<1x256xf32>
      %add3A_256 = arith.addf %scan3A_236, %dot_general3A_255 : vector<1x256xf32>
      scf.yield %add3A_256 : vector<1x256xf32>
    }
    %scan3A_201 = arith.constant 5 : i32
    %broadcast_in_dim3A_202 = arith.constant 0.000000e+00 : f32
    %broadcast_in_dim3A_203 = vector.broadcast %broadcast_in_dim3A_202 : f32 to vector<256x192xf32>
    %scan3A_204 = arith.constant 0 : i32
    %scan3A_205 = arith.constant 5 : i32
    %scan3A_206 = arith.addi %scan3A_204, %scan3A_205 : i32
    %scan3A_207 = arith.constant 1 : i32
    %scan3A_208 = scf.for %scan3A_235 = %scan3A_204 to %scan3A_206 step %scan3A_207 iter_args(%scan3A_236 = %broadcast_in_dim3A_203) -> (vector<256x192xf32>)  : i32 {
      %mul3A_237 = arith.constant 2000 : i32
      %mul3A_238 = arith.muli %scan3A_235, %mul3A_237 : i32
      %get3A_239 = arith.index_cast %mul3A_238 : i32 to index
      %get3A_240 = arith.constant 0 : index
      %get3A_241 = vector.load %arg3[%get3A_239, %get3A_240] : memref<10000x1xi32, #tpu.memory_space<vmem>>, vector<2000x1xi32>
      %iota3A = tpu.iota {dimensions = array<i32: 1>} : vector<2000x256xi32>
      %eq3A = vector.broadcast %get3A_241 : vector<2000x1xi32> to vector<2000x256xi32>
      %eq3A_242 = arith.cmpi eq, %eq3A, %iota3A : vector<2000x256xi32>
      %convert_element_type3A = arith.extui %eq3A_242 : vector<2000x256xi1> to vector<2000x256xi32>
      %convert_element_type3A_243 = arith.sitofp %convert_element_type3A : vector<2000x256xi32> to vector<2000x256xf32>
      %mul3A_244 = vector.broadcast %scan3A_200 : vector<1x256xf32> to vector<2000x256xf32>
      %mul3A_245 = arith.mulf %convert_element_type3A_243, %mul3A_244 : vector<2000x256xf32>
      %reduce_sum3A = arith.constant dense<0.000000e+00> : vector<2000xf32>
      %reduce_sum3A_246 = vector.multi_reduction <add>, %mul3A_245, %reduce_sum3A [1] : vector<2000x256xf32> to vector<2000xf32>
      %broadcast_in_dim3A_247 = vector.shape_cast %reduce_sum3A_246 : vector<2000xf32> to vector<2000x1xf32>
      %get3A_248 = arith.index_cast %mul3A_238 : i32 to index
      %get3A_249 = arith.constant 0 : index
      %get3A_250 = vector.load %arg13[%get3A_248, %get3A_249] : memref<10000x1xf32, #tpu.memory_space<vmem>>, vector<2000x1xf32>
      %add3A_251 = arith.constant 1.000000e-16 : f32
      %add3A_252 = vector.broadcast %add3A_251 : f32 to vector<2000x1xf32>
      %add3A_253 = arith.addf %broadcast_in_dim3A_247, %add3A_252 : vector<2000x1xf32>
      %div3A = arith.divf %get3A_250, %add3A_253 : vector<2000x1xf32>
      %get3A_254 = arith.index_cast %mul3A_238 : i32 to index
      %get3A_255 = arith.constant 0 : index
      %get3A_256 = vector.load %arg12[%get3A_254, %get3A_255] : memref<10000x192xf32, #tpu.memory_space<vmem>>, vector<2000x192xf32>
      %mul3A_257 = vector.broadcast %div3A : vector<2000x1xf32> to vector<2000x192xf32>
      %mul3A_258 = arith.mulf %mul3A_257, %get3A_256 : vector<2000x192xf32>
      %dot_general3A_259 = arith.constant dense<0.000000e+00> : vector<256x192xf32>
      %dot_general3A_260 = tpu.matmul %convert_element_type3A_243, %mul3A_258, %dot_general3A_259 {dimension_numbers = #tpu.dot_dimension_numbers<[0], [0], [1], [1], [0, 1, 1, 1], [], []>, transpose_lhs_hint = false} : vector<2000x256xf32>, vector<2000x192xf32>, vector<256x192xf32> -> vector<256x192xf32>
      %add3A_261 = arith.addf %scan3A_236, %dot_general3A_260 : vector<256x192xf32>
      scf.yield %add3A_261 : vector<256x192xf32>
    }
    %scan3A_209 = arith.constant 5 : i32
    %concatenate3A_210 = tpu.concatenate %mul3A_185, %scan3A_208 in 1 : vector<256x192xf32>, vector<256x192xf32> -> vector<256x384xf32>
    %get3A_211 = arith.constant 0 : index
    %get3A_212 = arith.constant 0 : index
    %get3A_213 = vector.load %arg8[%get3A_211, %get3A_212] : memref<1024x384xf32, #tpu.memory_space<vmem>>, vector<1024x384xf32>
    %dot_general3A_214 = arith.constant dense<0.000000e+00> : vector<256x1024xf32>
    %dot_general3A_215 = tpu.matmul %concatenate3A_210, %get3A_213, %dot_general3A_214 {dimension_numbers = #tpu.dot_dimension_numbers<[1], [1], [0], [0], [0, 0, 1, 0], [], []>, transpose_lhs_hint = false} : vector<256x384xf32>, vector<1024x384xf32>, vector<256x1024xf32> -> vector<256x1024xf32>
    %get3A_216 = arith.constant 0 : index
    %get3A_217 = arith.constant 0 : index
    %get3A_218 = vector.load %arg9[%get3A_216, %get3A_217] : memref<1x1024xf32, #tpu.memory_space<vmem>>, vector<1x1024xf32>
    %add3A_219 = vector.broadcast %get3A_218 : vector<1x1024xf32> to vector<256x1024xf32>
    %add3A_220 = arith.addf %dot_general3A_215, %add3A_219 : vector<256x1024xf32>
    %get3A_221 = arith.constant 0 : index
    %get3A_222 = arith.constant 0 : index
    %get3A_223 = vector.load %arg10[%get3A_221, %get3A_222] : memref<1x1xf32, #tpu.memory_space<vmem>>, vector<1x1xf32>
    %get3A_224 = vector.extract %get3A_223[0, 0] : f32 from vector<1x1xf32>
    %max3A = arith.constant 0.000000e+00 : f32
    %max3A_225 = vector.broadcast %max3A : f32 to vector<256x1024xf32>
    %max3A_226 = arith.maximumf %add3A_220, %max3A_225 : vector<256x1024xf32>
    %min3A = arith.constant 0.000000e+00 : f32
    %min3A_227 = vector.broadcast %min3A : f32 to vector<256x1024xf32>
    %min3A_228 = arith.minimumf %add3A_220, %min3A_227 : vector<256x1024xf32>
    %mul3A_229 = vector.broadcast %get3A_224 : f32 to vector<256x1024xf32>
    %mul3A_230 = arith.mulf %mul3A_229, %min3A_228 : vector<256x1024xf32>
    %add3A_231 = arith.addf %max3A_226, %mul3A_230 : vector<256x1024xf32>
    %swap3A_232 = arith.constant 0 : index
    %swap3A_233 = arith.constant 0 : index
    %swap3A_234 = vector.load %arg11[%swap3A_232, %swap3A_233] : memref<256x1024xf32, #tpu.memory_space<vmem>>, vector<256x1024xf32>
    tpu.vector_store %arg11[%swap3A_232, %swap3A_233], %add3A_231 {strides = array<i32>} : memref<256x1024xf32, #tpu.memory_space<vmem>>, vector<256x1024xf32>,
    return
  }
}

</mosaic_0001>

<sc_bundles>
// kernel: kernel.10.cloned.1.call-start
scs
__scs_entry_jumppad:
0x0: {  	(pc) =	sbr.rel $0x88, $3  }
0x1: {  	(tag) =	ssettag $0x0;
	lr =	simm.s32 $0x1  }
0x2: {  	[smem:$0x3F86] =	sst lr;
	_ =	strace $0xD0000000  }
0x3: {  	_ = 	snop  }
0x4: {  	_ = 	snop  }
0x5: {  	_ = 	snop  }
0x6: {  	_ = 	snop  }
0x7: {  	_ = 	snop  }
__scs_overlays_trampoline_lowered:
0x8: {  	[smem:$0x3F95] =	sst s0  }
0x9: {  	[smem:$0x3F96] =	sst s1  }
0xa: {  	[smem:$0x3F97] =	sst s2  }
0xb: {  	[smem:$0x3F98] =	sst s3  }
0xc: {  	[smem:$0x3F99] =	sst s4  }
0xd: {  	[smem:$0x3F9A] =	sst s5  }
0xe: {  	[smem:$0x3F9B] =	sst s6  }
0xf: {  	[smem:$0x3F9C] =	sst s7  }
0x10: {  	[smem:$0x3F9D] =	sst s8  }
0x11: {  	[smem:$0x3F9E] =	sst s9;
	s0 =	simm.s32 @!p0 $0x0  }
0x12: {  	s1 =	sld [smem:$0x3F84];
	s0 =	simm.s32 @p0 $0x1  }
0x13: {  	[smem:$0x3F9F] =	sst s0;
	s0 =	simm.s32 @!p1 $0x0  }
0x14: {  	s2 =	sld [smem:$0x3F83];
	s0 =	simm.s32 @p1 $0x1  }
0x15: {  	[smem:$0x3FA0] =	sst s0;
	s0 =	simm.s32 @!p2 $0x0  }
0x16: {  	s3 =	sld [smem:$0x3FDB];
	s0 =	simm.s32 @p2 $0x1  }
0x17: {  	s4 =	simm.s32 $0x1BF5;
	[smem:$0x3FA2] =	sst s0  }
0x18: {  	s0 =	sld [smem:$0x3F85];
	_ =	swait.ge [sflag:s4], $0x0  }
0x19: {  	s7 =	sld [smem:$0x3F86]  }
0x1a: {  	s8 =	sadd.s32 $0xFFFFE003, lr  }
0x1b: {  	s9 =	sadd.s32 $0xFFFFFEF7, lr;
	s5 =	simm.s32 $0xFFFFFFFF;
	p2 =	slt.u32 s8, $0xFFFFF086  }
0x1c: {  	p1 =	slt.u32 s9, $0xF7A;
	s5 =	simm.s32 @!p2 $0x0  }
0x1d: {  	s5 =	simm.s32 @p1 $0x1;
	p0 =	seq.s32 s7, s2  }
0x1e: {  	s7 =	smul.u32 @!p0 $0xF7A, s2;
	p2 =	seq.s32 @!p0 s5, $0x0  }
0x1f: {  	s9 =	smul.u32 $0xF7A, s1;
	s8 =	simm.s32 @!p0 $0x1BF5;
	p2 =	por !p2, p0  }
0x20: {  	[sflag:s8] =	ssyncset.s32 @!p0 $0xFFFFF086;
	s6 =	sadd.s32 @!p0 s3, s7;
	s7 =	simm.s32 @!p0 $0x108  }
0x21: {  	s3 =	sadd.s32 s3, s9;
	s6 =	sadd.s32 @!p0 $0x88, s6;
	s7 =	simm.s32 @p2 $0x1082  }
0x22: {  	[simem:s7], [sflag:s8] =	dma.local @!p0 [hbm:s6], $0xF7A  }
0x23: {  	s9 =	sor.u32 $0xD0000000, s2;
	s6 =	simm.s32 $0x108;
	_ =	swait.ge @!p0 [sflag:s8], $0x0  }
0x24: {  	s3 =	sadd.s32 $0x88, s3;
	s6 =	simm.s32 @!p1 $0x1082;
	[sflag:s4] =	ssyncset.s32 $0xFFFFF086  }
0x25: {  	[simem:s6], [sflag:s4] =	dma.local [hbm:s3], $0xF7A  }
0x26: {  	[smem:$0x3F86] =	sst s1;
	(tag) =	ssettag s2;
	_ =	strace s9  }
0x27: {  	s1 =	sld [smem:$0x3F96]  }
0x28: {  	s2 =	sld [smem:$0x3F97]  }
0x29: {  	s4 =	sld [smem:$0x3F99]  }
0x2a: {  	p0 =	seq.s32 s5, $0x0;
	s5 =	sld [smem:$0x3F9A]  }
0x2b: {  	s6 =	sld [smem:$0x3F9B]  }
0x2c: {  	s7 =	sld [smem:$0x3F9C]  }
0x2d: {  	s3 =	simm.s32 $0x108;
	s8 =	sld [smem:$0x3F9D]  }
0x2e: {  	s3 =	simm.s32 @!p0 $0x1082;
	s9 =	sld [smem:$0x3F9E]  }
0x2f: {  	lr =	sadd.s32 s0, s3;
	s0 =	sld [smem:$0x3F95]  }
0x30: {  	s3 =	sld [smem:$0x3F98]  }
0x31: {  	[smem:$0x3FA1] =	sst s10  }
0x32: {  	s10 =	sld [smem:$0x3F9F];
	_ =	sdelay $0x3  }
0x33: {  	p0 =	seq.s32 s10, $0x1;
	s10 =	sld [smem:$0x3FA1];
	_ =	sdelay $0x3  }
0x34: {  	[smem:$0x3FA1] =	sst s10  }
0x35: {  	s10 =	sld [smem:$0x3FA0];
	_ =	sdelay $0x3  }
0x36: {  	p1 =	seq.s32 s10, $0x1;
	s10 =	sld [smem:$0x3FA1];
	_ =	sdelay $0x3  }
0x37: {  	[smem:$0x3FA1] =	sst s10  }
0x38: {  	s10 =	sld [smem:$0x3FA2]  }
0x39: {  	_ = 	snop;
	(pc) =	sbr.ind lr, $3  }
0x3a: {  	_ = 	snop  }
0x3b: {  	_ = 	snop  }
0x3c: {  	p2 =	seq.s32 s10, $0x1;
	s10 =	sld [smem:$0x3FA1]  }
0x3d: {  	_ =	shalt  }
0x3e: {  	_ =	shalt  }
0x3f: {  	_ =	shalt  }
0x40: {  	_ =	shalt  }
0x41: {  	_ =	shalt  }
0x42: {  	_ =	shalt  }
0x43: {  	_ =	shalt  }
0x44: {  	_ =	shalt  }
0x45: {  	_ =	shalt  }
0x46: {  	_ =	shalt  }
0x47: {  	_ =	shalt  }
0x48: {  	_ =	shalt  }
0x49: {  	_ =	shalt  }
0x4a: {  	_ =	shalt  }
0x4b: {  	_ =	shalt  }
0x4c: {  	_ =	shalt  }
0x4d: {  	_ =	shalt  }
0x4e: {  	_ =	shalt  }
0x4f: {  	_ =	shalt  }
0x50: {  	_ =	shalt  }
0x51: {  	_ =	shalt  }
0x52: {  	_ =	shalt  }
0x53: {  	_ =	shalt  }
0x54: {  	_ =	shalt  }
0x55: {  	_ =	shalt  }
0x56: {  	_ =	shalt  }
0x57: {  	_ =	shalt  }
0x58: {  	_ =	shalt  }
0x59: {  	_ =	shalt  }
0x5a: {  	_ =	shalt  }
0x5b: {  	_ =	shalt  }
0x5c: {  	_ =	shalt  }
0x5d: {  	_ =	shalt  }
0x5e: {  	_ =	shalt  }
0x5f: {  	_ =	shalt  }
0x60: {  	_ =	shalt  }
0x61: {  	_ =	shalt  }
0x62: {  	_ =	shalt  }
0x63: {  	_ =	shalt  }
0x64: {  	_ =	shalt  }
0x65: {  	_ =	shalt  }
0x66: {  	_ =	shalt  }
0x67: {  	_ =	shalt  }
0x68: {  	_ =	shalt  }
0x69: {  	_ =	shalt  }
0x6a: {  	_ =	shalt  }
0x6b: {  	_ =	shalt  }
0x6c: {  	_ =	shalt  }
0x6d: {  	_ =	shalt  }
0x6e: {  	_ =	shalt  }
0x6f: {  	_ =	shalt  }
0x70: {  	_ =	shalt  }
0x71: {  	_ =	shalt  }
0x72: {  	_ =	shalt  }
0x73: {  	_ =	shalt  }
0x74: {  	_ =	shalt  }
0x75: {  	_ =	shalt  }
0x76: {  	_ =	shalt  }
0x77: {  	_ =	shalt  }
0x78: {  	_ =	shalt  }
0x79: {  	_ =	shalt  }
0x7a: {  	_ =	shalt  }
0x7b: {  	_ =	shalt  }
0x7c: {  	_ =	shalt  }
0x7d: {  	_ =	shalt  }
0x7e: {  	_ =	shalt  }
0x7f: {  	_ =	shalt  }
0x80: {  	_ =	shalt  }
0x81: {  	_ =	shalt  }
0x82: {  	_ =	shalt  }
0x83: {  	_ =	shalt  }
0x84: {  	_ =	shalt  }
0x85: {  	_ =	shalt  }
0x86: {  	_ =	shalt  }
0x87: {  	_ =	shalt  }
.Lfunc_end0:
.L_simem_size_0:
called_computation_lowered:
.L_overlay_start_0:
0x88: {  	s2 =	sld [smem:$0x3FD9]  }
0x89: {  	s3 =	sld [smem:$0x3FFE];
	_ =	sdelay $0x1  }
0x8a: {  	s1 =	srdreg.scid  }
0x8b: {  	s0 =	sand.u32 $0x1, s1  }
0x8c: {  	s16 =	sshll.u32 s0, $0xA;
	s2 =	sadd.s32 s3, s2  }
0x8d: {  	s2 =	sadd.s32 s2, s16  }
0x8e: {  	[smem:$0x3FAD] =	sst s2  }
0x8f: {  	_ = 	snop  }
0x90: {  	(tm) =	ssettm $0x1  }
0x91: {  	s17 =	sld [smem:$0x3FFB];
	_ =	sdelay $0x3  }
0x92: {  	_ =	strace s17  }
0x93: {  	s2 =	sld [smem:$0x3FFC];
	_ =	sdelay $0x3  }
0x94: {  	_ =	strace s2  }
0x95: {  	s2 =	sld [smem:$0x3FFD];
	_ =	sdelay $0x3  }
0x96: {  	_ =	strace s2  }
0x97: {  	_ =	strace $0x8FFFFFFF  }
0x98: {  	s18 =	sld [smem:$0x3FDB];
	_ =	sdelay $0x1  }
0x99: {  	s19 =	simm.s32 $_scs_section_size  }
0x9a: {  	s4 =	simm.s32 $_size__tile_overlayer_lowered;
	s5 =	simm.s32 $_tile_overlayer_lowered  }
0x9b: {  	s22 =	simm.s32 $0x1BFF;
	s21 =	sshll.u32 s5, $0x1;
	s2 =	sadd.s32 s19, s18  }
0x9c: {  	s6 =	simm.s32 $0x0;
	s20 =	sshll.u32 s4, $0x1;
	s4 =	sadd.s32 s21, s2  }
0x9d: {  	[timem:s6], [sflag:s22] =	dma.local [hbm:s4], s20  }
0x9e: {  	_ =	swait.ge [sflag:s22], s20  }
0x9f: {  	s3 =	ssub.s32 $0x0, s20;
	[sflag:s22] =	ssyncset.done $0x0  }
0xa0: {  	[sflag:s22] =	ssyncadd.s32 s3;
	_ =	sdelay $0x1  }
0xa1: {  	s23 =	simm.s32 $0x1B8B  }
0xa2: {  	_ =	swait.ge [sflag:s23], $0x1  }
0xa3: {  	[sflag:s23] =	ssyncset.done $0x0  }
0xa4: {  	s25 =	simm.s32 $0x1B8E;
	s24 =	sld [smem:$0x3FFE];
	[sflag:s23] =	ssyncadd.s32 $0xFFFFFFFF  }
0xa5: {  	s26 =	simm.s32 $execute0_lowered;
	[smem:$0x3FD2] =	sst s25  }
0xa6: {  	s4 =	sshll.u32 s26, $0x1;
	_ =	strace $0x80000046;
	[dreg:$0x1] =	wrdreg $0xFFFFFFFF  }
0xa7: {  	s28 =	simm.s32 $_size_execute0_lowered;
	s2 =	sadd.s32 s2, s4;
	[dreg:$0x0] =	wrdreg $0x0  }
0xa8: {  	s4 =	sshll.u32 s28, $0x1;
	[dreg:$0x2] =	wrdreg s2  }
0xa9: {  	[dreg:$0x3] =	wrdreg s4  }
0xaa: {  	[dreg:$0x4] =	wrdreg $0xC0  }
0xab: {  	_ =	task [dreg:s6], $0x5FFFF  }
0xac: {  	[dreg:$0x1] =	wrdreg $0xFFFFFFFF  }
0xad: {  	[dreg:$0x0] =	wrdreg $0x60  }
0xae: {  	[dreg:$0x2] =	wrdreg s24  }
0xaf: {  	[dreg:$0x3] =	wrdreg $0xDA200  }
0xb0: {  	[dreg:$0x4] =	wrdreg $0x184200  }
0xb1: {  	[dreg:$0x5] =	wrdreg $0x9  }
0xb2: {  	_ =	task.clear_ibuf [dreg:s6], $0x6FFFF;
	_ =	strace $0x90000046  }
0xb3: {  	s29 =	simm.s32 $0x9;
	_ =	strace $0x80000048  }
0xb4: {  	_ =	swait.ge [sflag:s29], $0x1  }
0xb5: {  	[sflag:s29] =	ssyncadd.s32 $0xFFFFFFFF  }
0xb6: {  	_ =	strace $0x90000048  }
0xb7: {  	_ =	sfence  }
0xb8: {  	s30 =	sld [smem:$0x0];
	_ =	sdelay $0x2  }
0xb9: {  	s31 =	sshll.u32 s1, $0xD;
	s1 =	sshrl.u32 s1, $0x2  }
0xba: {  	s3 =	sand.u32 $0x4000, s31;
	s1 =	sadd.s32 s1, s30  }
0xbb: {  	s0 =	sor.u32 s3, s0;
	s1 =	sshll.u32 s1, $0x11  }
0xbc: {  	s0 =	sor.u32 s1, s0  }
0xbd: {  	s0 =	sadd.s32 $0x8F2B, s0  }
0xbe: {  	[sflag:s0] =	ssyncadd.remote.s32 $0x1  }
0xbf: {  	_ =	sfence.sel $0xFFFF  }
0xc0: {  	[dreg:$0x0] =	wrdreg $0xFFFFFFFF;
	(pc) =	sbr.abs _section_cstart, $3  }
0xc1: {  	[dreg:$0x1] =	wrdreg $0xFFFFFFFF  }
0xc2: {  	_ =	task.clear_ibuf [dreg:s6], $0x2FFFF;
	_ =	strace $0x9FFFFFFF  }
0xc3: {  	(tm) =	ssettm $0x7FFFFFFF  }
tec
execute0_lowered:
.L_overlay_start_1:
0x0: {  	(tag) =	ssettag $0x1  }
0x1: {  	s6 =	rddreg [dreg:$0x0]  }
0x2: {  	s0 =	srdreg.scid;
	s2 =	rddreg [dreg:$0x1]  }
0x3: {  	s12 =	stileid.u32;
	s3 =	rddreg [dreg:$0x2]  }
0x4: {  	s4 =	simm.s32 $0x0;
	s29 =	simm.s32 $0xE;
	s7 =	smul.u32 $0xA000, s12  }
0x5: {  	s30 =	simm.s32 $0x17A20;
	s31 =	simm.s32 $0x4E20;
	s9 =	smul.u32 $0x2800, s12  }
0x6: {  	s0 =	sand.u32 $0x1, s0;
	s1 =	sshll.u32 s12, $0x1;
	s12 =	smul.u32 $0x280, s12  }
0x7: {  	[smem:$0x7FF] =	sst s4;
	s5 =	sadd.s32 $0x17400, s6;
	s8 =	smul.u32 $0xA0000, s0  }
0x8: {  	s1 =	sor.u32 s0, s1;
	s10 =	smul.u32 $0x28000, s0;
	s0 =	ssub.s32 $0x2, s0  }
0x9: {  	_ =	strace $0x80000047;
	s1 =	smul.u32 $0x4E2, s1;
	s11 =	sshrl.u32 s0, $0x1  }
0xa: {  	s22 =	sadd.s32 s7, s2;
	s23 =	sadd.s32 s9, s3;
	s28 =	sor.u32 $0x50, s12  }
0xb: {  	s13 =	sadd.s32 $0xA0, s12;
	s16 =	sadd.s32 $0xF0, s12;
	s21 =	sadd.s32 $0x140, s12  }
0xc: {  	s25 =	sadd.s32 $0x190, s12;
	s8 =	sadd.s32 s7, s8;
	s10 =	sadd.s32 s9, s10  }
0xd: {  	s0 =	ssub.s32 s0, s11;
	s9 =	sshll.u32 s28, $0x4;
	s11 =	sshll.u32 s13, $0x6  }
0xe: {  	s15 =	sshll.u32 s13, $0x4;
	s18 =	sshll.u32 s16, $0x6;
	s24 =	sshll.u32 s21, $0x6  }
0xf: {  	s13 =	sadd.s32 $0x1E0, s12;
	s12 =	sadd.s32 $0x230, s12;
	[dreg:$0x4] =	wrdreg s22  }
0x10: {  	[dreg:$0x5] =	wrdreg s23;
	s1 =	sadd.s32 s1, s6;
	s8 =	sshrl.u32 s8, $0x3  }
0x11: {  	s10 =	sshrl.u32 s10, $0x3;
	s9 =	sadd.s32 s9, s3;
	s14 =	sadd.s32 s11, s2  }
0x12: {  	s17 =	sadd.s32 s15, s3;
	s11 =	sshll.u32 s16, $0x4;
	s19 =	sadd.s32 s18, s2  }
0x13: {  	s26 =	sadd.s32 s24, s2;
	s15 =	sshll.u32 s13, $0x6;
	[dreg:$0x7] =	wrdreg s9  }
0x14: {  	s18 =	sshll.u32 s12, $0x6;
	s0 =	smax.u32 s0, $0x1;
	[dreg:$0x8] =	wrdreg s14  }
0x15: {  	s8 =	sadd.s32 s8, s6;
	s10 =	sadd.s32 s10, s6;
	[dreg:$0x9] =	wrdreg s17  }
0x16: {  	s6 =	sshll.u32 s28, $0x6;
	[dreg:$0xa] =	wrdreg s19;
	s20 =	sadd.s32 s11, s3  }
0x17: {  	s9 =	sshll.u32 s21, $0x4;
	[dreg:$0xc] =	wrdreg s26;
	s11 =	sshll.u32 s25, $0x4  }
0x18: {  	s16 =	sadd.s32 s15, s2;
	s17 =	sshll.u32 s13, $0x4;
	s21 =	sshll.u32 s12, $0x4  }
0x19: {  	[dreg:$0x18] =	wrdreg s0;
	s0 =	simm.s32 $0x6220;
	s12 =	simm.s32 $0x17F20  }
0x1a: {  	s13 =	simm.s32 $0x8A20;
	s15 =	simm.s32 $0x9E20;
	[dreg:$0xb] =	wrdreg s20  }
0x1b: {  	s7 =	sadd.s32 s6, s2;
	s28 =	sadd.s32 s9, s3;
	[dreg:$0x10] =	wrdreg s16  }
0x1c: {  	s14 =	sadd.s32 s11, s3;
	s19 =	sadd.s32 s17, s3;
	[dreg:$0x6] =	wrdreg s7  }
0x1d: {  	s20 =	sadd.s32 s18, s2;
	s24 =	sadd.s32 s21, s3;
	[dreg:$0xd] =	wrdreg s28  }
0x1e: {  	s26 =	sadd.s32 $0x2AE00, s8;
	s8 =	simm.s32 $0x1;
	[dreg:$0xf] =	wrdreg s14  }
0x1f: {  	s11 =	simm.s32 $0xD;
	s16 =	simm.s32 $0x4;
	[dreg:$0x11] =	wrdreg s19  }
0x20: {  	s17 =	simm.s32 $0xB220;
	s18 =	simm.s32 $0x5;
	[dreg:$0x12] =	wrdreg s20  }
0x21: {  	s21 =	simm.s32 $0x8;
	s7 =	sshll.u32 s25, $0x6;
	[dreg:$0x13] =	wrdreg s24  }
0x22: {  	s25 =	sadd.s32 $0xD600, s1;
	s1 =	sadd.s32 $0x3800, s1;
	[dreg:$0x16] =	wrdreg s26  }
0x23: {  	s28 =	sadd.s32 $0x52E00, s10;
	s10 =	simm.s32 $0x2;
	[dreg:$0x14] =	wrdreg s25  }
0x24: {  	s14 =	simm.s32 $0x3;
	s19 =	simm.s32 $0x7;
	[dreg:$0x15] =	wrdreg s1  }
0x25: {  	s20 =	simm.s32 $0x6;
	s9 =	sadd.s32 s7, s2;
	[dreg:$0x17] =	wrdreg s28  }
0x26: {  	v0 =	vimm.f32 $0.0e+00;
	v1 =	vimm.f32 $1.000000000e+00;
	s1 =	simm.s32 $0x50;
	[dreg:$0xe] =	wrdreg s9;
	s9 =	simm.s32 $0x7620  }
.LBB2_1:
0x27: {  	s24 =	simm.s32 $0xC640;
	s26 =	simm.s32 $0x0  }
.LBB2_2:
0x28: {  	p0 =	sne.s32 s26, $0x13C0  }
.Ltmp0:
0x29: {  	[tilespmem:s24+$0xFFFFFFE0] =	vst v0;
	(pc) =	sbr.rel @p0 .LBB2_2-.Ltmp0, $4  }
0x2a: {  	[tilespmem:s24+$0xFFFFFFF0] =	vst v0  }
0x2b: {  	[tilespmem:s24+$0x0] =	vst v0  }
0x2c: {  	[tilespmem:s24+$0x10] =	vst v0;
	s6 =	sshra.s32 s26, $0x2  }
0x2d: {  	s24 =	sadd.s32 $0x40, s24;
	s26 =	sadd.s32 $0x40, s26;
	[tilespmem:s6+$0x17A20] =	vst v0  }
0x2e: {  	s24 =	simm.s32 $0x40;
	s26 =	simm.s32 $0x0  }
.LBB2_4:
0x2f: {  	p0 =	sne.s32 s24, $0x13C0;
	[tilespmem:s26+$0x17F20] =	vst v1;
	s6 =	smov.u32 s24;
	s24 =	sadd.s32 $0x40, s24  }
.Ltmp1:
0x30: {  	(pc) =	sbr.rel @p0 .LBB2_4-.Ltmp1, $2  }
0x31: {  	_ =	sdelay $0x2  }
0x32: {  	s26 =	sshra.s32 s6, $0x2  }
0x33: {  	[tilespmem:s26+$0x17F20] =	vst v1;
	s7 =	simm.s32 $0xC620  }
0x34: {  	[spmem:s22] =	stream.linear.scatter [tilespmem:s7], [sflag:$0xE], $0x1400, $0x38;
	[tilespmem:$0x1AC20] =	vst v63  }
0x35: {  	_ =	swait.ge [sflag:s29], $0x1400  }
0x36: {  	[sflag:s29] =	ssyncset.done $0x0  }
0x37: {  	[sflag:s29] =	ssyncadd.s32 $0xFFFFEC00  }
0x38: {  	[spmem:s23] =	stream.linear.scatter [tilespmem:s30], [sflag:$0xE], $0x500, $0x38;
	[tilespmem:$0x1AC20] =	vst v63  }
0x39: {  	_ =	swait.ge [sflag:s29], $0x500  }
0x3a: {  	[sflag:s29] =	ssyncset.done $0x0  }
0x3b: {  	s6 =	rddreg [dreg:$0x6];
	[sflag:s29] =	ssyncadd.s32 $0xFFFFFB00  }
0x3c: {  	[spmem:s6] =	stream.linear.scatter [tilespmem:s7], [sflag:$0xE], $0x1400, $0x38;
	[tilespmem:$0x1AC20] =	vst v63  }
0x3d: {  	_ =	swait.ge [sflag:s29], $0x1400  }
0x3e: {  	[sflag:s29] =	ssyncset.done $0x0  }
0x3f: {  	s26 =	rddreg [dreg:$0x7];
	[sflag:s29] =	ssyncadd.s32 $0xFFFFEC00  }
0x40: {  	[spmem:s26] =	stream.linear.scatter [tilespmem:s30], [sflag:$0xE], $0x500, $0x38;
	[tilespmem:$0x1AC20] =	vst v63  }
0x41: {  	_ =	swait.ge [sflag:s29], $0x500  }
0x42: {  	[sflag:s29] =	ssyncset.done $0x0  }
0x43: {  	s28 =	rddreg [dreg:$0x8];
	[sflag:s29] =	ssyncadd.s32 $0xFFFFFB00  }
0x44: {  	[spmem:s28] =	stream.linear.scatter [tilespmem:s7], [sflag:$0xE], $0x1400, $0x38;
	[tilespmem:$0x1AC20] =	vst v63  }
0x45: {  	_ =	swait.ge [sflag:s29], $0x1400  }
0x46: {  	[sflag:s29] =	ssyncset.done $0x0  }
0x47: {  	s22 =	rddreg [dreg:$0x9];
	[sflag:s29] =	ssyncadd.s32 $0xFFFFEC00  }
0x48: {  	[spmem:s22] =	stream.linear.scatter [tilespmem:s30], [sflag:$0xE], $0x500, $0x38;
	[tilespmem:$0x1AC20] =	vst v63  }
0x49: {  	_ =	swait.ge [sflag:s29], $0x500  }
0x4a: {  	[sflag:s29] =	ssyncset.done $0x0  }
0x4b: {  	s23 =	rddreg [dreg:$0xa];
	[sflag:s29] =	ssyncadd.s32 $0xFFFFFB00  }
0x4c: {  	[spmem:s23] =	stream.linear.scatter [tilespmem:s7], [sflag:$0xE], $0x1400, $0x38;
	[tilespmem:$0x1AC20] =	vst v63  }
0x4d: {  	_ =	swait.ge [sflag:s29], $0x1400  }
0x4e: {  	[sflag:s29] =	ssyncset.done $0x0  }
0x4f: {  	s24 =	rddreg [dreg:$0xb];
	[sflag:s29] =	ssyncadd.s32 $0xFFFFEC00  }
0x50: {  	[spmem:s24] =	stream.linear.scatter [tilespmem:s30], [sflag:$0xE], $0x500, $0x38;
	[tilespmem:$0x1AC20] =	vst v63  }
0x51: {  	_ =	swait.ge [sflag:s29], $0x500  }
0x52: {  	[sflag:s29] =	ssyncset.done $0x0  }
0x53: {  	s25 =	rddreg [dreg:$0xc];
	[sflag:s29] =	ssyncadd.s32 $0xFFFFFB00  }
0x54: {  	[spmem:s25] =	stream.linear.scatter [tilespmem:s7], [sflag:$0xE], $0x1400, $0x38;
	[tilespmem:$0x1AC20] =	vst v63  }
0x55: {  	_ =	swait.ge [sflag:s29], $0x1400  }
0x56: {  	[sflag:s29] =	ssyncset.done $0x0  }
0x57: {  	s26 =	rddreg [dreg:$0xd];
	[sflag:s29] =	ssyncadd.s32 $0xFFFFEC00  }
0x58: {  	[spmem:s26] =	stream.linear.scatter [tilespmem:s30], [sflag:$0xE], $0x500, $0x38;
	[tilespmem:$0x1AC20] =	vst v63  }
0x59: {  	_ =	swait.ge [sflag:s29], $0x500  }
0x5a: {  	[sflag:s29] =	ssyncset.done $0x0  }
0x5b: {  	s28 =	rddreg [dreg:$0xe];
	[sflag:s29] =	ssyncadd.s32 $0xFFFFFB00  }
0x5c: {  	[spmem:s28] =	stream.linear.scatter [tilespmem:s7], [sflag:$0xE], $0x1400, $0x38;
	[tilespmem:$0x1AC20] =	vst v63  }
0x5d: {  	_ =	swait.ge [sflag:s29], $0x1400  }
0x5e: {  	[sflag:s29] =	ssyncset.done $0x0  }
0x5f: {  	s22 =	rddreg [dreg:$0xf];
	[sflag:s29] =	ssyncadd.s32 $0xFFFFEC00  }
0x60: {  	[spmem:s22] =	stream.linear.scatter [tilespmem:s30], [sflag:$0xE], $0x500, $0x38;
	[tilespmem:$0x1AC20] =	vst v63  }
0x61: {  	_ =	swait.ge [sflag:s29], $0x500  }
0x62: {  	[sflag:s29] =	ssyncset.done $0x0  }
0x63: {  	s23 =	rddreg [dreg:$0x10];
	[sflag:s29] =	ssyncadd.s32 $0xFFFFFB00  }
0x64: {  	[spmem:s23] =	stream.linear.scatter [tilespmem:s7], [sflag:$0xE], $0x1400, $0x38;
	[tilespmem:$0x1AC20] =	vst v63  }
0x65: {  	_ =	swait.ge [sflag:s29], $0x1400  }
0x66: {  	[sflag:s29] =	ssyncset.done $0x0  }
0x67: {  	s24 =	rddreg [dreg:$0x11];
	[sflag:s29] =	ssyncadd.s32 $0xFFFFEC00  }
0x68: {  	[spmem:s24] =	stream.linear.scatter [tilespmem:s30], [sflag:$0xE], $0x500, $0x38;
	[tilespmem:$0x1AC20] =	vst v63  }
0x69: {  	_ =	swait.ge [sflag:s29], $0x500  }
0x6a: {  	[sflag:s29] =	ssyncset.done $0x0  }
0x6b: {  	s25 =	rddreg [dreg:$0x12];
	[sflag:s29] =	ssyncadd.s32 $0xFFFFFB00  }
0x6c: {  	[spmem:s25] =	stream.linear.scatter [tilespmem:s7], [sflag:$0xE], $0x1400, $0x38;
	[tilespmem:$0x1AC20] =	vst v63  }
0x6d: {  	_ =	swait.ge [sflag:s29], $0x1400  }
0x6e: {  	[sflag:s29] =	ssyncset.done $0x0  }
0x6f: {  	s26 =	rddreg [dreg:$0x13];
	[sflag:s29] =	ssyncadd.s32 $0xFFFFEC00  }
0x70: {  	[spmem:s26] =	stream.linear.scatter [tilespmem:s30], [sflag:$0xE], $0x500, $0x38;
	[tilespmem:$0x1AC20] =	vst v63  }
0x71: {  	_ =	swait.ge [sflag:s29], $0x500  }
0x72: {  	[sflag:s29] =	ssyncset.done $0x0  }
0x73: {  	s28 =	simm.s32 $0x0;
	s23 =	rddreg [dreg:$0x14];
	[sflag:s29] =	ssyncadd.s32 $0xFFFFFB00  }
0x74: {  	[tilespmem:s28], [sflag:$0xE] =	stream.linear.gather [hbm4b:s23+s28], $0x2710, $0x38;
	[tilespmem:$0x1AC20] =	vst v63  }
0x75: {  	_ =	swait.ge [sflag:s29], $0x2710  }
0x76: {  	[sflag:s29] =	ssyncset.done $0x0  }
0x77: {  	s25 =	simm.s32 $0x2710;
	s24 =	rddreg [dreg:$0x15];
	[sflag:s29] =	ssyncadd.s32 $0xFFFFD8F0  }
0x78: {  	[tilespmem:s25], [sflag:$0xE] =	stream.linear.gather [hbm4b:s24+s28], $0x2710, $0x38;
	[tilespmem:$0x1AC20] =	vst v63  }
0x79: {  	_ =	swait.ge [sflag:s29], $0x2710  }
0x7a: {  	[sflag:s29] =	ssyncset.done $0x0  }
0x7b: {  	[sflag:s29] =	ssyncadd.s32 $0xFFFFD8F0  }
0x7c: {  	[bflag:$0x0] =	sbarrier.arrive $0xFFFF  }
0x7d: {  	[tilespmem:s31], [sflag:$0x1] =	stream.indirect.gather [hbm4b:s5+s1], $0x40, s28, s1, $0xb8;
	[tilespmem:$0x1AC20] =	vst v63  }
0x7e: {  	_ = 	snop  }
0x7f: {  	[tilespmem:s0], [sflag:$0x2] =	stream.indirect.gather [hbm4b:s5+s1], $0x40, s1, s1, $0xb8;
	[tilespmem:$0x1AC20] =	vst v63  }
0x80: {  	_ =	swait.ge [sflag:s8], $0x1400  }
0x81: {  	p0 =	por $0x0, $0x0;
	[sflag:s8] =	ssyncset.done $0x0  }
0x82: {  	s6 =	simm.s32 $0x2710;
	s24 =	simm.s32 @p0 $0xD;
	[sflag:s8] =	ssyncadd.s32 $0xFFFFEC00  }
0x83: {  	[spmem:s2] =	stream.indirect.scatter.add.f32 [tilespmem:s31], [sflag:$0x7], $0x40, s6, s1, $0xb8;
	[tilespmem:$0x1AC20] =	vst v63  }
0x84: {  	_ =	swait.ge @p0 [sflag:s24], $0x500  }
0x85: {  	[sflag:s24] =	ssyncset.done @p0 $0x0  }
0x86: {  	s26 =	simm.s32 @p0 $0x50;
	[sflag:s24] =	ssyncadd.s32 @p0 $0xFFFFFB00;
	s24 =	simm.s32 @p0 $0x17F20  }
0x87: {  	[spmem:s3] =	stream.indirect.scatter.add.f32 @p0 [tilespmem:s24], [sflag:$0xD], $0x10, s6, s26, $0xb8;
	[tilespmem:$0x1AC20] =	vst v63  }
0x88: {  	s24 =	simm.s32 @p0 $0x9  }
0x89: {  	_ =	swait.ge @p0 [sflag:s24], $0x1400  }
0x8a: {  	[sflag:s24] =	ssyncset.done @p0 $0x0  }
0x8b: {  	s26 =	simm.s32 @!p0 $0x50;
	[sflag:s24] =	ssyncadd.s32 @p0 $0xFFFFEC00;
	s24 =	simm.s32 @!p0 $0x17F20  }
0x8c: {  	[spmem:s3] =	stream.indirect.scatter.add.f32 @!p0 [tilespmem:s24], [sflag:$0xD], $0x10, s6, s26, $0xb8;
	[tilespmem:$0x1AC20] =	vst v63  }
0x8d: {  	s6 =	simm.s32 @p0 $0x280  }
0x8e: {  	s6 =	simm.s32 @!p0 $0x280  }
0x8f: {  	s6 =	sshra.s32 s6, $0x2  }
0x90: {  	[tilespmem:s9], [sflag:$0x3] =	stream.indirect.gather [hbm4b:s5+s1], $0x40, s6, s1, $0xb8;
	[tilespmem:$0x1AC20] =	vst v63  }
0x91: {  	_ =	swait.ge [sflag:s10], $0x1400  }
0x92: {  	[sflag:s10] =	ssyncset.done $0x0  }
0x93: {  	s26 =	simm.s32 $0x2760;
	[sflag:s10] =	ssyncadd.s32 $0xFFFFEC00  }
0x94: {  	[spmem:s2] =	stream.indirect.scatter.add.f32 [tilespmem:s0], [sflag:$0x8], $0x40, s26, s1, $0xb8;
	[tilespmem:$0x1AC20] =	vst v63  }
0x95: {  	_ =	swait.ge [sflag:s11], $0x500  }
0x96: {  	p0 =	por $0x1, $0x1;
	[sflag:s11] =	ssyncset.done $0x0  }
0x97: {  	s24 =	simm.s32 @!p0 $0xA;
	[sflag:s11] =	ssyncadd.s32 $0xFFFFFB00  }
0x98: {  	[spmem:s3] =	stream.indirect.scatter.add.f32 [tilespmem:s12], [sflag:$0xD], $0x10, s26, s1, $0xb8;
	[tilespmem:$0x1AC20] =	vst v63  }
0x99: {  	_ =	swait.ge @!p0 [sflag:s24], $0x1400  }
0x9a: {  	[sflag:s24] =	ssyncset.done @!p0 $0x0  }
0x9b: {  	s28 =	simm.s32 $0xF0;
	[sflag:s24] =	ssyncadd.s32 @!p0 $0xFFFFEC00  }
0x9c: {  	[tilespmem:s13], [sflag:$0x4] =	stream.indirect.gather [hbm4b:s5+s1], $0x40, s28, s1, $0xb8;
	[tilespmem:$0x1AC20] =	vst v63  }
0x9d: {  	_ =	swait.ge [sflag:s14], $0x1400  }
0x9e: {  	[sflag:s14] =	ssyncset.done $0x0  }
0x9f: {  	s6 =	sadd.s32 $0x2710, s6;
	[sflag:s14] =	ssyncadd.s32 $0xFFFFEC00  }
0xa0: {  	[spmem:s2] =	stream.indirect.scatter.add.f32 [tilespmem:s9], [sflag:$0x9], $0x40, s6, s1, $0xb8;
	[tilespmem:$0x1AC20] =	vst v63  }
0xa1: {  	_ =	swait.ge [sflag:s11], $0x500  }
0xa2: {  	[sflag:s11] =	ssyncset.done $0x0  }
0xa3: {  	s24 =	simm.s32 @!p0 $0xB;
	[sflag:s11] =	ssyncadd.s32 $0xFFFFFB00  }
0xa4: {  	[spmem:s3] =	stream.indirect.scatter.add.f32 [tilespmem:s12], [sflag:$0xD], $0x10, s6, s1, $0xb8;
	[tilespmem:$0x1AC20] =	vst v63  }
0xa5: {  	_ =	swait.ge @!p0 [sflag:s24], $0x1400  }
0xa6: {  	[sflag:s24] =	ssyncset.done @!p0 $0x0  }
0xa7: {  	s7 =	simm.s32 $0x140;
	[sflag:s24] =	ssyncadd.s32 @!p0 $0xFFFFEC00  }
0xa8: {  	[tilespmem:s15], [sflag:$0x5] =	stream.indirect.gather [hbm4b:s5+s1], $0x40, s7, s1, $0xb8;
	[tilespmem:$0x1AC20] =	vst v63  }
0xa9: {  	_ =	swait.ge [sflag:s16], $0x1400  }
0xaa: {  	[sflag:s16] =	ssyncset.done $0x0  }
0xab: {  	s22 =	simm.s32 $0x2800;
	[sflag:s16] =	ssyncadd.s32 $0xFFFFEC00  }
0xac: {  	[spmem:s2] =	stream.indirect.scatter.add.f32 [tilespmem:s13], [sflag:$0xA], $0x40, s22, s1, $0xb8;
	[tilespmem:$0x1AC20] =	vst v63  }
0xad: {  	_ =	swait.ge [sflag:s11], $0x500  }
0xae: {  	[sflag:s11] =	ssyncset.done $0x0  }
0xaf: {  	s24 =	simm.s32 @!p0 $0xC;
	[sflag:s11] =	ssyncadd.s32 $0xFFFFFB00  }
0xb0: {  	[spmem:s3] =	stream.indirect.scatter.add.f32 [tilespmem:s12], [sflag:$0xD], $0x10, s22, s1, $0xb8;
	[tilespmem:$0x1AC20] =	vst v63  }
0xb1: {  	_ =	swait.ge @!p0 [sflag:s24], $0x1400  }
0xb2: {  	[sflag:s24] =	ssyncset.done @!p0 $0x0  }
0xb3: {  	s23 =	simm.s32 $0x190;
	[sflag:s24] =	ssyncadd.s32 @!p0 $0xFFFFEC00  }
0xb4: {  	[tilespmem:s17], [sflag:$0x6] =	stream.indirect.gather [hbm4b:s5+s1], $0x40, s23, s1, $0xb8;
	[tilespmem:$0x1AC20] =	vst v63  }
0xb5: {  	_ =	swait.ge [sflag:s18], $0x1400  }
0xb6: {  	[sflag:s18] =	ssyncset.done $0x0  }
0xb7: {  	s25 =	simm.s32 $0x2850;
	[sflag:s18] =	ssyncadd.s32 $0xFFFFEC00  }
0xb8: {  	[spmem:s2] =	stream.indirect.scatter.add.f32 [tilespmem:s15], [sflag:$0xB], $0x40, s25, s1, $0xb8;
	[tilespmem:$0x1AC20] =	vst v63  }
0xb9: {  	_ =	swait.ge [sflag:s11], $0x500  }
0xba: {  	[sflag:s11] =	ssyncset.done $0x0  }
0xbb: {  	[sflag:s11] =	ssyncadd.s32 $0xFFFFFB00  }
0xbc: {  	[spmem:s3] =	stream.indirect.scatter.add.f32 [tilespmem:s12], [sflag:$0xD], $0x10, s25, s1, $0xb8;
	[tilespmem:$0x1AC20] =	vst v63  }
0xbd: {  	_ =	swait.ge [sflag:s19], $0x1400  }
0xbe: {  	[sflag:s19] =	ssyncset.done $0x0  }
0xbf: {  	s26 =	simm.s32 $0x1E0;
	[sflag:s19] =	ssyncadd.s32 $0xFFFFEC00  }
0xc0: {  	[tilespmem:s31], [sflag:$0x1] =	stream.indirect.gather [hbm4b:s5+s1], $0x40, s26, s1, $0xb8;
	[tilespmem:$0x1AC20] =	vst v63  }
0xc1: {  	_ =	swait.ge [sflag:s20], $0x1400  }
0xc2: {  	[sflag:s20] =	ssyncset.done $0x0  }
0xc3: {  	s28 =	simm.s32 $0x28A0;
	[sflag:s20] =	ssyncadd.s32 $0xFFFFEC00  }
0xc4: {  	[spmem:s2] =	stream.indirect.scatter.add.f32 [tilespmem:s17], [sflag:$0xC], $0x40, s28, s1, $0xb8;
	[tilespmem:$0x1AC20] =	vst v63  }
0xc5: {  	_ =	swait.ge [sflag:s11], $0x500  }
0xc6: {  	[sflag:s11] =	ssyncset.done $0x0  }
0xc7: {  	[sflag:s11] =	ssyncadd.s32 $0xFFFFFB00  }
0xc8: {  	[spmem:s3] =	stream.indirect.scatter.add.f32 [tilespmem:s12], [sflag:$0xD], $0x10, s28, s1, $0xb8;
	[tilespmem:$0x1AC20] =	vst v63  }
0xc9: {  	_ =	swait.ge [sflag:s21], $0x1400  }
0xca: {  	s24 =	simm.s32 $0x230;
	s26 =	simm.s32 $0x780;
	[sflag:s21] =	ssyncset.done $0x0  }
.LBB2_6:
0xcb: {  	[sflag:s21] =	ssyncadd.s32 $0xFFFFEC00;
	s6 =	smov.u32 s26;
	s26 =	sadd.s32 $0x780, s26  }
0xcc: {  	[tilespmem:s0], [sflag:$0x2] =	stream.indirect.gather [hbm4b:s5+s1], $0x40, s24, s1, $0xb8;
	[tilespmem:$0x1AC20] =	vst v63  }
0xcd: {  	s24 =	sshra.s32 s6, $0x2;
	p0 =	sne.s32 s26, $0x9600;
	_ =	swait.ge [sflag:s8], $0x1400  }
0xce: {  	p1 =	sne.s32 s6, $0x0;
	s7 =	sadd.s32 $0x2710, s24;
	[sflag:s8] =	ssyncset.done $0x0  }
0xcf: {  	s23 =	simm.s32 @p1 $0xD;
	s25 =	sadd.s32 @p1 $0x280, s6;
	[sflag:s8] =	ssyncadd.s32 $0xFFFFEC00  }
0xd0: {  	[spmem:s2] =	stream.indirect.scatter.add.f32 [tilespmem:s31], [sflag:$0x7], $0x40, s7, s1, $0xb8;
	[tilespmem:$0x1AC20] =	vst v63  }
0xd1: {  	s25 =	simm.s32 @!p1 $0x280;
	_ =	swait.ge @p1 [sflag:s23], $0x500  }
0xd2: {  	s22 =	simm.s32 @p1 $0x50;
	s28 =	simm.s32 @p1 $0x17F20;
	[sflag:s23] =	ssyncset.done @p1 $0x0  }
0xd3: {  	[sflag:s23] =	ssyncadd.s32 @p1 $0xFFFFFB00;
	s23 =	simm.s32 @p1 $0x9  }
0xd4: {  	[spmem:s3] =	stream.indirect.scatter.add.f32 @p1 [tilespmem:s28], [sflag:$0xD], $0x10, s7, s22, $0xb8;
	[tilespmem:$0x1AC20] =	vst v63  }
0xd5: {  	_ =	swait.ge @p1 [sflag:s23], $0x1400  }
0xd6: {  	s22 =	simm.s32 @!p1 $0x50;
	s28 =	simm.s32 @!p1 $0x17F20;
	[sflag:s23] =	ssyncset.done @p1 $0x0  }
0xd7: {  	[sflag:s23] =	ssyncadd.s32 @p1 $0xFFFFEC00;
	s23 =	sshra.s32 s25, $0x2  }
0xd8: {  	[spmem:s3] =	stream.indirect.scatter.add.f32 @!p1 [tilespmem:s28], [sflag:$0xD], $0x10, s7, s22, $0xb8;
	[tilespmem:$0x1AC20] =	vst v63  }
0xd9: {  	_ = 	snop  }
0xda: {  	[tilespmem:s9], [sflag:$0x3] =	stream.indirect.gather [hbm4b:s5+s1], $0x40, s23, s1, $0xb8;
	[tilespmem:$0x1AC20] =	vst v63  }
0xdb: {  	_ =	swait.ge [sflag:s10], $0x1400  }
0xdc: {  	s7 =	sadd.s32 $0x2760, s24;
	[sflag:s10] =	ssyncset.done $0x0  }
0xdd: {  	[sflag:s10] =	ssyncadd.s32 $0xFFFFEC00  }
0xde: {  	[spmem:s2] =	stream.indirect.scatter.add.f32 [tilespmem:s0], [sflag:$0x8], $0x40, s7, s1, $0xb8;
	[tilespmem:$0x1AC20] =	vst v63  }
0xdf: {  	_ =	swait.ge [sflag:s11], $0x500  }
0xe0: {  	p1 =	seq.s32 s6, $0x0;
	[sflag:s11] =	ssyncset.done $0x0  }
0xe1: {  	s6 =	simm.s32 @!p1 $0xA;
	[sflag:s11] =	ssyncadd.s32 $0xFFFFFB00  }
0xe2: {  	[spmem:s3] =	stream.indirect.scatter.add.f32 [tilespmem:s12], [sflag:$0xD], $0x10, s7, s1, $0xb8;
	[tilespmem:$0x1AC20] =	vst v63  }
0xe3: {  	_ =	swait.ge @!p1 [sflag:s6], $0x1400  }
0xe4: {  	s7 =	sadd.s32 $0xF0, s24;
	[sflag:s6] =	ssyncset.done @!p1 $0x0  }
0xe5: {  	[sflag:s6] =	ssyncadd.s32 @!p1 $0xFFFFEC00  }
0xe6: {  	[tilespmem:s13], [sflag:$0x4] =	stream.indirect.gather [hbm4b:s5+s1], $0x40, s7, s1, $0xb8;
	[tilespmem:$0x1AC20] =	vst v63  }
0xe7: {  	_ =	swait.ge [sflag:s14], $0x1400  }
0xe8: {  	s6 =	sadd.s32 $0x2710, s23;
	[sflag:s14] =	ssyncset.done $0x0  }
0xe9: {  	[sflag:s14] =	ssyncadd.s32 $0xFFFFEC00  }
0xea: {  	[spmem:s2] =	stream.indirect.scatter.add.f32 [tilespmem:s9], [sflag:$0x9], $0x40, s6, s1, $0xb8;
	[tilespmem:$0x1AC20] =	vst v63  }
0xeb: {  	_ =	swait.ge [sflag:s11], $0x500  }
0xec: {  	[sflag:s11] =	ssyncset.done $0x0  }
0xed: {  	s7 =	simm.s32 @!p1 $0xB;
	[sflag:s11] =	ssyncadd.s32 $0xFFFFFB00  }
0xee: {  	[spmem:s3] =	stream.indirect.scatter.add.f32 [tilespmem:s12], [sflag:$0xD], $0x10, s6, s1, $0xb8;
	[tilespmem:$0x1AC20] =	vst v63  }
0xef: {  	_ =	swait.ge @!p1 [sflag:s7], $0x1400  }
0xf0: {  	s6 =	sadd.s32 $0x140, s24;
	[sflag:s7] =	ssyncset.done @!p1 $0x0  }
0xf1: {  	[sflag:s7] =	ssyncadd.s32 @!p1 $0xFFFFEC00  }
0xf2: {  	[tilespmem:s15], [sflag:$0x5] =	stream.indirect.gather [hbm4b:s5+s1], $0x40, s6, s1, $0xb8;
	[tilespmem:$0x1AC20] =	vst v63  }
0xf3: {  	_ =	swait.ge [sflag:s16], $0x1400  }
0xf4: {  	s6 =	sadd.s32 $0x2800, s24;
	[sflag:s16] =	ssyncset.done $0x0  }
0xf5: {  	[sflag:s16] =	ssyncadd.s32 $0xFFFFEC00  }
0xf6: {  	[spmem:s2] =	stream.indirect.scatter.add.f32 [tilespmem:s13], [sflag:$0xA], $0x40, s6, s1, $0xb8;
	[tilespmem:$0x1AC20] =	vst v63  }
0xf7: {  	_ =	swait.ge [sflag:s11], $0x500  }
0xf8: {  	[sflag:s11] =	ssyncset.done $0x0  }
0xf9: {  	s7 =	simm.s32 @!p1 $0xC;
	[sflag:s11] =	ssyncadd.s32 $0xFFFFFB00  }
0xfa: {  	[spmem:s3] =	stream.indirect.scatter.add.f32 [tilespmem:s12], [sflag:$0xD], $0x10, s6, s1, $0xb8;
	[tilespmem:$0x1AC20] =	vst v63  }
0xfb: {  	_ =	swait.ge @!p1 [sflag:s7], $0x1400  }
0xfc: {  	s6 =	sadd.s32 $0x190, s24;
	[sflag:s7] =	ssyncset.done @!p1 $0x0  }
0xfd: {  	[sflag:s7] =	ssyncadd.s32 @!p1 $0xFFFFEC00  }
0xfe: {  	[tilespmem:s17], [sflag:$0x6] =	stream.indirect.gather [hbm4b:s5+s1], $0x40, s6, s1, $0xb8;
	[tilespmem:$0x1AC20] =	vst v63  }
0xff: {  	_ =	swait.ge [sflag:s18], $0x1400  }
0x100: {  	s6 =	sadd.s32 $0x2850, s24;
	[sflag:s18] =	ssyncset.done $0x0  }
0x101: {  	[sflag:s18] =	ssyncadd.s32 $0xFFFFEC00  }
0x102: {  	[spmem:s2] =	stream.indirect.scatter.add.f32 [tilespmem:s15], [sflag:$0xB], $0x40, s6, s1, $0xb8;
	[tilespmem:$0x1AC20] =	vst v63  }
0x103: {  	_ =	swait.ge [sflag:s11], $0x500  }
0x104: {  	[sflag:s11] =	ssyncset.done $0x0  }
0x105: {  	[sflag:s11] =	ssyncadd.s32 $0xFFFFFB00  }
0x106: {  	[spmem:s3] =	stream.indirect.scatter.add.f32 [tilespmem:s12], [sflag:$0xD], $0x10, s6, s1, $0xb8;
	[tilespmem:$0x1AC20] =	vst v63  }
0x107: {  	_ =	swait.ge [sflag:s19], $0x1400  }
0x108: {  	s6 =	sadd.s32 $0x1E0, s24;
	[sflag:s19] =	ssyncset.done $0x0  }
0x109: {  	[sflag:s19] =	ssyncadd.s32 $0xFFFFEC00  }
0x10a: {  	[tilespmem:s31], [sflag:$0x1] =	stream.indirect.gather [hbm4b:s5+s1], $0x40, s6, s1, $0xb8;
	[tilespmem:$0x1AC20] =	vst v63  }
0x10b: {  	_ =	swait.ge [sflag:s20], $0x1400  }
0x10c: {  	s6 =	sadd.s32 $0x28A0, s24;
	[sflag:s20] =	ssyncset.done $0x0  }
0x10d: {  	[sflag:s20] =	ssyncadd.s32 $0xFFFFEC00  }
0x10e: {  	[spmem:s2] =	stream.indirect.scatter.add.f32 [tilespmem:s17], [sflag:$0xC], $0x40, s6, s1, $0xb8;
	[tilespmem:$0x1AC20] =	vst v63  }
0x10f: {  	_ =	swait.ge [sflag:s11], $0x500  }
.Ltmp2:
0x110: {  	[sflag:s11] =	ssyncset.done $0x0;
	(pc) =	sbr.rel @p0 .LBB2_6-.Ltmp2, $4  }
0x111: {  	[sflag:s11] =	ssyncadd.s32 $0xFFFFFB00  }
0x112: {  	[spmem:s3] =	stream.indirect.scatter.add.f32 [tilespmem:s12], [sflag:$0xD], $0x10, s6, s1, $0xb8;
	[tilespmem:$0x1AC20] =	vst v63  }
0x113: {  	_ =	swait.ge [sflag:s21], $0x1400  }
0x114: {  	s24 =	sadd.s32 $0x230, s24;
	[sflag:s21] =	ssyncset.done $0x0  }
0x115: {  	[sflag:s21] =	ssyncadd.s32 $0xFFFFEC00  }
0x116: {  	[tilespmem:s0], [sflag:$0x2] =	stream.indirect.gather [hbm4b:s5+s1], $0x40, s24, s1, $0xb8;
	[tilespmem:$0x1AC20] =	vst v63  }
0x117: {  	_ =	swait.ge [sflag:s8], $0x1400  }
0x118: {  	[sflag:s8] =	ssyncset.done $0x0  }
0x119: {  	s6 =	simm.s32 $0x4C90;
	[sflag:s8] =	ssyncadd.s32 $0xFFFFEC00  }
0x11a: {  	[spmem:s2] =	stream.indirect.scatter.add.f32 [tilespmem:s31], [sflag:$0x7], $0x40, s6, s1, $0xb8;
	[tilespmem:$0x1AC20] =	vst v63  }
0x11b: {  	_ =	swait.ge [sflag:s11], $0x500  }
0x11c: {  	[sflag:s11] =	ssyncset.done $0x0  }
0x11d: {  	[sflag:s11] =	ssyncadd.s32 $0xFFFFFB00  }
0x11e: {  	[spmem:s3] =	stream.indirect.scatter.add.f32 [tilespmem:s12], [sflag:$0xD], $0x10, s6, s1, $0xb8;
	[tilespmem:$0x1AC20] =	vst v63  }
0x11f: {  	s6 =	simm.s32 $0x9  }
0x120: {  	_ =	swait.ge [sflag:s6], $0x1400  }
0x121: {  	[sflag:s6] =	ssyncset.done $0x0  }
0x122: {  	s7 =	simm.s32 $0x2620;
	[sflag:s6] =	ssyncadd.s32 $0xFFFFEC00  }
0x123: {  	[tilespmem:s9], [sflag:$0x3] =	stream.indirect.gather [hbm4b:s5+s1], $0x40, s7, s1, $0xb8;
	[tilespmem:$0x1AC20] =	vst v63  }
0x124: {  	_ =	swait.ge [sflag:s10], $0x1400  }
0x125: {  	[sflag:s10] =	ssyncset.done $0x0  }
0x126: {  	s22 =	simm.s32 $0x4CE0;
	[sflag:s10] =	ssyncadd.s32 $0xFFFFEC00  }
0x127: {  	[spmem:s2] =	stream.indirect.scatter.add.f32 [tilespmem:s0], [sflag:$0x8], $0x40, s22, s1, $0xb8;
	[tilespmem:$0x1AC20] =	vst v63  }
0x128: {  	_ =	swait.ge [sflag:s11], $0x500  }
0x129: {  	[sflag:s11] =	ssyncset.done $0x0  }
0x12a: {  	s7 =	simm.s32 $0xA;
	[sflag:s11] =	ssyncadd.s32 $0xFFFFFB00  }
0x12b: {  	[spmem:s3] =	stream.indirect.scatter.add.f32 [tilespmem:s12], [sflag:$0xD], $0x10, s22, s1, $0xb8;
	[tilespmem:$0x1AC20] =	vst v63  }
0x12c: {  	_ =	swait.ge [sflag:s7], $0x1400  }
0x12d: {  	[sflag:s7] =	ssyncset.done $0x0  }
0x12e: {  	s22 =	simm.s32 $0x2670;
	[sflag:s7] =	ssyncadd.s32 $0xFFFFEC00  }
0x12f: {  	[tilespmem:s13], [sflag:$0x4] =	stream.indirect.gather [hbm4b:s5+s1], $0x40, s22, s1, $0xb8;
	[tilespmem:$0x1AC20] =	vst v63  }
0x130: {  	_ =	swait.ge [sflag:s14], $0x1400  }
0x131: {  	[sflag:s14] =	ssyncset.done $0x0  }
0x132: {  	s23 =	simm.s32 $0x4D30;
	[sflag:s14] =	ssyncadd.s32 $0xFFFFEC00  }
0x133: {  	[spmem:s2] =	stream.indirect.scatter.add.f32 [tilespmem:s9], [sflag:$0x9], $0x40, s23, s1, $0xb8;
	[tilespmem:$0x1AC20] =	vst v63  }
0x134: {  	_ =	swait.ge [sflag:s11], $0x500  }
0x135: {  	[sflag:s11] =	ssyncset.done $0x0  }
0x136: {  	s24 =	simm.s32 $0xB;
	[sflag:s11] =	ssyncadd.s32 $0xFFFFFB00  }
0x137: {  	[spmem:s3] =	stream.indirect.scatter.add.f32 [tilespmem:s12], [sflag:$0xD], $0x10, s23, s1, $0xb8;
	[tilespmem:$0x1AC20] =	vst v63  }
0x138: {  	_ =	swait.ge [sflag:s24], $0x1400  }
0x139: {  	[sflag:s24] =	ssyncset.done $0x0  }
0x13a: {  	s23 =	simm.s32 $0x26C0;
	[sflag:s24] =	ssyncadd.s32 $0xFFFFEC00  }
0x13b: {  	[tilespmem:s15], [sflag:$0x5] =	stream.indirect.gather [hbm4b:s5+s1], $0x40, s23, s1, $0xb8;
	[tilespmem:$0x1AC20] =	vst v63  }
0x13c: {  	_ =	swait.ge [sflag:s16], $0x1400  }
0x13d: {  	[sflag:s16] =	ssyncset.done $0x0  }
0x13e: {  	s25 =	simm.s32 $0x4D80;
	[sflag:s16] =	ssyncadd.s32 $0xFFFFEC00  }
0x13f: {  	[spmem:s2] =	stream.indirect.scatter.add.f32 [tilespmem:s13], [sflag:$0xA], $0x40, s25, s1, $0xb8;
	[tilespmem:$0x1AC20] =	vst v63  }
0x140: {  	_ =	swait.ge [sflag:s11], $0x500  }
0x141: {  	[sflag:s11] =	ssyncset.done $0x0  }
0x142: {  	[sflag:s11] =	ssyncadd.s32 $0xFFFFFB00  }
0x143: {  	[spmem:s3] =	stream.indirect.scatter.add.f32 [tilespmem:s12], [sflag:$0xD], $0x10, s25, s1, $0xb8;
	[tilespmem:$0x1AC20] =	vst v63  }
0x144: {  	_ =	swait.ge [sflag:s18], $0x1400  }
0x145: {  	[sflag:s18] =	ssyncset.done $0x0  }
0x146: {  	s26 =	simm.s32 $0x4DD0;
	[sflag:s18] =	ssyncadd.s32 $0xFFFFEC00  }
0x147: {  	[spmem:s2] =	stream.indirect.scatter.add.f32 [tilespmem:s15], [sflag:$0xB], $0x40, s26, s1, $0xb8;
	[tilespmem:$0x1AC20] =	vst v63  }
0x148: {  	_ =	swait.ge [sflag:s11], $0x500  }
0x149: {  	[sflag:s11] =	ssyncset.done $0x0  }
0x14a: {  	s28 =	simm.s32 $0xC;
	[sflag:s11] =	ssyncadd.s32 $0xFFFFFB00  }
0x14b: {  	[spmem:s3] =	stream.indirect.scatter.add.f32 [tilespmem:s12], [sflag:$0xD], $0x10, s26, s1, $0xb8;
	[tilespmem:$0x1AC20] =	vst v63  }
0x14c: {  	_ =	swait.ge [sflag:s28], $0x1400  }
0x14d: {  	[sflag:s28] =	ssyncset.done $0x0  }
0x14e: {  	[sflag:s28] =	ssyncadd.s32 $0xFFFFEC00  }
0x14f: {  	_ =	swait.ge [sflag:s19], $0x1400  }
0x150: {  	[sflag:s19] =	ssyncset.done $0x0  }
0x151: {  	[sflag:s19] =	ssyncadd.s32 $0xFFFFEC00  }
0x152: {  	_ =	swait.ge [sflag:s21], $0x1400  }
0x153: {  	[sflag:s21] =	ssyncset.done $0x0  }
0x154: {  	[sflag:s21] =	ssyncadd.s32 $0xFFFFEC00  }
0x155: {  	_ =	swait.ge [sflag:s6], $0x1400  }
0x156: {  	[sflag:s6] =	ssyncset.done $0x0  }
0x157: {  	[sflag:s6] =	ssyncadd.s32 $0xFFFFEC00  }
0x158: {  	_ =	swait.ge [sflag:s7], $0x1400  }
0x159: {  	[sflag:s7] =	ssyncset.done $0x0  }
0x15a: {  	[sflag:s7] =	ssyncadd.s32 $0xFFFFEC00  }
0x15b: {  	_ =	swait.ge [sflag:s24], $0x1400  }
0x15c: {  	[sflag:s24] =	ssyncset.done $0x0  }
0x15d: {  	[sflag:s24] =	ssyncadd.s32 $0xFFFFEC00  }
0x15e: {  	_ =	swait.ge [sflag:s11], $0x500  }
0x15f: {  	[sflag:s11] =	ssyncset.done $0x0  }
0x160: {  	[sflag:s11] =	ssyncadd.s32 $0xFFFFFB00  }
0x161: {  	s22 =	stileid.u32;
	[bflag:$0x0] =	sbarrier.arrive $0xFFFF  }
0x162: {  	s6 =	sshll.u32 s22, $0x6;
	s22 =	rddreg [dreg:$0x4]  }
0x163: {  	s6 =	sor.u32 $0x1C0E, s6;
	s24 =	rddreg [dreg:$0x16];
	s23 =	sshrl.u32 s22, $0x3  }
0x164: {  	[hbm:s24], [sflag:s6] =	dma.local [spmem:s23], $0x1400  }
0x165: {  	_ =	swait.ge [sflag:s29], $0x1400  }
0x166: {  	[sflag:s29] =	ssyncset.done $0x0;
	s23 =	rddreg [dreg:$0x5]  }
0x167: {  	s26 =	rddreg [dreg:$0x17];
	[sflag:s29] =	ssyncadd.s32 $0xFFFFEC00;
	s25 =	sshrl.u32 s23, $0x3  }
0x168: {  	[hbm:s26], [sflag:s6] =	dma.local [spmem:s25], $0x500  }
0x169: {  	_ =	swait.ge [sflag:s29], $0x500  }
0x16a: {  	s4 =	sadd.s32 $0x1, s4;
	s28 =	rddreg [dreg:$0x18]  }
0x16b: {  	p0 =	sne.s32 s4, s28  }
.Ltmp3:
0x16c: {  	_ = 	snop;
	(pc) =	sbr.rel @p0 .LBB2_1-.Ltmp3, $3  }
0x16d: {  	_ =	sdelay $0x1  }
0x16e: {  	[sflag:s29] =	ssyncset.done $0x0  }
0x16f: {  	[sflag:s29] =	ssyncadd.s32 $0xFFFFFB00  }
0x170: {  	_ =	sfence.sel $0x180000  }
0x171: {  	[bflag:$0x0] =	sbarrier.arrive $0xFFFF  }
0x172: {  	_ =	strace $0x90000047  }
0x173: {  	s0 =	stileid.u32;
	[bflag:$0x2] =	sbarrier.arrive $0xFFFF  }
0x174: {  	p0 =	sne.s32 s0, $0x0;
	s0 =	rddreg [dreg:$0x3]  }
0x175: {  	s0 =	sadd.s32 @!p0 $0x100000, s0  }
0x176: {  	[sflag:s0] =	ssyncadd.tile.s32 @!p0 $0x1;
	_ =	shalt  }
.Lfunc_end2:
_tile_overlayer_lowered:
.L_overlay_start_2:
0x177: {  	(tag) =	ssettag $0x2  }
0x178: {  	s0 =	rddreg [dreg:$0x0];
	s2 =	stileid.u32  }
0x179: {  	s1 =	rddreg [dreg:$0x1];
	p0 =	sne.s32 s2, $0x0  }
0x17a: {  	s3 =	rddreg [dreg:$0x2];
	[bflag:$0x3] =	sbarrier.arrive $0xFFFF;
	s2 =	simm.s32 @!p0 $0x1C0E  }
0x17b: {  	[timem:s3], [sflag:s2] =	dma.local @!p0 [hbm:s0], s1  }
0x17c: {  	s0 =	simm.s32 @!p0 $0xE  }
0x17d: {  	_ =	swait.ge @!p0 [sflag:s0], s1  }
0x17e: {  	s1 =	ssub.s32 @!p0 $0x0, s1;
	[sflag:s0] =	ssyncset.done @!p0 $0x0  }
0x17f: {  	[sflag:s0] =	ssyncadd.s32 @!p0 s1  }
0x180: {  	[bflag:$0x3] =	sbarrier.arrive $0xFFFF  }
0x181: {  	_ =	shalt  }

// kernel: kernel.13.cloned.1.call-start
scs
__scs_entry_jumppad:
0x0: {  	(pc) =	sbr.rel $0x88, $3  }
0x1: {  	(tag) =	ssettag $0x0;
	lr =	simm.s32 $0x1  }
0x2: {  	[smem:$0x3F86] =	sst lr;
	_ =	strace $0xD0000000  }
0x3: {  	_ = 	snop  }
0x4: {  	_ = 	snop  }
0x5: {  	_ = 	snop  }
0x6: {  	_ = 	snop  }
0x7: {  	_ = 	snop  }
__scs_overlays_trampoline_lowered:
0x8: {  	[smem:$0x3F95] =	sst s0  }
0x9: {  	[smem:$0x3F96] =	sst s1  }
0xa: {  	[smem:$0x3F97] =	sst s2  }
0xb: {  	[smem:$0x3F98] =	sst s3  }
0xc: {  	[smem:$0x3F99] =	sst s4  }
0xd: {  	[smem:$0x3F9A] =	sst s5  }
0xe: {  	[smem:$0x3F9B] =	sst s6  }
0xf: {  	[smem:$0x3F9C] =	sst s7  }
0x10: {  	[smem:$0x3F9D] =	sst s8  }
0x11: {  	[smem:$0x3F9E] =	sst s9;
	s0 =	simm.s32 @!p0 $0x0  }
0x12: {  	s1 =	sld [smem:$0x3F84];
	s0 =	simm.s32 @p0 $0x1  }
0x13: {  	[smem:$0x3F9F] =	sst s0;
	s0 =	simm.s32 @!p1 $0x0  }
0x14: {  	s2 =	sld [smem:$0x3F83];
	s0 =	simm.s32 @p1 $0x1  }
0x15: {  	[smem:$0x3FA0] =	sst s0;
	s0 =	simm.s32 @!p2 $0x0  }
0x16: {  	s3 =	sld [smem:$0x3FDB];
	s0 =	simm.s32 @p2 $0x1  }
0x17: {  	s4 =	simm.s32 $0x1BF5;
	[smem:$0x3FA2] =	sst s0  }
0x18: {  	s0 =	sld [smem:$0x3F85];
	_ =	swait.ge [sflag:s4], $0x0  }
0x19: {  	s7 =	sld [smem:$0x3F86]  }
0x1a: {  	s8 =	sadd.s32 $0xFFFFE003, lr  }
0x1b: {  	s9 =	sadd.s32 $0xFFFFFEF7, lr;
	s5 =	simm.s32 $0xFFFFFFFF;
	p2 =	slt.u32 s8, $0xFFFFF086  }
0x1c: {  	p1 =	slt.u32 s9, $0xF7A;
	s5 =	simm.s32 @!p2 $0x0  }
0x1d: {  	s5 =	simm.s32 @p1 $0x1;
	p0 =	seq.s32 s7, s2  }
0x1e: {  	s7 =	smul.u32 @!p0 $0xF7A, s2;
	p2 =	seq.s32 @!p0 s5, $0x0  }
0x1f: {  	s9 =	smul.u32 $0xF7A, s1;
	s8 =	simm.s32 @!p0 $0x1BF5;
	p2 =	por !p2, p0  }
0x20: {  	[sflag:s8] =	ssyncset.s32 @!p0 $0xFFFFF086;
	s6 =	sadd.s32 @!p0 s3, s7;
	s7 =	simm.s32 @!p0 $0x108  }
0x21: {  	s3 =	sadd.s32 s3, s9;
	s6 =	sadd.s32 @!p0 $0x88, s6;
	s7 =	simm.s32 @p2 $0x1082  }
0x22: {  	[simem:s7], [sflag:s8] =	dma.local @!p0 [hbm:s6], $0xF7A  }
0x23: {  	s9 =	sor.u32 $0xD0000000, s2;
	s6 =	simm.s32 $0x108;
	_ =	swait.ge @!p0 [sflag:s8], $0x0  }
0x24: {  	s3 =	sadd.s32 $0x88, s3;
	s6 =	simm.s32 @!p1 $0x1082;
	[sflag:s4] =	ssyncset.s32 $0xFFFFF086  }
0x25: {  	[simem:s6], [sflag:s4] =	dma.local [hbm:s3], $0xF7A  }
0x26: {  	[smem:$0x3F86] =	sst s1;
	(tag) =	ssettag s2;
	_ =	strace s9  }
0x27: {  	s1 =	sld [smem:$0x3F96]  }
0x28: {  	s2 =	sld [smem:$0x3F97]  }
0x29: {  	s4 =	sld [smem:$0x3F99]  }
0x2a: {  	p0 =	seq.s32 s5, $0x0;
	s5 =	sld [smem:$0x3F9A]  }
0x2b: {  	s6 =	sld [smem:$0x3F9B]  }
0x2c: {  	s7 =	sld [smem:$0x3F9C]  }
0x2d: {  	s3 =	simm.s32 $0x108;
	s8 =	sld [smem:$0x3F9D]  }
0x2e: {  	s3 =	simm.s32 @!p0 $0x1082;
	s9 =	sld [smem:$0x3F9E]  }
0x2f: {  	lr =	sadd.s32 s0, s3;
	s0 =	sld [smem:$0x3F95]  }
0x30: {  	s3 =	sld [smem:$0x3F98]  }
0x31: {  	[smem:$0x3FA1] =	sst s10  }
0x32: {  	s10 =	sld [smem:$0x3F9F];
	_ =	sdelay $0x3  }
0x33: {  	p0 =	seq.s32 s10, $0x1;
	s10 =	sld [smem:$0x3FA1];
	_ =	sdelay $0x3  }
0x34: {  	[smem:$0x3FA1] =	sst s10  }
0x35: {  	s10 =	sld [smem:$0x3FA0];
	_ =	sdelay $0x3  }
0x36: {  	p1 =	seq.s32 s10, $0x1;
	s10 =	sld [smem:$0x3FA1];
	_ =	sdelay $0x3  }
0x37: {  	[smem:$0x3FA1] =	sst s10  }
0x38: {  	s10 =	sld [smem:$0x3FA2]  }
0x39: {  	_ = 	snop;
	(pc) =	sbr.ind lr, $3  }
0x3a: {  	_ = 	snop  }
0x3b: {  	_ = 	snop  }
0x3c: {  	p2 =	seq.s32 s10, $0x1;
	s10 =	sld [smem:$0x3FA1]  }
0x3d: {  	_ =	shalt  }
0x3e: {  	_ =	shalt  }
0x3f: {  	_ =	shalt  }
0x40: {  	_ =	shalt  }
0x41: {  	_ =	shalt  }
0x42: {  	_ =	shalt  }
0x43: {  	_ =	shalt  }
0x44: {  	_ =	shalt  }
0x45: {  	_ =	shalt  }
0x46: {  	_ =	shalt  }
0x47: {  	_ =	shalt  }
0x48: {  	_ =	shalt  }
0x49: {  	_ =	shalt  }
0x4a: {  	_ =	shalt  }
0x4b: {  	_ =	shalt  }
0x4c: {  	_ =	shalt  }
0x4d: {  	_ =	shalt  }
0x4e: {  	_ =	shalt  }
0x4f: {  	_ =	shalt  }
0x50: {  	_ =	shalt  }
0x51: {  	_ =	shalt  }
0x52: {  	_ =	shalt  }
0x53: {  	_ =	shalt  }
0x54: {  	_ =	shalt  }
0x55: {  	_ =	shalt  }
0x56: {  	_ =	shalt  }
0x57: {  	_ =	shalt  }
0x58: {  	_ =	shalt  }
0x59: {  	_ =	shalt  }
0x5a: {  	_ =	shalt  }
0x5b: {  	_ =	shalt  }
0x5c: {  	_ =	shalt  }
0x5d: {  	_ =	shalt  }
0x5e: {  	_ =	shalt  }
0x5f: {  	_ =	shalt  }
0x60: {  	_ =	shalt  }
0x61: {  	_ =	shalt  }
0x62: {  	_ =	shalt  }
0x63: {  	_ =	shalt  }
0x64: {  	_ =	shalt  }
0x65: {  	_ =	shalt  }
0x66: {  	_ =	shalt  }
0x67: {  	_ =	shalt  }
0x68: {  	_ =	shalt  }
0x69: {  	_ =	shalt  }
0x6a: {  	_ =	shalt  }
0x6b: {  	_ =	shalt  }
0x6c: {  	_ =	shalt  }
0x6d: {  	_ =	shalt  }
0x6e: {  	_ =	shalt  }
0x6f: {  	_ =	shalt  }
0x70: {  	_ =	shalt  }
0x71: {  	_ =	shalt  }
0x72: {  	_ =	shalt  }
0x73: {  	_ =	shalt  }
0x74: {  	_ =	shalt  }
0x75: {  	_ =	shalt  }
0x76: {  	_ =	shalt  }
0x77: {  	_ =	shalt  }
0x78: {  	_ =	shalt  }
0x79: {  	_ =	shalt  }
0x7a: {  	_ =	shalt  }
0x7b: {  	_ =	shalt  }
0x7c: {  	_ =	shalt  }
0x7d: {  	_ =	shalt  }
0x7e: {  	_ =	shalt  }
0x7f: {  	_ =	shalt  }
0x80: {  	_ =	shalt  }
0x81: {  	_ =	shalt  }
0x82: {  	_ =	shalt  }
0x83: {  	_ =	shalt  }
0x84: {  	_ =	shalt  }
0x85: {  	_ =	shalt  }
0x86: {  	_ =	shalt  }
0x87: {  	_ =	shalt  }
.Lfunc_end0:
.L_simem_size_0:
called_computation.1_lowered:
.L_overlay_start_0:
0x88: {  	s2 =	sld [smem:$0x3FD9]  }
0x89: {  	s3 =	sld [smem:$0x3FFE];
	_ =	sdelay $0x1  }
0x8a: {  	s1 =	srdreg.scid  }
0x8b: {  	s0 =	sand.u32 $0x1, s1  }
0x8c: {  	s16 =	sshll.u32 s0, $0xA;
	s2 =	sadd.s32 s3, s2  }
0x8d: {  	s2 =	sadd.s32 s2, s16  }
0x8e: {  	[smem:$0x3FAD] =	sst s2  }
0x8f: {  	_ = 	snop  }
0x90: {  	(tm) =	ssettm $0x1  }
0x91: {  	s17 =	sld [smem:$0x3FFB];
	_ =	sdelay $0x3  }
0x92: {  	_ =	strace s17  }
0x93: {  	s2 =	sld [smem:$0x3FFC];
	_ =	sdelay $0x3  }
0x94: {  	_ =	strace s2  }
0x95: {  	s2 =	sld [smem:$0x3FFD];
	_ =	sdelay $0x3  }
0x96: {  	_ =	strace s2  }
0x97: {  	_ =	strace $0x8FFFFFFF  }
0x98: {  	s18 =	sld [smem:$0x3FDB];
	_ =	sdelay $0x1  }
0x99: {  	s19 =	simm.s32 $_scs_section_size  }
0x9a: {  	s4 =	simm.s32 $_size__tile_overlayer_lowered;
	s5 =	simm.s32 $_tile_overlayer_lowered  }
0x9b: {  	s22 =	simm.s32 $0x1BFF;
	s21 =	sshll.u32 s5, $0x1;
	s2 =	sadd.s32 s19, s18  }
0x9c: {  	s6 =	simm.s32 $0x0;
	s20 =	sshll.u32 s4, $0x1;
	s4 =	sadd.s32 s21, s2  }
0x9d: {  	[timem:s6], [sflag:s22] =	dma.local [hbm:s4], s20  }
0x9e: {  	_ =	swait.ge [sflag:s22], s20  }
0x9f: {  	s3 =	ssub.s32 $0x0, s20;
	[sflag:s22] =	ssyncset.done $0x0  }
0xa0: {  	[sflag:s22] =	ssyncadd.s32 s3;
	_ =	sdelay $0x1  }
0xa1: {  	s23 =	simm.s32 $0x1B8B  }
0xa2: {  	_ =	swait.ge [sflag:s23], $0x1  }
0xa3: {  	[sflag:s23] =	ssyncset.done $0x0  }
0xa4: {  	s25 =	simm.s32 $0x1B8E;
	s24 =	sld [smem:$0x3FFE];
	[sflag:s23] =	ssyncadd.s32 $0xFFFFFFFF  }
0xa5: {  	s26 =	simm.s32 $execute0_lowered;
	[smem:$0x3FD2] =	sst s25  }
0xa6: {  	s4 =	sshll.u32 s26, $0x1;
	_ =	strace $0x80000049;
	[dreg:$0x1] =	wrdreg $0xFFFFFFFF  }
0xa7: {  	s28 =	simm.s32 $_size_execute0_lowered;
	s2 =	sadd.s32 s2, s4;
	[dreg:$0x0] =	wrdreg $0x0  }
0xa8: {  	s4 =	sshll.u32 s28, $0x1;
	[dreg:$0x2] =	wrdreg s2  }
0xa9: {  	[dreg:$0x3] =	wrdreg s4  }
0xaa: {  	[dreg:$0x4] =	wrdreg $0xC0  }
0xab: {  	_ =	task [dreg:s6], $0x5FFFF  }
0xac: {  	[dreg:$0x1] =	wrdreg $0xFFFFFFFF  }
0xad: {  	[dreg:$0x0] =	wrdreg $0x60  }
0xae: {  	[dreg:$0x2] =	wrdreg s24  }
0xaf: {  	[dreg:$0x3] =	wrdreg $0xDA200  }
0xb0: {  	[dreg:$0x4] =	wrdreg $0x9  }
0xb1: {  	_ =	task.clear_ibuf [dreg:s6], $0x5FFFF;
	_ =	strace $0x90000049  }
0xb2: {  	s29 =	simm.s32 $0x9;
	_ =	strace $0x8000004B  }
0xb3: {  	_ =	swait.ge [sflag:s29], $0x1  }
0xb4: {  	[sflag:s29] =	ssyncadd.s32 $0xFFFFFFFF  }
0xb5: {  	_ =	strace $0x9000004B  }
0xb6: {  	_ =	sfence  }
0xb7: {  	s30 =	sld [smem:$0x0];
	_ =	sdelay $0x2  }
0xb8: {  	s31 =	sshll.u32 s1, $0xD;
	s1 =	sshrl.u32 s1, $0x2  }
0xb9: {  	s3 =	sand.u32 $0x4000, s31;
	s1 =	sadd.s32 s1, s30  }
0xba: {  	s0 =	sor.u32 s3, s0;
	s1 =	sshll.u32 s1, $0x11  }
0xbb: {  	s0 =	sor.u32 s1, s0  }
0xbc: {  	s0 =	sadd.s32 $0x8F2B, s0  }
0xbd: {  	[sflag:s0] =	ssyncadd.remote.s32 $0x1  }
0xbe: {  	_ =	sfence.sel $0xFFFF  }
0xbf: {  	[dreg:$0x0] =	wrdreg $0xFFFFFFFF;
	(pc) =	sbr.abs _section_cstart, $3  }
0xc0: {  	[dreg:$0x1] =	wrdreg $0xFFFFFFFF  }
0xc1: {  	_ =	task.clear_ibuf [dreg:s6], $0x2FFFF;
	_ =	strace $0x9FFFFFFF  }
0xc2: {  	(tm) =	ssettm $0x7FFFFFFF  }
0xc3: {  	_ =	shalt  }
tec
execute0_lowered:
.L_overlay_start_1:
0x0: {  	(tag) =	ssettag $0x1  }
0x1: {  	s0 =	srdreg.scid;
	s5 =	rddreg [dreg:$0x0]  }
0x2: {  	s4 =	stileid.u32;
	s2 =	rddreg [dreg:$0x1];
	s3 =	simm.s32 $0x0  }
0x3: {  	s17 =	simm.s32 $0xC620;
	s30 =	simm.s32 $0x8A20;
	s31 =	simm.s32 $0x3  }
0x4: {  	s28 =	simm.s32 $0x4;
	s29 =	simm.s32 $0x5;
	s9 =	simm.s32 $0xA  }
0x5: {  	s10 =	simm.s32 $0xB;
	s11 =	simm.s32 $0xC;
	s0 =	sand.u32 $0x1, s0  }
0x6: {  	s1 =	sshll.u32 s4, $0x1;
	s6 =	smul.u32 $0xA000, s4;
	[smem:$0x7FF] =	sst s3  }
0x7: {  	s8 =	smul.u32 $0x28000, s4;
	s4 =	sadd.s32 $0x3E600, s5;
	s1 =	sor.u32 s0, s1  }
0x8: {  	s7 =	smul.u32 $0xA0000, s0;
	_ =	strace $0x8000004A;
	s0 =	ssub.s32 $0x2, s0  }
0x9: {  	s1 =	smul.u32 $0x4E2, s1;
	s8 =	sshrl.u32 s8, $0x2;
	s18 =	sshrl.u32 s0, $0x1  }
0xa: {  	s7 =	sadd.s32 s6, s7;
	s8 =	sadd.s32 s8, s2;
	s0 =	ssub.s32 s0, s18  }
0xb: {  	s18 =	simm.s32 $0xD;
	s1 =	sadd.s32 s1, s5;
	s19 =	sadd.s32 $0x1400, s8  }
0xc: {  	s7 =	sshrl.u32 s7, $0x3;
	s20 =	sadd.s32 $0x2800, s8;
	[dreg:$0x3] =	wrdreg s19  }
0xd: {  	s21 =	sadd.s32 $0x3C00, s8;
	s22 =	sadd.s32 $0x5000, s8;
	[dreg:$0x4] =	wrdreg s20  }
0xe: {  	s23 =	sadd.s32 $0x6400, s8;
	s24 =	sadd.s32 $0x7800, s8;
	[dreg:$0x5] =	wrdreg s21  }
0xf: {  	s25 =	sadd.s32 $0x8C00, s8;
	s16 =	smax.u32 s0, $0x1;
	[dreg:$0x6] =	wrdreg s22  }
0x10: {  	s0 =	simm.s32 $0x9E20;
	s8 =	simm.s32 $0x9;
	[dreg:$0x7] =	wrdreg s23  }
0x11: {  	s7 =	sadd.s32 s7, s5;
	s5 =	sadd.s32 s6, s2;
	[dreg:$0x8] =	wrdreg s24  }
0x12: {  	[dreg:$0x9] =	wrdreg s25;
	s26 =	sadd.s32 $0xD600, s1;
	s14 =	sadd.s32 $0x3800, s1  }
0x13: {  	s20 =	simm.s32 $0x50;
	s21 =	simm.s32 $0x4E20;
	s22 =	simm.s32 $0x6220  }
0x14: {  	s23 =	simm.s32 $0x1;
	s25 =	simm.s32 $0x7620;
	s24 =	simm.s32 $0xB220  }
0x15: {  	s1 =	simm.s32 $0x7;
	s6 =	simm.s32 $0x6;
	[dreg:$0xa] =	wrdreg s26  }
0x16: {  	v0 =	vimm.f32 $0.0e+00;
	s15 =	sadd.s32 $0x52000, s7;
	s26 =	simm.s32 $0x2;
	s7 =	simm.s32 $0x8  }
.LBB2_1:
0x17: {  	s19 =	simm.s32 $0x100;
	s12 =	simm.s32 $0x0  }
.LBB2_2:
0x18: {  	p0 =	sne.s32 s19, $0x4F00;
	[tilespmem:s12+$0xC650] =	vst v0;
	s13 =	smov.u32 s19;
	s19 =	sadd.s32 $0x100, s19  }
.Ltmp0:
0x19: {  	[tilespmem:s12+$0xC640] =	vst v0;
	(pc) =	sbr.rel @p0 .LBB2_2-.Ltmp0, $3  }
0x1a: {  	[tilespmem:s12+$0xC620] =	vst v0  }
0x1b: {  	[tilespmem:s12+$0xC630] =	vst v0;
	_ =	sdelay $0x1  }
0x1c: {  	s12 =	sshra.s32 s13, $0x2  }
0x1d: {  	[tilespmem:s12+$0xC650] =	vst v0  }
0x1e: {  	[tilespmem:s12+$0xC640] =	vst v0  }
0x1f: {  	[tilespmem:s12+$0xC620] =	vst v0  }
0x20: {  	[tilespmem:s12+$0xC630] =	vst v0  }
0x21: {  	[spmem:s5] =	stream.linear.scatter [tilespmem:s17], [sflag:$0xD], $0x1400, $0x38;
	[tilespmem:$0x17A20] =	vst v63  }
0x22: {  	_ =	swait.ge [sflag:s18], $0x1400  }
0x23: {  	[sflag:s18] =	ssyncset.done $0x0  }
0x24: {  	s13 =	rddreg [dreg:$0x3];
	[sflag:s18] =	ssyncadd.s32 $0xFFFFEC00  }
0x25: {  	[spmem:s13] =	stream.linear.scatter [tilespmem:s17], [sflag:$0xD], $0x1400, $0x38;
	[tilespmem:$0x17A20] =	vst v63  }
0x26: {  	_ =	swait.ge [sflag:s18], $0x1400  }
0x27: {  	[sflag:s18] =	ssyncset.done $0x0  }
0x28: {  	s19 =	rddreg [dreg:$0x4];
	[sflag:s18] =	ssyncadd.s32 $0xFFFFEC00  }
0x29: {  	[spmem:s19] =	stream.linear.scatter [tilespmem:s17], [sflag:$0xD], $0x1400, $0x38;
	[tilespmem:$0x17A20] =	vst v63  }
0x2a: {  	_ =	swait.ge [sflag:s18], $0x1400  }
0x2b: {  	[sflag:s18] =	ssyncset.done $0x0  }
0x2c: {  	s13 =	rddreg [dreg:$0x5];
	[sflag:s18] =	ssyncadd.s32 $0xFFFFEC00  }
0x2d: {  	[spmem:s13] =	stream.linear.scatter [tilespmem:s17], [sflag:$0xD], $0x1400, $0x38;
	[tilespmem:$0x17A20] =	vst v63  }
0x2e: {  	_ =	swait.ge [sflag:s18], $0x1400  }
0x2f: {  	[sflag:s18] =	ssyncset.done $0x0  }
0x30: {  	s19 =	rddreg [dreg:$0x6];
	[sflag:s18] =	ssyncadd.s32 $0xFFFFEC00  }
0x31: {  	[spmem:s19] =	stream.linear.scatter [tilespmem:s17], [sflag:$0xD], $0x1400, $0x38;
	[tilespmem:$0x17A20] =	vst v63  }
0x32: {  	_ =	swait.ge [sflag:s18], $0x1400  }
0x33: {  	[sflag:s18] =	ssyncset.done $0x0  }
0x34: {  	s13 =	rddreg [dreg:$0x7];
	[sflag:s18] =	ssyncadd.s32 $0xFFFFEC00  }
0x35: {  	[spmem:s13] =	stream.linear.scatter [tilespmem:s17], [sflag:$0xD], $0x1400, $0x38;
	[tilespmem:$0x17A20] =	vst v63  }
0x36: {  	_ =	swait.ge [sflag:s18], $0x1400  }
0x37: {  	[sflag:s18] =	ssyncset.done $0x0  }
0x38: {  	s19 =	rddreg [dreg:$0x8];
	[sflag:s18] =	ssyncadd.s32 $0xFFFFEC00  }
0x39: {  	[spmem:s19] =	stream.linear.scatter [tilespmem:s17], [sflag:$0xD], $0x1400, $0x38;
	[tilespmem:$0x17A20] =	vst v63  }
0x3a: {  	_ =	swait.ge [sflag:s18], $0x1400  }
0x3b: {  	[sflag:s18] =	ssyncset.done $0x0  }
0x3c: {  	s13 =	rddreg [dreg:$0x9];
	[sflag:s18] =	ssyncadd.s32 $0xFFFFEC00  }
0x3d: {  	[spmem:s13] =	stream.linear.scatter [tilespmem:s17], [sflag:$0xD], $0x1400, $0x38;
	[tilespmem:$0x17A20] =	vst v63  }
0x3e: {  	_ =	swait.ge [sflag:s18], $0x1400  }
0x3f: {  	[sflag:s18] =	ssyncset.done $0x0  }
0x40: {  	s12 =	simm.s32 $0x0;
	s13 =	rddreg [dreg:$0xa];
	[sflag:s18] =	ssyncadd.s32 $0xFFFFEC00  }
0x41: {  	[tilespmem:s12], [sflag:$0xD] =	stream.linear.gather [hbm4b:s13+s12], $0x2710, $0x38;
	[tilespmem:$0x17A20] =	vst v63  }
0x42: {  	_ =	swait.ge [sflag:s18], $0x2710  }
0x43: {  	[sflag:s18] =	ssyncset.done $0x0  }
0x44: {  	s19 =	simm.s32 $0x2710;
	[sflag:s18] =	ssyncadd.s32 $0xFFFFD8F0  }
0x45: {  	[tilespmem:s19], [sflag:$0xD] =	stream.linear.gather [hbm4b:s14+s12], $0x2710, $0x38;
	[tilespmem:$0x17A20] =	vst v63  }
0x46: {  	_ =	swait.ge [sflag:s18], $0x2710  }
0x47: {  	[sflag:s18] =	ssyncset.done $0x0  }
0x48: {  	[sflag:s18] =	ssyncadd.s32 $0xFFFFD8F0  }
0x49: {  	[bflag:$0x0] =	sbarrier.arrive $0xFFFF  }
0x4a: {  	[tilespmem:s21], [sflag:$0x1] =	stream.indirect.gather [hbm4b:s4+s20], $0x40, s12, s20, $0xb8;
	[tilespmem:$0x17A20] =	vst v63  }
0x4b: {  	_ = 	snop  }
0x4c: {  	[tilespmem:s22], [sflag:$0x2] =	stream.indirect.gather [hbm4b:s4+s20], $0x40, s20, s20, $0xb8;
	[tilespmem:$0x17A20] =	vst v63  }
0x4d: {  	_ =	swait.ge [sflag:s23], $0x1400  }
0x4e: {  	[sflag:s23] =	ssyncset.done $0x0  }
0x4f: {  	[sflag:s23] =	ssyncadd.s32 $0xFFFFEC00  }
0x50: {  	[spmem:s2] =	stream.indirect.scatter.add.f32 [tilespmem:s21], [sflag:$0x7], $0x40, s19, s20, $0xb8;
	[tilespmem:$0x17A20] =	vst v63  }
0x51: {  	s13 =	simm.s32 $0xA0  }
0x52: {  	[tilespmem:s25], [sflag:$0x3] =	stream.indirect.gather [hbm4b:s4+s20], $0x40, s13, s20, $0xb8;
	[tilespmem:$0x17A20] =	vst v63  }
0x53: {  	_ =	swait.ge [sflag:s26], $0x1400  }
0x54: {  	[sflag:s26] =	ssyncset.done $0x0  }
0x55: {  	s19 =	simm.s32 $0x2760;
	[sflag:s26] =	ssyncadd.s32 $0xFFFFEC00  }
0x56: {  	[spmem:s2] =	stream.indirect.scatter.add.f32 [tilespmem:s22], [sflag:$0x8], $0x40, s19, s20, $0xb8;
	[tilespmem:$0x17A20] =	vst v63  }
0x57: {  	s13 =	simm.s32 $0xF0  }
0x58: {  	[tilespmem:s30], [sflag:$0x4] =	stream.indirect.gather [hbm4b:s4+s20], $0x40, s13, s20, $0xb8;
	[tilespmem:$0x17A20] =	vst v63  }
0x59: {  	_ =	swait.ge [sflag:s31], $0x1400  }
0x5a: {  	[sflag:s31] =	ssyncset.done $0x0  }
0x5b: {  	s19 =	simm.s32 $0x27B0;
	[sflag:s31] =	ssyncadd.s32 $0xFFFFEC00  }
0x5c: {  	[spmem:s2] =	stream.indirect.scatter.add.f32 [tilespmem:s25], [sflag:$0x9], $0x40, s19, s20, $0xb8;
	[tilespmem:$0x17A20] =	vst v63  }
0x5d: {  	s13 =	simm.s32 $0x140  }
0x5e: {  	[tilespmem:s0], [sflag:$0x5] =	stream.indirect.gather [hbm4b:s4+s20], $0x40, s13, s20, $0xb8;
	[tilespmem:$0x17A20] =	vst v63  }
0x5f: {  	_ =	swait.ge [sflag:s28], $0x1400  }
0x60: {  	[sflag:s28] =	ssyncset.done $0x0  }
0x61: {  	s19 =	simm.s32 $0x2800;
	[sflag:s28] =	ssyncadd.s32 $0xFFFFEC00  }
0x62: {  	[spmem:s2] =	stream.indirect.scatter.add.f32 [tilespmem:s30], [sflag:$0xA], $0x40, s19, s20, $0xb8;
	[tilespmem:$0x17A20] =	vst v63  }
0x63: {  	s13 =	simm.s32 $0x190  }
0x64: {  	[tilespmem:s24], [sflag:$0x6] =	stream.indirect.gather [hbm4b:s4+s20], $0x40, s13, s20, $0xb8;
	[tilespmem:$0x17A20] =	vst v63  }
0x65: {  	_ =	swait.ge [sflag:s29], $0x1400  }
0x66: {  	[sflag:s29] =	ssyncset.done $0x0  }
0x67: {  	s19 =	simm.s32 $0x2850;
	[sflag:s29] =	ssyncadd.s32 $0xFFFFEC00  }
0x68: {  	[spmem:s2] =	stream.indirect.scatter.add.f32 [tilespmem:s0], [sflag:$0xB], $0x40, s19, s20, $0xb8;
	[tilespmem:$0x17A20] =	vst v63  }
0x69: {  	_ =	swait.ge [sflag:s1], $0x1400  }
0x6a: {  	[sflag:s1] =	ssyncset.done $0x0  }
0x6b: {  	s13 =	simm.s32 $0x1E0;
	[sflag:s1] =	ssyncadd.s32 $0xFFFFEC00  }
0x6c: {  	[tilespmem:s21], [sflag:$0x1] =	stream.indirect.gather [hbm4b:s4+s20], $0x40, s13, s20, $0xb8;
	[tilespmem:$0x17A20] =	vst v63  }
0x6d: {  	_ =	swait.ge [sflag:s6], $0x1400  }
0x6e: {  	[sflag:s6] =	ssyncset.done $0x0  }
0x6f: {  	s19 =	simm.s32 $0x28A0;
	[sflag:s6] =	ssyncadd.s32 $0xFFFFEC00  }
0x70: {  	[spmem:s2] =	stream.indirect.scatter.add.f32 [tilespmem:s24], [sflag:$0xC], $0x40, s19, s20, $0xb8;
	[tilespmem:$0x17A20] =	vst v63  }
0x71: {  	_ =	swait.ge [sflag:s7], $0x1400  }
0x72: {  	[sflag:s7] =	ssyncset.done $0x0  }
0x73: {  	s13 =	simm.s32 $0x230;
	[sflag:s7] =	ssyncadd.s32 $0xFFFFEC00  }
0x74: {  	[tilespmem:s22], [sflag:$0x2] =	stream.indirect.gather [hbm4b:s4+s20], $0x40, s13, s20, $0xb8;
	[tilespmem:$0x17A20] =	vst v63  }
0x75: {  	_ =	swait.ge [sflag:s23], $0x1400  }
0x76: {  	[sflag:s23] =	ssyncset.done $0x0  }
0x77: {  	s19 =	simm.s32 $0x28F0;
	[sflag:s23] =	ssyncadd.s32 $0xFFFFEC00  }
0x78: {  	[spmem:s2] =	stream.indirect.scatter.add.f32 [tilespmem:s21], [sflag:$0x7], $0x40, s19, s20, $0xb8;
	[tilespmem:$0x17A20] =	vst v63  }
0x79: {  	_ =	swait.ge [sflag:s8], $0x1400  }
0x7a: {  	[sflag:s8] =	ssyncset.done $0x0  }
0x7b: {  	s13 =	simm.s32 $0x280;
	[sflag:s8] =	ssyncadd.s32 $0xFFFFEC00  }
0x7c: {  	[tilespmem:s25], [sflag:$0x3] =	stream.indirect.gather [hbm4b:s4+s20], $0x40, s13, s20, $0xb8;
	[tilespmem:$0x17A20] =	vst v63  }
0x7d: {  	_ =	swait.ge [sflag:s26], $0x1400  }
0x7e: {  	[sflag:s26] =	ssyncset.done $0x0  }
0x7f: {  	s19 =	simm.s32 $0x2940;
	[sflag:s26] =	ssyncadd.s32 $0xFFFFEC00  }
0x80: {  	[spmem:s2] =	stream.indirect.scatter.add.f32 [tilespmem:s22], [sflag:$0x8], $0x40, s19, s20, $0xb8;
	[tilespmem:$0x17A20] =	vst v63  }
0x81: {  	_ =	swait.ge [sflag:s9], $0x1400  }
0x82: {  	[sflag:s9] =	ssyncset.done $0x0  }
0x83: {  	s13 =	simm.s32 $0x2D0;
	[sflag:s9] =	ssyncadd.s32 $0xFFFFEC00  }
0x84: {  	[tilespmem:s30], [sflag:$0x4] =	stream.indirect.gather [hbm4b:s4+s20], $0x40, s13, s20, $0xb8;
	[tilespmem:$0x17A20] =	vst v63  }
0x85: {  	_ =	swait.ge [sflag:s31], $0x1400  }
0x86: {  	[sflag:s31] =	ssyncset.done $0x0  }
0x87: {  	s19 =	simm.s32 $0x2990;
	[sflag:s31] =	ssyncadd.s32 $0xFFFFEC00  }
0x88: {  	[spmem:s2] =	stream.indirect.scatter.add.f32 [tilespmem:s25], [sflag:$0x9], $0x40, s19, s20, $0xb8;
	[tilespmem:$0x17A20] =	vst v63  }
0x89: {  	_ =	swait.ge [sflag:s10], $0x1400  }
0x8a: {  	[sflag:s10] =	ssyncset.done $0x0  }
0x8b: {  	s13 =	simm.s32 $0x320;
	[sflag:s10] =	ssyncadd.s32 $0xFFFFEC00  }
0x8c: {  	[tilespmem:s0], [sflag:$0x5] =	stream.indirect.gather [hbm4b:s4+s20], $0x40, s13, s20, $0xb8;
	[tilespmem:$0x17A20] =	vst v63  }
0x8d: {  	_ =	swait.ge [sflag:s28], $0x1400  }
0x8e: {  	[sflag:s28] =	ssyncset.done $0x0  }
0x8f: {  	s19 =	simm.s32 $0x29E0;
	[sflag:s28] =	ssyncadd.s32 $0xFFFFEC00  }
0x90: {  	[spmem:s2] =	stream.indirect.scatter.add.f32 [tilespmem:s30], [sflag:$0xA], $0x40, s19, s20, $0xb8;
	[tilespmem:$0x17A20] =	vst v63  }
0x91: {  	_ =	swait.ge [sflag:s11], $0x1400  }
0x92: {  	[sflag:s11] =	ssyncset.done $0x0  }
0x93: {  	s13 =	simm.s32 $0x370;
	[sflag:s11] =	ssyncadd.s32 $0xFFFFEC00  }
0x94: {  	[tilespmem:s24], [sflag:$0x6] =	stream.indirect.gather [hbm4b:s4+s20], $0x40, s13, s20, $0xb8;
	[tilespmem:$0x17A20] =	vst v63  }
0x95: {  	_ =	swait.ge [sflag:s29], $0x1400  }
0x96: {  	[sflag:s29] =	ssyncset.done $0x0  }
0x97: {  	s19 =	simm.s32 $0x2A30;
	[sflag:s29] =	ssyncadd.s32 $0xFFFFEC00  }
0x98: {  	[spmem:s2] =	stream.indirect.scatter.add.f32 [tilespmem:s0], [sflag:$0xB], $0x40, s19, s20, $0xb8;
	[tilespmem:$0x17A20] =	vst v63  }
0x99: {  	_ =	swait.ge [sflag:s1], $0x1400  }
0x9a: {  	[sflag:s1] =	ssyncset.done $0x0  }
0x9b: {  	s13 =	simm.s32 $0x3C0;
	[sflag:s1] =	ssyncadd.s32 $0xFFFFEC00  }
0x9c: {  	[tilespmem:s21], [sflag:$0x1] =	stream.indirect.gather [hbm4b:s4+s20], $0x40, s13, s20, $0xb8;
	[tilespmem:$0x17A20] =	vst v63  }
0x9d: {  	_ =	swait.ge [sflag:s6], $0x1400  }
0x9e: {  	[sflag:s6] =	ssyncset.done $0x0  }
0x9f: {  	s19 =	simm.s32 $0x2A80;
	[sflag:s6] =	ssyncadd.s32 $0xFFFFEC00  }
0xa0: {  	[spmem:s2] =	stream.indirect.scatter.add.f32 [tilespmem:s24], [sflag:$0xC], $0x40, s19, s20, $0xb8;
	[tilespmem:$0x17A20] =	vst v63  }
0xa1: {  	_ =	swait.ge [sflag:s7], $0x1400  }
0xa2: {  	[sflag:s7] =	ssyncset.done $0x0  }
0xa3: {  	s12 =	simm.s32 $0x780;
	s19 =	simm.s32 $0x410;
	[sflag:s7] =	ssyncadd.s32 $0xFFFFEC00  }
.LBB2_4:
0xa4: {  	[tilespmem:s22], [sflag:$0x2] =	stream.indirect.gather [hbm4b:s4+s20], $0x40, s19, s20, $0xb8;
	[tilespmem:$0x17A20] =	vst v63  }
0xa5: {  	s13 =	smov.u32 s12  }
0xa6: {  	p0 =	sne.s32 s12, $0x8700;
	s12 =	sadd.s32 $0x780, s12;
	_ =	swait.ge [sflag:s23], $0x1400  }
0xa7: {  	s19 =	sshra.s32 s13, $0x2;
	[sflag:s23] =	ssyncset.done $0x0  }
0xa8: {  	s13 =	sadd.s32 $0x28F0, s19;
	[sflag:s23] =	ssyncadd.s32 $0xFFFFEC00  }
0xa9: {  	[spmem:s2] =	stream.indirect.scatter.add.f32 [tilespmem:s21], [sflag:$0x7], $0x40, s13, s20, $0xb8;
	[tilespmem:$0x17A20] =	vst v63  }
0xaa: {  	_ =	swait.ge [sflag:s8], $0x1400  }
0xab: {  	[sflag:s8] =	ssyncset.done $0x0  }
0xac: {  	s13 =	sadd.s32 $0x280, s19;
	[sflag:s8] =	ssyncadd.s32 $0xFFFFEC00  }
0xad: {  	[tilespmem:s25], [sflag:$0x3] =	stream.indirect.gather [hbm4b:s4+s20], $0x40, s13, s20, $0xb8;
	[tilespmem:$0x17A20] =	vst v63  }
0xae: {  	_ =	swait.ge [sflag:s26], $0x1400  }
0xaf: {  	[sflag:s26] =	ssyncset.done $0x0  }
0xb0: {  	s13 =	sadd.s32 $0x2940, s19;
	[sflag:s26] =	ssyncadd.s32 $0xFFFFEC00  }
0xb1: {  	[spmem:s2] =	stream.indirect.scatter.add.f32 [tilespmem:s22], [sflag:$0x8], $0x40, s13, s20, $0xb8;
	[tilespmem:$0x17A20] =	vst v63  }
0xb2: {  	_ =	swait.ge [sflag:s9], $0x1400  }
0xb3: {  	[sflag:s9] =	ssyncset.done $0x0  }
0xb4: {  	s13 =	sadd.s32 $0x2D0, s19;
	[sflag:s9] =	ssyncadd.s32 $0xFFFFEC00  }
0xb5: {  	[tilespmem:s30], [sflag:$0x4] =	stream.indirect.gather [hbm4b:s4+s20], $0x40, s13, s20, $0xb8;
	[tilespmem:$0x17A20] =	vst v63  }
0xb6: {  	_ =	swait.ge [sflag:s31], $0x1400  }
0xb7: {  	[sflag:s31] =	ssyncset.done $0x0  }
0xb8: {  	s13 =	sadd.s32 $0x2990, s19;
	[sflag:s31] =	ssyncadd.s32 $0xFFFFEC00  }
0xb9: {  	[spmem:s2] =	stream.indirect.scatter.add.f32 [tilespmem:s25], [sflag:$0x9], $0x40, s13, s20, $0xb8;
	[tilespmem:$0x17A20] =	vst v63  }
0xba: {  	_ =	swait.ge [sflag:s10], $0x1400  }
0xbb: {  	[sflag:s10] =	ssyncset.done $0x0  }
0xbc: {  	s13 =	sadd.s32 $0x320, s19;
	[sflag:s10] =	ssyncadd.s32 $0xFFFFEC00  }
0xbd: {  	[tilespmem:s0], [sflag:$0x5] =	stream.indirect.gather [hbm4b:s4+s20], $0x40, s13, s20, $0xb8;
	[tilespmem:$0x17A20] =	vst v63  }
0xbe: {  	_ =	swait.ge [sflag:s28], $0x1400  }
0xbf: {  	[sflag:s28] =	ssyncset.done $0x0  }
0xc0: {  	s13 =	sadd.s32 $0x29E0, s19;
	[sflag:s28] =	ssyncadd.s32 $0xFFFFEC00  }
0xc1: {  	[spmem:s2] =	stream.indirect.scatter.add.f32 [tilespmem:s30], [sflag:$0xA], $0x40, s13, s20, $0xb8;
	[tilespmem:$0x17A20] =	vst v63  }
0xc2: {  	_ =	swait.ge [sflag:s11], $0x1400  }
0xc3: {  	[sflag:s11] =	ssyncset.done $0x0  }
0xc4: {  	s13 =	sadd.s32 $0x370, s19;
	[sflag:s11] =	ssyncadd.s32 $0xFFFFEC00  }
0xc5: {  	[tilespmem:s24], [sflag:$0x6] =	stream.indirect.gather [hbm4b:s4+s20], $0x40, s13, s20, $0xb8;
	[tilespmem:$0x17A20] =	vst v63  }
0xc6: {  	_ =	swait.ge [sflag:s29], $0x1400  }
0xc7: {  	[sflag:s29] =	ssyncset.done $0x0  }
0xc8: {  	s13 =	sadd.s32 $0x2A30, s19;
	[sflag:s29] =	ssyncadd.s32 $0xFFFFEC00  }
0xc9: {  	[spmem:s2] =	stream.indirect.scatter.add.f32 [tilespmem:s0], [sflag:$0xB], $0x40, s13, s20, $0xb8;
	[tilespmem:$0x17A20] =	vst v63  }
0xca: {  	_ =	swait.ge [sflag:s1], $0x1400  }
0xcb: {  	[sflag:s1] =	ssyncset.done $0x0  }
0xcc: {  	s13 =	sadd.s32 $0x3C0, s19;
	[sflag:s1] =	ssyncadd.s32 $0xFFFFEC00  }
0xcd: {  	[tilespmem:s21], [sflag:$0x1] =	stream.indirect.gather [hbm4b:s4+s20], $0x40, s13, s20, $0xb8;
	[tilespmem:$0x17A20] =	vst v63  }
0xce: {  	_ =	swait.ge [sflag:s6], $0x1400  }
0xcf: {  	[sflag:s6] =	ssyncset.done $0x0  }
.Ltmp1:
0xd0: {  	s13 =	sadd.s32 $0x2A80, s19;
	[sflag:s6] =	ssyncadd.s32 $0xFFFFEC00;
	(pc) =	sbr.rel @p0 .LBB2_4-.Ltmp1, $4  }
0xd1: {  	[spmem:s2] =	stream.indirect.scatter.add.f32 [tilespmem:s24], [sflag:$0xC], $0x40, s13, s20, $0xb8;
	[tilespmem:$0x17A20] =	vst v63  }
0xd2: {  	_ =	swait.ge [sflag:s7], $0x1400  }
0xd3: {  	[sflag:s7] =	ssyncset.done $0x0  }
0xd4: {  	s19 =	sadd.s32 $0x410, s19;
	[sflag:s7] =	ssyncadd.s32 $0xFFFFEC00  }
0xd5: {  	[tilespmem:s22], [sflag:$0x2] =	stream.indirect.gather [hbm4b:s4+s20], $0x40, s19, s20, $0xb8;
	[tilespmem:$0x17A20] =	vst v63  }
0xd6: {  	_ =	swait.ge [sflag:s23], $0x1400  }
0xd7: {  	[sflag:s23] =	ssyncset.done $0x0  }
0xd8: {  	s12 =	simm.s32 $0x4C90;
	[sflag:s23] =	ssyncadd.s32 $0xFFFFEC00  }
0xd9: {  	[spmem:s2] =	stream.indirect.scatter.add.f32 [tilespmem:s21], [sflag:$0x7], $0x40, s12, s20, $0xb8;
	[tilespmem:$0x17A20] =	vst v63  }
0xda: {  	_ =	swait.ge [sflag:s8], $0x1400  }
0xdb: {  	[sflag:s8] =	ssyncset.done $0x0  }
0xdc: {  	s13 =	simm.s32 $0x2620;
	[sflag:s8] =	ssyncadd.s32 $0xFFFFEC00  }
0xdd: {  	[tilespmem:s25], [sflag:$0x3] =	stream.indirect.gather [hbm4b:s4+s20], $0x40, s13, s20, $0xb8;
	[tilespmem:$0x17A20] =	vst v63  }
0xde: {  	_ =	swait.ge [sflag:s26], $0x1400  }
0xdf: {  	[sflag:s26] =	ssyncset.done $0x0  }
0xe0: {  	s19 =	simm.s32 $0x4CE0;
	[sflag:s26] =	ssyncadd.s32 $0xFFFFEC00  }
0xe1: {  	[spmem:s2] =	stream.indirect.scatter.add.f32 [tilespmem:s22], [sflag:$0x8], $0x40, s19, s20, $0xb8;
	[tilespmem:$0x17A20] =	vst v63  }
0xe2: {  	_ =	swait.ge [sflag:s9], $0x1400  }
0xe3: {  	[sflag:s9] =	ssyncset.done $0x0  }
0xe4: {  	s13 =	simm.s32 $0x2670;
	[sflag:s9] =	ssyncadd.s32 $0xFFFFEC00  }
0xe5: {  	[tilespmem:s30], [sflag:$0x4] =	stream.indirect.gather [hbm4b:s4+s20], $0x40, s13, s20, $0xb8;
	[tilespmem:$0x17A20] =	vst v63  }
0xe6: {  	_ =	swait.ge [sflag:s31], $0x1400  }
0xe7: {  	[sflag:s31] =	ssyncset.done $0x0  }
0xe8: {  	s19 =	simm.s32 $0x4D30;
	[sflag:s31] =	ssyncadd.s32 $0xFFFFEC00  }
0xe9: {  	[spmem:s2] =	stream.indirect.scatter.add.f32 [tilespmem:s25], [sflag:$0x9], $0x40, s19, s20, $0xb8;
	[tilespmem:$0x17A20] =	vst v63  }
0xea: {  	_ =	swait.ge [sflag:s10], $0x1400  }
0xeb: {  	[sflag:s10] =	ssyncset.done $0x0  }
0xec: {  	s13 =	simm.s32 $0x26C0;
	[sflag:s10] =	ssyncadd.s32 $0xFFFFEC00  }
0xed: {  	[tilespmem:s0], [sflag:$0x5] =	stream.indirect.gather [hbm4b:s4+s20], $0x40, s13, s20, $0xb8;
	[tilespmem:$0x17A20] =	vst v63  }
0xee: {  	_ =	swait.ge [sflag:s28], $0x1400  }
0xef: {  	[sflag:s28] =	ssyncset.done $0x0  }
0xf0: {  	s19 =	simm.s32 $0x4D80;
	[sflag:s28] =	ssyncadd.s32 $0xFFFFEC00  }
0xf1: {  	[spmem:s2] =	stream.indirect.scatter.add.f32 [tilespmem:s30], [sflag:$0xA], $0x40, s19, s20, $0xb8;
	[tilespmem:$0x17A20] =	vst v63  }
0xf2: {  	_ =	swait.ge [sflag:s29], $0x1400  }
0xf3: {  	[sflag:s29] =	ssyncset.done $0x0  }
0xf4: {  	s13 =	simm.s32 $0x4DD0;
	[sflag:s29] =	ssyncadd.s32 $0xFFFFEC00  }
0xf5: {  	[spmem:s2] =	stream.indirect.scatter.add.f32 [tilespmem:s0], [sflag:$0xB], $0x40, s13, s20, $0xb8;
	[tilespmem:$0x17A20] =	vst v63  }
0xf6: {  	_ =	swait.ge [sflag:s11], $0x1400  }
0xf7: {  	[sflag:s11] =	ssyncset.done $0x0  }
0xf8: {  	[sflag:s11] =	ssyncadd.s32 $0xFFFFEC00  }
0xf9: {  	_ =	swait.ge [sflag:s1], $0x1400  }
0xfa: {  	[sflag:s1] =	ssyncset.done $0x0  }
0xfb: {  	[sflag:s1] =	ssyncadd.s32 $0xFFFFEC00  }
0xfc: {  	_ =	swait.ge [sflag:s7], $0x1400  }
0xfd: {  	[sflag:s7] =	ssyncset.done $0x0  }
0xfe: {  	[sflag:s7] =	ssyncadd.s32 $0xFFFFEC00  }
0xff: {  	_ =	swait.ge [sflag:s8], $0x1400  }
0x100: {  	[sflag:s8] =	ssyncset.done $0x0  }
0x101: {  	[sflag:s8] =	ssyncadd.s32 $0xFFFFEC00  }
0x102: {  	_ =	swait.ge [sflag:s9], $0x1400  }
0x103: {  	[sflag:s9] =	ssyncset.done $0x0  }
0x104: {  	[sflag:s9] =	ssyncadd.s32 $0xFFFFEC00  }
0x105: {  	s19 =	stileid.u32;
	_ =	swait.ge [sflag:s10], $0x1400  }
0x106: {  	s3 =	sadd.s32 $0x1, s3;
	s12 =	sshll.u32 s19, $0x6;
	[sflag:s10] =	ssyncset.done $0x0  }
0x107: {  	p0 =	sne.s32 s3, s16;
	s12 =	sor.u32 $0x1C0D, s12;
	[sflag:s10] =	ssyncadd.s32 $0xFFFFEC00  }
.Ltmp2:
0x108: {  	s13 =	sshrl.u32 s5, $0x3;
	[bflag:$0x0] =	sbarrier.arrive $0xFFFF;
	(pc) =	sbr.rel @p0 .LBB2_1-.Ltmp2, $4  }
0x109: {  	[hbm:s15], [sflag:s12] =	dma.local [spmem:s13], $0x1400  }
0x10a: {  	_ =	swait.ge [sflag:s18], $0x1400  }
0x10b: {  	[sflag:s18] =	ssyncset.done $0x0  }
0x10c: {  	[sflag:s18] =	ssyncadd.s32 $0xFFFFEC00  }
0x10d: {  	_ =	sfence.sel $0x180000  }
0x10e: {  	[bflag:$0x0] =	sbarrier.arrive $0xFFFF  }
0x10f: {  	_ =	strace $0x9000004A  }
0x110: {  	s0 =	stileid.u32;
	[bflag:$0x2] =	sbarrier.arrive $0xFFFF  }
0x111: {  	p0 =	sne.s32 s0, $0x0;
	s0 =	rddreg [dreg:$0x2]  }
0x112: {  	s0 =	sadd.s32 @!p0 $0x100000, s0  }
0x113: {  	[sflag:s0] =	ssyncadd.tile.s32 @!p0 $0x1;
	_ =	shalt  }
.Lfunc_end2:
_tile_overlayer_lowered:
.L_overlay_start_2:
0x114: {  	(tag) =	ssettag $0x2  }
0x115: {  	s0 =	rddreg [dreg:$0x0];
	s2 =	stileid.u32  }
0x116: {  	s1 =	rddreg [dreg:$0x1];
	p0 =	sne.s32 s2, $0x0  }
0x117: {  	s3 =	rddreg [dreg:$0x2];
	[bflag:$0x3] =	sbarrier.arrive $0xFFFF;
	s2 =	simm.s32 @!p0 $0x1C0D  }
0x118: {  	[timem:s3], [sflag:s2] =	dma.local @!p0 [hbm:s0], s1  }
0x119: {  	s0 =	simm.s32 @!p0 $0xD  }
0x11a: {  	_ =	swait.ge @!p0 [sflag:s0], s1  }
0x11b: {  	s1 =	ssub.s32 @!p0 $0x0, s1;
	[sflag:s0] =	ssyncset.done @!p0 $0x0  }
0x11c: {  	[sflag:s0] =	ssyncadd.s32 @!p0 s1  }
0x11d: {  	[bflag:$0x3] =	sbarrier.arrive $0xFFFF  }
0x11e: {  	_ =	shalt  }

// kernel: kernel.16.cloned.1.call-start
scs
__scs_entry_jumppad:
0x0: {  	(pc) =	sbr.rel $0x88, $3  }
0x1: {  	(tag) =	ssettag $0x0;
	lr =	simm.s32 $0x1  }
0x2: {  	[smem:$0x3F86] =	sst lr;
	_ =	strace $0xD0000000  }
0x3: {  	_ = 	snop  }
0x4: {  	_ = 	snop  }
0x5: {  	_ = 	snop  }
0x6: {  	_ = 	snop  }
0x7: {  	_ = 	snop  }
__scs_overlays_trampoline_lowered:
0x8: {  	[smem:$0x3F95] =	sst s0  }
0x9: {  	[smem:$0x3F96] =	sst s1  }
0xa: {  	[smem:$0x3F97] =	sst s2  }
0xb: {  	[smem:$0x3F98] =	sst s3  }
0xc: {  	[smem:$0x3F99] =	sst s4  }
0xd: {  	[smem:$0x3F9A] =	sst s5  }
0xe: {  	[smem:$0x3F9B] =	sst s6  }
0xf: {  	[smem:$0x3F9C] =	sst s7  }
0x10: {  	[smem:$0x3F9D] =	sst s8  }
0x11: {  	[smem:$0x3F9E] =	sst s9;
	s0 =	simm.s32 @!p0 $0x0  }
0x12: {  	s1 =	sld [smem:$0x3F84];
	s0 =	simm.s32 @p0 $0x1  }
0x13: {  	[smem:$0x3F9F] =	sst s0;
	s0 =	simm.s32 @!p1 $0x0  }
0x14: {  	s2 =	sld [smem:$0x3F83];
	s0 =	simm.s32 @p1 $0x1  }
0x15: {  	[smem:$0x3FA0] =	sst s0;
	s0 =	simm.s32 @!p2 $0x0  }
0x16: {  	s3 =	sld [smem:$0x3FDB];
	s0 =	simm.s32 @p2 $0x1  }
0x17: {  	s4 =	simm.s32 $0x1BF5;
	[smem:$0x3FA2] =	sst s0  }
0x18: {  	s0 =	sld [smem:$0x3F85];
	_ =	swait.ge [sflag:s4], $0x0  }
0x19: {  	s7 =	sld [smem:$0x3F86]  }
0x1a: {  	s8 =	sadd.s32 $0xFFFFE003, lr  }
0x1b: {  	s9 =	sadd.s32 $0xFFFFFEF7, lr;
	s5 =	simm.s32 $0xFFFFFFFF;
	p2 =	slt.u32 s8, $0xFFFFF086  }
0x1c: {  	p1 =	slt.u32 s9, $0xF7A;
	s5 =	simm.s32 @!p2 $0x0  }
0x1d: {  	s5 =	simm.s32 @p1 $0x1;
	p0 =	seq.s32 s7, s2  }
0x1e: {  	s7 =	smul.u32 @!p0 $0xF7A, s2;
	p2 =	seq.s32 @!p0 s5, $0x0  }
0x1f: {  	s9 =	smul.u32 $0xF7A, s1;
	s8 =	simm.s32 @!p0 $0x1BF5;
	p2 =	por !p2, p0  }
0x20: {  	[sflag:s8] =	ssyncset.s32 @!p0 $0xFFFFF086;
	s6 =	sadd.s32 @!p0 s3, s7;
	s7 =	simm.s32 @!p0 $0x108  }
0x21: {  	s3 =	sadd.s32 s3, s9;
	s6 =	sadd.s32 @!p0 $0x88, s6;
	s7 =	simm.s32 @p2 $0x1082  }
0x22: {  	[simem:s7], [sflag:s8] =	dma.local @!p0 [hbm:s6], $0xF7A  }
0x23: {  	s9 =	sor.u32 $0xD0000000, s2;
	s6 =	simm.s32 $0x108;
	_ =	swait.ge @!p0 [sflag:s8], $0x0  }
0x24: {  	s3 =	sadd.s32 $0x88, s3;
	s6 =	simm.s32 @!p1 $0x1082;
	[sflag:s4] =	ssyncset.s32 $0xFFFFF086  }
0x25: {  	[simem:s6], [sflag:s4] =	dma.local [hbm:s3], $0xF7A  }
0x26: {  	[smem:$0x3F86] =	sst s1;
	(tag) =	ssettag s2;
	_ =	strace s9  }
0x27: {  	s1 =	sld [smem:$0x3F96]  }
0x28: {  	s2 =	sld [smem:$0x3F97]  }
0x29: {  	s4 =	sld [smem:$0x3F99]  }
0x2a: {  	p0 =	seq.s32 s5, $0x0;
	s5 =	sld [smem:$0x3F9A]  }
0x2b: {  	s6 =	sld [smem:$0x3F9B]  }
0x2c: {  	s7 =	sld [smem:$0x3F9C]  }
0x2d: {  	s3 =	simm.s32 $0x108;
	s8 =	sld [smem:$0x3F9D]  }
0x2e: {  	s3 =	simm.s32 @!p0 $0x1082;
	s9 =	sld [smem:$0x3F9E]  }
0x2f: {  	lr =	sadd.s32 s0, s3;
	s0 =	sld [smem:$0x3F95]  }
0x30: {  	s3 =	sld [smem:$0x3F98]  }
0x31: {  	[smem:$0x3FA1] =	sst s10  }
0x32: {  	s10 =	sld [smem:$0x3F9F];
	_ =	sdelay $0x3  }
0x33: {  	p0 =	seq.s32 s10, $0x1;
	s10 =	sld [smem:$0x3FA1];
	_ =	sdelay $0x3  }
0x34: {  	[smem:$0x3FA1] =	sst s10  }
0x35: {  	s10 =	sld [smem:$0x3FA0];
	_ =	sdelay $0x3  }
0x36: {  	p1 =	seq.s32 s10, $0x1;
	s10 =	sld [smem:$0x3FA1];
	_ =	sdelay $0x3  }
0x37: {  	[smem:$0x3FA1] =	sst s10  }
0x38: {  	s10 =	sld [smem:$0x3FA2]  }
0x39: {  	_ = 	snop;
	(pc) =	sbr.ind lr, $3  }
0x3a: {  	_ = 	snop  }
0x3b: {  	_ = 	snop  }
0x3c: {  	p2 =	seq.s32 s10, $0x1;
	s10 =	sld [smem:$0x3FA1]  }
0x3d: {  	_ =	shalt  }
0x3e: {  	_ =	shalt  }
0x3f: {  	_ =	shalt  }
0x40: {  	_ =	shalt  }
0x41: {  	_ =	shalt  }
0x42: {  	_ =	shalt  }
0x43: {  	_ =	shalt  }
0x44: {  	_ =	shalt  }
0x45: {  	_ =	shalt  }
0x46: {  	_ =	shalt  }
0x47: {  	_ =	shalt  }
0x48: {  	_ =	shalt  }
0x49: {  	_ =	shalt  }
0x4a: {  	_ =	shalt  }
0x4b: {  	_ =	shalt  }
0x4c: {  	_ =	shalt  }
0x4d: {  	_ =	shalt  }
0x4e: {  	_ =	shalt  }
0x4f: {  	_ =	shalt  }
0x50: {  	_ =	shalt  }
0x51: {  	_ =	shalt  }
0x52: {  	_ =	shalt  }
0x53: {  	_ =	shalt  }
0x54: {  	_ =	shalt  }
0x55: {  	_ =	shalt  }
0x56: {  	_ =	shalt  }
0x57: {  	_ =	shalt  }
0x58: {  	_ =	shalt  }
0x59: {  	_ =	shalt  }
0x5a: {  	_ =	shalt  }
0x5b: {  	_ =	shalt  }
0x5c: {  	_ =	shalt  }
0x5d: {  	_ =	shalt  }
0x5e: {  	_ =	shalt  }
0x5f: {  	_ =	shalt  }
0x60: {  	_ =	shalt  }
0x61: {  	_ =	shalt  }
0x62: {  	_ =	shalt  }
0x63: {  	_ =	shalt  }
0x64: {  	_ =	shalt  }
0x65: {  	_ =	shalt  }
0x66: {  	_ =	shalt  }
0x67: {  	_ =	shalt  }
0x68: {  	_ =	shalt  }
0x69: {  	_ =	shalt  }
0x6a: {  	_ =	shalt  }
0x6b: {  	_ =	shalt  }
0x6c: {  	_ =	shalt  }
0x6d: {  	_ =	shalt  }
0x6e: {  	_ =	shalt  }
0x6f: {  	_ =	shalt  }
0x70: {  	_ =	shalt  }
0x71: {  	_ =	shalt  }
0x72: {  	_ =	shalt  }
0x73: {  	_ =	shalt  }
0x74: {  	_ =	shalt  }
0x75: {  	_ =	shalt  }
0x76: {  	_ =	shalt  }
0x77: {  	_ =	shalt  }
0x78: {  	_ =	shalt  }
0x79: {  	_ =	shalt  }
0x7a: {  	_ =	shalt  }
0x7b: {  	_ =	shalt  }
0x7c: {  	_ =	shalt  }
0x7d: {  	_ =	shalt  }
0x7e: {  	_ =	shalt  }
0x7f: {  	_ =	shalt  }
0x80: {  	_ =	shalt  }
0x81: {  	_ =	shalt  }
0x82: {  	_ =	shalt  }
0x83: {  	_ =	shalt  }
0x84: {  	_ =	shalt  }
0x85: {  	_ =	shalt  }
0x86: {  	_ =	shalt  }
0x87: {  	_ =	shalt  }
.Lfunc_end0:
.L_simem_size_0:
called_computation.2_lowered:
.L_overlay_start_0:
0x88: {  	s2 =	sld [smem:$0x3FD9]  }
0x89: {  	s3 =	sld [smem:$0x3FFE];
	_ =	sdelay $0x1  }
0x8a: {  	s1 =	srdreg.scid  }
0x8b: {  	s0 =	sand.u32 $0x1, s1  }
0x8c: {  	s16 =	sshll.u32 s0, $0xA;
	s2 =	sadd.s32 s3, s2  }
0x8d: {  	s2 =	sadd.s32 s2, s16  }
0x8e: {  	[smem:$0x3FAD] =	sst s2  }
0x8f: {  	_ = 	snop  }
0x90: {  	(tm) =	ssettm $0x1  }
0x91: {  	s17 =	sld [smem:$0x3FFB];
	_ =	sdelay $0x3  }
0x92: {  	_ =	strace s17  }
0x93: {  	s2 =	sld [smem:$0x3FFC];
	_ =	sdelay $0x3  }
0x94: {  	_ =	strace s2  }
0x95: {  	s2 =	sld [smem:$0x3FFD];
	_ =	sdelay $0x3  }
0x96: {  	_ =	strace s2  }
0x97: {  	_ =	strace $0x8FFFFFFF  }
0x98: {  	s18 =	sld [smem:$0x3FDB];
	_ =	sdelay $0x1  }
0x99: {  	s19 =	simm.s32 $_scs_section_size  }
0x9a: {  	s4 =	simm.s32 $_size__tile_overlayer_lowered;
	s5 =	simm.s32 $_tile_overlayer_lowered  }
0x9b: {  	s22 =	simm.s32 $0x1BFF;
	s21 =	sshll.u32 s5, $0x1;
	s2 =	sadd.s32 s19, s18  }
0x9c: {  	s6 =	simm.s32 $0x0;
	s20 =	sshll.u32 s4, $0x1;
	s4 =	sadd.s32 s21, s2  }
0x9d: {  	[timem:s6], [sflag:s22] =	dma.local [hbm:s4], s20  }
0x9e: {  	_ =	swait.ge [sflag:s22], s20  }
0x9f: {  	s3 =	ssub.s32 $0x0, s20;
	[sflag:s22] =	ssyncset.done $0x0  }
0xa0: {  	[sflag:s22] =	ssyncadd.s32 s3;
	_ =	sdelay $0x1  }
0xa1: {  	s23 =	simm.s32 $0x1B8B  }
0xa2: {  	_ =	swait.ge [sflag:s23], $0x1  }
0xa3: {  	[sflag:s23] =	ssyncset.done $0x0  }
0xa4: {  	s25 =	simm.s32 $0x1B8E;
	s24 =	sld [smem:$0x3FFE];
	[sflag:s23] =	ssyncadd.s32 $0xFFFFFFFF  }
0xa5: {  	s26 =	simm.s32 $execute0_lowered;
	[smem:$0x3FD2] =	sst s25  }
0xa6: {  	s4 =	sshll.u32 s26, $0x1;
	_ =	strace $0x8000004C;
	[dreg:$0x1] =	wrdreg $0xFFFFFFFF  }
0xa7: {  	s28 =	simm.s32 $_size_execute0_lowered;
	s2 =	sadd.s32 s2, s4;
	[dreg:$0x0] =	wrdreg $0x0  }
0xa8: {  	s4 =	sshll.u32 s28, $0x1;
	[dreg:$0x2] =	wrdreg s2  }
0xa9: {  	[dreg:$0x3] =	wrdreg s4  }
0xaa: {  	[dreg:$0x4] =	wrdreg $0xC0  }
0xab: {  	_ =	task [dreg:s6], $0x5FFFF  }
0xac: {  	[dreg:$0x1] =	wrdreg $0xFFFFFFFF  }
0xad: {  	[dreg:$0x0] =	wrdreg $0x60  }
0xae: {  	[dreg:$0x2] =	wrdreg s24  }
0xaf: {  	[dreg:$0x3] =	wrdreg $0xDA200  }
0xb0: {  	[dreg:$0x4] =	wrdreg $0x9  }
0xb1: {  	_ =	task.clear_ibuf [dreg:s6], $0x5FFFF;
	_ =	strace $0x9000004C  }
0xb2: {  	s29 =	simm.s32 $0x9;
	_ =	strace $0x8000004E  }
0xb3: {  	_ =	swait.ge [sflag:s29], $0x1  }
0xb4: {  	[sflag:s29] =	ssyncadd.s32 $0xFFFFFFFF  }
0xb5: {  	_ =	strace $0x9000004E  }
0xb6: {  	_ =	sfence  }
0xb7: {  	s30 =	sld [smem:$0x0];
	_ =	sdelay $0x2  }
0xb8: {  	s31 =	sshll.u32 s1, $0xD;
	s1 =	sshrl.u32 s1, $0x2  }
0xb9: {  	s3 =	sand.u32 $0x4000, s31;
	s1 =	sadd.s32 s1, s30  }
0xba: {  	s0 =	sor.u32 s3, s0;
	s1 =	sshll.u32 s1, $0x11  }
0xbb: {  	s0 =	sor.u32 s1, s0  }
0xbc: {  	s0 =	sadd.s32 $0x8F2B, s0  }
0xbd: {  	[sflag:s0] =	ssyncadd.remote.s32 $0x1  }
0xbe: {  	_ =	sfence.sel $0xFFFF  }
0xbf: {  	[dreg:$0x0] =	wrdreg $0xFFFFFFFF;
	(pc) =	sbr.abs _section_cstart, $3  }
0xc0: {  	[dreg:$0x1] =	wrdreg $0xFFFFFFFF  }
0xc1: {  	_ =	task.clear_ibuf [dreg:s6], $0x2FFFF;
	_ =	strace $0x9FFFFFFF  }
0xc2: {  	(tm) =	ssettm $0x7FFFFFFF  }
0xc3: {  	_ =	shalt  }
tec
execute0_lowered:
.L_overlay_start_1:
0x0: {  	(tag) =	ssettag $0x1  }
0x1: {  	s0 =	srdreg.scid;
	s5 =	rddreg [dreg:$0x0]  }
0x2: {  	s4 =	stileid.u32;
	s2 =	rddreg [dreg:$0x1];
	s3 =	simm.s32 $0x0  }
0x3: {  	s17 =	simm.s32 $0xC620;
	s30 =	simm.s32 $0x8A20;
	s31 =	simm.s32 $0x3  }
0x4: {  	s28 =	simm.s32 $0x4;
	s29 =	simm.s32 $0x5;
	s9 =	simm.s32 $0xA  }
0x5: {  	s10 =	simm.s32 $0xB;
	s11 =	simm.s32 $0xC;
	s0 =	sand.u32 $0x1, s0  }
0x6: {  	s1 =	sshll.u32 s4, $0x1;
	s6 =	smul.u32 $0xA000, s4;
	[smem:$0x7FF] =	sst s3  }
0x7: {  	s8 =	smul.u32 $0x28000, s4;
	s4 =	sadd.s32 $0x3E600, s5;
	s1 =	sor.u32 s0, s1  }
0x8: {  	s7 =	smul.u32 $0xA0000, s0;
	_ =	strace $0x8000004D;
	s0 =	ssub.s32 $0x2, s0  }
0x9: {  	s1 =	smul.u32 $0x4E2, s1;
	s8 =	sshrl.u32 s8, $0x2;
	s18 =	sshrl.u32 s0, $0x1  }
0xa: {  	s7 =	sadd.s32 s6, s7;
	s8 =	sadd.s32 s8, s2;
	s0 =	ssub.s32 s0, s18  }
0xb: {  	s18 =	simm.s32 $0xD;
	s1 =	sadd.s32 s1, s5;
	s19 =	sadd.s32 $0x1400, s8  }
0xc: {  	s7 =	sshrl.u32 s7, $0x3;
	s20 =	sadd.s32 $0x2800, s8;
	[dreg:$0x3] =	wrdreg s19  }
0xd: {  	s21 =	sadd.s32 $0x3C00, s8;
	s22 =	sadd.s32 $0x5000, s8;
	[dreg:$0x4] =	wrdreg s20  }
0xe: {  	s23 =	sadd.s32 $0x6400, s8;
	s24 =	sadd.s32 $0x7800, s8;
	[dreg:$0x5] =	wrdreg s21  }
0xf: {  	s25 =	sadd.s32 $0x8C00, s8;
	s16 =	smax.u32 s0, $0x1;
	[dreg:$0x6] =	wrdreg s22  }
0x10: {  	s0 =	simm.s32 $0x9E20;
	s8 =	simm.s32 $0x9;
	[dreg:$0x7] =	wrdreg s23  }
0x11: {  	s7 =	sadd.s32 s7, s5;
	s5 =	sadd.s32 s6, s2;
	[dreg:$0x8] =	wrdreg s24  }
0x12: {  	[dreg:$0x9] =	wrdreg s25;
	s26 =	sadd.s32 $0xD600, s1;
	s14 =	sadd.s32 $0x3800, s1  }
0x13: {  	s20 =	simm.s32 $0x50;
	s21 =	simm.s32 $0x4E20;
	s22 =	simm.s32 $0x6220  }
0x14: {  	s23 =	simm.s32 $0x1;
	s25 =	simm.s32 $0x7620;
	s24 =	simm.s32 $0xB220  }
0x15: {  	s1 =	simm.s32 $0x7;
	s6 =	simm.s32 $0x6;
	[dreg:$0xa] =	wrdreg s26  }
0x16: {  	v0 =	vimm.f32 $0.0e+00;
	s15 =	sadd.s32 $0x52000, s7;
	s26 =	simm.s32 $0x2;
	s7 =	simm.s32 $0x8  }
.LBB2_1:
0x17: {  	s19 =	simm.s32 $0x100;
	s12 =	simm.s32 $0x0  }
.LBB2_2:
0x18: {  	p0 =	sne.s32 s19, $0x4F00;
	[tilespmem:s12+$0xC650] =	vst v0;
	s13 =	smov.u32 s19;
	s19 =	sadd.s32 $0x100, s19  }
.Ltmp0:
0x19: {  	[tilespmem:s12+$0xC640] =	vst v0;
	(pc) =	sbr.rel @p0 .LBB2_2-.Ltmp0, $3  }
0x1a: {  	[tilespmem:s12+$0xC620] =	vst v0  }
0x1b: {  	[tilespmem:s12+$0xC630] =	vst v0;
	_ =	sdelay $0x1  }
0x1c: {  	s12 =	sshra.s32 s13, $0x2  }
0x1d: {  	[tilespmem:s12+$0xC650] =	vst v0  }
0x1e: {  	[tilespmem:s12+$0xC640] =	vst v0  }
0x1f: {  	[tilespmem:s12+$0xC620] =	vst v0  }
0x20: {  	[tilespmem:s12+$0xC630] =	vst v0  }
0x21: {  	[spmem:s5] =	stream.linear.scatter [tilespmem:s17], [sflag:$0xD], $0x1400, $0x38;
	[tilespmem:$0x17A20] =	vst v63  }
0x22: {  	_ =	swait.ge [sflag:s18], $0x1400  }
0x23: {  	[sflag:s18] =	ssyncset.done $0x0  }
0x24: {  	s13 =	rddreg [dreg:$0x3];
	[sflag:s18] =	ssyncadd.s32 $0xFFFFEC00  }
0x25: {  	[spmem:s13] =	stream.linear.scatter [tilespmem:s17], [sflag:$0xD], $0x1400, $0x38;
	[tilespmem:$0x17A20] =	vst v63  }
0x26: {  	_ =	swait.ge [sflag:s18], $0x1400  }
0x27: {  	[sflag:s18] =	ssyncset.done $0x0  }
0x28: {  	s19 =	rddreg [dreg:$0x4];
	[sflag:s18] =	ssyncadd.s32 $0xFFFFEC00  }
0x29: {  	[spmem:s19] =	stream.linear.scatter [tilespmem:s17], [sflag:$0xD], $0x1400, $0x38;
	[tilespmem:$0x17A20] =	vst v63  }
0x2a: {  	_ =	swait.ge [sflag:s18], $0x1400  }
0x2b: {  	[sflag:s18] =	ssyncset.done $0x0  }
0x2c: {  	s13 =	rddreg [dreg:$0x5];
	[sflag:s18] =	ssyncadd.s32 $0xFFFFEC00  }
0x2d: {  	[spmem:s13] =	stream.linear.scatter [tilespmem:s17], [sflag:$0xD], $0x1400, $0x38;
	[tilespmem:$0x17A20] =	vst v63  }
0x2e: {  	_ =	swait.ge [sflag:s18], $0x1400  }
0x2f: {  	[sflag:s18] =	ssyncset.done $0x0  }
0x30: {  	s19 =	rddreg [dreg:$0x6];
	[sflag:s18] =	ssyncadd.s32 $0xFFFFEC00  }
0x31: {  	[spmem:s19] =	stream.linear.scatter [tilespmem:s17], [sflag:$0xD], $0x1400, $0x38;
	[tilespmem:$0x17A20] =	vst v63  }
0x32: {  	_ =	swait.ge [sflag:s18], $0x1400  }
0x33: {  	[sflag:s18] =	ssyncset.done $0x0  }
0x34: {  	s13 =	rddreg [dreg:$0x7];
	[sflag:s18] =	ssyncadd.s32 $0xFFFFEC00  }
0x35: {  	[spmem:s13] =	stream.linear.scatter [tilespmem:s17], [sflag:$0xD], $0x1400, $0x38;
	[tilespmem:$0x17A20] =	vst v63  }
0x36: {  	_ =	swait.ge [sflag:s18], $0x1400  }
0x37: {  	[sflag:s18] =	ssyncset.done $0x0  }
0x38: {  	s19 =	rddreg [dreg:$0x8];
	[sflag:s18] =	ssyncadd.s32 $0xFFFFEC00  }
0x39: {  	[spmem:s19] =	stream.linear.scatter [tilespmem:s17], [sflag:$0xD], $0x1400, $0x38;
	[tilespmem:$0x17A20] =	vst v63  }
0x3a: {  	_ =	swait.ge [sflag:s18], $0x1400  }
0x3b: {  	[sflag:s18] =	ssyncset.done $0x0  }
0x3c: {  	s13 =	rddreg [dreg:$0x9];
	[sflag:s18] =	ssyncadd.s32 $0xFFFFEC00  }
0x3d: {  	[spmem:s13] =	stream.linear.scatter [tilespmem:s17], [sflag:$0xD], $0x1400, $0x38;
	[tilespmem:$0x17A20] =	vst v63  }
0x3e: {  	_ =	swait.ge [sflag:s18], $0x1400  }
0x3f: {  	[sflag:s18] =	ssyncset.done $0x0  }
0x40: {  	s12 =	simm.s32 $0x0;
	s13 =	rddreg [dreg:$0xa];
	[sflag:s18] =	ssyncadd.s32 $0xFFFFEC00  }
0x41: {  	[tilespmem:s12], [sflag:$0xD] =	stream.linear.gather [hbm4b:s13+s12], $0x2710, $0x38;
	[tilespmem:$0x17A20] =	vst v63  }
0x42: {  	_ =	swait.ge [sflag:s18], $0x2710  }
0x43: {  	[sflag:s18] =	ssyncset.done $0x0  }
0x44: {  	s19 =	simm.s32 $0x2710;
	[sflag:s18] =	ssyncadd.s32 $0xFFFFD8F0  }
0x45: {  	[tilespmem:s19], [sflag:$0xD] =	stream.linear.gather [hbm4b:s14+s12], $0x2710, $0x38;
	[tilespmem:$0x17A20] =	vst v63  }
0x46: {  	_ =	swait.ge [sflag:s18], $0x2710  }
0x47: {  	[sflag:s18] =	ssyncset.done $0x0  }
0x48: {  	[sflag:s18] =	ssyncadd.s32 $0xFFFFD8F0  }
0x49: {  	[bflag:$0x0] =	sbarrier.arrive $0xFFFF  }
0x4a: {  	[tilespmem:s21], [sflag:$0x1] =	stream.indirect.gather [hbm4b:s4+s20], $0x40, s12, s20, $0xb8;
	[tilespmem:$0x17A20] =	vst v63  }
0x4b: {  	_ = 	snop  }
0x4c: {  	[tilespmem:s22], [sflag:$0x2] =	stream.indirect.gather [hbm4b:s4+s20], $0x40, s20, s20, $0xb8;
	[tilespmem:$0x17A20] =	vst v63  }
0x4d: {  	_ =	swait.ge [sflag:s23], $0x1400  }
0x4e: {  	[sflag:s23] =	ssyncset.done $0x0  }
0x4f: {  	[sflag:s23] =	ssyncadd.s32 $0xFFFFEC00  }
0x50: {  	[spmem:s2] =	stream.indirect.scatter.add.f32 [tilespmem:s21], [sflag:$0x7], $0x40, s19, s20, $0xb8;
	[tilespmem:$0x17A20] =	vst v63  }
0x51: {  	s13 =	simm.s32 $0xA0  }
0x52: {  	[tilespmem:s25], [sflag:$0x3] =	stream.indirect.gather [hbm4b:s4+s20], $0x40, s13, s20, $0xb8;
	[tilespmem:$0x17A20] =	vst v63  }
0x53: {  	_ =	swait.ge [sflag:s26], $0x1400  }
0x54: {  	[sflag:s26] =	ssyncset.done $0x0  }
0x55: {  	s19 =	simm.s32 $0x2760;
	[sflag:s26] =	ssyncadd.s32 $0xFFFFEC00  }
0x56: {  	[spmem:s2] =	stream.indirect.scatter.add.f32 [tilespmem:s22], [sflag:$0x8], $0x40, s19, s20, $0xb8;
	[tilespmem:$0x17A20] =	vst v63  }
0x57: {  	s13 =	simm.s32 $0xF0  }
0x58: {  	[tilespmem:s30], [sflag:$0x4] =	stream.indirect.gather [hbm4b:s4+s20], $0x40, s13, s20, $0xb8;
	[tilespmem:$0x17A20] =	vst v63  }
0x59: {  	_ =	swait.ge [sflag:s31], $0x1400  }
0x5a: {  	[sflag:s31] =	ssyncset.done $0x0  }
0x5b: {  	s19 =	simm.s32 $0x27B0;
	[sflag:s31] =	ssyncadd.s32 $0xFFFFEC00  }
0x5c: {  	[spmem:s2] =	stream.indirect.scatter.add.f32 [tilespmem:s25], [sflag:$0x9], $0x40, s19, s20, $0xb8;
	[tilespmem:$0x17A20] =	vst v63  }
0x5d: {  	s13 =	simm.s32 $0x140  }
0x5e: {  	[tilespmem:s0], [sflag:$0x5] =	stream.indirect.gather [hbm4b:s4+s20], $0x40, s13, s20, $0xb8;
	[tilespmem:$0x17A20] =	vst v63  }
0x5f: {  	_ =	swait.ge [sflag:s28], $0x1400  }
0x60: {  	[sflag:s28] =	ssyncset.done $0x0  }
0x61: {  	s19 =	simm.s32 $0x2800;
	[sflag:s28] =	ssyncadd.s32 $0xFFFFEC00  }
0x62: {  	[spmem:s2] =	stream.indirect.scatter.add.f32 [tilespmem:s30], [sflag:$0xA], $0x40, s19, s20, $0xb8;
	[tilespmem:$0x17A20] =	vst v63  }
0x63: {  	s13 =	simm.s32 $0x190  }
0x64: {  	[tilespmem:s24], [sflag:$0x6] =	stream.indirect.gather [hbm4b:s4+s20], $0x40, s13, s20, $0xb8;
	[tilespmem:$0x17A20] =	vst v63  }
0x65: {  	_ =	swait.ge [sflag:s29], $0x1400  }
0x66: {  	[sflag:s29] =	ssyncset.done $0x0  }
0x67: {  	s19 =	simm.s32 $0x2850;
	[sflag:s29] =	ssyncadd.s32 $0xFFFFEC00  }
0x68: {  	[spmem:s2] =	stream.indirect.scatter.add.f32 [tilespmem:s0], [sflag:$0xB], $0x40, s19, s20, $0xb8;
	[tilespmem:$0x17A20] =	vst v63  }
0x69: {  	_ =	swait.ge [sflag:s1], $0x1400  }
0x6a: {  	[sflag:s1] =	ssyncset.done $0x0  }
0x6b: {  	s13 =	simm.s32 $0x1E0;
	[sflag:s1] =	ssyncadd.s32 $0xFFFFEC00  }
0x6c: {  	[tilespmem:s21], [sflag:$0x1] =	stream.indirect.gather [hbm4b:s4+s20], $0x40, s13, s20, $0xb8;
	[tilespmem:$0x17A20] =	vst v63  }
0x6d: {  	_ =	swait.ge [sflag:s6], $0x1400  }
0x6e: {  	[sflag:s6] =	ssyncset.done $0x0  }
0x6f: {  	s19 =	simm.s32 $0x28A0;
	[sflag:s6] =	ssyncadd.s32 $0xFFFFEC00  }
0x70: {  	[spmem:s2] =	stream.indirect.scatter.add.f32 [tilespmem:s24], [sflag:$0xC], $0x40, s19, s20, $0xb8;
	[tilespmem:$0x17A20] =	vst v63  }
0x71: {  	_ =	swait.ge [sflag:s7], $0x1400  }
0x72: {  	[sflag:s7] =	ssyncset.done $0x0  }
0x73: {  	s13 =	simm.s32 $0x230;
	[sflag:s7] =	ssyncadd.s32 $0xFFFFEC00  }
0x74: {  	[tilespmem:s22], [sflag:$0x2] =	stream.indirect.gather [hbm4b:s4+s20], $0x40, s13, s20, $0xb8;
	[tilespmem:$0x17A20] =	vst v63  }
0x75: {  	_ =	swait.ge [sflag:s23], $0x1400  }
0x76: {  	[sflag:s23] =	ssyncset.done $0x0  }
0x77: {  	s19 =	simm.s32 $0x28F0;
	[sflag:s23] =	ssyncadd.s32 $0xFFFFEC00  }
0x78: {  	[spmem:s2] =	stream.indirect.scatter.add.f32 [tilespmem:s21], [sflag:$0x7], $0x40, s19, s20, $0xb8;
	[tilespmem:$0x17A20] =	vst v63  }
0x79: {  	_ =	swait.ge [sflag:s8], $0x1400  }
0x7a: {  	[sflag:s8] =	ssyncset.done $0x0  }
0x7b: {  	s13 =	simm.s32 $0x280;
	[sflag:s8] =	ssyncadd.s32 $0xFFFFEC00  }
0x7c: {  	[tilespmem:s25], [sflag:$0x3] =	stream.indirect.gather [hbm4b:s4+s20], $0x40, s13, s20, $0xb8;
	[tilespmem:$0x17A20] =	vst v63  }
0x7d: {  	_ =	swait.ge [sflag:s26], $0x1400  }
0x7e: {  	[sflag:s26] =	ssyncset.done $0x0  }
0x7f: {  	s19 =	simm.s32 $0x2940;
	[sflag:s26] =	ssyncadd.s32 $0xFFFFEC00  }
0x80: {  	[spmem:s2] =	stream.indirect.scatter.add.f32 [tilespmem:s22], [sflag:$0x8], $0x40, s19, s20, $0xb8;
	[tilespmem:$0x17A20] =	vst v63  }
0x81: {  	_ =	swait.ge [sflag:s9], $0x1400  }
0x82: {  	[sflag:s9] =	ssyncset.done $0x0  }
0x83: {  	s13 =	simm.s32 $0x2D0;
	[sflag:s9] =	ssyncadd.s32 $0xFFFFEC00  }
0x84: {  	[tilespmem:s30], [sflag:$0x4] =	stream.indirect.gather [hbm4b:s4+s20], $0x40, s13, s20, $0xb8;
	[tilespmem:$0x17A20] =	vst v63  }
0x85: {  	_ =	swait.ge [sflag:s31], $0x1400  }
0x86: {  	[sflag:s31] =	ssyncset.done $0x0  }
0x87: {  	s19 =	simm.s32 $0x2990;
	[sflag:s31] =	ssyncadd.s32 $0xFFFFEC00  }
0x88: {  	[spmem:s2] =	stream.indirect.scatter.add.f32 [tilespmem:s25], [sflag:$0x9], $0x40, s19, s20, $0xb8;
	[tilespmem:$0x17A20] =	vst v63  }
0x89: {  	_ =	swait.ge [sflag:s10], $0x1400  }
0x8a: {  	[sflag:s10] =	ssyncset.done $0x0  }
0x8b: {  	s13 =	simm.s32 $0x320;
	[sflag:s10] =	ssyncadd.s32 $0xFFFFEC00  }
0x8c: {  	[tilespmem:s0], [sflag:$0x5] =	stream.indirect.gather [hbm4b:s4+s20], $0x40, s13, s20, $0xb8;
	[tilespmem:$0x17A20] =	vst v63  }
0x8d: {  	_ =	swait.ge [sflag:s28], $0x1400  }
0x8e: {  	[sflag:s28] =	ssyncset.done $0x0  }
0x8f: {  	s19 =	simm.s32 $0x29E0;
	[sflag:s28] =	ssyncadd.s32 $0xFFFFEC00  }
0x90: {  	[spmem:s2] =	stream.indirect.scatter.add.f32 [tilespmem:s30], [sflag:$0xA], $0x40, s19, s20, $0xb8;
	[tilespmem:$0x17A20] =	vst v63  }
0x91: {  	_ =	swait.ge [sflag:s11], $0x1400  }
0x92: {  	[sflag:s11] =	ssyncset.done $0x0  }
0x93: {  	s13 =	simm.s32 $0x370;
	[sflag:s11] =	ssyncadd.s32 $0xFFFFEC00  }
0x94: {  	[tilespmem:s24], [sflag:$0x6] =	stream.indirect.gather [hbm4b:s4+s20], $0x40, s13, s20, $0xb8;
	[tilespmem:$0x17A20] =	vst v63  }
0x95: {  	_ =	swait.ge [sflag:s29], $0x1400  }
0x96: {  	[sflag:s29] =	ssyncset.done $0x0  }
0x97: {  	s19 =	simm.s32 $0x2A30;
	[sflag:s29] =	ssyncadd.s32 $0xFFFFEC00  }
0x98: {  	[spmem:s2] =	stream.indirect.scatter.add.f32 [tilespmem:s0], [sflag:$0xB], $0x40, s19, s20, $0xb8;
	[tilespmem:$0x17A20] =	vst v63  }
0x99: {  	_ =	swait.ge [sflag:s1], $0x1400  }
0x9a: {  	[sflag:s1] =	ssyncset.done $0x0  }
0x9b: {  	s13 =	simm.s32 $0x3C0;
	[sflag:s1] =	ssyncadd.s32 $0xFFFFEC00  }
0x9c: {  	[tilespmem:s21], [sflag:$0x1] =	stream.indirect.gather [hbm4b:s4+s20], $0x40, s13, s20, $0xb8;
	[tilespmem:$0x17A20] =	vst v63  }
0x9d: {  	_ =	swait.ge [sflag:s6], $0x1400  }
0x9e: {  	[sflag:s6] =	ssyncset.done $0x0  }
0x9f: {  	s19 =	simm.s32 $0x2A80;
	[sflag:s6] =	ssyncadd.s32 $0xFFFFEC00  }
0xa0: {  	[spmem:s2] =	stream.indirect.scatter.add.f32 [tilespmem:s24], [sflag:$0xC], $0x40, s19, s20, $0xb8;
	[tilespmem:$0x17A20] =	vst v63  }
0xa1: {  	_ =	swait.ge [sflag:s7], $0x1400  }
0xa2: {  	[sflag:s7] =	ssyncset.done $0x0  }
0xa3: {  	s12 =	simm.s32 $0x780;
	s19 =	simm.s32 $0x410;
	[sflag:s7] =	ssyncadd.s32 $0xFFFFEC00  }
.LBB2_4:
0xa4: {  	[tilespmem:s22], [sflag:$0x2] =	stream.indirect.gather [hbm4b:s4+s20], $0x40, s19, s20, $0xb8;
	[tilespmem:$0x17A20] =	vst v63  }
0xa5: {  	s13 =	smov.u32 s12  }
0xa6: {  	p0 =	sne.s32 s12, $0x8700;
	s12 =	sadd.s32 $0x780, s12;
	_ =	swait.ge [sflag:s23], $0x1400  }
0xa7: {  	s19 =	sshra.s32 s13, $0x2;
	[sflag:s23] =	ssyncset.done $0x0  }
0xa8: {  	s13 =	sadd.s32 $0x28F0, s19;
	[sflag:s23] =	ssyncadd.s32 $0xFFFFEC00  }
0xa9: {  	[spmem:s2] =	stream.indirect.scatter.add.f32 [tilespmem:s21], [sflag:$0x7], $0x40, s13, s20, $0xb8;
	[tilespmem:$0x17A20] =	vst v63  }
0xaa: {  	_ =	swait.ge [sflag:s8], $0x1400  }
0xab: {  	[sflag:s8] =	ssyncset.done $0x0  }
0xac: {  	s13 =	sadd.s32 $0x280, s19;
	[sflag:s8] =	ssyncadd.s32 $0xFFFFEC00  }
0xad: {  	[tilespmem:s25], [sflag:$0x3] =	stream.indirect.gather [hbm4b:s4+s20], $0x40, s13, s20, $0xb8;
	[tilespmem:$0x17A20] =	vst v63  }
0xae: {  	_ =	swait.ge [sflag:s26], $0x1400  }
0xaf: {  	[sflag:s26] =	ssyncset.done $0x0  }
0xb0: {  	s13 =	sadd.s32 $0x2940, s19;
	[sflag:s26] =	ssyncadd.s32 $0xFFFFEC00  }
0xb1: {  	[spmem:s2] =	stream.indirect.scatter.add.f32 [tilespmem:s22], [sflag:$0x8], $0x40, s13, s20, $0xb8;
	[tilespmem:$0x17A20] =	vst v63  }
0xb2: {  	_ =	swait.ge [sflag:s9], $0x1400  }
0xb3: {  	[sflag:s9] =	ssyncset.done $0x0  }
0xb4: {  	s13 =	sadd.s32 $0x2D0, s19;
	[sflag:s9] =	ssyncadd.s32 $0xFFFFEC00  }
0xb5: {  	[tilespmem:s30], [sflag:$0x4] =	stream.indirect.gather [hbm4b:s4+s20], $0x40, s13, s20, $0xb8;
	[tilespmem:$0x17A20] =	vst v63  }
0xb6: {  	_ =	swait.ge [sflag:s31], $0x1400  }
0xb7: {  	[sflag:s31] =	ssyncset.done $0x0  }
0xb8: {  	s13 =	sadd.s32 $0x2990, s19;
	[sflag:s31] =	ssyncadd.s32 $0xFFFFEC00  }
0xb9: {  	[spmem:s2] =	stream.indirect.scatter.add.f32 [tilespmem:s25], [sflag:$0x9], $0x40, s13, s20, $0xb8;
	[tilespmem:$0x17A20] =	vst v63  }
0xba: {  	_ =	swait.ge [sflag:s10], $0x1400  }
0xbb: {  	[sflag:s10] =	ssyncset.done $0x0  }
0xbc: {  	s13 =	sadd.s32 $0x320, s19;
	[sflag:s10] =	ssyncadd.s32 $0xFFFFEC00  }
0xbd: {  	[tilespmem:s0], [sflag:$0x5] =	stream.indirect.gather [hbm4b:s4+s20], $0x40, s13, s20, $0xb8;
	[tilespmem:$0x17A20] =	vst v63  }
0xbe: {  	_ =	swait.ge [sflag:s28], $0x1400  }
0xbf: {  	[sflag:s28] =	ssyncset.done $0x0  }
0xc0: {  	s13 =	sadd.s32 $0x29E0, s19;
	[sflag:s28] =	ssyncadd.s32 $0xFFFFEC00  }
0xc1: {  	[spmem:s2] =	stream.indirect.scatter.add.f32 [tilespmem:s30], [sflag:$0xA], $0x40, s13, s20, $0xb8;
	[tilespmem:$0x17A20] =	vst v63  }
0xc2: {  	_ =	swait.ge [sflag:s11], $0x1400  }
0xc3: {  	[sflag:s11] =	ssyncset.done $0x0  }
0xc4: {  	s13 =	sadd.s32 $0x370, s19;
	[sflag:s11] =	ssyncadd.s32 $0xFFFFEC00  }
0xc5: {  	[tilespmem:s24], [sflag:$0x6] =	stream.indirect.gather [hbm4b:s4+s20], $0x40, s13, s20, $0xb8;
	[tilespmem:$0x17A20] =	vst v63  }
0xc6: {  	_ =	swait.ge [sflag:s29], $0x1400  }
0xc7: {  	[sflag:s29] =	ssyncset.done $0x0  }
0xc8: {  	s13 =	sadd.s32 $0x2A30, s19;
	[sflag:s29] =	ssyncadd.s32 $0xFFFFEC00  }
0xc9: {  	[spmem:s2] =	stream.indirect.scatter.add.f32 [tilespmem:s0], [sflag:$0xB], $0x40, s13, s20, $0xb8;
	[tilespmem:$0x17A20] =	vst v63  }
0xca: {  	_ =	swait.ge [sflag:s1], $0x1400  }
0xcb: {  	[sflag:s1] =	ssyncset.done $0x0  }
0xcc: {  	s13 =	sadd.s32 $0x3C0, s19;
	[sflag:s1] =	ssyncadd.s32 $0xFFFFEC00  }
0xcd: {  	[tilespmem:s21], [sflag:$0x1] =	stream.indirect.gather [hbm4b:s4+s20], $0x40, s13, s20, $0xb8;
	[tilespmem:$0x17A20] =	vst v63  }
0xce: {  	_ =	swait.ge [sflag:s6], $0x1400  }
0xcf: {  	[sflag:s6] =	ssyncset.done $0x0  }
.Ltmp1:
0xd0: {  	s13 =	sadd.s32 $0x2A80, s19;
	[sflag:s6] =	ssyncadd.s32 $0xFFFFEC00;
	(pc) =	sbr.rel @p0 .LBB2_4-.Ltmp1, $4  }
0xd1: {  	[spmem:s2] =	stream.indirect.scatter.add.f32 [tilespmem:s24], [sflag:$0xC], $0x40, s13, s20, $0xb8;
	[tilespmem:$0x17A20] =	vst v63  }
0xd2: {  	_ =	swait.ge [sflag:s7], $0x1400  }
0xd3: {  	[sflag:s7] =	ssyncset.done $0x0  }
0xd4: {  	s19 =	sadd.s32 $0x410, s19;
	[sflag:s7] =	ssyncadd.s32 $0xFFFFEC00  }
0xd5: {  	[tilespmem:s22], [sflag:$0x2] =	stream.indirect.gather [hbm4b:s4+s20], $0x40, s19, s20, $0xb8;
	[tilespmem:$0x17A20] =	vst v63  }
0xd6: {  	_ =	swait.ge [sflag:s23], $0x1400  }
0xd7: {  	[sflag:s23] =	ssyncset.done $0x0  }
0xd8: {  	s12 =	simm.s32 $0x4C90;
	[sflag:s23] =	ssyncadd.s32 $0xFFFFEC00  }
0xd9: {  	[spmem:s2] =	stream.indirect.scatter.add.f32 [tilespmem:s21], [sflag:$0x7], $0x40, s12, s20, $0xb8;
	[tilespmem:$0x17A20] =	vst v63  }
0xda: {  	_ =	swait.ge [sflag:s8], $0x1400  }
0xdb: {  	[sflag:s8] =	ssyncset.done $0x0  }
0xdc: {  	s13 =	simm.s32 $0x2620;
	[sflag:s8] =	ssyncadd.s32 $0xFFFFEC00  }
0xdd: {  	[tilespmem:s25], [sflag:$0x3] =	stream.indirect.gather [hbm4b:s4+s20], $0x40, s13, s20, $0xb8;
	[tilespmem:$0x17A20] =	vst v63  }
0xde: {  	_ =	swait.ge [sflag:s26], $0x1400  }
0xdf: {  	[sflag:s26] =	ssyncset.done $0x0  }
0xe0: {  	s19 =	simm.s32 $0x4CE0;
	[sflag:s26] =	ssyncadd.s32 $0xFFFFEC00  }
0xe1: {  	[spmem:s2] =	stream.indirect.scatter.add.f32 [tilespmem:s22], [sflag:$0x8], $0x40, s19, s20, $0xb8;
	[tilespmem:$0x17A20] =	vst v63  }
0xe2: {  	_ =	swait.ge [sflag:s9], $0x1400  }
0xe3: {  	[sflag:s9] =	ssyncset.done $0x0  }
0xe4: {  	s13 =	simm.s32 $0x2670;
	[sflag:s9] =	ssyncadd.s32 $0xFFFFEC00  }
0xe5: {  	[tilespmem:s30], [sflag:$0x4] =	stream.indirect.gather [hbm4b:s4+s20], $0x40, s13, s20, $0xb8;
	[tilespmem:$0x17A20] =	vst v63  }
0xe6: {  	_ =	swait.ge [sflag:s31], $0x1400  }
0xe7: {  	[sflag:s31] =	ssyncset.done $0x0  }
0xe8: {  	s19 =	simm.s32 $0x4D30;
	[sflag:s31] =	ssyncadd.s32 $0xFFFFEC00  }
0xe9: {  	[spmem:s2] =	stream.indirect.scatter.add.f32 [tilespmem:s25], [sflag:$0x9], $0x40, s19, s20, $0xb8;
	[tilespmem:$0x17A20] =	vst v63  }
0xea: {  	_ =	swait.ge [sflag:s10], $0x1400  }
0xeb: {  	[sflag:s10] =	ssyncset.done $0x0  }
0xec: {  	s13 =	simm.s32 $0x26C0;
	[sflag:s10] =	ssyncadd.s32 $0xFFFFEC00  }
0xed: {  	[tilespmem:s0], [sflag:$0x5] =	stream.indirect.gather [hbm4b:s4+s20], $0x40, s13, s20, $0xb8;
	[tilespmem:$0x17A20] =	vst v63  }
0xee: {  	_ =	swait.ge [sflag:s28], $0x1400  }
0xef: {  	[sflag:s28] =	ssyncset.done $0x0  }
0xf0: {  	s19 =	simm.s32 $0x4D80;
	[sflag:s28] =	ssyncadd.s32 $0xFFFFEC00  }
0xf1: {  	[spmem:s2] =	stream.indirect.scatter.add.f32 [tilespmem:s30], [sflag:$0xA], $0x40, s19, s20, $0xb8;
	[tilespmem:$0x17A20] =	vst v63  }
0xf2: {  	_ =	swait.ge [sflag:s29], $0x1400  }
0xf3: {  	[sflag:s29] =	ssyncset.done $0x0  }
0xf4: {  	s13 =	simm.s32 $0x4DD0;
	[sflag:s29] =	ssyncadd.s32 $0xFFFFEC00  }
0xf5: {  	[spmem:s2] =	stream.indirect.scatter.add.f32 [tilespmem:s0], [sflag:$0xB], $0x40, s13, s20, $0xb8;
	[tilespmem:$0x17A20] =	vst v63  }
0xf6: {  	_ =	swait.ge [sflag:s11], $0x1400  }
0xf7: {  	[sflag:s11] =	ssyncset.done $0x0  }
0xf8: {  	[sflag:s11] =	ssyncadd.s32 $0xFFFFEC00  }
0xf9: {  	_ =	swait.ge [sflag:s1], $0x1400  }
0xfa: {  	[sflag:s1] =	ssyncset.done $0x0  }
0xfb: {  	[sflag:s1] =	ssyncadd.s32 $0xFFFFEC00  }
0xfc: {  	_ =	swait.ge [sflag:s7], $0x1400  }
0xfd: {  	[sflag:s7] =	ssyncset.done $0x0  }
0xfe: {  	[sflag:s7] =	ssyncadd.s32 $0xFFFFEC00  }
0xff: {  	_ =	swait.ge [sflag:s8], $0x1400  }
0x100: {  	[sflag:s8] =	ssyncset.done $0x0  }
0x101: {  	[sflag:s8] =	ssyncadd.s32 $0xFFFFEC00  }
0x102: {  	_ =	swait.ge [sflag:s9], $0x1400  }
0x103: {  	[sflag:s9] =	ssyncset.done $0x0  }
0x104: {  	[sflag:s9] =	ssyncadd.s32 $0xFFFFEC00  }
0x105: {  	s19 =	stileid.u32;
	_ =	swait.ge [sflag:s10], $0x1400  }
0x106: {  	s3 =	sadd.s32 $0x1, s3;
	s12 =	sshll.u32 s19, $0x6;
	[sflag:s10] =	ssyncset.done $0x0  }
0x107: {  	p0 =	sne.s32 s3, s16;
	s12 =	sor.u32 $0x1C0D, s12;
	[sflag:s10] =	ssyncadd.s32 $0xFFFFEC00  }
.Ltmp2:
0x108: {  	s13 =	sshrl.u32 s5, $0x3;
	[bflag:$0x0] =	sbarrier.arrive $0xFFFF;
	(pc) =	sbr.rel @p0 .LBB2_1-.Ltmp2, $4  }
0x109: {  	[hbm:s15], [sflag:s12] =	dma.local [spmem:s13], $0x1400  }
0x10a: {  	_ =	swait.ge [sflag:s18], $0x1400  }
0x10b: {  	[sflag:s18] =	ssyncset.done $0x0  }
0x10c: {  	[sflag:s18] =	ssyncadd.s32 $0xFFFFEC00  }
0x10d: {  	_ =	sfence.sel $0x180000  }
0x10e: {  	[bflag:$0x0] =	sbarrier.arrive $0xFFFF  }
0x10f: {  	_ =	strace $0x9000004D  }
0x110: {  	s0 =	stileid.u32;
	[bflag:$0x2] =	sbarrier.arrive $0xFFFF  }
0x111: {  	p0 =	sne.s32 s0, $0x0;
	s0 =	rddreg [dreg:$0x2]  }
0x112: {  	s0 =	sadd.s32 @!p0 $0x100000, s0  }
0x113: {  	[sflag:s0] =	ssyncadd.tile.s32 @!p0 $0x1;
	_ =	shalt  }
.Lfunc_end2:
_tile_overlayer_lowered:
.L_overlay_start_2:
0x114: {  	(tag) =	ssettag $0x2  }
0x115: {  	s0 =	rddreg [dreg:$0x0];
	s2 =	stileid.u32  }
0x116: {  	s1 =	rddreg [dreg:$0x1];
	p0 =	sne.s32 s2, $0x0  }
0x117: {  	s3 =	rddreg [dreg:$0x2];
	[bflag:$0x3] =	sbarrier.arrive $0xFFFF;
	s2 =	simm.s32 @!p0 $0x1C0D  }
0x118: {  	[timem:s3], [sflag:s2] =	dma.local @!p0 [hbm:s0], s1  }
0x119: {  	s0 =	simm.s32 @!p0 $0xD  }
0x11a: {  	_ =	swait.ge @!p0 [sflag:s0], s1  }
0x11b: {  	s1 =	ssub.s32 @!p0 $0x0, s1;
	[sflag:s0] =	ssyncset.done @!p0 $0x0  }
0x11c: {  	[sflag:s0] =	ssyncadd.s32 @!p0 s1  }
0x11d: {  	[bflag:$0x3] =	sbarrier.arrive $0xFFFF  }
0x11e: {  	_ =	shalt  }

</sc_bundles>
